<compile_context>
chip_gen: v7x
topology: tpu7x:2x2x1
jax: 0.10.2.dev20260603
libtpu: 0.0.44.dev20260713+nightly
codegen_flags: <defaults>
</compile_context>

<pallas_src>
import functools

import jax
import jax.numpy as jnp
from jax import lax
from jax.experimental import pallas as pl
from jax.experimental.pallas import tpu as pltpu
from jax.experimental.pallas import tpu_sc as plsc

N = 10000
NP = 10240
E = 160000
EP = 163840
H = 512
CH = 128
NCHUNK = 4
NB = 80
NBH = NB // 2
G = 16
C = 2
EPS = 1e-5
RB = 512
NRB = NP // RB
TROWS = NP // 16
DUMMY = N + 200



def _sc_mesh():
    return plsc.VectorSubcoreMesh(core_axis_name="c", subcore_axis_name="s")


@functools.cache
def _make_sc_degree():
    return pl.kernel(
        _sc_degree_body,
        out_type=jax.ShapeDtypeStruct((2, NP, CH), jnp.float32),
        mesh=_sc_mesh(),
        scratch_types=[
            pltpu.VMEM((NB, CH), jnp.int32),
            pltpu.VMEM((CH, CH), jnp.float32),
            pltpu.VMEM((16, CH), jnp.float32),
            pltpu.VMEM_SHARED((NP, CH), jnp.float32),
        ],
    )


def _sc_degree_body(dst_hbm, out_hbm, dst_v, ones_v, zbuf, acc):
    cid = lax.axis_index("c")
    sid = lax.axis_index("s")
    pltpu.sync_copy(dst_hbm.at[sid], dst_v)

    def init_row(i, _):
        def init_col(j, _):
            ones_v[i, pl.ds(j * 16, 16)] = jnp.ones((16,), jnp.float32)
            return 0
        return lax.fori_loop(0, CH // 16, init_col, 0)

    lax.fori_loop(0, CH, init_row, 0)

    def zrow(i, _):
        def zcol(j, _):
            zbuf[i, pl.ds(j * 16, 16)] = jnp.zeros((16,), jnp.float32)
            return 0
        return lax.fori_loop(0, CH // 16, zcol, 0)

    lax.fori_loop(0, 16, zrow, 0)

    def zslice(z, _):
        pltpu.sync_copy(zbuf, acc.at[pl.ds(sid * TROWS + z * 16, 16)])
        return 0

    lax.fori_loop(0, TROWS // 16, zslice, 0)
    plsc.subcore_barrier()

    j0 = cid * NBH

    def body(j, _):
        pltpu.sync_copy(ones_v, acc.at[dst_v.at[j0 + j]], add=True)
        return 0

    lax.fori_loop(0, NBH, body, 0)
    plsc.subcore_barrier()
    sl = pl.ds(sid * TROWS, TROWS)
    pltpu.sync_copy(acc.at[sl], out_hbm.at[cid].at[sl])


@functools.cache
def _make_sc_edge_agg():
    return pl.kernel(
        _sc_edge_agg_body,
        out_type=jax.ShapeDtypeStruct((NCHUNK, NP, CH), jnp.float32),
        mesh=_sc_mesh(),
        scratch_types=[
            pltpu.VMEM((NBH, CH), jnp.int32),
            pltpu.VMEM((NBH, CH), jnp.int32),
            pltpu.VMEM((CH, CH), jnp.float32),
            pltpu.VMEM((CH, CH), jnp.float32),
            pltpu.VMEM((16, CH), jnp.float32),
            pltpu.VMEM_SHARED((NP, CH), jnp.float32),
            pltpu.SemaphoreType.DMA,
            pltpu.SemaphoreType.DMA,
        ],
    )


def _sc_edge_agg_body(u_hbm, src_hbm, dst_hbm, out_hbm,
                      src_v, dst_v, rows0, rows1, zbuf, acc, sem0, sem1):
    cid = lax.axis_index("c")
    sid = lax.axis_index("s")

    def zrow(i, _):
        def zcol(j, _):
            zbuf[i, pl.ds(j * 16, 16)] = jnp.zeros((16,), jnp.float32)
            return 0
        return lax.fori_loop(0, CH // 16, zcol, 0)

    lax.fori_loop(0, 16, zrow, 0)

    for cc in range(2):
        ch = cid * 2 + cc
        u_c = u_hbm.at[ch]

        def zslice(z, _):
            pltpu.sync_copy(zbuf, acc.at[pl.ds(sid * TROWS + z * 16, 16)])
            return 0

        lax.fori_loop(0, TROWS // 16, zslice, 0)
        plsc.subcore_barrier()

        for hf in range(2):
            pltpu.sync_copy(src_hbm.at[sid].at[pl.ds(hf * NBH, NBH)], src_v)
            pltpu.sync_copy(dst_hbm.at[sid].at[pl.ds(hf * NBH, NBH)], dst_v)

            pltpu.async_copy(u_c.at[src_v.at[0]], rows0, sem0)

            def body(p, _):
                j0 = 2 * p
                j1 = j0 + 1
                pltpu.make_async_copy(u_c.at[src_v.at[j0]], rows0,
                                      sem0).wait()
                pltpu.async_copy(u_c.at[src_v.at[j1]], rows1, sem1)
                pltpu.sync_copy(rows0, acc.at[dst_v.at[j0]], add=True)
                pltpu.make_async_copy(u_c.at[src_v.at[j1]], rows1,
                                      sem1).wait()

                @pl.when(p + 1 < NBH // 2)
                def _():
                    pltpu.async_copy(u_c.at[src_v.at[j1 + 1]], rows0, sem0)

                pltpu.sync_copy(rows1, acc.at[dst_v.at[j1]], add=True)
                return 0

            lax.fori_loop(0, NBH // 2, body, 0)

        plsc.subcore_barrier()
        sl = pl.ds(sid * TROWS, TROWS)
        pltpu.sync_copy(acc.at[sl], out_hbm.at[ch].at[sl])
        if cc == 0:
            plsc.subcore_barrier()



def _in_proj_body(x_ref, w_ref, b_ref, hist_ref, h_ref, dinv_ref):
    h = jnp.dot(x_ref[...], w_ref[...], preferred_element_type=jnp.float32)
    h_ref[...] = jnp.maximum(h + b_ref[...], 0.0)
    deg = 1.0 + hist_ref[0][:, :1] + hist_ref[1][:, :1]
    dinv_ref[...] = lax.rsqrt(deg)


def _in_proj(x_p, w_in, b_in, hist):
    return pl.pallas_call(
        _in_proj_body,
        grid=(NRB,),
        in_specs=[
            pl.BlockSpec((RB, 256), lambda i: (i, 0)),
            pl.BlockSpec((256, H), lambda i: (0, 0)),
            pl.BlockSpec((1, H), lambda i: (0, 0)),
            pl.BlockSpec((2, RB, CH), lambda i: (0, i, 0)),
        ],
        out_specs=[
            pl.BlockSpec((RB, H), lambda i: (i, 0)),
            pl.BlockSpec((RB, 1), lambda i: (i, 0)),
        ],
        out_shape=[
            jax.ShapeDtypeStruct((NP, H), jnp.float32),
            jax.ShapeDtypeStruct((NP, 1), jnp.float32),
        ],
    )(x_p, w_in, b_in, hist)


def _mm_u_body(h_ref, w_ref, dinv_ref, u_ref):
    hw = jnp.dot(h_ref[...], w_ref[...], preferred_element_type=jnp.float32)
    u = hw * dinv_ref[...]
    for c in range(NCHUNK):
        u_ref[c] = u[:, c * CH:(c + 1) * CH]


def _mm_u(h, w, dinv):
    return pl.pallas_call(
        _mm_u_body,
        grid=(NRB,),
        in_specs=[
            pl.BlockSpec((RB, H), lambda i: (i, 0)),
            pl.BlockSpec((H, H), lambda i: (0, 0)),
            pl.BlockSpec((RB, 1), lambda i: (i, 0)),
        ],
        out_specs=pl.BlockSpec((NCHUNK, RB, CH), lambda i: (0, i, 0)),
        out_shape=jax.ShapeDtypeStruct((NCHUNK, NP, CH), jnp.float32),
    )(h, w, dinv)


def _layer_post_body(acc_ref, u_ref, h_ref, dinv_ref, gms_ref, beta_ref,
                     out_ref):
    dinv = dinv_ref[...]
    for c in range(NCHUNK):
        sl = slice(c * CH, (c + 1) * CH)
        t = dinv * (acc_ref[c] + u_ref[c])
        hn = jnp.maximum(t * gms_ref[0:1, sl] + beta_ref[0:1, sl], 0.0)
        out_ref[:, sl] = h_ref[:, sl] + hn


def _layer_post(acc, u, h, dinv, gms, beta):
    return pl.pallas_call(
        _layer_post_body,
        grid=(NRB,),
        in_specs=[
            pl.BlockSpec((NCHUNK, RB, CH), lambda i: (0, i, 0)),
            pl.BlockSpec((NCHUNK, RB, CH), lambda i: (0, i, 0)),
            pl.BlockSpec((RB, H), lambda i: (i, 0)),
            pl.BlockSpec((RB, 1), lambda i: (i, 0)),
            pl.BlockSpec((1, H), lambda i: (0, 0)),
            pl.BlockSpec((1, H), lambda i: (0, 0)),
        ],
        out_specs=pl.BlockSpec((RB, H), lambda i: (i, 0)),
        out_shape=jax.ShapeDtypeStruct((NP, H), jnp.float32),
    )(acc, u, h, dinv, gms, beta)


def _pool_cls_body(h_ref, batch_ref, wc1_ref, bc1_ref, wc2_ref, bc2_ref,
                   wc3_ref, bc3_ref, out_ref, sum_acc, max_acc, cnt_acc):
    i = pl.program_id(0)

    @pl.when(i == 0)
    def _():
        sum_acc[...] = jnp.zeros_like(sum_acc)
        max_acc[...] = jnp.full_like(max_acc, -jnp.inf)
        cnt_acc[...] = jnp.zeros_like(cnt_acc)

    hb = h_ref[...]
    bvec = batch_ref[0].reshape(RB, 1)
    gids = lax.broadcasted_iota(jnp.int32, (RB, G), 1)
    mask = (bvec == gids)
    mask_f = mask.astype(jnp.float32)
    dnums = (((0,), (0,)), ((), ()))
    sum_acc[...] += lax.dot_general(mask_f, hb, dnums,
                                    preferred_element_type=jnp.float32)
    cnt_acc[...] += lax.dot_general(mask_f, jnp.ones((RB, 1), jnp.float32),
                                    dnums, preferred_element_type=jnp.float32)
    for g in range(G):
        mg = mask[:, g:g + 1]
        m = jnp.max(jnp.where(mg, hb, -jnp.inf), axis=0, keepdims=True)
        max_acc[g:g + 1, :] = jnp.maximum(max_acc[g:g + 1, :], m)

    @pl.when(i == NRB - 1)
    def _():
        counts = jnp.maximum(cnt_acc[...], 1.0)
        mean = sum_acc[...] / counts
        mx = max_acc[...]
        mx = jnp.where(jnp.isfinite(mx), mx, 0.0)
        pooled = jnp.concatenate([mean, mx], axis=1)
        z = jnp.dot(pooled, wc1_ref[...], preferred_element_type=jnp.float32)
        z = jnp.maximum(z + bc1_ref[...], 0.0)
        z = jnp.dot(z, wc2_ref[...], preferred_element_type=jnp.float32)
        z = jnp.maximum(z + bc2_ref[...], 0.0)
        z = jnp.dot(z, wc3_ref[...], preferred_element_type=jnp.float32)
        out_ref[...] = z + bc3_ref[...]


def _pool_cls(h, batch_r, wc1, bc1, wc2, bc2, wc3p, bc3p):
    return pl.pallas_call(
        _pool_cls_body,
        grid=(NRB,),
        in_specs=[
            pl.BlockSpec((RB, H), lambda i: (i, 0)),
            pl.BlockSpec((1, 1, RB), lambda i: (i, 0, 0)),
            pl.BlockSpec((2 * H, H), lambda i: (0, 0)),
            pl.BlockSpec((1, H), lambda i: (0, 0)),
            pl.BlockSpec((H, H // 2), lambda i: (0, 0)),
            pl.BlockSpec((1, H // 2), lambda i: (0, 0)),
            pl.BlockSpec((H // 2, CH), lambda i: (0, 0)),
            pl.BlockSpec((1, CH), lambda i: (0, 0)),
        ],
        out_specs=pl.BlockSpec((G, CH), lambda i: (0, 0)),
        out_shape=jax.ShapeDtypeStruct((G, CH), jnp.float32),
        scratch_shapes=[
            pltpu.VMEM((G, H), jnp.float32),
            pltpu.VMEM((G, H), jnp.float32),
            pltpu.VMEM((G, 1), jnp.float32),
        ],
        compiler_params=pltpu.CompilerParams(
            dimension_semantics=("arbitrary",)),
    )(h, batch_r, wc1, bc1, wc2, bc2, wc3p, bc3p)



def kernel(x, edge_index, batch, W_in, b_in, Wg0, bg0, gm0, bt0, Wg1, bg1,
           gm1, bt1, Wg2, bg2, gm2, bt2, Wc1, bc1, Wc2, bc2, Wc3, bc3):
    x_p = jnp.pad(x, ((0, NP - N), (0, 0)))
    src = jnp.concatenate(
        [edge_index[0], jnp.zeros((EP - E,), jnp.int32)]
    ).reshape(16, NB, CH)
    dst = jnp.concatenate(
        [edge_index[1], jnp.full((EP - E,), DUMMY, jnp.int32)]
    ).reshape(16, NB, CH)
    batch_r = jnp.concatenate(
        [batch, jnp.full((NP - N,), G, jnp.int32)]).reshape(NRB, 1, RB)

    scale = 1.0 / jnp.sqrt(1.0 + EPS)

    hist = _make_sc_degree()(dst)
    h, dinv = _in_proj(x_p, W_in, b_in.reshape(1, H), hist)

    for (W, b, gm, bt) in ((Wg0, bg0, gm0, bt0), (Wg1, bg1, gm1, bt1),
                           (Wg2, bg2, gm2, bt2)):
        gms = (gm * scale).reshape(1, H)
        beta = (b * gm * scale + bt).reshape(1, H)
        u = _mm_u(h, W, dinv)
        acc = _make_sc_edge_agg()(u, src, dst)
        h = _layer_post(acc, u, h, dinv, gms, beta)

    wc3p = jnp.pad(Wc3, ((0, 0), (0, CH - C)))
    bc3p = jnp.pad(bc3, (0, CH - C)).reshape(1, CH)
    logits = _pool_cls(h, batch_r, Wc1, bc1.reshape(1, H), Wc2,
                       bc2.reshape(1, H // 2), wc3p, bc3p)
    return logits[:, :C]

# --- scband reference (transcript-rebuilt; emitter-appended) ---
"""Pipeline reference for scband-cpgtaint-flow-model-63350767616167 (READ-ONLY COPY).

The authoritative reference and input builder live on the scoring server;
editing this copy changes nothing except your own understanding.
"""

import jax, jax.numpy as jnp
import numpy as np

N = 10000
E = 160000
D_IN = 256
H = 512
G = 16
C = 2
EPS = 1e-5


def setup_inputs(seed: int = 0) -> dict:
    key = jax.random.key(seed)
    ks = jax.random.split(key, 16)
    inp = {}
    inp["x"] = jax.random.normal(ks[0], (N, D_IN), dtype=jnp.float32)
    inp["edge_index"] = jax.random.randint(ks[1], (2, E), 0, N, dtype=jnp.int32)
    inp["batch"] = jnp.sort(jax.random.randint(ks[2], (N,), 0, G, dtype=jnp.int32))

    def lin(k, fi, fo):
        s = 1.0 / np.sqrt(fi)
        return jax.random.uniform(k, (fi, fo), jnp.float32, -s, s)

    inp["W_in"] = lin(ks[3], D_IN, H)
    inp["b_in"] = jnp.zeros((H,), jnp.float32)
    for i in range(3):
        inp[f"Wg{i}"] = lin(ks[4 + i], H, H)
        inp[f"bg{i}"] = jnp.zeros((H,), jnp.float32)
        inp[f"gm{i}"] = jnp.ones((H,), jnp.float32)
        inp[f"bt{i}"] = jnp.zeros((H,), jnp.float32)
    inp["Wc1"] = lin(ks[10], 2 * H, H)
    inp["bc1"] = jnp.zeros((H,), jnp.float32)
    inp["Wc2"] = lin(ks[11], H, H // 2)
    inp["bc2"] = jnp.zeros((H // 2,), jnp.float32)
    inp["Wc3"] = lin(ks[12], H // 2, C)
    inp["bc3"] = jnp.zeros((C,), jnp.float32)
    return inp


def _gcn(h, src, dst, W, b):
    # PyG GCNConv: add self-loops, symmetric normalization, x @ W then aggregate at dst
    loop = jnp.arange(N, dtype=src.dtype)
    s = jnp.concatenate([src, loop])
    d = jnp.concatenate([dst, loop])
    deg = jax.ops.segment_sum(jnp.ones(s.shape, dtype=h.dtype), d, num_segments=N)
    dinv = jnp.where(deg > 0, jax.lax.rsqrt(deg), 0.0)
    norm = dinv[s] * dinv[d]
    hw = h @ W
    msg = hw[s] * norm[:, None]
    return jax.ops.segment_sum(msg, d, num_segments=N) + b


def _bn_eval(h, gm, bt):
    # BatchNorm1d in eval mode: running_mean=0, running_var=1
    return h / jnp.sqrt(1.0 + EPS) * gm + bt


def reference(x, edge_index, batch, W_in, b_in, Wg0, bg0, gm0, bt0, Wg1, bg1, gm1, bt1, Wg2, bg2, gm2, bt2, Wc1, bc1, Wc2, bc2, Wc3, bc3):
    src = edge_index[0]
    dst = edge_index[1]
    h = jax.nn.relu(x @ W_in + b_in)
    for (W, b, gm, bt) in ((Wg0, bg0, gm0, bt0), (Wg1, bg1, gm1, bt1), (Wg2, bg2, gm2, bt2)):
        hn = jax.nn.relu(_bn_eval(_gcn(h, src, dst, W, b), gm, bt))
        h = h + hn  # residual (shapes always match: hidden_dim constant)
    counts = jax.ops.segment_sum(jnp.ones((N,), h.dtype), batch, num_segments=G)
    mean = jax.ops.segment_sum(h, batch, num_segments=G) / jnp.maximum(counts, 1.0)[:, None]
    mx = jax.ops.segment_max(h, batch, num_segments=G)
    mx = jnp.where(jnp.isfinite(mx), mx, 0.0)
    pooled = jnp.concatenate([mean, mx], axis=1)
    z = jax.nn.relu(pooled @ Wc1 + bc1)
    z = jax.nn.relu(z @ Wc2 + bc2)
    logits = z @ Wc3 + bc3
    return logits

if __name__ == "__main__":
    import jax
    _d = setup_inputs()
    print(jax.jit(kernel)(*tuple(_d.values())))

</pallas_src>

<mosaic_0001>
#map = affine_map<(d0, d1) -> (0, 0, 0)>
module attributes {stable_mosaic.version = 14 : i64} {
  func.func @_sc_degree_body(%arg0: i32, %arg1: i32, %arg2: memref<16x80x128xi32, #tpu.memory_space<hbm>>, %arg3: memref<2x10240x128xf32, #tpu.memory_space<hbm>>, %arg4: memref<80x128xi32, #tpu.memory_space<vmem>>, %arg5: memref<128x128xf32, #tpu.memory_space<vmem>>, %arg6: memref<16x128xf32, #tpu.memory_space<vmem>>, %arg7: memref<10240x128xf32, #tpu.memory_space<vmem_shared>>) attributes {dimension_semantics = [#tpu.dimension_semantics<core_parallel>, #tpu.dimension_semantics<subcore_parallel>], iteration_bounds = array<i64: 2, 16>, scalar_prefetch = 0 : i64, scratch_operands = 4 : i64, tpu.core_type = #tpu.core_type<sc_vector_subcore>, window_params = [{transform_indices = #map}, {transform_indices = #map}]} {
    "tpu.region"() ({
      %run_scoped3A = tpu.sem_alloc : memref<!tpu.dma_semaphore, #tpu.memory_space<semaphore_mem>>
      %dma_start3A = arith.constant 0 : i32
      %dma_start3A_31 = arith.constant 0 : i32
      %dma_start3A_32 = tpu.memref_slice %arg2[%arg1, %dma_start3A, %dma_start3A_31] : memref<16x80x128xi32, #tpu.memory_space<hbm>> -> memref<1x80x128xi32, #tpu.memory_space<hbm>>
      %dma_start3A_33 = tpu.memref_squeeze %dma_start3A_32 : memref<1x80x128xi32, #tpu.memory_space<hbm>> -> memref<80x128xi32, #tpu.memory_space<hbm>>
      %dma_start3A_34 = arith.constant 0 : i32
      %dma_start3A_35 = arith.constant 0 : i32
      %dma_start3A_36 = tpu.memref_slice %arg2[%arg1, %dma_start3A_34, %dma_start3A_35] : memref<16x80x128xi32, #tpu.memory_space<hbm>> -> memref<1x80x128xi32, #tpu.memory_space<hbm>>
      %dma_start3A_37 = tpu.memref_squeeze %dma_start3A_36 : memref<1x80x128xi32, #tpu.memory_space<hbm>> -> memref<80x128xi32, #tpu.memory_space<hbm>>
      tpu.enqueue_dma source(%dma_start3A_37 : memref<80x128xi32, #tpu.memory_space<hbm>>) target(%arg4 : memref<80x128xi32, #tpu.memory_space<vmem>>) target_semaphore(%run_scoped3A : memref<!tpu.dma_semaphore, #tpu.memory_space<semaphore_mem>>)
      %dma_wait3A = arith.constant 0 : i32
      %dma_wait3A_38 = arith.constant 0 : i32
      %dma_wait3A_39 = tpu.memref_slice %arg2[%arg1, %dma_wait3A, %dma_wait3A_38] : memref<16x80x128xi32, #tpu.memory_space<hbm>> -> memref<1x80x128xi32, #tpu.memory_space<hbm>>
      %dma_wait3A_40 = tpu.memref_squeeze %dma_wait3A_39 : memref<1x80x128xi32, #tpu.memory_space<hbm>> -> memref<80x128xi32, #tpu.memory_space<hbm>>
      %dma_wait3A_41 = arith.constant 0 : i32
      %dma_wait3A_42 = arith.constant 0 : i32
      %dma_wait3A_43 = tpu.memref_slice %arg2[%arg1, %dma_wait3A_41, %dma_wait3A_42] : memref<16x80x128xi32, #tpu.memory_space<hbm>> -> memref<1x80x128xi32, #tpu.memory_space<hbm>>
      %dma_wait3A_44 = tpu.memref_squeeze %dma_wait3A_43 : memref<1x80x128xi32, #tpu.memory_space<hbm>> -> memref<80x128xi32, #tpu.memory_space<hbm>>
      tpu.wait_dma2 semaphore(%run_scoped3A : memref<!tpu.dma_semaphore, #tpu.memory_space<semaphore_mem>>) src(%dma_wait3A_44 : memref<80x128xi32, #tpu.memory_space<hbm>>) dst(%arg4 : memref<80x128xi32, #tpu.memory_space<vmem>>)
      tpu.yield
    }) : () -> ()
    %scan3A = arith.constant 0 : i32
    %scan3A_0 = arith.constant 0 : i32
    %scan3A_1 = arith.constant 128 : i32
    %scan3A_2 = arith.addi %scan3A_0, %scan3A_1 : i32
    %scan3A_3 = arith.constant 1 : i32
    %scan3A_4 = scf.for %scan3A_31 = %scan3A_0 to %scan3A_2 step %scan3A_3 iter_args(%scan3A_32 = %scan3A) -> (i32)  : i32 {
      %scan3A_33 = arith.constant 0 : i32
      %scan3A_34 = arith.constant 0 : i32
      %scan3A_35 = arith.constant 8 : i32
      %scan3A_36 = arith.addi %scan3A_34, %scan3A_35 : i32
      %scan3A_37 = arith.constant 1 : i32
      %scan3A_38 = scf.for %scan3A_40 = %scan3A_34 to %scan3A_36 step %scan3A_37 iter_args(%scan3A_41 = %scan3A_33) -> (i32)  : i32 {
        %broadcast_in_dim3A = arith.constant 1.000000e+00 : f32
        %broadcast_in_dim3A_42 = vector.broadcast %broadcast_in_dim3A : f32 to vector<16xf32>
        %mul3A_43 = arith.constant 16 : i32
        %mul3A_44 = arith.muli %scan3A_40, %mul3A_43 : i32
        %swap3A = arith.index_cast %scan3A_31 : i32 to index
        %swap3A_45 = arith.index_cast %mul3A_44 : i32 to index
        %swap3A_46 = tpu.vector_load %arg5[%swap3A, %swap3A_45] {strides = array<i32>} : memref<128x128xf32, #tpu.memory_space<vmem>>, vector<1x16xf32>,
        %swap3A_47 = vector.shape_cast %swap3A_46 : vector<1x16xf32> to vector<16xf32>
        %swap3A_48 = vector.shape_cast %broadcast_in_dim3A_42 : vector<16xf32> to vector<1x16xf32>
        tpu.vector_store %arg5[%swap3A, %swap3A_45], %swap3A_48 {strides = array<i32>} : memref<128x128xf32, #tpu.memory_space<vmem>>, vector<1x16xf32>,
        %scan3A_49 = arith.constant 0 : i32
        scf.yield %scan3A_49 : i32
      }
      %scan3A_39 = arith.constant 8 : i32
      scf.yield %scan3A_38 : i32
    }
    %scan3A_5 = arith.constant 128 : i32
    %scan3A_6 = arith.constant 0 : i32
    %scan3A_7 = arith.constant 0 : i32
    %scan3A_8 = arith.constant 16 : i32
    %scan3A_9 = arith.addi %scan3A_7, %scan3A_8 : i32
    %scan3A_10 = arith.constant 1 : i32
    %scan3A_11 = scf.for %scan3A_31 = %scan3A_7 to %scan3A_9 step %scan3A_10 iter_args(%scan3A_32 = %scan3A_6) -> (i32)  : i32 {
      %scan3A_33 = arith.constant 0 : i32
      %scan3A_34 = arith.constant 0 : i32
      %scan3A_35 = arith.constant 8 : i32
      %scan3A_36 = arith.addi %scan3A_34, %scan3A_35 : i32
      %scan3A_37 = arith.constant 1 : i32
      %scan3A_38 = scf.for %scan3A_40 = %scan3A_34 to %scan3A_36 step %scan3A_37 iter_args(%scan3A_41 = %scan3A_33) -> (i32)  : i32 {
        %broadcast_in_dim3A = arith.constant 0.000000e+00 : f32
        %broadcast_in_dim3A_42 = vector.broadcast %broadcast_in_dim3A : f32 to vector<16xf32>
        %mul3A_43 = arith.constant 16 : i32
        %mul3A_44 = arith.muli %scan3A_40, %mul3A_43 : i32
        %swap3A = arith.index_cast %scan3A_31 : i32 to index
        %swap3A_45 = arith.index_cast %mul3A_44 : i32 to index
        %swap3A_46 = tpu.vector_load %arg6[%swap3A, %swap3A_45] {strides = array<i32>} : memref<16x128xf32, #tpu.memory_space<vmem>>, vector<1x16xf32>,
        %swap3A_47 = vector.shape_cast %swap3A_46 : vector<1x16xf32> to vector<16xf32>
        %swap3A_48 = vector.shape_cast %broadcast_in_dim3A_42 : vector<16xf32> to vector<1x16xf32>
        tpu.vector_store %arg6[%swap3A, %swap3A_45], %swap3A_48 {strides = array<i32>} : memref<16x128xf32, #tpu.memory_space<vmem>>, vector<1x16xf32>,
        %scan3A_49 = arith.constant 0 : i32
        scf.yield %scan3A_49 : i32
      }
      %scan3A_39 = arith.constant 8 : i32
      scf.yield %scan3A_38 : i32
    }
    %scan3A_12 = arith.constant 16 : i32
    %scan3A_13 = arith.constant 0 : i32
    %scan3A_14 = arith.constant 0 : i32
    %scan3A_15 = arith.constant 40 : i32
    %scan3A_16 = arith.addi %scan3A_14, %scan3A_15 : i32
    %scan3A_17 = arith.constant 1 : i32
    %scan3A_18 = scf.for %scan3A_31 = %scan3A_14 to %scan3A_16 step %scan3A_17 iter_args(%scan3A_32 = %scan3A_13) -> (i32)  : i32 {
      %mul3A_33 = arith.constant 640 : i32
      %mul3A_34 = arith.muli %arg1, %mul3A_33 : i32
      %mul3A_35 = arith.constant 16 : i32
      %mul3A_36 = arith.muli %scan3A_31, %mul3A_35 : i32
      %add3A = arith.addi %mul3A_34, %mul3A_36 : i32
      "tpu.region"() ({
        %run_scoped3A = tpu.sem_alloc : memref<!tpu.dma_semaphore, #tpu.memory_space<semaphore_mem>>
        %dma_start3A = arith.constant 0 : i32
        %dma_start3A_38 = tpu.memref_slice %arg7[%add3A, %dma_start3A] : memref<10240x128xf32, #tpu.memory_space<vmem_shared>> -> memref<16x128xf32, #tpu.memory_space<vmem_shared>>
        %dma_start3A_39 = arith.constant 0 : i32
        %dma_start3A_40 = tpu.memref_slice %arg7[%add3A, %dma_start3A_39] : memref<10240x128xf32, #tpu.memory_space<vmem_shared>> -> memref<16x128xf32, #tpu.memory_space<vmem_shared>>
        tpu.enqueue_dma source(%arg6 : memref<16x128xf32, #tpu.memory_space<vmem>>) target(%dma_start3A_40 : memref<16x128xf32, #tpu.memory_space<vmem_shared>>) target_semaphore(%run_scoped3A : memref<!tpu.dma_semaphore, #tpu.memory_space<semaphore_mem>>)
        %dma_wait3A = arith.constant 0 : i32
        %dma_wait3A_41 = tpu.memref_slice %arg7[%add3A, %dma_wait3A] : memref<10240x128xf32, #tpu.memory_space<vmem_shared>> -> memref<16x128xf32, #tpu.memory_space<vmem_shared>>
        %dma_wait3A_42 = arith.constant 0 : i32
        %dma_wait3A_43 = tpu.memref_slice %arg7[%add3A, %dma_wait3A_42] : memref<10240x128xf32, #tpu.memory_space<vmem_shared>> -> memref<16x128xf32, #tpu.memory_space<vmem_shared>>
        tpu.wait_dma2 semaphore(%run_scoped3A : memref<!tpu.dma_semaphore, #tpu.memory_space<semaphore_mem>>) src(%arg6 : memref<16x128xf32, #tpu.memory_space<vmem>>) dst(%dma_wait3A_43 : memref<16x128xf32, #tpu.memory_space<vmem_shared>>)
        tpu.yield
      }) : () -> ()
      %scan3A_37 = arith.constant 0 : i32
      scf.yield %scan3A_37 : i32
    }
    %scan3A_19 = arith.constant 40 : i32
    %barrier3A = arith.constant 0 : index
    tpu.barrier barrier_id(%barrier3A)
    %mul3A = arith.constant 40 : i32
    %mul3A_20 = arith.muli %arg0, %mul3A : i32
    %scan3A_21 = arith.constant 0 : i32
    %scan3A_22 = arith.constant 0 : i32
    %scan3A_23 = arith.constant 40 : i32
    %scan3A_24 = arith.addi %scan3A_22, %scan3A_23 : i32
    %scan3A_25 = arith.constant 1 : i32
    %scan3A_26 = scf.for %scan3A_31 = %scan3A_22 to %scan3A_24 step %scan3A_25 iter_args(%scan3A_32 = %scan3A_21) -> (i32)  : i32 {
      %add3A = arith.addi %mul3A_20, %scan3A_31 : i32
      "tpu.region"() ({
        %run_scoped3A = tpu.sem_alloc : memref<!tpu.dma_semaphore, #tpu.memory_space<semaphore_mem>>
        %dma_start3A = arith.constant 0 : i32
        %dma_start3A_34 = tpu.memref_slice %arg4[%add3A, %dma_start3A] : memref<80x128xi32, #tpu.memory_space<vmem>> -> memref<1x128xi32, #tpu.memory_space<vmem>>
        %dma_start3A_35 = tpu.memref_squeeze %dma_start3A_34 : memref<1x128xi32, #tpu.memory_space<vmem>> -> memref<128xi32, #tpu.memory_space<vmem>>
        %dma_start3A_36 = arith.constant 0 : i32
        %dma_start3A_37 = arith.constant 0 : i32
        %dma_start3A_38 = tpu.memref_slice %arg7[%dma_start3A_36, %dma_start3A_37] : memref<10240x128xf32, #tpu.memory_space<vmem_shared>> -> memref<10240x128xf32, #tpu.memory_space<vmem_shared>>
        tpu.enqueue_indirect_dma source(%arg5 : memref<128x128xf32, #tpu.memory_space<vmem>>) target(%dma_start3A_38 : memref<10240x128xf32, #tpu.memory_space<vmem_shared>>) offsets(%dma_start3A_35 : memref<128xi32, #tpu.memory_space<vmem>>) semaphore(%run_scoped3A : memref<!tpu.dma_semaphore, #tpu.memory_space<semaphore_mem>>) {add = true}
        %dma_wait3A = arith.constant 0 : i32
        %dma_wait3A_39 = tpu.memref_slice %arg4[%add3A, %dma_wait3A] : memref<80x128xi32, #tpu.memory_space<vmem>> -> memref<1x128xi32, #tpu.memory_space<vmem>>
        %dma_wait3A_40 = tpu.memref_squeeze %dma_wait3A_39 : memref<1x128xi32, #tpu.memory_space<vmem>> -> memref<128xi32, #tpu.memory_space<vmem>>
        %dma_wait3A_41 = arith.constant 0 : i32
        %dma_wait3A_42 = arith.constant 0 : i32
        %dma_wait3A_43 = tpu.memref_slice %arg7[%dma_wait3A_41, %dma_wait3A_42] : memref<10240x128xf32, #tpu.memory_space<vmem_shared>> -> memref<10240x128xf32, #tpu.memory_space<vmem_shared>>
        tpu.wait_indirect_dma semaphore(%run_scoped3A : memref<!tpu.dma_semaphore, #tpu.memory_space<semaphore_mem>>) src(%arg5 : memref<128x128xf32, #tpu.memory_space<vmem>>) dst(%dma_wait3A_43 : memref<10240x128xf32, #tpu.memory_space<vmem_shared>>)
        tpu.yield
      }) : () -> ()
      %scan3A_33 = arith.constant 0 : i32
      scf.yield %scan3A_33 : i32
    }
    %scan3A_27 = arith.constant 40 : i32
    %barrier3A_28 = arith.constant 0 : index
    tpu.barrier barrier_id(%barrier3A_28)
    %mul3A_29 = arith.constant 640 : i32
    %mul3A_30 = arith.muli %arg1, %mul3A_29 : i32
    "tpu.region"() ({
      %run_scoped3A = tpu.sem_alloc : memref<!tpu.dma_semaphore, #tpu.memory_space<semaphore_mem>>
      %dma_start3A = arith.constant 0 : i32
      %dma_start3A_31 = arith.constant 0 : i32
      %dma_start3A_32 = tpu.memref_slice %arg3[%arg0, %dma_start3A, %dma_start3A_31] : memref<2x10240x128xf32, #tpu.memory_space<hbm>> -> memref<1x10240x128xf32, #tpu.memory_space<hbm>>
      %dma_start3A_33 = tpu.memref_squeeze %dma_start3A_32 : memref<1x10240x128xf32, #tpu.memory_space<hbm>> -> memref<10240x128xf32, #tpu.memory_space<hbm>>
      %dma_start3A_34 = arith.constant 0 : i32
      %dma_start3A_35 = tpu.memref_slice %dma_start3A_33[%mul3A_30, %dma_start3A_34] : memref<10240x128xf32, #tpu.memory_space<hbm>> -> memref<640x128xf32, #tpu.memory_space<hbm>>
      %dma_start3A_36 = arith.constant 0 : i32
      %dma_start3A_37 = tpu.memref_slice %arg7[%mul3A_30, %dma_start3A_36] : memref<10240x128xf32, #tpu.memory_space<vmem_shared>> -> memref<640x128xf32, #tpu.memory_space<vmem_shared>>
      tpu.enqueue_dma source(%dma_start3A_37 : memref<640x128xf32, #tpu.memory_space<vmem_shared>>) target(%dma_start3A_35 : memref<640x128xf32, #tpu.memory_space<hbm>>) target_semaphore(%run_scoped3A : memref<!tpu.dma_semaphore, #tpu.memory_space<semaphore_mem>>)
      %dma_wait3A = arith.constant 0 : i32
      %dma_wait3A_38 = arith.constant 0 : i32
      %dma_wait3A_39 = tpu.memref_slice %arg3[%arg0, %dma_wait3A, %dma_wait3A_38] : memref<2x10240x128xf32, #tpu.memory_space<hbm>> -> memref<1x10240x128xf32, #tpu.memory_space<hbm>>
      %dma_wait3A_40 = tpu.memref_squeeze %dma_wait3A_39 : memref<1x10240x128xf32, #tpu.memory_space<hbm>> -> memref<10240x128xf32, #tpu.memory_space<hbm>>
      %dma_wait3A_41 = arith.constant 0 : i32
      %dma_wait3A_42 = tpu.memref_slice %dma_wait3A_40[%mul3A_30, %dma_wait3A_41] : memref<10240x128xf32, #tpu.memory_space<hbm>> -> memref<640x128xf32, #tpu.memory_space<hbm>>
      %dma_wait3A_43 = arith.constant 0 : i32
      %dma_wait3A_44 = tpu.memref_slice %arg7[%mul3A_30, %dma_wait3A_43] : memref<10240x128xf32, #tpu.memory_space<vmem_shared>> -> memref<640x128xf32, #tpu.memory_space<vmem_shared>>
      tpu.wait_dma2 semaphore(%run_scoped3A : memref<!tpu.dma_semaphore, #tpu.memory_space<semaphore_mem>>) src(%dma_wait3A_44 : memref<640x128xf32, #tpu.memory_space<vmem_shared>>) dst(%dma_wait3A_42 : memref<640x128xf32, #tpu.memory_space<hbm>>)
      tpu.yield
    }) : () -> ()
    return
  }
}

#map = affine_map<(d0, d1) -> (0, 0, 0)>
module attributes {stable_mosaic.version = 14 : i64} {
  func.func @_sc_edge_agg_body(%arg0: i32, %arg1: i32, %arg2: memref<4x10240x128xf32, #tpu.memory_space<hbm>>, %arg3: memref<16x80x128xi32, #tpu.memory_space<hbm>>, %arg4: memref<16x80x128xi32, #tpu.memory_space<hbm>>, %arg5: memref<4x10240x128xf32, #tpu.memory_space<hbm>>, %arg6: memref<40x128xi32, #tpu.memory_space<vmem>>, %arg7: memref<40x128xi32, #tpu.memory_space<vmem>>, %arg8: memref<128x128xf32, #tpu.memory_space<vmem>>, %arg9: memref<128x128xf32, #tpu.memory_space<vmem>>, %arg10: memref<16x128xf32, #tpu.memory_space<vmem>>, %arg11: memref<10240x128xf32, #tpu.memory_space<vmem_shared>>, %arg12: memref<!tpu.dma_semaphore, #tpu.memory_space<semaphore_mem>>, %arg13: memref<!tpu.dma_semaphore, #tpu.memory_space<semaphore_mem>>) attributes {dimension_semantics = [#tpu.dimension_semantics<core_parallel>, #tpu.dimension_semantics<subcore_parallel>], iteration_bounds = array<i64: 2, 16>, scalar_prefetch = 0 : i64, scratch_operands = 8 : i64, tpu.core_type = #tpu.core_type<sc_vector_subcore>, window_params = [{transform_indices = #map}, {transform_indices = #map}, {transform_indices = #map}, {transform_indices = #map}]} {
    %scan3A = arith.constant 0 : i32
    %scan3A_0 = arith.constant 0 : i32
    %scan3A_1 = arith.constant 16 : i32
    %scan3A_2 = arith.addi %scan3A_0, %scan3A_1 : i32
    %scan3A_3 = arith.constant 1 : i32
    %scan3A_4 = scf.for %scan3A_105 = %scan3A_0 to %scan3A_2 step %scan3A_3 iter_args(%scan3A_106 = %scan3A) -> (i32)  : i32 {
      %scan3A_107 = arith.constant 0 : i32
      %scan3A_108 = arith.constant 0 : i32
      %scan3A_109 = arith.constant 8 : i32
      %scan3A_110 = arith.addi %scan3A_108, %scan3A_109 : i32
      %scan3A_111 = arith.constant 1 : i32
      %scan3A_112 = scf.for %scan3A_114 = %scan3A_108 to %scan3A_110 step %scan3A_111 iter_args(%scan3A_115 = %scan3A_107) -> (i32)  : i32 {
        %broadcast_in_dim3A = arith.constant 0.000000e+00 : f32
        %broadcast_in_dim3A_116 = vector.broadcast %broadcast_in_dim3A : f32 to vector<16xf32>
        %mul3A_117 = arith.constant 16 : i32
        %mul3A_118 = arith.muli %scan3A_114, %mul3A_117 : i32
        %swap3A = arith.index_cast %scan3A_105 : i32 to index
        %swap3A_119 = arith.index_cast %mul3A_118 : i32 to index
        %swap3A_120 = tpu.vector_load %arg10[%swap3A, %swap3A_119] {strides = array<i32>} : memref<16x128xf32, #tpu.memory_space<vmem>>, vector<1x16xf32>,
        %swap3A_121 = vector.shape_cast %swap3A_120 : vector<1x16xf32> to vector<16xf32>
        %swap3A_122 = vector.shape_cast %broadcast_in_dim3A_116 : vector<16xf32> to vector<1x16xf32>
        tpu.vector_store %arg10[%swap3A, %swap3A_119], %swap3A_122 {strides = array<i32>} : memref<16x128xf32, #tpu.memory_space<vmem>>, vector<1x16xf32>,
        %scan3A_123 = arith.constant 0 : i32
        scf.yield %scan3A_123 : i32
      }
      %scan3A_113 = arith.constant 8 : i32
      scf.yield %scan3A_112 : i32
    }
    %scan3A_5 = arith.constant 16 : i32
    %mul3A = arith.constant 2 : i32
    %mul3A_6 = arith.muli %arg0, %mul3A : i32
    %add3A = arith.constant 0 : i32
    %add3A_7 = arith.addi %mul3A_6, %add3A : i32
    %scan3A_8 = arith.constant 0 : i32
    %scan3A_9 = arith.constant 0 : i32
    %scan3A_10 = arith.constant 40 : i32
    %scan3A_11 = arith.addi %scan3A_9, %scan3A_10 : i32
    %scan3A_12 = arith.constant 1 : i32
    %scan3A_13 = scf.for %scan3A_105 = %scan3A_9 to %scan3A_11 step %scan3A_12 iter_args(%scan3A_106 = %scan3A_8) -> (i32)  : i32 {
      %mul3A_107 = arith.constant 640 : i32
      %mul3A_108 = arith.muli %arg1, %mul3A_107 : i32
      %mul3A_109 = arith.constant 16 : i32
      %mul3A_110 = arith.muli %scan3A_105, %mul3A_109 : i32
      %add3A_111 = arith.addi %mul3A_108, %mul3A_110 : i32
      "tpu.region"() ({
        %run_scoped3A = tpu.sem_alloc : memref<!tpu.dma_semaphore, #tpu.memory_space<semaphore_mem>>
        %dma_start3A_113 = arith.constant 0 : i32
        %dma_start3A_114 = tpu.memref_slice %arg11[%add3A_111, %dma_start3A_113] : memref<10240x128xf32, #tpu.memory_space<vmem_shared>> -> memref<16x128xf32, #tpu.memory_space<vmem_shared>>
        %dma_start3A_115 = arith.constant 0 : i32
        %dma_start3A_116 = tpu.memref_slice %arg11[%add3A_111, %dma_start3A_115] : memref<10240x128xf32, #tpu.memory_space<vmem_shared>> -> memref<16x128xf32, #tpu.memory_space<vmem_shared>>
        tpu.enqueue_dma source(%arg10 : memref<16x128xf32, #tpu.memory_space<vmem>>) target(%dma_start3A_116 : memref<16x128xf32, #tpu.memory_space<vmem_shared>>) target_semaphore(%run_scoped3A : memref<!tpu.dma_semaphore, #tpu.memory_space<semaphore_mem>>)
        %dma_wait3A = arith.constant 0 : i32
        %dma_wait3A_117 = tpu.memref_slice %arg11[%add3A_111, %dma_wait3A] : memref<10240x128xf32, #tpu.memory_space<vmem_shared>> -> memref<16x128xf32, #tpu.memory_space<vmem_shared>>
        %dma_wait3A_118 = arith.constant 0 : i32
        %dma_wait3A_119 = tpu.memref_slice %arg11[%add3A_111, %dma_wait3A_118] : memref<10240x128xf32, #tpu.memory_space<vmem_shared>> -> memref<16x128xf32, #tpu.memory_space<vmem_shared>>
        tpu.wait_dma2 semaphore(%run_scoped3A : memref<!tpu.dma_semaphore, #tpu.memory_space<semaphore_mem>>) src(%arg10 : memref<16x128xf32, #tpu.memory_space<vmem>>) dst(%dma_wait3A_119 : memref<16x128xf32, #tpu.memory_space<vmem_shared>>)
        tpu.yield
      }) : () -> ()
      %scan3A_112 = arith.constant 0 : i32
      scf.yield %scan3A_112 : i32
    }
    %scan3A_14 = arith.constant 40 : i32
    %barrier3A = arith.constant 0 : index
    tpu.barrier barrier_id(%barrier3A)
    "tpu.region"() ({
      %run_scoped3A = tpu.sem_alloc : memref<!tpu.dma_semaphore, #tpu.memory_space<semaphore_mem>>
      %dma_start3A_105 = arith.constant 0 : i32
      %dma_start3A_106 = arith.constant 0 : i32
      %dma_start3A_107 = tpu.memref_slice %arg3[%arg1, %dma_start3A_105, %dma_start3A_106] : memref<16x80x128xi32, #tpu.memory_space<hbm>> -> memref<1x80x128xi32, #tpu.memory_space<hbm>>
      %dma_start3A_108 = tpu.memref_squeeze %dma_start3A_107 : memref<1x80x128xi32, #tpu.memory_space<hbm>> -> memref<80x128xi32, #tpu.memory_space<hbm>>
      %dma_start3A_109 = arith.constant 0 : i32
      %dma_start3A_110 = arith.constant 0 : i32
      %dma_start3A_111 = tpu.memref_slice %dma_start3A_108[%dma_start3A_109, %dma_start3A_110] : memref<80x128xi32, #tpu.memory_space<hbm>> -> memref<40x128xi32, #tpu.memory_space<hbm>>
      %dma_start3A_112 = arith.constant 0 : i32
      %dma_start3A_113 = arith.constant 0 : i32
      %dma_start3A_114 = tpu.memref_slice %arg3[%arg1, %dma_start3A_112, %dma_start3A_113] : memref<16x80x128xi32, #tpu.memory_space<hbm>> -> memref<1x80x128xi32, #tpu.memory_space<hbm>>
      %dma_start3A_115 = tpu.memref_squeeze %dma_start3A_114 : memref<1x80x128xi32, #tpu.memory_space<hbm>> -> memref<80x128xi32, #tpu.memory_space<hbm>>
      %dma_start3A_116 = arith.constant 0 : i32
      %dma_start3A_117 = arith.constant 0 : i32
      %dma_start3A_118 = tpu.memref_slice %dma_start3A_115[%dma_start3A_116, %dma_start3A_117] : memref<80x128xi32, #tpu.memory_space<hbm>> -> memref<40x128xi32, #tpu.memory_space<hbm>>
      tpu.enqueue_dma source(%dma_start3A_118 : memref<40x128xi32, #tpu.memory_space<hbm>>) target(%arg6 : memref<40x128xi32, #tpu.memory_space<vmem>>) target_semaphore(%run_scoped3A : memref<!tpu.dma_semaphore, #tpu.memory_space<semaphore_mem>>)
      %dma_wait3A = arith.constant 0 : i32
      %dma_wait3A_119 = arith.constant 0 : i32
      %dma_wait3A_120 = tpu.memref_slice %arg3[%arg1, %dma_wait3A, %dma_wait3A_119] : memref<16x80x128xi32, #tpu.memory_space<hbm>> -> memref<1x80x128xi32, #tpu.memory_space<hbm>>
      %dma_wait3A_121 = tpu.memref_squeeze %dma_wait3A_120 : memref<1x80x128xi32, #tpu.memory_space<hbm>> -> memref<80x128xi32, #tpu.memory_space<hbm>>
      %dma_wait3A_122 = arith.constant 0 : i32
      %dma_wait3A_123 = arith.constant 0 : i32
      %dma_wait3A_124 = tpu.memref_slice %dma_wait3A_121[%dma_wait3A_122, %dma_wait3A_123] : memref<80x128xi32, #tpu.memory_space<hbm>> -> memref<40x128xi32, #tpu.memory_space<hbm>>
      %dma_wait3A_125 = arith.constant 0 : i32
      %dma_wait3A_126 = arith.constant 0 : i32
      %dma_wait3A_127 = tpu.memref_slice %arg3[%arg1, %dma_wait3A_125, %dma_wait3A_126] : memref<16x80x128xi32, #tpu.memory_space<hbm>> -> memref<1x80x128xi32, #tpu.memory_space<hbm>>
      %dma_wait3A_128 = tpu.memref_squeeze %dma_wait3A_127 : memref<1x80x128xi32, #tpu.memory_space<hbm>> -> memref<80x128xi32, #tpu.memory_space<hbm>>
      %dma_wait3A_129 = arith.constant 0 : i32
      %dma_wait3A_130 = arith.constant 0 : i32
      %dma_wait3A_131 = tpu.memref_slice %dma_wait3A_128[%dma_wait3A_129, %dma_wait3A_130] : memref<80x128xi32, #tpu.memory_space<hbm>> -> memref<40x128xi32, #tpu.memory_space<hbm>>
      tpu.wait_dma2 semaphore(%run_scoped3A : memref<!tpu.dma_semaphore, #tpu.memory_space<semaphore_mem>>) src(%dma_wait3A_131 : memref<40x128xi32, #tpu.memory_space<hbm>>) dst(%arg6 : memref<40x128xi32, #tpu.memory_space<vmem>>)
      tpu.yield
    }) : () -> ()
    "tpu.region"() ({
      %run_scoped3A = tpu.sem_alloc : memref<!tpu.dma_semaphore, #tpu.memory_space<semaphore_mem>>
      %dma_start3A_105 = arith.constant 0 : i32
      %dma_start3A_106 = arith.constant 0 : i32
      %dma_start3A_107 = tpu.memref_slice %arg4[%arg1, %dma_start3A_105, %dma_start3A_106] : memref<16x80x128xi32, #tpu.memory_space<hbm>> -> memref<1x80x128xi32, #tpu.memory_space<hbm>>
      %dma_start3A_108 = tpu.memref_squeeze %dma_start3A_107 : memref<1x80x128xi32, #tpu.memory_space<hbm>> -> memref<80x128xi32, #tpu.memory_space<hbm>>
      %dma_start3A_109 = arith.constant 0 : i32
      %dma_start3A_110 = arith.constant 0 : i32
      %dma_start3A_111 = tpu.memref_slice %dma_start3A_108[%dma_start3A_109, %dma_start3A_110] : memref<80x128xi32, #tpu.memory_space<hbm>> -> memref<40x128xi32, #tpu.memory_space<hbm>>
      %dma_start3A_112 = arith.constant 0 : i32
      %dma_start3A_113 = arith.constant 0 : i32
      %dma_start3A_114 = tpu.memref_slice %arg4[%arg1, %dma_start3A_112, %dma_start3A_113] : memref<16x80x128xi32, #tpu.memory_space<hbm>> -> memref<1x80x128xi32, #tpu.memory_space<hbm>>
      %dma_start3A_115 = tpu.memref_squeeze %dma_start3A_114 : memref<1x80x128xi32, #tpu.memory_space<hbm>> -> memref<80x128xi32, #tpu.memory_space<hbm>>
      %dma_start3A_116 = arith.constant 0 : i32
      %dma_start3A_117 = arith.constant 0 : i32
      %dma_start3A_118 = tpu.memref_slice %dma_start3A_115[%dma_start3A_116, %dma_start3A_117] : memref<80x128xi32, #tpu.memory_space<hbm>> -> memref<40x128xi32, #tpu.memory_space<hbm>>
      tpu.enqueue_dma source(%dma_start3A_118 : memref<40x128xi32, #tpu.memory_space<hbm>>) target(%arg7 : memref<40x128xi32, #tpu.memory_space<vmem>>) target_semaphore(%run_scoped3A : memref<!tpu.dma_semaphore, #tpu.memory_space<semaphore_mem>>)
      %dma_wait3A = arith.constant 0 : i32
      %dma_wait3A_119 = arith.constant 0 : i32
      %dma_wait3A_120 = tpu.memref_slice %arg4[%arg1, %dma_wait3A, %dma_wait3A_119] : memref<16x80x128xi32, #tpu.memory_space<hbm>> -> memref<1x80x128xi32, #tpu.memory_space<hbm>>
      %dma_wait3A_121 = tpu.memref_squeeze %dma_wait3A_120 : memref<1x80x128xi32, #tpu.memory_space<hbm>> -> memref<80x128xi32, #tpu.memory_space<hbm>>
      %dma_wait3A_122 = arith.constant 0 : i32
      %dma_wait3A_123 = arith.constant 0 : i32
      %dma_wait3A_124 = tpu.memref_slice %dma_wait3A_121[%dma_wait3A_122, %dma_wait3A_123] : memref<80x128xi32, #tpu.memory_space<hbm>> -> memref<40x128xi32, #tpu.memory_space<hbm>>
      %dma_wait3A_125 = arith.constant 0 : i32
      %dma_wait3A_126 = arith.constant 0 : i32
      %dma_wait3A_127 = tpu.memref_slice %arg4[%arg1, %dma_wait3A_125, %dma_wait3A_126] : memref<16x80x128xi32, #tpu.memory_space<hbm>> -> memref<1x80x128xi32, #tpu.memory_space<hbm>>
      %dma_wait3A_128 = tpu.memref_squeeze %dma_wait3A_127 : memref<1x80x128xi32, #tpu.memory_space<hbm>> -> memref<80x128xi32, #tpu.memory_space<hbm>>
      %dma_wait3A_129 = arith.constant 0 : i32
      %dma_wait3A_130 = arith.constant 0 : i32
      %dma_wait3A_131 = tpu.memref_slice %dma_wait3A_128[%dma_wait3A_129, %dma_wait3A_130] : memref<80x128xi32, #tpu.memory_space<hbm>> -> memref<40x128xi32, #tpu.memory_space<hbm>>
      tpu.wait_dma2 semaphore(%run_scoped3A : memref<!tpu.dma_semaphore, #tpu.memory_space<semaphore_mem>>) src(%dma_wait3A_131 : memref<40x128xi32, #tpu.memory_space<hbm>>) dst(%arg7 : memref<40x128xi32, #tpu.memory_space<vmem>>)
      tpu.yield
    }) : () -> ()
    %dma_start3A = arith.constant 0 : i32
    %dma_start3A_15 = arith.constant 0 : i32
    %dma_start3A_16 = tpu.memref_slice %arg6[%dma_start3A, %dma_start3A_15] : memref<40x128xi32, #tpu.memory_space<vmem>> -> memref<1x128xi32, #tpu.memory_space<vmem>>
    %dma_start3A_17 = tpu.memref_squeeze %dma_start3A_16 : memref<1x128xi32, #tpu.memory_space<vmem>> -> memref<128xi32, #tpu.memory_space<vmem>>
    %dma_start3A_18 = arith.constant 0 : i32
    %dma_start3A_19 = arith.constant 0 : i32
    %dma_start3A_20 = tpu.memref_slice %arg2[%add3A_7, %dma_start3A_18, %dma_start3A_19] : memref<4x10240x128xf32, #tpu.memory_space<hbm>> -> memref<1x10240x128xf32, #tpu.memory_space<hbm>>
    %dma_start3A_21 = tpu.memref_squeeze %dma_start3A_20 : memref<1x10240x128xf32, #tpu.memory_space<hbm>> -> memref<10240x128xf32, #tpu.memory_space<hbm>>
    %dma_start3A_22 = arith.constant 0 : i32
    %dma_start3A_23 = arith.constant 0 : i32
    %dma_start3A_24 = tpu.memref_slice %dma_start3A_21[%dma_start3A_22, %dma_start3A_23] : memref<10240x128xf32, #tpu.memory_space<hbm>> -> memref<10240x128xf32, #tpu.memory_space<hbm>>
    tpu.enqueue_indirect_dma source(%dma_start3A_24 : memref<10240x128xf32, #tpu.memory_space<hbm>>) target(%arg8 : memref<128x128xf32, #tpu.memory_space<vmem>>) offsets(%dma_start3A_17 : memref<128xi32, #tpu.memory_space<vmem>>) semaphore(%arg12 : memref<!tpu.dma_semaphore, #tpu.memory_space<semaphore_mem>>)
    %scan3A_25 = arith.constant 0 : i32
    %scan3A_26 = arith.constant 0 : i32
    %scan3A_27 = arith.constant 20 : i32
    %scan3A_28 = arith.addi %scan3A_26, %scan3A_27 : i32
    %scan3A_29 = arith.constant 1 : i32
    %scan3A_30 = scf.for %scan3A_105 = %scan3A_26 to %scan3A_28 step %scan3A_29 iter_args(%scan3A_106 = %scan3A_25) -> (i32)  : i32 {
      %mul3A_107 = arith.constant 2 : i32
      %mul3A_108 = arith.muli %mul3A_107, %scan3A_105 : i32
      %add3A_109 = arith.constant 1 : i32
      %add3A_110 = arith.addi %mul3A_108, %add3A_109 : i32
      %dma_wait3A = arith.constant 0 : i32
      %dma_wait3A_111 = tpu.memref_slice %arg6[%mul3A_108, %dma_wait3A] : memref<40x128xi32, #tpu.memory_space<vmem>> -> memref<1x128xi32, #tpu.memory_space<vmem>>
      %dma_wait3A_112 = tpu.memref_squeeze %dma_wait3A_111 : memref<1x128xi32, #tpu.memory_space<vmem>> -> memref<128xi32, #tpu.memory_space<vmem>>
      %dma_wait3A_113 = arith.constant 0 : i32
      %dma_wait3A_114 = arith.constant 0 : i32
      %dma_wait3A_115 = tpu.memref_slice %arg2[%add3A_7, %dma_wait3A_113, %dma_wait3A_114] : memref<4x10240x128xf32, #tpu.memory_space<hbm>> -> memref<1x10240x128xf32, #tpu.memory_space<hbm>>
      %dma_wait3A_116 = tpu.memref_squeeze %dma_wait3A_115 : memref<1x10240x128xf32, #tpu.memory_space<hbm>> -> memref<10240x128xf32, #tpu.memory_space<hbm>>
      %dma_wait3A_117 = arith.constant 0 : i32
      %dma_wait3A_118 = arith.constant 0 : i32
      %dma_wait3A_119 = tpu.memref_slice %dma_wait3A_116[%dma_wait3A_117, %dma_wait3A_118] : memref<10240x128xf32, #tpu.memory_space<hbm>> -> memref<10240x128xf32, #tpu.memory_space<hbm>>
      tpu.wait_indirect_dma semaphore(%arg12 : memref<!tpu.dma_semaphore, #tpu.memory_space<semaphore_mem>>) src(%dma_wait3A_119 : memref<10240x128xf32, #tpu.memory_space<hbm>>) dst(%arg8 : memref<128x128xf32, #tpu.memory_space<vmem>>)
      %dma_start3A_120 = arith.constant 0 : i32
      %dma_start3A_121 = tpu.memref_slice %arg6[%add3A_110, %dma_start3A_120] : memref<40x128xi32, #tpu.memory_space<vmem>> -> memref<1x128xi32, #tpu.memory_space<vmem>>
      %dma_start3A_122 = tpu.memref_squeeze %dma_start3A_121 : memref<1x128xi32, #tpu.memory_space<vmem>> -> memref<128xi32, #tpu.memory_space<vmem>>
      %dma_start3A_123 = arith.constant 0 : i32
      %dma_start3A_124 = arith.constant 0 : i32
      %dma_start3A_125 = tpu.memref_slice %arg2[%add3A_7, %dma_start3A_123, %dma_start3A_124] : memref<4x10240x128xf32, #tpu.memory_space<hbm>> -> memref<1x10240x128xf32, #tpu.memory_space<hbm>>
      %dma_start3A_126 = tpu.memref_squeeze %dma_start3A_125 : memref<1x10240x128xf32, #tpu.memory_space<hbm>> -> memref<10240x128xf32, #tpu.memory_space<hbm>>
      %dma_start3A_127 = arith.constant 0 : i32
      %dma_start3A_128 = arith.constant 0 : i32
      %dma_start3A_129 = tpu.memref_slice %dma_start3A_126[%dma_start3A_127, %dma_start3A_128] : memref<10240x128xf32, #tpu.memory_space<hbm>> -> memref<10240x128xf32, #tpu.memory_space<hbm>>
      tpu.enqueue_indirect_dma source(%dma_start3A_129 : memref<10240x128xf32, #tpu.memory_space<hbm>>) target(%arg9 : memref<128x128xf32, #tpu.memory_space<vmem>>) offsets(%dma_start3A_122 : memref<128xi32, #tpu.memory_space<vmem>>) semaphore(%arg13 : memref<!tpu.dma_semaphore, #tpu.memory_space<semaphore_mem>>)
      "tpu.region"() ({
        %run_scoped3A = tpu.sem_alloc : memref<!tpu.dma_semaphore, #tpu.memory_space<semaphore_mem>>
        %dma_start3A_145 = arith.constant 0 : i32
        %dma_start3A_146 = tpu.memref_slice %arg7[%mul3A_108, %dma_start3A_145] : memref<40x128xi32, #tpu.memory_space<vmem>> -> memref<1x128xi32, #tpu.memory_space<vmem>>
        %dma_start3A_147 = tpu.memref_squeeze %dma_start3A_146 : memref<1x128xi32, #tpu.memory_space<vmem>> -> memref<128xi32, #tpu.memory_space<vmem>>
        %dma_start3A_148 = arith.constant 0 : i32
        %dma_start3A_149 = arith.constant 0 : i32
        %dma_start3A_150 = tpu.memref_slice %arg11[%dma_start3A_148, %dma_start3A_149] : memref<10240x128xf32, #tpu.memory_space<vmem_shared>> -> memref<10240x128xf32, #tpu.memory_space<vmem_shared>>
        tpu.enqueue_indirect_dma source(%arg8 : memref<128x128xf32, #tpu.memory_space<vmem>>) target(%dma_start3A_150 : memref<10240x128xf32, #tpu.memory_space<vmem_shared>>) offsets(%dma_start3A_147 : memref<128xi32, #tpu.memory_space<vmem>>) semaphore(%run_scoped3A : memref<!tpu.dma_semaphore, #tpu.memory_space<semaphore_mem>>) {add = true}
        %dma_wait3A_151 = arith.constant 0 : i32
        %dma_wait3A_152 = tpu.memref_slice %arg7[%mul3A_108, %dma_wait3A_151] : memref<40x128xi32, #tpu.memory_space<vmem>> -> memref<1x128xi32, #tpu.memory_space<vmem>>
        %dma_wait3A_153 = tpu.memref_squeeze %dma_wait3A_152 : memref<1x128xi32, #tpu.memory_space<vmem>> -> memref<128xi32, #tpu.memory_space<vmem>>
        %dma_wait3A_154 = arith.constant 0 : i32
        %dma_wait3A_155 = arith.constant 0 : i32
        %dma_wait3A_156 = tpu.memref_slice %arg11[%dma_wait3A_154, %dma_wait3A_155] : memref<10240x128xf32, #tpu.memory_space<vmem_shared>> -> memref<10240x128xf32, #tpu.memory_space<vmem_shared>>
        tpu.wait_indirect_dma semaphore(%run_scoped3A : memref<!tpu.dma_semaphore, #tpu.memory_space<semaphore_mem>>) src(%arg8 : memref<128x128xf32, #tpu.memory_space<vmem>>) dst(%dma_wait3A_156 : memref<10240x128xf32, #tpu.memory_space<vmem_shared>>)
        tpu.yield
      }) : () -> ()
      %dma_wait3A_130 = arith.constant 0 : i32
      %dma_wait3A_131 = tpu.memref_slice %arg6[%add3A_110, %dma_wait3A_130] : memref<40x128xi32, #tpu.memory_space<vmem>> -> memref<1x128xi32, #tpu.memory_space<vmem>>
      %dma_wait3A_132 = tpu.memref_squeeze %dma_wait3A_131 : memref<1x128xi32, #tpu.memory_space<vmem>> -> memref<128xi32, #tpu.memory_space<vmem>>
      %dma_wait3A_133 = arith.constant 0 : i32
      %dma_wait3A_134 = arith.constant 0 : i32
      %dma_wait3A_135 = tpu.memref_slice %arg2[%add3A_7, %dma_wait3A_133, %dma_wait3A_134] : memref<4x10240x128xf32, #tpu.memory_space<hbm>> -> memref<1x10240x128xf32, #tpu.memory_space<hbm>>
      %dma_wait3A_136 = tpu.memref_squeeze %dma_wait3A_135 : memref<1x10240x128xf32, #tpu.memory_space<hbm>> -> memref<10240x128xf32, #tpu.memory_space<hbm>>
      %dma_wait3A_137 = arith.constant 0 : i32
      %dma_wait3A_138 = arith.constant 0 : i32
      %dma_wait3A_139 = tpu.memref_slice %dma_wait3A_136[%dma_wait3A_137, %dma_wait3A_138] : memref<10240x128xf32, #tpu.memory_space<hbm>> -> memref<10240x128xf32, #tpu.memory_space<hbm>>
      tpu.wait_indirect_dma semaphore(%arg13 : memref<!tpu.dma_semaphore, #tpu.memory_space<semaphore_mem>>) src(%dma_wait3A_139 : memref<10240x128xf32, #tpu.memory_space<hbm>>) dst(%arg9 : memref<128x128xf32, #tpu.memory_space<vmem>>)
      %add3A_140 = arith.constant 1 : i32
      %add3A_141 = arith.addi %scan3A_105, %add3A_140 : i32
      %lt3A = arith.constant 20 : i32
      %lt3A_142 = arith.cmpi slt, %add3A_141, %lt3A : i32
      %convert_element_type3A = arith.extui %lt3A_142 : i1 to i32
      %cond3A = arith.constant 0 : i32
      %cond3A_143 = arith.cmpi ne, %convert_element_type3A, %cond3A : i32
      scf.if %cond3A_143 {
        %add3A_145 = arith.constant 1 : i32
        %add3A_146 = arith.addi %add3A_110, %add3A_145 : i32
        %dma_start3A_147 = arith.constant 0 : i32
        %dma_start3A_148 = tpu.memref_slice %arg6[%add3A_146, %dma_start3A_147] : memref<40x128xi32, #tpu.memory_space<vmem>> -> memref<1x128xi32, #tpu.memory_space<vmem>>
        %dma_start3A_149 = tpu.memref_squeeze %dma_start3A_148 : memref<1x128xi32, #tpu.memory_space<vmem>> -> memref<128xi32, #tpu.memory_space<vmem>>
        %dma_start3A_150 = arith.constant 0 : i32
        %dma_start3A_151 = arith.constant 0 : i32
        %dma_start3A_152 = tpu.memref_slice %arg2[%add3A_7, %dma_start3A_150, %dma_start3A_151] : memref<4x10240x128xf32, #tpu.memory_space<hbm>> -> memref<1x10240x128xf32, #tpu.memory_space<hbm>>
        %dma_start3A_153 = tpu.memref_squeeze %dma_start3A_152 : memref<1x10240x128xf32, #tpu.memory_space<hbm>> -> memref<10240x128xf32, #tpu.memory_space<hbm>>
        %dma_start3A_154 = arith.constant 0 : i32
        %dma_start3A_155 = arith.constant 0 : i32
        %dma_start3A_156 = tpu.memref_slice %dma_start3A_153[%dma_start3A_154, %dma_start3A_155] : memref<10240x128xf32, #tpu.memory_space<hbm>> -> memref<10240x128xf32, #tpu.memory_space<hbm>>
        tpu.enqueue_indirect_dma source(%dma_start3A_156 : memref<10240x128xf32, #tpu.memory_space<hbm>>) target(%arg8 : memref<128x128xf32, #tpu.memory_space<vmem>>) offsets(%dma_start3A_149 : memref<128xi32, #tpu.memory_space<vmem>>) semaphore(%arg12 : memref<!tpu.dma_semaphore, #tpu.memory_space<semaphore_mem>>)
      } else {
      }
      "tpu.region"() ({
        %run_scoped3A = tpu.sem_alloc : memref<!tpu.dma_semaphore, #tpu.memory_space<semaphore_mem>>
        %dma_start3A_145 = arith.constant 0 : i32
        %dma_start3A_146 = tpu.memref_slice %arg7[%add3A_110, %dma_start3A_145] : memref<40x128xi32, #tpu.memory_space<vmem>> -> memref<1x128xi32, #tpu.memory_space<vmem>>
        %dma_start3A_147 = tpu.memref_squeeze %dma_start3A_146 : memref<1x128xi32, #tpu.memory_space<vmem>> -> memref<128xi32, #tpu.memory_space<vmem>>
        %dma_start3A_148 = arith.constant 0 : i32
        %dma_start3A_149 = arith.constant 0 : i32
        %dma_start3A_150 = tpu.memref_slice %arg11[%dma_start3A_148, %dma_start3A_149] : memref<10240x128xf32, #tpu.memory_space<vmem_shared>> -> memref<10240x128xf32, #tpu.memory_space<vmem_shared>>
        tpu.enqueue_indirect_dma source(%arg9 : memref<128x128xf32, #tpu.memory_space<vmem>>) target(%dma_start3A_150 : memref<10240x128xf32, #tpu.memory_space<vmem_shared>>) offsets(%dma_start3A_147 : memref<128xi32, #tpu.memory_space<vmem>>) semaphore(%run_scoped3A : memref<!tpu.dma_semaphore, #tpu.memory_space<semaphore_mem>>) {add = true}
        %dma_wait3A_151 = arith.constant 0 : i32
        %dma_wait3A_152 = tpu.memref_slice %arg7[%add3A_110, %dma_wait3A_151] : memref<40x128xi32, #tpu.memory_space<vmem>> -> memref<1x128xi32, #tpu.memory_space<vmem>>
        %dma_wait3A_153 = tpu.memref_squeeze %dma_wait3A_152 : memref<1x128xi32, #tpu.memory_space<vmem>> -> memref<128xi32, #tpu.memory_space<vmem>>
        %dma_wait3A_154 = arith.constant 0 : i32
        %dma_wait3A_155 = arith.constant 0 : i32
        %dma_wait3A_156 = tpu.memref_slice %arg11[%dma_wait3A_154, %dma_wait3A_155] : memref<10240x128xf32, #tpu.memory_space<vmem_shared>> -> memref<10240x128xf32, #tpu.memory_space<vmem_shared>>
        tpu.wait_indirect_dma semaphore(%run_scoped3A : memref<!tpu.dma_semaphore, #tpu.memory_space<semaphore_mem>>) src(%arg9 : memref<128x128xf32, #tpu.memory_space<vmem>>) dst(%dma_wait3A_156 : memref<10240x128xf32, #tpu.memory_space<vmem_shared>>)
        tpu.yield
      }) : () -> ()
      %scan3A_144 = arith.constant 0 : i32
      scf.yield %scan3A_144 : i32
    }
    %scan3A_31 = arith.constant 20 : i32
    "tpu.region"() ({
      %run_scoped3A = tpu.sem_alloc : memref<!tpu.dma_semaphore, #tpu.memory_space<semaphore_mem>>
      %dma_start3A_105 = arith.constant 0 : i32
      %dma_start3A_106 = arith.constant 0 : i32
      %dma_start3A_107 = tpu.memref_slice %arg3[%arg1, %dma_start3A_105, %dma_start3A_106] : memref<16x80x128xi32, #tpu.memory_space<hbm>> -> memref<1x80x128xi32, #tpu.memory_space<hbm>>
      %dma_start3A_108 = tpu.memref_squeeze %dma_start3A_107 : memref<1x80x128xi32, #tpu.memory_space<hbm>> -> memref<80x128xi32, #tpu.memory_space<hbm>>
      %dma_start3A_109 = arith.constant 40 : i32
      %dma_start3A_110 = arith.constant 0 : i32
      %dma_start3A_111 = tpu.memref_slice %dma_start3A_108[%dma_start3A_109, %dma_start3A_110] : memref<80x128xi32, #tpu.memory_space<hbm>> -> memref<40x128xi32, #tpu.memory_space<hbm>>
      %dma_start3A_112 = arith.constant 0 : i32
      %dma_start3A_113 = arith.constant 0 : i32
      %dma_start3A_114 = tpu.memref_slice %arg3[%arg1, %dma_start3A_112, %dma_start3A_113] : memref<16x80x128xi32, #tpu.memory_space<hbm>> -> memref<1x80x128xi32, #tpu.memory_space<hbm>>
      %dma_start3A_115 = tpu.memref_squeeze %dma_start3A_114 : memref<1x80x128xi32, #tpu.memory_space<hbm>> -> memref<80x128xi32, #tpu.memory_space<hbm>>
      %dma_start3A_116 = arith.constant 40 : i32
      %dma_start3A_117 = arith.constant 0 : i32
      %dma_start3A_118 = tpu.memref_slice %dma_start3A_115[%dma_start3A_116, %dma_start3A_117] : memref<80x128xi32, #tpu.memory_space<hbm>> -> memref<40x128xi32, #tpu.memory_space<hbm>>
      tpu.enqueue_dma source(%dma_start3A_118 : memref<40x128xi32, #tpu.memory_space<hbm>>) target(%arg6 : memref<40x128xi32, #tpu.memory_space<vmem>>) target_semaphore(%run_scoped3A : memref<!tpu.dma_semaphore, #tpu.memory_space<semaphore_mem>>)
      %dma_wait3A = arith.constant 0 : i32
      %dma_wait3A_119 = arith.constant 0 : i32
      %dma_wait3A_120 = tpu.memref_slice %arg3[%arg1, %dma_wait3A, %dma_wait3A_119] : memref<16x80x128xi32, #tpu.memory_space<hbm>> -> memref<1x80x128xi32, #tpu.memory_space<hbm>>
      %dma_wait3A_121 = tpu.memref_squeeze %dma_wait3A_120 : memref<1x80x128xi32, #tpu.memory_space<hbm>> -> memref<80x128xi32, #tpu.memory_space<hbm>>
      %dma_wait3A_122 = arith.constant 40 : i32
      %dma_wait3A_123 = arith.constant 0 : i32
      %dma_wait3A_124 = tpu.memref_slice %dma_wait3A_121[%dma_wait3A_122, %dma_wait3A_123] : memref<80x128xi32, #tpu.memory_space<hbm>> -> memref<40x128xi32, #tpu.memory_space<hbm>>
      %dma_wait3A_125 = arith.constant 0 : i32
      %dma_wait3A_126 = arith.constant 0 : i32
      %dma_wait3A_127 = tpu.memref_slice %arg3[%arg1, %dma_wait3A_125, %dma_wait3A_126] : memref<16x80x128xi32, #tpu.memory_space<hbm>> -> memref<1x80x128xi32, #tpu.memory_space<hbm>>
      %dma_wait3A_128 = tpu.memref_squeeze %dma_wait3A_127 : memref<1x80x128xi32, #tpu.memory_space<hbm>> -> memref<80x128xi32, #tpu.memory_space<hbm>>
      %dma_wait3A_129 = arith.constant 40 : i32
      %dma_wait3A_130 = arith.constant 0 : i32
      %dma_wait3A_131 = tpu.memref_slice %dma_wait3A_128[%dma_wait3A_129, %dma_wait3A_130] : memref<80x128xi32, #tpu.memory_space<hbm>> -> memref<40x128xi32, #tpu.memory_space<hbm>>
      tpu.wait_dma2 semaphore(%run_scoped3A : memref<!tpu.dma_semaphore, #tpu.memory_space<semaphore_mem>>) src(%dma_wait3A_131 : memref<40x128xi32, #tpu.memory_space<hbm>>) dst(%arg6 : memref<40x128xi32, #tpu.memory_space<vmem>>)
      tpu.yield
    }) : () -> ()
    "tpu.region"() ({
      %run_scoped3A = tpu.sem_alloc : memref<!tpu.dma_semaphore, #tpu.memory_space<semaphore_mem>>
      %dma_start3A_105 = arith.constant 0 : i32
      %dma_start3A_106 = arith.constant 0 : i32
      %dma_start3A_107 = tpu.memref_slice %arg4[%arg1, %dma_start3A_105, %dma_start3A_106] : memref<16x80x128xi32, #tpu.memory_space<hbm>> -> memref<1x80x128xi32, #tpu.memory_space<hbm>>
      %dma_start3A_108 = tpu.memref_squeeze %dma_start3A_107 : memref<1x80x128xi32, #tpu.memory_space<hbm>> -> memref<80x128xi32, #tpu.memory_space<hbm>>
      %dma_start3A_109 = arith.constant 40 : i32
      %dma_start3A_110 = arith.constant 0 : i32
      %dma_start3A_111 = tpu.memref_slice %dma_start3A_108[%dma_start3A_109, %dma_start3A_110] : memref<80x128xi32, #tpu.memory_space<hbm>> -> memref<40x128xi32, #tpu.memory_space<hbm>>
      %dma_start3A_112 = arith.constant 0 : i32
      %dma_start3A_113 = arith.constant 0 : i32
      %dma_start3A_114 = tpu.memref_slice %arg4[%arg1, %dma_start3A_112, %dma_start3A_113] : memref<16x80x128xi32, #tpu.memory_space<hbm>> -> memref<1x80x128xi32, #tpu.memory_space<hbm>>
      %dma_start3A_115 = tpu.memref_squeeze %dma_start3A_114 : memref<1x80x128xi32, #tpu.memory_space<hbm>> -> memref<80x128xi32, #tpu.memory_space<hbm>>
      %dma_start3A_116 = arith.constant 40 : i32
      %dma_start3A_117 = arith.constant 0 : i32
      %dma_start3A_118 = tpu.memref_slice %dma_start3A_115[%dma_start3A_116, %dma_start3A_117] : memref<80x128xi32, #tpu.memory_space<hbm>> -> memref<40x128xi32, #tpu.memory_space<hbm>>
      tpu.enqueue_dma source(%dma_start3A_118 : memref<40x128xi32, #tpu.memory_space<hbm>>) target(%arg7 : memref<40x128xi32, #tpu.memory_space<vmem>>) target_semaphore(%run_scoped3A : memref<!tpu.dma_semaphore, #tpu.memory_space<semaphore_mem>>)
      %dma_wait3A = arith.constant 0 : i32
      %dma_wait3A_119 = arith.constant 0 : i32
      %dma_wait3A_120 = tpu.memref_slice %arg4[%arg1, %dma_wait3A, %dma_wait3A_119] : memref<16x80x128xi32, #tpu.memory_space<hbm>> -> memref<1x80x128xi32, #tpu.memory_space<hbm>>
      %dma_wait3A_121 = tpu.memref_squeeze %dma_wait3A_120 : memref<1x80x128xi32, #tpu.memory_space<hbm>> -> memref<80x128xi32, #tpu.memory_space<hbm>>
      %dma_wait3A_122 = arith.constant 40 : i32
      %dma_wait3A_123 = arith.constant 0 : i32
      %dma_wait3A_124 = tpu.memref_slice %dma_wait3A_121[%dma_wait3A_122, %dma_wait3A_123] : memref<80x128xi32, #tpu.memory_space<hbm>> -> memref<40x128xi32, #tpu.memory_space<hbm>>
      %dma_wait3A_125 = arith.constant 0 : i32
      %dma_wait3A_126 = arith.constant 0 : i32
      %dma_wait3A_127 = tpu.memref_slice %arg4[%arg1, %dma_wait3A_125, %dma_wait3A_126] : memref<16x80x128xi32, #tpu.memory_space<hbm>> -> memref<1x80x128xi32, #tpu.memory_space<hbm>>
      %dma_wait3A_128 = tpu.memref_squeeze %dma_wait3A_127 : memref<1x80x128xi32, #tpu.memory_space<hbm>> -> memref<80x128xi32, #tpu.memory_space<hbm>>
      %dma_wait3A_129 = arith.constant 40 : i32
      %dma_wait3A_130 = arith.constant 0 : i32
      %dma_wait3A_131 = tpu.memref_slice %dma_wait3A_128[%dma_wait3A_129, %dma_wait3A_130] : memref<80x128xi32, #tpu.memory_space<hbm>> -> memref<40x128xi32, #tpu.memory_space<hbm>>
      tpu.wait_dma2 semaphore(%run_scoped3A : memref<!tpu.dma_semaphore, #tpu.memory_space<semaphore_mem>>) src(%dma_wait3A_131 : memref<40x128xi32, #tpu.memory_space<hbm>>) dst(%arg7 : memref<40x128xi32, #tpu.memory_space<vmem>>)
      tpu.yield
    }) : () -> ()
    %dma_start3A_32 = arith.constant 0 : i32
    %dma_start3A_33 = arith.constant 0 : i32
    %dma_start3A_34 = tpu.memref_slice %arg6[%dma_start3A_32, %dma_start3A_33] : memref<40x128xi32, #tpu.memory_space<vmem>> -> memref<1x128xi32, #tpu.memory_space<vmem>>
    %dma_start3A_35 = tpu.memref_squeeze %dma_start3A_34 : memref<1x128xi32, #tpu.memory_space<vmem>> -> memref<128xi32, #tpu.memory_space<vmem>>
    %dma_start3A_36 = arith.constant 0 : i32
    %dma_start3A_37 = arith.constant 0 : i32
    %dma_start3A_38 = tpu.memref_slice %arg2[%add3A_7, %dma_start3A_36, %dma_start3A_37] : memref<4x10240x128xf32, #tpu.memory_space<hbm>> -> memref<1x10240x128xf32, #tpu.memory_space<hbm>>
    %dma_start3A_39 = tpu.memref_squeeze %dma_start3A_38 : memref<1x10240x128xf32, #tpu.memory_space<hbm>> -> memref<10240x128xf32, #tpu.memory_space<hbm>>
    %dma_start3A_40 = arith.constant 0 : i32
    %dma_start3A_41 = arith.constant 0 : i32
    %dma_start3A_42 = tpu.memref_slice %dma_start3A_39[%dma_start3A_40, %dma_start3A_41] : memref<10240x128xf32, #tpu.memory_space<hbm>> -> memref<10240x128xf32, #tpu.memory_space<hbm>>
    tpu.enqueue_indirect_dma source(%dma_start3A_42 : memref<10240x128xf32, #tpu.memory_space<hbm>>) target(%arg8 : memref<128x128xf32, #tpu.memory_space<vmem>>) offsets(%dma_start3A_35 : memref<128xi32, #tpu.memory_space<vmem>>) semaphore(%arg12 : memref<!tpu.dma_semaphore, #tpu.memory_space<semaphore_mem>>)
    %scan3A_43 = arith.constant 0 : i32
    %scan3A_44 = arith.constant 0 : i32
    %scan3A_45 = arith.constant 20 : i32
    %scan3A_46 = arith.addi %scan3A_44, %scan3A_45 : i32
    %scan3A_47 = arith.constant 1 : i32
    %scan3A_48 = scf.for %scan3A_105 = %scan3A_44 to %scan3A_46 step %scan3A_47 iter_args(%scan3A_106 = %scan3A_43) -> (i32)  : i32 {
      %mul3A_107 = arith.constant 2 : i32
      %mul3A_108 = arith.muli %mul3A_107, %scan3A_105 : i32
      %add3A_109 = arith.constant 1 : i32
      %add3A_110 = arith.addi %mul3A_108, %add3A_109 : i32
      %dma_wait3A = arith.constant 0 : i32
      %dma_wait3A_111 = tpu.memref_slice %arg6[%mul3A_108, %dma_wait3A] : memref<40x128xi32, #tpu.memory_space<vmem>> -> memref<1x128xi32, #tpu.memory_space<vmem>>
      %dma_wait3A_112 = tpu.memref_squeeze %dma_wait3A_111 : memref<1x128xi32, #tpu.memory_space<vmem>> -> memref<128xi32, #tpu.memory_space<vmem>>
      %dma_wait3A_113 = arith.constant 0 : i32
      %dma_wait3A_114 = arith.constant 0 : i32
      %dma_wait3A_115 = tpu.memref_slice %arg2[%add3A_7, %dma_wait3A_113, %dma_wait3A_114] : memref<4x10240x128xf32, #tpu.memory_space<hbm>> -> memref<1x10240x128xf32, #tpu.memory_space<hbm>>
      %dma_wait3A_116 = tpu.memref_squeeze %dma_wait3A_115 : memref<1x10240x128xf32, #tpu.memory_space<hbm>> -> memref<10240x128xf32, #tpu.memory_space<hbm>>
      %dma_wait3A_117 = arith.constant 0 : i32
      %dma_wait3A_118 = arith.constant 0 : i32
      %dma_wait3A_119 = tpu.memref_slice %dma_wait3A_116[%dma_wait3A_117, %dma_wait3A_118] : memref<10240x128xf32, #tpu.memory_space<hbm>> -> memref<10240x128xf32, #tpu.memory_space<hbm>>
      tpu.wait_indirect_dma semaphore(%arg12 : memref<!tpu.dma_semaphore, #tpu.memory_space<semaphore_mem>>) src(%dma_wait3A_119 : memref<10240x128xf32, #tpu.memory_space<hbm>>) dst(%arg8 : memref<128x128xf32, #tpu.memory_space<vmem>>)
      %dma_start3A_120 = arith.constant 0 : i32
      %dma_start3A_121 = tpu.memref_slice %arg6[%add3A_110, %dma_start3A_120] : memref<40x128xi32, #tpu.memory_space<vmem>> -> memref<1x128xi32, #tpu.memory_space<vmem>>
      %dma_start3A_122 = tpu.memref_squeeze %dma_start3A_121 : memref<1x128xi32, #tpu.memory_space<vmem>> -> memref<128xi32, #tpu.memory_space<vmem>>
      %dma_start3A_123 = arith.constant 0 : i32
      %dma_start3A_124 = arith.constant 0 : i32
      %dma_start3A_125 = tpu.memref_slice %arg2[%add3A_7, %dma_start3A_123, %dma_start3A_124] : memref<4x10240x128xf32, #tpu.memory_space<hbm>> -> memref<1x10240x128xf32, #tpu.memory_space<hbm>>
      %dma_start3A_126 = tpu.memref_squeeze %dma_start3A_125 : memref<1x10240x128xf32, #tpu.memory_space<hbm>> -> memref<10240x128xf32, #tpu.memory_space<hbm>>
      %dma_start3A_127 = arith.constant 0 : i32
      %dma_start3A_128 = arith.constant 0 : i32
      %dma_start3A_129 = tpu.memref_slice %dma_start3A_126[%dma_start3A_127, %dma_start3A_128] : memref<10240x128xf32, #tpu.memory_space<hbm>> -> memref<10240x128xf32, #tpu.memory_space<hbm>>
      tpu.enqueue_indirect_dma source(%dma_start3A_129 : memref<10240x128xf32, #tpu.memory_space<hbm>>) target(%arg9 : memref<128x128xf32, #tpu.memory_space<vmem>>) offsets(%dma_start3A_122 : memref<128xi32, #tpu.memory_space<vmem>>) semaphore(%arg13 : memref<!tpu.dma_semaphore, #tpu.memory_space<semaphore_mem>>)
      "tpu.region"() ({
        %run_scoped3A = tpu.sem_alloc : memref<!tpu.dma_semaphore, #tpu.memory_space<semaphore_mem>>
        %dma_start3A_145 = arith.constant 0 : i32
        %dma_start3A_146 = tpu.memref_slice %arg7[%mul3A_108, %dma_start3A_145] : memref<40x128xi32, #tpu.memory_space<vmem>> -> memref<1x128xi32, #tpu.memory_space<vmem>>
        %dma_start3A_147 = tpu.memref_squeeze %dma_start3A_146 : memref<1x128xi32, #tpu.memory_space<vmem>> -> memref<128xi32, #tpu.memory_space<vmem>>
        %dma_start3A_148 = arith.constant 0 : i32
        %dma_start3A_149 = arith.constant 0 : i32
        %dma_start3A_150 = tpu.memref_slice %arg11[%dma_start3A_148, %dma_start3A_149] : memref<10240x128xf32, #tpu.memory_space<vmem_shared>> -> memref<10240x128xf32, #tpu.memory_space<vmem_shared>>
        tpu.enqueue_indirect_dma source(%arg8 : memref<128x128xf32, #tpu.memory_space<vmem>>) target(%dma_start3A_150 : memref<10240x128xf32, #tpu.memory_space<vmem_shared>>) offsets(%dma_start3A_147 : memref<128xi32, #tpu.memory_space<vmem>>) semaphore(%run_scoped3A : memref<!tpu.dma_semaphore, #tpu.memory_space<semaphore_mem>>) {add = true}
        %dma_wait3A_151 = arith.constant 0 : i32
        %dma_wait3A_152 = tpu.memref_slice %arg7[%mul3A_108, %dma_wait3A_151] : memref<40x128xi32, #tpu.memory_space<vmem>> -> memref<1x128xi32, #tpu.memory_space<vmem>>
        %dma_wait3A_153 = tpu.memref_squeeze %dma_wait3A_152 : memref<1x128xi32, #tpu.memory_space<vmem>> -> memref<128xi32, #tpu.memory_space<vmem>>
        %dma_wait3A_154 = arith.constant 0 : i32
        %dma_wait3A_155 = arith.constant 0 : i32
        %dma_wait3A_156 = tpu.memref_slice %arg11[%dma_wait3A_154, %dma_wait3A_155] : memref<10240x128xf32, #tpu.memory_space<vmem_shared>> -> memref<10240x128xf32, #tpu.memory_space<vmem_shared>>
        tpu.wait_indirect_dma semaphore(%run_scoped3A : memref<!tpu.dma_semaphore, #tpu.memory_space<semaphore_mem>>) src(%arg8 : memref<128x128xf32, #tpu.memory_space<vmem>>) dst(%dma_wait3A_156 : memref<10240x128xf32, #tpu.memory_space<vmem_shared>>)
        tpu.yield
      }) : () -> ()
      %dma_wait3A_130 = arith.constant 0 : i32
      %dma_wait3A_131 = tpu.memref_slice %arg6[%add3A_110, %dma_wait3A_130] : memref<40x128xi32, #tpu.memory_space<vmem>> -> memref<1x128xi32, #tpu.memory_space<vmem>>
      %dma_wait3A_132 = tpu.memref_squeeze %dma_wait3A_131 : memref<1x128xi32, #tpu.memory_space<vmem>> -> memref<128xi32, #tpu.memory_space<vmem>>
      %dma_wait3A_133 = arith.constant 0 : i32
      %dma_wait3A_134 = arith.constant 0 : i32
      %dma_wait3A_135 = tpu.memref_slice %arg2[%add3A_7, %dma_wait3A_133, %dma_wait3A_134] : memref<4x10240x128xf32, #tpu.memory_space<hbm>> -> memref<1x10240x128xf32, #tpu.memory_space<hbm>>
      %dma_wait3A_136 = tpu.memref_squeeze %dma_wait3A_135 : memref<1x10240x128xf32, #tpu.memory_space<hbm>> -> memref<10240x128xf32, #tpu.memory_space<hbm>>
      %dma_wait3A_137 = arith.constant 0 : i32
      %dma_wait3A_138 = arith.constant 0 : i32
      %dma_wait3A_139 = tpu.memref_slice %dma_wait3A_136[%dma_wait3A_137, %dma_wait3A_138] : memref<10240x128xf32, #tpu.memory_space<hbm>> -> memref<10240x128xf32, #tpu.memory_space<hbm>>
      tpu.wait_indirect_dma semaphore(%arg13 : memref<!tpu.dma_semaphore, #tpu.memory_space<semaphore_mem>>) src(%dma_wait3A_139 : memref<10240x128xf32, #tpu.memory_space<hbm>>) dst(%arg9 : memref<128x128xf32, #tpu.memory_space<vmem>>)
      %add3A_140 = arith.constant 1 : i32
      %add3A_141 = arith.addi %scan3A_105, %add3A_140 : i32
      %lt3A = arith.constant 20 : i32
      %lt3A_142 = arith.cmpi slt, %add3A_141, %lt3A : i32
      %convert_element_type3A = arith.extui %lt3A_142 : i1 to i32
      %cond3A = arith.constant 0 : i32
      %cond3A_143 = arith.cmpi ne, %convert_element_type3A, %cond3A : i32
      scf.if %cond3A_143 {
        %add3A_145 = arith.constant 1 : i32
        %add3A_146 = arith.addi %add3A_110, %add3A_145 : i32
        %dma_start3A_147 = arith.constant 0 : i32
        %dma_start3A_148 = tpu.memref_slice %arg6[%add3A_146, %dma_start3A_147] : memref<40x128xi32, #tpu.memory_space<vmem>> -> memref<1x128xi32, #tpu.memory_space<vmem>>
        %dma_start3A_149 = tpu.memref_squeeze %dma_start3A_148 : memref<1x128xi32, #tpu.memory_space<vmem>> -> memref<128xi32, #tpu.memory_space<vmem>>
        %dma_start3A_150 = arith.constant 0 : i32
        %dma_start3A_151 = arith.constant 0 : i32
        %dma_start3A_152 = tpu.memref_slice %arg2[%add3A_7, %dma_start3A_150, %dma_start3A_151] : memref<4x10240x128xf32, #tpu.memory_space<hbm>> -> memref<1x10240x128xf32, #tpu.memory_space<hbm>>
        %dma_start3A_153 = tpu.memref_squeeze %dma_start3A_152 : memref<1x10240x128xf32, #tpu.memory_space<hbm>> -> memref<10240x128xf32, #tpu.memory_space<hbm>>
        %dma_start3A_154 = arith.constant 0 : i32
        %dma_start3A_155 = arith.constant 0 : i32
        %dma_start3A_156 = tpu.memref_slice %dma_start3A_153[%dma_start3A_154, %dma_start3A_155] : memref<10240x128xf32, #tpu.memory_space<hbm>> -> memref<10240x128xf32, #tpu.memory_space<hbm>>
        tpu.enqueue_indirect_dma source(%dma_start3A_156 : memref<10240x128xf32, #tpu.memory_space<hbm>>) target(%arg8 : memref<128x128xf32, #tpu.memory_space<vmem>>) offsets(%dma_start3A_149 : memref<128xi32, #tpu.memory_space<vmem>>) semaphore(%arg12 : memref<!tpu.dma_semaphore, #tpu.memory_space<semaphore_mem>>)
      } else {
      }
      "tpu.region"() ({
        %run_scoped3A = tpu.sem_alloc : memref<!tpu.dma_semaphore, #tpu.memory_space<semaphore_mem>>
        %dma_start3A_145 = arith.constant 0 : i32
        %dma_start3A_146 = tpu.memref_slice %arg7[%add3A_110, %dma_start3A_145] : memref<40x128xi32, #tpu.memory_space<vmem>> -> memref<1x128xi32, #tpu.memory_space<vmem>>
        %dma_start3A_147 = tpu.memref_squeeze %dma_start3A_146 : memref<1x128xi32, #tpu.memory_space<vmem>> -> memref<128xi32, #tpu.memory_space<vmem>>
        %dma_start3A_148 = arith.constant 0 : i32
        %dma_start3A_149 = arith.constant 0 : i32
        %dma_start3A_150 = tpu.memref_slice %arg11[%dma_start3A_148, %dma_start3A_149] : memref<10240x128xf32, #tpu.memory_space<vmem_shared>> -> memref<10240x128xf32, #tpu.memory_space<vmem_shared>>
        tpu.enqueue_indirect_dma source(%arg9 : memref<128x128xf32, #tpu.memory_space<vmem>>) target(%dma_start3A_150 : memref<10240x128xf32, #tpu.memory_space<vmem_shared>>) offsets(%dma_start3A_147 : memref<128xi32, #tpu.memory_space<vmem>>) semaphore(%run_scoped3A : memref<!tpu.dma_semaphore, #tpu.memory_space<semaphore_mem>>) {add = true}
        %dma_wait3A_151 = arith.constant 0 : i32
        %dma_wait3A_152 = tpu.memref_slice %arg7[%add3A_110, %dma_wait3A_151] : memref<40x128xi32, #tpu.memory_space<vmem>> -> memref<1x128xi32, #tpu.memory_space<vmem>>
        %dma_wait3A_153 = tpu.memref_squeeze %dma_wait3A_152 : memref<1x128xi32, #tpu.memory_space<vmem>> -> memref<128xi32, #tpu.memory_space<vmem>>
        %dma_wait3A_154 = arith.constant 0 : i32
        %dma_wait3A_155 = arith.constant 0 : i32
        %dma_wait3A_156 = tpu.memref_slice %arg11[%dma_wait3A_154, %dma_wait3A_155] : memref<10240x128xf32, #tpu.memory_space<vmem_shared>> -> memref<10240x128xf32, #tpu.memory_space<vmem_shared>>
        tpu.wait_indirect_dma semaphore(%run_scoped3A : memref<!tpu.dma_semaphore, #tpu.memory_space<semaphore_mem>>) src(%arg9 : memref<128x128xf32, #tpu.memory_space<vmem>>) dst(%dma_wait3A_156 : memref<10240x128xf32, #tpu.memory_space<vmem_shared>>)
        tpu.yield
      }) : () -> ()
      %scan3A_144 = arith.constant 0 : i32
      scf.yield %scan3A_144 : i32
    }
    %scan3A_49 = arith.constant 20 : i32
    %barrier3A_50 = arith.constant 0 : index
    tpu.barrier barrier_id(%barrier3A_50)
    %mul3A_51 = arith.constant 640 : i32
    %mul3A_52 = arith.muli %arg1, %mul3A_51 : i32
    "tpu.region"() ({
      %run_scoped3A = tpu.sem_alloc : memref<!tpu.dma_semaphore, #tpu.memory_space<semaphore_mem>>
      %dma_start3A_105 = arith.constant 0 : i32
      %dma_start3A_106 = arith.constant 0 : i32
      %dma_start3A_107 = tpu.memref_slice %arg5[%add3A_7, %dma_start3A_105, %dma_start3A_106] : memref<4x10240x128xf32, #tpu.memory_space<hbm>> -> memref<1x10240x128xf32, #tpu.memory_space<hbm>>
      %dma_start3A_108 = tpu.memref_squeeze %dma_start3A_107 : memref<1x10240x128xf32, #tpu.memory_space<hbm>> -> memref<10240x128xf32, #tpu.memory_space<hbm>>
      %dma_start3A_109 = arith.constant 0 : i32
      %dma_start3A_110 = tpu.memref_slice %dma_start3A_108[%mul3A_52, %dma_start3A_109] : memref<10240x128xf32, #tpu.memory_space<hbm>> -> memref<640x128xf32, #tpu.memory_space<hbm>>
      %dma_start3A_111 = arith.constant 0 : i32
      %dma_start3A_112 = tpu.memref_slice %arg11[%mul3A_52, %dma_start3A_111] : memref<10240x128xf32, #tpu.memory_space<vmem_shared>> -> memref<640x128xf32, #tpu.memory_space<vmem_shared>>
      tpu.enqueue_dma source(%dma_start3A_112 : memref<640x128xf32, #tpu.memory_space<vmem_shared>>) target(%dma_start3A_110 : memref<640x128xf32, #tpu.memory_space<hbm>>) target_semaphore(%run_scoped3A : memref<!tpu.dma_semaphore, #tpu.memory_space<semaphore_mem>>)
      %dma_wait3A = arith.constant 0 : i32
      %dma_wait3A_113 = arith.constant 0 : i32
      %dma_wait3A_114 = tpu.memref_slice %arg5[%add3A_7, %dma_wait3A, %dma_wait3A_113] : memref<4x10240x128xf32, #tpu.memory_space<hbm>> -> memref<1x10240x128xf32, #tpu.memory_space<hbm>>
      %dma_wait3A_115 = tpu.memref_squeeze %dma_wait3A_114 : memref<1x10240x128xf32, #tpu.memory_space<hbm>> -> memref<10240x128xf32, #tpu.memory_space<hbm>>
      %dma_wait3A_116 = arith.constant 0 : i32
      %dma_wait3A_117 = tpu.memref_slice %dma_wait3A_115[%mul3A_52, %dma_wait3A_116] : memref<10240x128xf32, #tpu.memory_space<hbm>> -> memref<640x128xf32, #tpu.memory_space<hbm>>
      %dma_wait3A_118 = arith.constant 0 : i32
      %dma_wait3A_119 = tpu.memref_slice %arg11[%mul3A_52, %dma_wait3A_118] : memref<10240x128xf32, #tpu.memory_space<vmem_shared>> -> memref<640x128xf32, #tpu.memory_space<vmem_shared>>
      tpu.wait_dma2 semaphore(%run_scoped3A : memref<!tpu.dma_semaphore, #tpu.memory_space<semaphore_mem>>) src(%dma_wait3A_119 : memref<640x128xf32, #tpu.memory_space<vmem_shared>>) dst(%dma_wait3A_117 : memref<640x128xf32, #tpu.memory_space<hbm>>)
      tpu.yield
    }) : () -> ()
    %barrier3A_53 = arith.constant 0 : index
    tpu.barrier barrier_id(%barrier3A_53)
    %mul3A_54 = arith.constant 2 : i32
    %mul3A_55 = arith.muli %arg0, %mul3A_54 : i32
    %add3A_56 = arith.constant 1 : i32
    %add3A_57 = arith.addi %mul3A_55, %add3A_56 : i32
    %scan3A_58 = arith.constant 0 : i32
    %scan3A_59 = arith.constant 0 : i32
    %scan3A_60 = arith.constant 40 : i32
    %scan3A_61 = arith.addi %scan3A_59, %scan3A_60 : i32
    %scan3A_62 = arith.constant 1 : i32
    %scan3A_63 = scf.for %scan3A_105 = %scan3A_59 to %scan3A_61 step %scan3A_62 iter_args(%scan3A_106 = %scan3A_58) -> (i32)  : i32 {
      %mul3A_107 = arith.constant 640 : i32
      %mul3A_108 = arith.muli %arg1, %mul3A_107 : i32
      %mul3A_109 = arith.constant 16 : i32
      %mul3A_110 = arith.muli %scan3A_105, %mul3A_109 : i32
      %add3A_111 = arith.addi %mul3A_108, %mul3A_110 : i32
      "tpu.region"() ({
        %run_scoped3A = tpu.sem_alloc : memref<!tpu.dma_semaphore, #tpu.memory_space<semaphore_mem>>
        %dma_start3A_113 = arith.constant 0 : i32
        %dma_start3A_114 = tpu.memref_slice %arg11[%add3A_111, %dma_start3A_113] : memref<10240x128xf32, #tpu.memory_space<vmem_shared>> -> memref<16x128xf32, #tpu.memory_space<vmem_shared>>
        %dma_start3A_115 = arith.constant 0 : i32
        %dma_start3A_116 = tpu.memref_slice %arg11[%add3A_111, %dma_start3A_115] : memref<10240x128xf32, #tpu.memory_space<vmem_shared>> -> memref<16x128xf32, #tpu.memory_space<vmem_shared>>
        tpu.enqueue_dma source(%arg10 : memref<16x128xf32, #tpu.memory_space<vmem>>) target(%dma_start3A_116 : memref<16x128xf32, #tpu.memory_space<vmem_shared>>) target_semaphore(%run_scoped3A : memref<!tpu.dma_semaphore, #tpu.memory_space<semaphore_mem>>)
        %dma_wait3A = arith.constant 0 : i32
        %dma_wait3A_117 = tpu.memref_slice %arg11[%add3A_111, %dma_wait3A] : memref<10240x128xf32, #tpu.memory_space<vmem_shared>> -> memref<16x128xf32, #tpu.memory_space<vmem_shared>>
        %dma_wait3A_118 = arith.constant 0 : i32
        %dma_wait3A_119 = tpu.memref_slice %arg11[%add3A_111, %dma_wait3A_118] : memref<10240x128xf32, #tpu.memory_space<vmem_shared>> -> memref<16x128xf32, #tpu.memory_space<vmem_shared>>
        tpu.wait_dma2 semaphore(%run_scoped3A : memref<!tpu.dma_semaphore, #tpu.memory_space<semaphore_mem>>) src(%arg10 : memref<16x128xf32, #tpu.memory_space<vmem>>) dst(%dma_wait3A_119 : memref<16x128xf32, #tpu.memory_space<vmem_shared>>)
        tpu.yield
      }) : () -> ()
      %scan3A_112 = arith.constant 0 : i32
      scf.yield %scan3A_112 : i32
    }
    %scan3A_64 = arith.constant 40 : i32
    %barrier3A_65 = arith.constant 0 : index
    tpu.barrier barrier_id(%barrier3A_65)
    "tpu.region"() ({
      %run_scoped3A = tpu.sem_alloc : memref<!tpu.dma_semaphore, #tpu.memory_space<semaphore_mem>>
      %dma_start3A_105 = arith.constant 0 : i32
      %dma_start3A_106 = arith.constant 0 : i32
      %dma_start3A_107 = tpu.memref_slice %arg3[%arg1, %dma_start3A_105, %dma_start3A_106] : memref<16x80x128xi32, #tpu.memory_space<hbm>> -> memref<1x80x128xi32, #tpu.memory_space<hbm>>
      %dma_start3A_108 = tpu.memref_squeeze %dma_start3A_107 : memref<1x80x128xi32, #tpu.memory_space<hbm>> -> memref<80x128xi32, #tpu.memory_space<hbm>>
      %dma_start3A_109 = arith.constant 0 : i32
      %dma_start3A_110 = arith.constant 0 : i32
      %dma_start3A_111 = tpu.memref_slice %dma_start3A_108[%dma_start3A_109, %dma_start3A_110] : memref<80x128xi32, #tpu.memory_space<hbm>> -> memref<40x128xi32, #tpu.memory_space<hbm>>
      %dma_start3A_112 = arith.constant 0 : i32
      %dma_start3A_113 = arith.constant 0 : i32
      %dma_start3A_114 = tpu.memref_slice %arg3[%arg1, %dma_start3A_112, %dma_start3A_113] : memref<16x80x128xi32, #tpu.memory_space<hbm>> -> memref<1x80x128xi32, #tpu.memory_space<hbm>>
      %dma_start3A_115 = tpu.memref_squeeze %dma_start3A_114 : memref<1x80x128xi32, #tpu.memory_space<hbm>> -> memref<80x128xi32, #tpu.memory_space<hbm>>
      %dma_start3A_116 = arith.constant 0 : i32
      %dma_start3A_117 = arith.constant 0 : i32
      %dma_start3A_118 = tpu.memref_slice %dma_start3A_115[%dma_start3A_116, %dma_start3A_117] : memref<80x128xi32, #tpu.memory_space<hbm>> -> memref<40x128xi32, #tpu.memory_space<hbm>>
      tpu.enqueue_dma source(%dma_start3A_118 : memref<40x128xi32, #tpu.memory_space<hbm>>) target(%arg6 : memref<40x128xi32, #tpu.memory_space<vmem>>) target_semaphore(%run_scoped3A : memref<!tpu.dma_semaphore, #tpu.memory_space<semaphore_mem>>)
      %dma_wait3A = arith.constant 0 : i32
      %dma_wait3A_119 = arith.constant 0 : i32
      %dma_wait3A_120 = tpu.memref_slice %arg3[%arg1, %dma_wait3A, %dma_wait3A_119] : memref<16x80x128xi32, #tpu.memory_space<hbm>> -> memref<1x80x128xi32, #tpu.memory_space<hbm>>
      %dma_wait3A_121 = tpu.memref_squeeze %dma_wait3A_120 : memref<1x80x128xi32, #tpu.memory_space<hbm>> -> memref<80x128xi32, #tpu.memory_space<hbm>>
      %dma_wait3A_122 = arith.constant 0 : i32
      %dma_wait3A_123 = arith.constant 0 : i32
      %dma_wait3A_124 = tpu.memref_slice %dma_wait3A_121[%dma_wait3A_122, %dma_wait3A_123] : memref<80x128xi32, #tpu.memory_space<hbm>> -> memref<40x128xi32, #tpu.memory_space<hbm>>
      %dma_wait3A_125 = arith.constant 0 : i32
      %dma_wait3A_126 = arith.constant 0 : i32
      %dma_wait3A_127 = tpu.memref_slice %arg3[%arg1, %dma_wait3A_125, %dma_wait3A_126] : memref<16x80x128xi32, #tpu.memory_space<hbm>> -> memref<1x80x128xi32, #tpu.memory_space<hbm>>
      %dma_wait3A_128 = tpu.memref_squeeze %dma_wait3A_127 : memref<1x80x128xi32, #tpu.memory_space<hbm>> -> memref<80x128xi32, #tpu.memory_space<hbm>>
      %dma_wait3A_129 = arith.constant 0 : i32
      %dma_wait3A_130 = arith.constant 0 : i32
      %dma_wait3A_131 = tpu.memref_slice %dma_wait3A_128[%dma_wait3A_129, %dma_wait3A_130] : memref<80x128xi32, #tpu.memory_space<hbm>> -> memref<40x128xi32, #tpu.memory_space<hbm>>
      tpu.wait_dma2 semaphore(%run_scoped3A : memref<!tpu.dma_semaphore, #tpu.memory_space<semaphore_mem>>) src(%dma_wait3A_131 : memref<40x128xi32, #tpu.memory_space<hbm>>) dst(%arg6 : memref<40x128xi32, #tpu.memory_space<vmem>>)
      tpu.yield
    }) : () -> ()
    "tpu.region"() ({
      %run_scoped3A = tpu.sem_alloc : memref<!tpu.dma_semaphore, #tpu.memory_space<semaphore_mem>>
      %dma_start3A_105 = arith.constant 0 : i32
      %dma_start3A_106 = arith.constant 0 : i32
      %dma_start3A_107 = tpu.memref_slice %arg4[%arg1, %dma_start3A_105, %dma_start3A_106] : memref<16x80x128xi32, #tpu.memory_space<hbm>> -> memref<1x80x128xi32, #tpu.memory_space<hbm>>
      %dma_start3A_108 = tpu.memref_squeeze %dma_start3A_107 : memref<1x80x128xi32, #tpu.memory_space<hbm>> -> memref<80x128xi32, #tpu.memory_space<hbm>>
      %dma_start3A_109 = arith.constant 0 : i32
      %dma_start3A_110 = arith.constant 0 : i32
      %dma_start3A_111 = tpu.memref_slice %dma_start3A_108[%dma_start3A_109, %dma_start3A_110] : memref<80x128xi32, #tpu.memory_space<hbm>> -> memref<40x128xi32, #tpu.memory_space<hbm>>
      %dma_start3A_112 = arith.constant 0 : i32
      %dma_start3A_113 = arith.constant 0 : i32
      %dma_start3A_114 = tpu.memref_slice %arg4[%arg1, %dma_start3A_112, %dma_start3A_113] : memref<16x80x128xi32, #tpu.memory_space<hbm>> -> memref<1x80x128xi32, #tpu.memory_space<hbm>>
      %dma_start3A_115 = tpu.memref_squeeze %dma_start3A_114 : memref<1x80x128xi32, #tpu.memory_space<hbm>> -> memref<80x128xi32, #tpu.memory_space<hbm>>
      %dma_start3A_116 = arith.constant 0 : i32
      %dma_start3A_117 = arith.constant 0 : i32
      %dma_start3A_118 = tpu.memref_slice %dma_start3A_115[%dma_start3A_116, %dma_start3A_117] : memref<80x128xi32, #tpu.memory_space<hbm>> -> memref<40x128xi32, #tpu.memory_space<hbm>>
      tpu.enqueue_dma source(%dma_start3A_118 : memref<40x128xi32, #tpu.memory_space<hbm>>) target(%arg7 : memref<40x128xi32, #tpu.memory_space<vmem>>) target_semaphore(%run_scoped3A : memref<!tpu.dma_semaphore, #tpu.memory_space<semaphore_mem>>)
      %dma_wait3A = arith.constant 0 : i32
      %dma_wait3A_119 = arith.constant 0 : i32
      %dma_wait3A_120 = tpu.memref_slice %arg4[%arg1, %dma_wait3A, %dma_wait3A_119] : memref<16x80x128xi32, #tpu.memory_space<hbm>> -> memref<1x80x128xi32, #tpu.memory_space<hbm>>
      %dma_wait3A_121 = tpu.memref_squeeze %dma_wait3A_120 : memref<1x80x128xi32, #tpu.memory_space<hbm>> -> memref<80x128xi32, #tpu.memory_space<hbm>>
      %dma_wait3A_122 = arith.constant 0 : i32
      %dma_wait3A_123 = arith.constant 0 : i32
      %dma_wait3A_124 = tpu.memref_slice %dma_wait3A_121[%dma_wait3A_122, %dma_wait3A_123] : memref<80x128xi32, #tpu.memory_space<hbm>> -> memref<40x128xi32, #tpu.memory_space<hbm>>
      %dma_wait3A_125 = arith.constant 0 : i32
      %dma_wait3A_126 = arith.constant 0 : i32
      %dma_wait3A_127 = tpu.memref_slice %arg4[%arg1, %dma_wait3A_125, %dma_wait3A_126] : memref<16x80x128xi32, #tpu.memory_space<hbm>> -> memref<1x80x128xi32, #tpu.memory_space<hbm>>
      %dma_wait3A_128 = tpu.memref_squeeze %dma_wait3A_127 : memref<1x80x128xi32, #tpu.memory_space<hbm>> -> memref<80x128xi32, #tpu.memory_space<hbm>>
      %dma_wait3A_129 = arith.constant 0 : i32
      %dma_wait3A_130 = arith.constant 0 : i32
      %dma_wait3A_131 = tpu.memref_slice %dma_wait3A_128[%dma_wait3A_129, %dma_wait3A_130] : memref<80x128xi32, #tpu.memory_space<hbm>> -> memref<40x128xi32, #tpu.memory_space<hbm>>
      tpu.wait_dma2 semaphore(%run_scoped3A : memref<!tpu.dma_semaphore, #tpu.memory_space<semaphore_mem>>) src(%dma_wait3A_131 : memref<40x128xi32, #tpu.memory_space<hbm>>) dst(%arg7 : memref<40x128xi32, #tpu.memory_space<vmem>>)
      tpu.yield
    }) : () -> ()
    %dma_start3A_66 = arith.constant 0 : i32
    %dma_start3A_67 = arith.constant 0 : i32
    %dma_start3A_68 = tpu.memref_slice %arg6[%dma_start3A_66, %dma_start3A_67] : memref<40x128xi32, #tpu.memory_space<vmem>> -> memref<1x128xi32, #tpu.memory_space<vmem>>
    %dma_start3A_69 = tpu.memref_squeeze %dma_start3A_68 : memref<1x128xi32, #tpu.memory_space<vmem>> -> memref<128xi32, #tpu.memory_space<vmem>>
    %dma_start3A_70 = arith.constant 0 : i32
    %dma_start3A_71 = arith.constant 0 : i32
    %dma_start3A_72 = tpu.memref_slice %arg2[%add3A_57, %dma_start3A_70, %dma_start3A_71] : memref<4x10240x128xf32, #tpu.memory_space<hbm>> -> memref<1x10240x128xf32, #tpu.memory_space<hbm>>
    %dma_start3A_73 = tpu.memref_squeeze %dma_start3A_72 : memref<1x10240x128xf32, #tpu.memory_space<hbm>> -> memref<10240x128xf32, #tpu.memory_space<hbm>>
    %dma_start3A_74 = arith.constant 0 : i32
    %dma_start3A_75 = arith.constant 0 : i32
    %dma_start3A_76 = tpu.memref_slice %dma_start3A_73[%dma_start3A_74, %dma_start3A_75] : memref<10240x128xf32, #tpu.memory_space<hbm>> -> memref<10240x128xf32, #tpu.memory_space<hbm>>
    tpu.enqueue_indirect_dma source(%dma_start3A_76 : memref<10240x128xf32, #tpu.memory_space<hbm>>) target(%arg8 : memref<128x128xf32, #tpu.memory_space<vmem>>) offsets(%dma_start3A_69 : memref<128xi32, #tpu.memory_space<vmem>>) semaphore(%arg12 : memref<!tpu.dma_semaphore, #tpu.memory_space<semaphore_mem>>)
    %scan3A_77 = arith.constant 0 : i32
    %scan3A_78 = arith.constant 0 : i32
    %scan3A_79 = arith.constant 20 : i32
    %scan3A_80 = arith.addi %scan3A_78, %scan3A_79 : i32
    %scan3A_81 = arith.constant 1 : i32
    %scan3A_82 = scf.for %scan3A_105 = %scan3A_78 to %scan3A_80 step %scan3A_81 iter_args(%scan3A_106 = %scan3A_77) -> (i32)  : i32 {
      %mul3A_107 = arith.constant 2 : i32
      %mul3A_108 = arith.muli %mul3A_107, %scan3A_105 : i32
      %add3A_109 = arith.constant 1 : i32
      %add3A_110 = arith.addi %mul3A_108, %add3A_109 : i32
      %dma_wait3A = arith.constant 0 : i32
      %dma_wait3A_111 = tpu.memref_slice %arg6[%mul3A_108, %dma_wait3A] : memref<40x128xi32, #tpu.memory_space<vmem>> -> memref<1x128xi32, #tpu.memory_space<vmem>>
      %dma_wait3A_112 = tpu.memref_squeeze %dma_wait3A_111 : memref<1x128xi32, #tpu.memory_space<vmem>> -> memref<128xi32, #tpu.memory_space<vmem>>
      %dma_wait3A_113 = arith.constant 0 : i32
      %dma_wait3A_114 = arith.constant 0 : i32
      %dma_wait3A_115 = tpu.memref_slice %arg2[%add3A_57, %dma_wait3A_113, %dma_wait3A_114] : memref<4x10240x128xf32, #tpu.memory_space<hbm>> -> memref<1x10240x128xf32, #tpu.memory_space<hbm>>
      %dma_wait3A_116 = tpu.memref_squeeze %dma_wait3A_115 : memref<1x10240x128xf32, #tpu.memory_space<hbm>> -> memref<10240x128xf32, #tpu.memory_space<hbm>>
      %dma_wait3A_117 = arith.constant 0 : i32
      %dma_wait3A_118 = arith.constant 0 : i32
      %dma_wait3A_119 = tpu.memref_slice %dma_wait3A_116[%dma_wait3A_117, %dma_wait3A_118] : memref<10240x128xf32, #tpu.memory_space<hbm>> -> memref<10240x128xf32, #tpu.memory_space<hbm>>
      tpu.wait_indirect_dma semaphore(%arg12 : memref<!tpu.dma_semaphore, #tpu.memory_space<semaphore_mem>>) src(%dma_wait3A_119 : memref<10240x128xf32, #tpu.memory_space<hbm>>) dst(%arg8 : memref<128x128xf32, #tpu.memory_space<vmem>>)
      %dma_start3A_120 = arith.constant 0 : i32
      %dma_start3A_121 = tpu.memref_slice %arg6[%add3A_110, %dma_start3A_120] : memref<40x128xi32, #tpu.memory_space<vmem>> -> memref<1x128xi32, #tpu.memory_space<vmem>>
      %dma_start3A_122 = tpu.memref_squeeze %dma_start3A_121 : memref<1x128xi32, #tpu.memory_space<vmem>> -> memref<128xi32, #tpu.memory_space<vmem>>
      %dma_start3A_123 = arith.constant 0 : i32
      %dma_start3A_124 = arith.constant 0 : i32
      %dma_start3A_125 = tpu.memref_slice %arg2[%add3A_57, %dma_start3A_123, %dma_start3A_124] : memref<4x10240x128xf32, #tpu.memory_space<hbm>> -> memref<1x10240x128xf32, #tpu.memory_space<hbm>>
      %dma_start3A_126 = tpu.memref_squeeze %dma_start3A_125 : memref<1x10240x128xf32, #tpu.memory_space<hbm>> -> memref<10240x128xf32, #tpu.memory_space<hbm>>
      %dma_start3A_127 = arith.constant 0 : i32
      %dma_start3A_128 = arith.constant 0 : i32
      %dma_start3A_129 = tpu.memref_slice %dma_start3A_126[%dma_start3A_127, %dma_start3A_128] : memref<10240x128xf32, #tpu.memory_space<hbm>> -> memref<10240x128xf32, #tpu.memory_space<hbm>>
      tpu.enqueue_indirect_dma source(%dma_start3A_129 : memref<10240x128xf32, #tpu.memory_space<hbm>>) target(%arg9 : memref<128x128xf32, #tpu.memory_space<vmem>>) offsets(%dma_start3A_122 : memref<128xi32, #tpu.memory_space<vmem>>) semaphore(%arg13 : memref<!tpu.dma_semaphore, #tpu.memory_space<semaphore_mem>>)
      "tpu.region"() ({
        %run_scoped3A = tpu.sem_alloc : memref<!tpu.dma_semaphore, #tpu.memory_space<semaphore_mem>>
        %dma_start3A_145 = arith.constant 0 : i32
        %dma_start3A_146 = tpu.memref_slice %arg7[%mul3A_108, %dma_start3A_145] : memref<40x128xi32, #tpu.memory_space<vmem>> -> memref<1x128xi32, #tpu.memory_space<vmem>>
        %dma_start3A_147 = tpu.memref_squeeze %dma_start3A_146 : memref<1x128xi32, #tpu.memory_space<vmem>> -> memref<128xi32, #tpu.memory_space<vmem>>
        %dma_start3A_148 = arith.constant 0 : i32
        %dma_start3A_149 = arith.constant 0 : i32
        %dma_start3A_150 = tpu.memref_slice %arg11[%dma_start3A_148, %dma_start3A_149] : memref<10240x128xf32, #tpu.memory_space<vmem_shared>> -> memref<10240x128xf32, #tpu.memory_space<vmem_shared>>
        tpu.enqueue_indirect_dma source(%arg8 : memref<128x128xf32, #tpu.memory_space<vmem>>) target(%dma_start3A_150 : memref<10240x128xf32, #tpu.memory_space<vmem_shared>>) offsets(%dma_start3A_147 : memref<128xi32, #tpu.memory_space<vmem>>) semaphore(%run_scoped3A : memref<!tpu.dma_semaphore, #tpu.memory_space<semaphore_mem>>) {add = true}
        %dma_wait3A_151 = arith.constant 0 : i32
        %dma_wait3A_152 = tpu.memref_slice %arg7[%mul3A_108, %dma_wait3A_151] : memref<40x128xi32, #tpu.memory_space<vmem>> -> memref<1x128xi32, #tpu.memory_space<vmem>>
        %dma_wait3A_153 = tpu.memref_squeeze %dma_wait3A_152 : memref<1x128xi32, #tpu.memory_space<vmem>> -> memref<128xi32, #tpu.memory_space<vmem>>
        %dma_wait3A_154 = arith.constant 0 : i32
        %dma_wait3A_155 = arith.constant 0 : i32
        %dma_wait3A_156 = tpu.memref_slice %arg11[%dma_wait3A_154, %dma_wait3A_155] : memref<10240x128xf32, #tpu.memory_space<vmem_shared>> -> memref<10240x128xf32, #tpu.memory_space<vmem_shared>>
        tpu.wait_indirect_dma semaphore(%run_scoped3A : memref<!tpu.dma_semaphore, #tpu.memory_space<semaphore_mem>>) src(%arg8 : memref<128x128xf32, #tpu.memory_space<vmem>>) dst(%dma_wait3A_156 : memref<10240x128xf32, #tpu.memory_space<vmem_shared>>)
        tpu.yield
      }) : () -> ()
      %dma_wait3A_130 = arith.constant 0 : i32
      %dma_wait3A_131 = tpu.memref_slice %arg6[%add3A_110, %dma_wait3A_130] : memref<40x128xi32, #tpu.memory_space<vmem>> -> memref<1x128xi32, #tpu.memory_space<vmem>>
      %dma_wait3A_132 = tpu.memref_squeeze %dma_wait3A_131 : memref<1x128xi32, #tpu.memory_space<vmem>> -> memref<128xi32, #tpu.memory_space<vmem>>
      %dma_wait3A_133 = arith.constant 0 : i32
      %dma_wait3A_134 = arith.constant 0 : i32
      %dma_wait3A_135 = tpu.memref_slice %arg2[%add3A_57, %dma_wait3A_133, %dma_wait3A_134] : memref<4x10240x128xf32, #tpu.memory_space<hbm>> -> memref<1x10240x128xf32, #tpu.memory_space<hbm>>
      %dma_wait3A_136 = tpu.memref_squeeze %dma_wait3A_135 : memref<1x10240x128xf32, #tpu.memory_space<hbm>> -> memref<10240x128xf32, #tpu.memory_space<hbm>>
      %dma_wait3A_137 = arith.constant 0 : i32
      %dma_wait3A_138 = arith.constant 0 : i32
      %dma_wait3A_139 = tpu.memref_slice %dma_wait3A_136[%dma_wait3A_137, %dma_wait3A_138] : memref<10240x128xf32, #tpu.memory_space<hbm>> -> memref<10240x128xf32, #tpu.memory_space<hbm>>
      tpu.wait_indirect_dma semaphore(%arg13 : memref<!tpu.dma_semaphore, #tpu.memory_space<semaphore_mem>>) src(%dma_wait3A_139 : memref<10240x128xf32, #tpu.memory_space<hbm>>) dst(%arg9 : memref<128x128xf32, #tpu.memory_space<vmem>>)
      %add3A_140 = arith.constant 1 : i32
      %add3A_141 = arith.addi %scan3A_105, %add3A_140 : i32
      %lt3A = arith.constant 20 : i32
      %lt3A_142 = arith.cmpi slt, %add3A_141, %lt3A : i32
      %convert_element_type3A = arith.extui %lt3A_142 : i1 to i32
      %cond3A = arith.constant 0 : i32
      %cond3A_143 = arith.cmpi ne, %convert_element_type3A, %cond3A : i32
      scf.if %cond3A_143 {
        %add3A_145 = arith.constant 1 : i32
        %add3A_146 = arith.addi %add3A_110, %add3A_145 : i32
        %dma_start3A_147 = arith.constant 0 : i32
        %dma_start3A_148 = tpu.memref_slice %arg6[%add3A_146, %dma_start3A_147] : memref<40x128xi32, #tpu.memory_space<vmem>> -> memref<1x128xi32, #tpu.memory_space<vmem>>
        %dma_start3A_149 = tpu.memref_squeeze %dma_start3A_148 : memref<1x128xi32, #tpu.memory_space<vmem>> -> memref<128xi32, #tpu.memory_space<vmem>>
        %dma_start3A_150 = arith.constant 0 : i32
        %dma_start3A_151 = arith.constant 0 : i32
        %dma_start3A_152 = tpu.memref_slice %arg2[%add3A_57, %dma_start3A_150, %dma_start3A_151] : memref<4x10240x128xf32, #tpu.memory_space<hbm>> -> memref<1x10240x128xf32, #tpu.memory_space<hbm>>
        %dma_start3A_153 = tpu.memref_squeeze %dma_start3A_152 : memref<1x10240x128xf32, #tpu.memory_space<hbm>> -> memref<10240x128xf32, #tpu.memory_space<hbm>>
        %dma_start3A_154 = arith.constant 0 : i32
        %dma_start3A_155 = arith.constant 0 : i32
        %dma_start3A_156 = tpu.memref_slice %dma_start3A_153[%dma_start3A_154, %dma_start3A_155] : memref<10240x128xf32, #tpu.memory_space<hbm>> -> memref<10240x128xf32, #tpu.memory_space<hbm>>
        tpu.enqueue_indirect_dma source(%dma_start3A_156 : memref<10240x128xf32, #tpu.memory_space<hbm>>) target(%arg8 : memref<128x128xf32, #tpu.memory_space<vmem>>) offsets(%dma_start3A_149 : memref<128xi32, #tpu.memory_space<vmem>>) semaphore(%arg12 : memref<!tpu.dma_semaphore, #tpu.memory_space<semaphore_mem>>)
      } else {
      }
      "tpu.region"() ({
        %run_scoped3A = tpu.sem_alloc : memref<!tpu.dma_semaphore, #tpu.memory_space<semaphore_mem>>
        %dma_start3A_145 = arith.constant 0 : i32
        %dma_start3A_146 = tpu.memref_slice %arg7[%add3A_110, %dma_start3A_145] : memref<40x128xi32, #tpu.memory_space<vmem>> -> memref<1x128xi32, #tpu.memory_space<vmem>>
        %dma_start3A_147 = tpu.memref_squeeze %dma_start3A_146 : memref<1x128xi32, #tpu.memory_space<vmem>> -> memref<128xi32, #tpu.memory_space<vmem>>
        %dma_start3A_148 = arith.constant 0 : i32
        %dma_start3A_149 = arith.constant 0 : i32
        %dma_start3A_150 = tpu.memref_slice %arg11[%dma_start3A_148, %dma_start3A_149] : memref<10240x128xf32, #tpu.memory_space<vmem_shared>> -> memref<10240x128xf32, #tpu.memory_space<vmem_shared>>
        tpu.enqueue_indirect_dma source(%arg9 : memref<128x128xf32, #tpu.memory_space<vmem>>) target(%dma_start3A_150 : memref<10240x128xf32, #tpu.memory_space<vmem_shared>>) offsets(%dma_start3A_147 : memref<128xi32, #tpu.memory_space<vmem>>) semaphore(%run_scoped3A : memref<!tpu.dma_semaphore, #tpu.memory_space<semaphore_mem>>) {add = true}
        %dma_wait3A_151 = arith.constant 0 : i32
        %dma_wait3A_152 = tpu.memref_slice %arg7[%add3A_110, %dma_wait3A_151] : memref<40x128xi32, #tpu.memory_space<vmem>> -> memref<1x128xi32, #tpu.memory_space<vmem>>
        %dma_wait3A_153 = tpu.memref_squeeze %dma_wait3A_152 : memref<1x128xi32, #tpu.memory_space<vmem>> -> memref<128xi32, #tpu.memory_space<vmem>>
        %dma_wait3A_154 = arith.constant 0 : i32
        %dma_wait3A_155 = arith.constant 0 : i32
        %dma_wait3A_156 = tpu.memref_slice %arg11[%dma_wait3A_154, %dma_wait3A_155] : memref<10240x128xf32, #tpu.memory_space<vmem_shared>> -> memref<10240x128xf32, #tpu.memory_space<vmem_shared>>
        tpu.wait_indirect_dma semaphore(%run_scoped3A : memref<!tpu.dma_semaphore, #tpu.memory_space<semaphore_mem>>) src(%arg9 : memref<128x128xf32, #tpu.memory_space<vmem>>) dst(%dma_wait3A_156 : memref<10240x128xf32, #tpu.memory_space<vmem_shared>>)
        tpu.yield
      }) : () -> ()
      %scan3A_144 = arith.constant 0 : i32
      scf.yield %scan3A_144 : i32
    }
    %scan3A_83 = arith.constant 20 : i32
    "tpu.region"() ({
      %run_scoped3A = tpu.sem_alloc : memref<!tpu.dma_semaphore, #tpu.memory_space<semaphore_mem>>
      %dma_start3A_105 = arith.constant 0 : i32
      %dma_start3A_106 = arith.constant 0 : i32
      %dma_start3A_107 = tpu.memref_slice %arg3[%arg1, %dma_start3A_105, %dma_start3A_106] : memref<16x80x128xi32, #tpu.memory_space<hbm>> -> memref<1x80x128xi32, #tpu.memory_space<hbm>>
      %dma_start3A_108 = tpu.memref_squeeze %dma_start3A_107 : memref<1x80x128xi32, #tpu.memory_space<hbm>> -> memref<80x128xi32, #tpu.memory_space<hbm>>
      %dma_start3A_109 = arith.constant 40 : i32
      %dma_start3A_110 = arith.constant 0 : i32
      %dma_start3A_111 = tpu.memref_slice %dma_start3A_108[%dma_start3A_109, %dma_start3A_110] : memref<80x128xi32, #tpu.memory_space<hbm>> -> memref<40x128xi32, #tpu.memory_space<hbm>>
      %dma_start3A_112 = arith.constant 0 : i32
      %dma_start3A_113 = arith.constant 0 : i32
      %dma_start3A_114 = tpu.memref_slice %arg3[%arg1, %dma_start3A_112, %dma_start3A_113] : memref<16x80x128xi32, #tpu.memory_space<hbm>> -> memref<1x80x128xi32, #tpu.memory_space<hbm>>
      %dma_start3A_115 = tpu.memref_squeeze %dma_start3A_114 : memref<1x80x128xi32, #tpu.memory_space<hbm>> -> memref<80x128xi32, #tpu.memory_space<hbm>>
      %dma_start3A_116 = arith.constant 40 : i32
      %dma_start3A_117 = arith.constant 0 : i32
      %dma_start3A_118 = tpu.memref_slice %dma_start3A_115[%dma_start3A_116, %dma_start3A_117] : memref<80x128xi32, #tpu.memory_space<hbm>> -> memref<40x128xi32, #tpu.memory_space<hbm>>
      tpu.enqueue_dma source(%dma_start3A_118 : memref<40x128xi32, #tpu.memory_space<hbm>>) target(%arg6 : memref<40x128xi32, #tpu.memory_space<vmem>>) target_semaphore(%run_scoped3A : memref<!tpu.dma_semaphore, #tpu.memory_space<semaphore_mem>>)
      %dma_wait3A = arith.constant 0 : i32
      %dma_wait3A_119 = arith.constant 0 : i32
      %dma_wait3A_120 = tpu.memref_slice %arg3[%arg1, %dma_wait3A, %dma_wait3A_119] : memref<16x80x128xi32, #tpu.memory_space<hbm>> -> memref<1x80x128xi32, #tpu.memory_space<hbm>>
      %dma_wait3A_121 = tpu.memref_squeeze %dma_wait3A_120 : memref<1x80x128xi32, #tpu.memory_space<hbm>> -> memref<80x128xi32, #tpu.memory_space<hbm>>
      %dma_wait3A_122 = arith.constant 40 : i32
      %dma_wait3A_123 = arith.constant 0 : i32
      %dma_wait3A_124 = tpu.memref_slice %dma_wait3A_121[%dma_wait3A_122, %dma_wait3A_123] : memref<80x128xi32, #tpu.memory_space<hbm>> -> memref<40x128xi32, #tpu.memory_space<hbm>>
      %dma_wait3A_125 = arith.constant 0 : i32
      %dma_wait3A_126 = arith.constant 0 : i32
      %dma_wait3A_127 = tpu.memref_slice %arg3[%arg1, %dma_wait3A_125, %dma_wait3A_126] : memref<16x80x128xi32, #tpu.memory_space<hbm>> -> memref<1x80x128xi32, #tpu.memory_space<hbm>>
      %dma_wait3A_128 = tpu.memref_squeeze %dma_wait3A_127 : memref<1x80x128xi32, #tpu.memory_space<hbm>> -> memref<80x128xi32, #tpu.memory_space<hbm>>
      %dma_wait3A_129 = arith.constant 40 : i32
      %dma_wait3A_130 = arith.constant 0 : i32
      %dma_wait3A_131 = tpu.memref_slice %dma_wait3A_128[%dma_wait3A_129, %dma_wait3A_130] : memref<80x128xi32, #tpu.memory_space<hbm>> -> memref<40x128xi32, #tpu.memory_space<hbm>>
      tpu.wait_dma2 semaphore(%run_scoped3A : memref<!tpu.dma_semaphore, #tpu.memory_space<semaphore_mem>>) src(%dma_wait3A_131 : memref<40x128xi32, #tpu.memory_space<hbm>>) dst(%arg6 : memref<40x128xi32, #tpu.memory_space<vmem>>)
      tpu.yield
    }) : () -> ()
    "tpu.region"() ({
      %run_scoped3A = tpu.sem_alloc : memref<!tpu.dma_semaphore, #tpu.memory_space<semaphore_mem>>
      %dma_start3A_105 = arith.constant 0 : i32
      %dma_start3A_106 = arith.constant 0 : i32
      %dma_start3A_107 = tpu.memref_slice %arg4[%arg1, %dma_start3A_105, %dma_start3A_106] : memref<16x80x128xi32, #tpu.memory_space<hbm>> -> memref<1x80x128xi32, #tpu.memory_space<hbm>>
      %dma_start3A_108 = tpu.memref_squeeze %dma_start3A_107 : memref<1x80x128xi32, #tpu.memory_space<hbm>> -> memref<80x128xi32, #tpu.memory_space<hbm>>
      %dma_start3A_109 = arith.constant 40 : i32
      %dma_start3A_110 = arith.constant 0 : i32
      %dma_start3A_111 = tpu.memref_slice %dma_start3A_108[%dma_start3A_109, %dma_start3A_110] : memref<80x128xi32, #tpu.memory_space<hbm>> -> memref<40x128xi32, #tpu.memory_space<hbm>>
      %dma_start3A_112 = arith.constant 0 : i32
      %dma_start3A_113 = arith.constant 0 : i32
      %dma_start3A_114 = tpu.memref_slice %arg4[%arg1, %dma_start3A_112, %dma_start3A_113] : memref<16x80x128xi32, #tpu.memory_space<hbm>> -> memref<1x80x128xi32, #tpu.memory_space<hbm>>
      %dma_start3A_115 = tpu.memref_squeeze %dma_start3A_114 : memref<1x80x128xi32, #tpu.memory_space<hbm>> -> memref<80x128xi32, #tpu.memory_space<hbm>>
      %dma_start3A_116 = arith.constant 40 : i32
      %dma_start3A_117 = arith.constant 0 : i32
      %dma_start3A_118 = tpu.memref_slice %dma_start3A_115[%dma_start3A_116, %dma_start3A_117] : memref<80x128xi32, #tpu.memory_space<hbm>> -> memref<40x128xi32, #tpu.memory_space<hbm>>
      tpu.enqueue_dma source(%dma_start3A_118 : memref<40x128xi32, #tpu.memory_space<hbm>>) target(%arg7 : memref<40x128xi32, #tpu.memory_space<vmem>>) target_semaphore(%run_scoped3A : memref<!tpu.dma_semaphore, #tpu.memory_space<semaphore_mem>>)
      %dma_wait3A = arith.constant 0 : i32
      %dma_wait3A_119 = arith.constant 0 : i32
      %dma_wait3A_120 = tpu.memref_slice %arg4[%arg1, %dma_wait3A, %dma_wait3A_119] : memref<16x80x128xi32, #tpu.memory_space<hbm>> -> memref<1x80x128xi32, #tpu.memory_space<hbm>>
      %dma_wait3A_121 = tpu.memref_squeeze %dma_wait3A_120 : memref<1x80x128xi32, #tpu.memory_space<hbm>> -> memref<80x128xi32, #tpu.memory_space<hbm>>
      %dma_wait3A_122 = arith.constant 40 : i32
      %dma_wait3A_123 = arith.constant 0 : i32
      %dma_wait3A_124 = tpu.memref_slice %dma_wait3A_121[%dma_wait3A_122, %dma_wait3A_123] : memref<80x128xi32, #tpu.memory_space<hbm>> -> memref<40x128xi32, #tpu.memory_space<hbm>>
      %dma_wait3A_125 = arith.constant 0 : i32
      %dma_wait3A_126 = arith.constant 0 : i32
      %dma_wait3A_127 = tpu.memref_slice %arg4[%arg1, %dma_wait3A_125, %dma_wait3A_126] : memref<16x80x128xi32, #tpu.memory_space<hbm>> -> memref<1x80x128xi32, #tpu.memory_space<hbm>>
      %dma_wait3A_128 = tpu.memref_squeeze %dma_wait3A_127 : memref<1x80x128xi32, #tpu.memory_space<hbm>> -> memref<80x128xi32, #tpu.memory_space<hbm>>
      %dma_wait3A_129 = arith.constant 40 : i32
      %dma_wait3A_130 = arith.constant 0 : i32
      %dma_wait3A_131 = tpu.memref_slice %dma_wait3A_128[%dma_wait3A_129, %dma_wait3A_130] : memref<80x128xi32, #tpu.memory_space<hbm>> -> memref<40x128xi32, #tpu.memory_space<hbm>>
      tpu.wait_dma2 semaphore(%run_scoped3A : memref<!tpu.dma_semaphore, #tpu.memory_space<semaphore_mem>>) src(%dma_wait3A_131 : memref<40x128xi32, #tpu.memory_space<hbm>>) dst(%arg7 : memref<40x128xi32, #tpu.memory_space<vmem>>)
      tpu.yield
    }) : () -> ()
    %dma_start3A_84 = arith.constant 0 : i32
    %dma_start3A_85 = arith.constant 0 : i32
    %dma_start3A_86 = tpu.memref_slice %arg6[%dma_start3A_84, %dma_start3A_85] : memref<40x128xi32, #tpu.memory_space<vmem>> -> memref<1x128xi32, #tpu.memory_space<vmem>>
    %dma_start3A_87 = tpu.memref_squeeze %dma_start3A_86 : memref<1x128xi32, #tpu.memory_space<vmem>> -> memref<128xi32, #tpu.memory_space<vmem>>
    %dma_start3A_88 = arith.constant 0 : i32
    %dma_start3A_89 = arith.constant 0 : i32
    %dma_start3A_90 = tpu.memref_slice %arg2[%add3A_57, %dma_start3A_88, %dma_start3A_89] : memref<4x10240x128xf32, #tpu.memory_space<hbm>> -> memref<1x10240x128xf32, #tpu.memory_space<hbm>>
    %dma_start3A_91 = tpu.memref_squeeze %dma_start3A_90 : memref<1x10240x128xf32, #tpu.memory_space<hbm>> -> memref<10240x128xf32, #tpu.memory_space<hbm>>
    %dma_start3A_92 = arith.constant 0 : i32
    %dma_start3A_93 = arith.constant 0 : i32
    %dma_start3A_94 = tpu.memref_slice %dma_start3A_91[%dma_start3A_92, %dma_start3A_93] : memref<10240x128xf32, #tpu.memory_space<hbm>> -> memref<10240x128xf32, #tpu.memory_space<hbm>>
    tpu.enqueue_indirect_dma source(%dma_start3A_94 : memref<10240x128xf32, #tpu.memory_space<hbm>>) target(%arg8 : memref<128x128xf32, #tpu.memory_space<vmem>>) offsets(%dma_start3A_87 : memref<128xi32, #tpu.memory_space<vmem>>) semaphore(%arg12 : memref<!tpu.dma_semaphore, #tpu.memory_space<semaphore_mem>>)
    %scan3A_95 = arith.constant 0 : i32
    %scan3A_96 = arith.constant 0 : i32
    %scan3A_97 = arith.constant 20 : i32
    %scan3A_98 = arith.addi %scan3A_96, %scan3A_97 : i32
    %scan3A_99 = arith.constant 1 : i32
    %scan3A_100 = scf.for %scan3A_105 = %scan3A_96 to %scan3A_98 step %scan3A_99 iter_args(%scan3A_106 = %scan3A_95) -> (i32)  : i32 {
      %mul3A_107 = arith.constant 2 : i32
      %mul3A_108 = arith.muli %mul3A_107, %scan3A_105 : i32
      %add3A_109 = arith.constant 1 : i32
      %add3A_110 = arith.addi %mul3A_108, %add3A_109 : i32
      %dma_wait3A = arith.constant 0 : i32
      %dma_wait3A_111 = tpu.memref_slice %arg6[%mul3A_108, %dma_wait3A] : memref<40x128xi32, #tpu.memory_space<vmem>> -> memref<1x128xi32, #tpu.memory_space<vmem>>
      %dma_wait3A_112 = tpu.memref_squeeze %dma_wait3A_111 : memref<1x128xi32, #tpu.memory_space<vmem>> -> memref<128xi32, #tpu.memory_space<vmem>>
      %dma_wait3A_113 = arith.constant 0 : i32
      %dma_wait3A_114 = arith.constant 0 : i32
      %dma_wait3A_115 = tpu.memref_slice %arg2[%add3A_57, %dma_wait3A_113, %dma_wait3A_114] : memref<4x10240x128xf32, #tpu.memory_space<hbm>> -> memref<1x10240x128xf32, #tpu.memory_space<hbm>>
      %dma_wait3A_116 = tpu.memref_squeeze %dma_wait3A_115 : memref<1x10240x128xf32, #tpu.memory_space<hbm>> -> memref<10240x128xf32, #tpu.memory_space<hbm>>
      %dma_wait3A_117 = arith.constant 0 : i32
      %dma_wait3A_118 = arith.constant 0 : i32
      %dma_wait3A_119 = tpu.memref_slice %dma_wait3A_116[%dma_wait3A_117, %dma_wait3A_118] : memref<10240x128xf32, #tpu.memory_space<hbm>> -> memref<10240x128xf32, #tpu.memory_space<hbm>>
      tpu.wait_indirect_dma semaphore(%arg12 : memref<!tpu.dma_semaphore, #tpu.memory_space<semaphore_mem>>) src(%dma_wait3A_119 : memref<10240x128xf32, #tpu.memory_space<hbm>>) dst(%arg8 : memref<128x128xf32, #tpu.memory_space<vmem>>)
      %dma_start3A_120 = arith.constant 0 : i32
      %dma_start3A_121 = tpu.memref_slice %arg6[%add3A_110, %dma_start3A_120] : memref<40x128xi32, #tpu.memory_space<vmem>> -> memref<1x128xi32, #tpu.memory_space<vmem>>
      %dma_start3A_122 = tpu.memref_squeeze %dma_start3A_121 : memref<1x128xi32, #tpu.memory_space<vmem>> -> memref<128xi32, #tpu.memory_space<vmem>>
      %dma_start3A_123 = arith.constant 0 : i32
      %dma_start3A_124 = arith.constant 0 : i32
      %dma_start3A_125 = tpu.memref_slice %arg2[%add3A_57, %dma_start3A_123, %dma_start3A_124] : memref<4x10240x128xf32, #tpu.memory_space<hbm>> -> memref<1x10240x128xf32, #tpu.memory_space<hbm>>
      %dma_start3A_126 = tpu.memref_squeeze %dma_start3A_125 : memref<1x10240x128xf32, #tpu.memory_space<hbm>> -> memref<10240x128xf32, #tpu.memory_space<hbm>>
      %dma_start3A_127 = arith.constant 0 : i32
      %dma_start3A_128 = arith.constant 0 : i32
      %dma_start3A_129 = tpu.memref_slice %dma_start3A_126[%dma_start3A_127, %dma_start3A_128] : memref<10240x128xf32, #tpu.memory_space<hbm>> -> memref<10240x128xf32, #tpu.memory_space<hbm>>
      tpu.enqueue_indirect_dma source(%dma_start3A_129 : memref<10240x128xf32, #tpu.memory_space<hbm>>) target(%arg9 : memref<128x128xf32, #tpu.memory_space<vmem>>) offsets(%dma_start3A_122 : memref<128xi32, #tpu.memory_space<vmem>>) semaphore(%arg13 : memref<!tpu.dma_semaphore, #tpu.memory_space<semaphore_mem>>)
      "tpu.region"() ({
        %run_scoped3A = tpu.sem_alloc : memref<!tpu.dma_semaphore, #tpu.memory_space<semaphore_mem>>
        %dma_start3A_145 = arith.constant 0 : i32
        %dma_start3A_146 = tpu.memref_slice %arg7[%mul3A_108, %dma_start3A_145] : memref<40x128xi32, #tpu.memory_space<vmem>> -> memref<1x128xi32, #tpu.memory_space<vmem>>
        %dma_start3A_147 = tpu.memref_squeeze %dma_start3A_146 : memref<1x128xi32, #tpu.memory_space<vmem>> -> memref<128xi32, #tpu.memory_space<vmem>>
        %dma_start3A_148 = arith.constant 0 : i32
        %dma_start3A_149 = arith.constant 0 : i32
        %dma_start3A_150 = tpu.memref_slice %arg11[%dma_start3A_148, %dma_start3A_149] : memref<10240x128xf32, #tpu.memory_space<vmem_shared>> -> memref<10240x128xf32, #tpu.memory_space<vmem_shared>>
        tpu.enqueue_indirect_dma source(%arg8 : memref<128x128xf32, #tpu.memory_space<vmem>>) target(%dma_start3A_150 : memref<10240x128xf32, #tpu.memory_space<vmem_shared>>) offsets(%dma_start3A_147 : memref<128xi32, #tpu.memory_space<vmem>>) semaphore(%run_scoped3A : memref<!tpu.dma_semaphore, #tpu.memory_space<semaphore_mem>>) {add = true}
        %dma_wait3A_151 = arith.constant 0 : i32
        %dma_wait3A_152 = tpu.memref_slice %arg7[%mul3A_108, %dma_wait3A_151] : memref<40x128xi32, #tpu.memory_space<vmem>> -> memref<1x128xi32, #tpu.memory_space<vmem>>
        %dma_wait3A_153 = tpu.memref_squeeze %dma_wait3A_152 : memref<1x128xi32, #tpu.memory_space<vmem>> -> memref<128xi32, #tpu.memory_space<vmem>>
        %dma_wait3A_154 = arith.constant 0 : i32
        %dma_wait3A_155 = arith.constant 0 : i32
        %dma_wait3A_156 = tpu.memref_slice %arg11[%dma_wait3A_154, %dma_wait3A_155] : memref<10240x128xf32, #tpu.memory_space<vmem_shared>> -> memref<10240x128xf32, #tpu.memory_space<vmem_shared>>
        tpu.wait_indirect_dma semaphore(%run_scoped3A : memref<!tpu.dma_semaphore, #tpu.memory_space<semaphore_mem>>) src(%arg8 : memref<128x128xf32, #tpu.memory_space<vmem>>) dst(%dma_wait3A_156 : memref<10240x128xf32, #tpu.memory_space<vmem_shared>>)
        tpu.yield
      }) : () -> ()
      %dma_wait3A_130 = arith.constant 0 : i32
      %dma_wait3A_131 = tpu.memref_slice %arg6[%add3A_110, %dma_wait3A_130] : memref<40x128xi32, #tpu.memory_space<vmem>> -> memref<1x128xi32, #tpu.memory_space<vmem>>
      %dma_wait3A_132 = tpu.memref_squeeze %dma_wait3A_131 : memref<1x128xi32, #tpu.memory_space<vmem>> -> memref<128xi32, #tpu.memory_space<vmem>>
      %dma_wait3A_133 = arith.constant 0 : i32
      %dma_wait3A_134 = arith.constant 0 : i32
      %dma_wait3A_135 = tpu.memref_slice %arg2[%add3A_57, %dma_wait3A_133, %dma_wait3A_134] : memref<4x10240x128xf32, #tpu.memory_space<hbm>> -> memref<1x10240x128xf32, #tpu.memory_space<hbm>>
      %dma_wait3A_136 = tpu.memref_squeeze %dma_wait3A_135 : memref<1x10240x128xf32, #tpu.memory_space<hbm>> -> memref<10240x128xf32, #tpu.memory_space<hbm>>
      %dma_wait3A_137 = arith.constant 0 : i32
      %dma_wait3A_138 = arith.constant 0 : i32
      %dma_wait3A_139 = tpu.memref_slice %dma_wait3A_136[%dma_wait3A_137, %dma_wait3A_138] : memref<10240x128xf32, #tpu.memory_space<hbm>> -> memref<10240x128xf32, #tpu.memory_space<hbm>>
      tpu.wait_indirect_dma semaphore(%arg13 : memref<!tpu.dma_semaphore, #tpu.memory_space<semaphore_mem>>) src(%dma_wait3A_139 : memref<10240x128xf32, #tpu.memory_space<hbm>>) dst(%arg9 : memref<128x128xf32, #tpu.memory_space<vmem>>)
      %add3A_140 = arith.constant 1 : i32
      %add3A_141 = arith.addi %scan3A_105, %add3A_140 : i32
      %lt3A = arith.constant 20 : i32
      %lt3A_142 = arith.cmpi slt, %add3A_141, %lt3A : i32
      %convert_element_type3A = arith.extui %lt3A_142 : i1 to i32
      %cond3A = arith.constant 0 : i32
      %cond3A_143 = arith.cmpi ne, %convert_element_type3A, %cond3A : i32
      scf.if %cond3A_143 {
        %add3A_145 = arith.constant 1 : i32
        %add3A_146 = arith.addi %add3A_110, %add3A_145 : i32
        %dma_start3A_147 = arith.constant 0 : i32
        %dma_start3A_148 = tpu.memref_slice %arg6[%add3A_146, %dma_start3A_147] : memref<40x128xi32, #tpu.memory_space<vmem>> -> memref<1x128xi32, #tpu.memory_space<vmem>>
        %dma_start3A_149 = tpu.memref_squeeze %dma_start3A_148 : memref<1x128xi32, #tpu.memory_space<vmem>> -> memref<128xi32, #tpu.memory_space<vmem>>
        %dma_start3A_150 = arith.constant 0 : i32
        %dma_start3A_151 = arith.constant 0 : i32
        %dma_start3A_152 = tpu.memref_slice %arg2[%add3A_57, %dma_start3A_150, %dma_start3A_151] : memref<4x10240x128xf32, #tpu.memory_space<hbm>> -> memref<1x10240x128xf32, #tpu.memory_space<hbm>>
        %dma_start3A_153 = tpu.memref_squeeze %dma_start3A_152 : memref<1x10240x128xf32, #tpu.memory_space<hbm>> -> memref<10240x128xf32, #tpu.memory_space<hbm>>
        %dma_start3A_154 = arith.constant 0 : i32
        %dma_start3A_155 = arith.constant 0 : i32
        %dma_start3A_156 = tpu.memref_slice %dma_start3A_153[%dma_start3A_154, %dma_start3A_155] : memref<10240x128xf32, #tpu.memory_space<hbm>> -> memref<10240x128xf32, #tpu.memory_space<hbm>>
        tpu.enqueue_indirect_dma source(%dma_start3A_156 : memref<10240x128xf32, #tpu.memory_space<hbm>>) target(%arg8 : memref<128x128xf32, #tpu.memory_space<vmem>>) offsets(%dma_start3A_149 : memref<128xi32, #tpu.memory_space<vmem>>) semaphore(%arg12 : memref<!tpu.dma_semaphore, #tpu.memory_space<semaphore_mem>>)
      } else {
      }
      "tpu.region"() ({
        %run_scoped3A = tpu.sem_alloc : memref<!tpu.dma_semaphore, #tpu.memory_space<semaphore_mem>>
        %dma_start3A_145 = arith.constant 0 : i32
        %dma_start3A_146 = tpu.memref_slice %arg7[%add3A_110, %dma_start3A_145] : memref<40x128xi32, #tpu.memory_space<vmem>> -> memref<1x128xi32, #tpu.memory_space<vmem>>
        %dma_start3A_147 = tpu.memref_squeeze %dma_start3A_146 : memref<1x128xi32, #tpu.memory_space<vmem>> -> memref<128xi32, #tpu.memory_space<vmem>>
        %dma_start3A_148 = arith.constant 0 : i32
        %dma_start3A_149 = arith.constant 0 : i32
        %dma_start3A_150 = tpu.memref_slice %arg11[%dma_start3A_148, %dma_start3A_149] : memref<10240x128xf32, #tpu.memory_space<vmem_shared>> -> memref<10240x128xf32, #tpu.memory_space<vmem_shared>>
        tpu.enqueue_indirect_dma source(%arg9 : memref<128x128xf32, #tpu.memory_space<vmem>>) target(%dma_start3A_150 : memref<10240x128xf32, #tpu.memory_space<vmem_shared>>) offsets(%dma_start3A_147 : memref<128xi32, #tpu.memory_space<vmem>>) semaphore(%run_scoped3A : memref<!tpu.dma_semaphore, #tpu.memory_space<semaphore_mem>>) {add = true}
        %dma_wait3A_151 = arith.constant 0 : i32
        %dma_wait3A_152 = tpu.memref_slice %arg7[%add3A_110, %dma_wait3A_151] : memref<40x128xi32, #tpu.memory_space<vmem>> -> memref<1x128xi32, #tpu.memory_space<vmem>>
        %dma_wait3A_153 = tpu.memref_squeeze %dma_wait3A_152 : memref<1x128xi32, #tpu.memory_space<vmem>> -> memref<128xi32, #tpu.memory_space<vmem>>
        %dma_wait3A_154 = arith.constant 0 : i32
        %dma_wait3A_155 = arith.constant 0 : i32
        %dma_wait3A_156 = tpu.memref_slice %arg11[%dma_wait3A_154, %dma_wait3A_155] : memref<10240x128xf32, #tpu.memory_space<vmem_shared>> -> memref<10240x128xf32, #tpu.memory_space<vmem_shared>>
        tpu.wait_indirect_dma semaphore(%run_scoped3A : memref<!tpu.dma_semaphore, #tpu.memory_space<semaphore_mem>>) src(%arg9 : memref<128x128xf32, #tpu.memory_space<vmem>>) dst(%dma_wait3A_156 : memref<10240x128xf32, #tpu.memory_space<vmem_shared>>)
        tpu.yield
      }) : () -> ()
      %scan3A_144 = arith.constant 0 : i32
      scf.yield %scan3A_144 : i32
    }
    %scan3A_101 = arith.constant 20 : i32
    %barrier3A_102 = arith.constant 0 : index
    tpu.barrier barrier_id(%barrier3A_102)
    %mul3A_103 = arith.constant 640 : i32
    %mul3A_104 = arith.muli %arg1, %mul3A_103 : i32
    "tpu.region"() ({
      %run_scoped3A = tpu.sem_alloc : memref<!tpu.dma_semaphore, #tpu.memory_space<semaphore_mem>>
      %dma_start3A_105 = arith.constant 0 : i32
      %dma_start3A_106 = arith.constant 0 : i32
      %dma_start3A_107 = tpu.memref_slice %arg5[%add3A_57, %dma_start3A_105, %dma_start3A_106] : memref<4x10240x128xf32, #tpu.memory_space<hbm>> -> memref<1x10240x128xf32, #tpu.memory_space<hbm>>
      %dma_start3A_108 = tpu.memref_squeeze %dma_start3A_107 : memref<1x10240x128xf32, #tpu.memory_space<hbm>> -> memref<10240x128xf32, #tpu.memory_space<hbm>>
      %dma_start3A_109 = arith.constant 0 : i32
      %dma_start3A_110 = tpu.memref_slice %dma_start3A_108[%mul3A_104, %dma_start3A_109] : memref<10240x128xf32, #tpu.memory_space<hbm>> -> memref<640x128xf32, #tpu.memory_space<hbm>>
      %dma_start3A_111 = arith.constant 0 : i32
      %dma_start3A_112 = tpu.memref_slice %arg11[%mul3A_104, %dma_start3A_111] : memref<10240x128xf32, #tpu.memory_space<vmem_shared>> -> memref<640x128xf32, #tpu.memory_space<vmem_shared>>
      tpu.enqueue_dma source(%dma_start3A_112 : memref<640x128xf32, #tpu.memory_space<vmem_shared>>) target(%dma_start3A_110 : memref<640x128xf32, #tpu.memory_space<hbm>>) target_semaphore(%run_scoped3A : memref<!tpu.dma_semaphore, #tpu.memory_space<semaphore_mem>>)
      %dma_wait3A = arith.constant 0 : i32
      %dma_wait3A_113 = arith.constant 0 : i32
      %dma_wait3A_114 = tpu.memref_slice %arg5[%add3A_57, %dma_wait3A, %dma_wait3A_113] : memref<4x10240x128xf32, #tpu.memory_space<hbm>> -> memref<1x10240x128xf32, #tpu.memory_space<hbm>>
      %dma_wait3A_115 = tpu.memref_squeeze %dma_wait3A_114 : memref<1x10240x128xf32, #tpu.memory_space<hbm>> -> memref<10240x128xf32, #tpu.memory_space<hbm>>
      %dma_wait3A_116 = arith.constant 0 : i32
      %dma_wait3A_117 = tpu.memref_slice %dma_wait3A_115[%mul3A_104, %dma_wait3A_116] : memref<10240x128xf32, #tpu.memory_space<hbm>> -> memref<640x128xf32, #tpu.memory_space<hbm>>
      %dma_wait3A_118 = arith.constant 0 : i32
      %dma_wait3A_119 = tpu.memref_slice %arg11[%mul3A_104, %dma_wait3A_118] : memref<10240x128xf32, #tpu.memory_space<vmem_shared>> -> memref<640x128xf32, #tpu.memory_space<vmem_shared>>
      tpu.wait_dma2 semaphore(%run_scoped3A : memref<!tpu.dma_semaphore, #tpu.memory_space<semaphore_mem>>) src(%dma_wait3A_119 : memref<640x128xf32, #tpu.memory_space<vmem_shared>>) dst(%dma_wait3A_117 : memref<640x128xf32, #tpu.memory_space<hbm>>)
      tpu.yield
    }) : () -> ()
    return
  }
}

#map = affine_map<(d0, d1) -> (0, 0, 0)>
module attributes {stable_mosaic.version = 14 : i64} {
  func.func @_sc_edge_agg_body(%arg0: i32, %arg1: i32, %arg2: memref<4x10240x128xf32, #tpu.memory_space<hbm>>, %arg3: memref<16x80x128xi32, #tpu.memory_space<hbm>>, %arg4: memref<16x80x128xi32, #tpu.memory_space<hbm>>, %arg5: memref<4x10240x128xf32, #tpu.memory_space<hbm>>, %arg6: memref<40x128xi32, #tpu.memory_space<vmem>>, %arg7: memref<40x128xi32, #tpu.memory_space<vmem>>, %arg8: memref<128x128xf32, #tpu.memory_space<vmem>>, %arg9: memref<128x128xf32, #tpu.memory_space<vmem>>, %arg10: memref<16x128xf32, #tpu.memory_space<vmem>>, %arg11: memref<10240x128xf32, #tpu.memory_space<vmem_shared>>, %arg12: memref<!tpu.dma_semaphore, #tpu.memory_space<semaphore_mem>>, %arg13: memref<!tpu.dma_semaphore, #tpu.memory_space<semaphore_mem>>) attributes {dimension_semantics = [#tpu.dimension_semantics<core_parallel>, #tpu.dimension_semantics<subcore_parallel>], iteration_bounds = array<i64: 2, 16>, scalar_prefetch = 0 : i64, scratch_operands = 8 : i64, tpu.core_type = #tpu.core_type<sc_vector_subcore>, window_params = [{transform_indices = #map}, {transform_indices = #map}, {transform_indices = #map}, {transform_indices = #map}]} {
    %scan3A = arith.constant 0 : i32
    %scan3A_0 = arith.constant 0 : i32
    %scan3A_1 = arith.constant 16 : i32
    %scan3A_2 = arith.addi %scan3A_0, %scan3A_1 : i32
    %scan3A_3 = arith.constant 1 : i32
    %scan3A_4 = scf.for %scan3A_105 = %scan3A_0 to %scan3A_2 step %scan3A_3 iter_args(%scan3A_106 = %scan3A) -> (i32)  : i32 {
      %scan3A_107 = arith.constant 0 : i32
      %scan3A_108 = arith.constant 0 : i32
      %scan3A_109 = arith.constant 8 : i32
      %scan3A_110 = arith.addi %scan3A_108, %scan3A_109 : i32
      %scan3A_111 = arith.constant 1 : i32
      %scan3A_112 = scf.for %scan3A_114 = %scan3A_108 to %scan3A_110 step %scan3A_111 iter_args(%scan3A_115 = %scan3A_107) -> (i32)  : i32 {
        %broadcast_in_dim3A = arith.constant 0.000000e+00 : f32
        %broadcast_in_dim3A_116 = vector.broadcast %broadcast_in_dim3A : f32 to vector<16xf32>
        %mul3A_117 = arith.constant 16 : i32
        %mul3A_118 = arith.muli %scan3A_114, %mul3A_117 : i32
        %swap3A = arith.index_cast %scan3A_105 : i32 to index
        %swap3A_119 = arith.index_cast %mul3A_118 : i32 to index
        %swap3A_120 = tpu.vector_load %arg10[%swap3A, %swap3A_119] {strides = array<i32>} : memref<16x128xf32, #tpu.memory_space<vmem>>, vector<1x16xf32>,
        %swap3A_121 = vector.shape_cast %swap3A_120 : vector<1x16xf32> to vector<16xf32>
        %swap3A_122 = vector.shape_cast %broadcast_in_dim3A_116 : vector<16xf32> to vector<1x16xf32>
        tpu.vector_store %arg10[%swap3A, %swap3A_119], %swap3A_122 {strides = array<i32>} : memref<16x128xf32, #tpu.memory_space<vmem>>, vector<1x16xf32>,
        %scan3A_123 = arith.constant 0 : i32
        scf.yield %scan3A_123 : i32
      }
      %scan3A_113 = arith.constant 8 : i32
      scf.yield %scan3A_112 : i32
    }
    %scan3A_5 = arith.constant 16 : i32
    %mul3A = arith.constant 2 : i32
    %mul3A_6 = arith.muli %arg0, %mul3A : i32
    %add3A = arith.constant 0 : i32
    %add3A_7 = arith.addi %mul3A_6, %add3A : i32
    %scan3A_8 = arith.constant 0 : i32
    %scan3A_9 = arith.constant 0 : i32
    %scan3A_10 = arith.constant 40 : i32
    %scan3A_11 = arith.addi %scan3A_9, %scan3A_10 : i32
    %scan3A_12 = arith.constant 1 : i32
    %scan3A_13 = scf.for %scan3A_105 = %scan3A_9 to %scan3A_11 step %scan3A_12 iter_args(%scan3A_106 = %scan3A_8) -> (i32)  : i32 {
      %mul3A_107 = arith.constant 640 : i32
      %mul3A_108 = arith.muli %arg1, %mul3A_107 : i32
      %mul3A_109 = arith.constant 16 : i32
      %mul3A_110 = arith.muli %scan3A_105, %mul3A_109 : i32
      %add3A_111 = arith.addi %mul3A_108, %mul3A_110 : i32
      "tpu.region"() ({
        %run_scoped3A = tpu.sem_alloc : memref<!tpu.dma_semaphore, #tpu.memory_space<semaphore_mem>>
        %dma_start3A_113 = arith.constant 0 : i32
        %dma_start3A_114 = tpu.memref_slice %arg11[%add3A_111, %dma_start3A_113] : memref<10240x128xf32, #tpu.memory_space<vmem_shared>> -> memref<16x128xf32, #tpu.memory_space<vmem_shared>>
        %dma_start3A_115 = arith.constant 0 : i32
        %dma_start3A_116 = tpu.memref_slice %arg11[%add3A_111, %dma_start3A_115] : memref<10240x128xf32, #tpu.memory_space<vmem_shared>> -> memref<16x128xf32, #tpu.memory_space<vmem_shared>>
        tpu.enqueue_dma source(%arg10 : memref<16x128xf32, #tpu.memory_space<vmem>>) target(%dma_start3A_116 : memref<16x128xf32, #tpu.memory_space<vmem_shared>>) target_semaphore(%run_scoped3A : memref<!tpu.dma_semaphore, #tpu.memory_space<semaphore_mem>>)
        %dma_wait3A = arith.constant 0 : i32
        %dma_wait3A_117 = tpu.memref_slice %arg11[%add3A_111, %dma_wait3A] : memref<10240x128xf32, #tpu.memory_space<vmem_shared>> -> memref<16x128xf32, #tpu.memory_space<vmem_shared>>
        %dma_wait3A_118 = arith.constant 0 : i32
        %dma_wait3A_119 = tpu.memref_slice %arg11[%add3A_111, %dma_wait3A_118] : memref<10240x128xf32, #tpu.memory_space<vmem_shared>> -> memref<16x128xf32, #tpu.memory_space<vmem_shared>>
        tpu.wait_dma2 semaphore(%run_scoped3A : memref<!tpu.dma_semaphore, #tpu.memory_space<semaphore_mem>>) src(%arg10 : memref<16x128xf32, #tpu.memory_space<vmem>>) dst(%dma_wait3A_119 : memref<16x128xf32, #tpu.memory_space<vmem_shared>>)
        tpu.yield
      }) : () -> ()
      %scan3A_112 = arith.constant 0 : i32
      scf.yield %scan3A_112 : i32
    }
    %scan3A_14 = arith.constant 40 : i32
    %barrier3A = arith.constant 0 : index
    tpu.barrier barrier_id(%barrier3A)
    "tpu.region"() ({
      %run_scoped3A = tpu.sem_alloc : memref<!tpu.dma_semaphore, #tpu.memory_space<semaphore_mem>>
      %dma_start3A_105 = arith.constant 0 : i32
      %dma_start3A_106 = arith.constant 0 : i32
      %dma_start3A_107 = tpu.memref_slice %arg3[%arg1, %dma_start3A_105, %dma_start3A_106] : memref<16x80x128xi32, #tpu.memory_space<hbm>> -> memref<1x80x128xi32, #tpu.memory_space<hbm>>
      %dma_start3A_108 = tpu.memref_squeeze %dma_start3A_107 : memref<1x80x128xi32, #tpu.memory_space<hbm>> -> memref<80x128xi32, #tpu.memory_space<hbm>>
      %dma_start3A_109 = arith.constant 0 : i32
      %dma_start3A_110 = arith.constant 0 : i32
      %dma_start3A_111 = tpu.memref_slice %dma_start3A_108[%dma_start3A_109, %dma_start3A_110] : memref<80x128xi32, #tpu.memory_space<hbm>> -> memref<40x128xi32, #tpu.memory_space<hbm>>
      %dma_start3A_112 = arith.constant 0 : i32
      %dma_start3A_113 = arith.constant 0 : i32
      %dma_start3A_114 = tpu.memref_slice %arg3[%arg1, %dma_start3A_112, %dma_start3A_113] : memref<16x80x128xi32, #tpu.memory_space<hbm>> -> memref<1x80x128xi32, #tpu.memory_space<hbm>>
      %dma_start3A_115 = tpu.memref_squeeze %dma_start3A_114 : memref<1x80x128xi32, #tpu.memory_space<hbm>> -> memref<80x128xi32, #tpu.memory_space<hbm>>
      %dma_start3A_116 = arith.constant 0 : i32
      %dma_start3A_117 = arith.constant 0 : i32
      %dma_start3A_118 = tpu.memref_slice %dma_start3A_115[%dma_start3A_116, %dma_start3A_117] : memref<80x128xi32, #tpu.memory_space<hbm>> -> memref<40x128xi32, #tpu.memory_space<hbm>>
      tpu.enqueue_dma source(%dma_start3A_118 : memref<40x128xi32, #tpu.memory_space<hbm>>) target(%arg6 : memref<40x128xi32, #tpu.memory_space<vmem>>) target_semaphore(%run_scoped3A : memref<!tpu.dma_semaphore, #tpu.memory_space<semaphore_mem>>)
      %dma_wait3A = arith.constant 0 : i32
      %dma_wait3A_119 = arith.constant 0 : i32
      %dma_wait3A_120 = tpu.memref_slice %arg3[%arg1, %dma_wait3A, %dma_wait3A_119] : memref<16x80x128xi32, #tpu.memory_space<hbm>> -> memref<1x80x128xi32, #tpu.memory_space<hbm>>
      %dma_wait3A_121 = tpu.memref_squeeze %dma_wait3A_120 : memref<1x80x128xi32, #tpu.memory_space<hbm>> -> memref<80x128xi32, #tpu.memory_space<hbm>>
      %dma_wait3A_122 = arith.constant 0 : i32
      %dma_wait3A_123 = arith.constant 0 : i32
      %dma_wait3A_124 = tpu.memref_slice %dma_wait3A_121[%dma_wait3A_122, %dma_wait3A_123] : memref<80x128xi32, #tpu.memory_space<hbm>> -> memref<40x128xi32, #tpu.memory_space<hbm>>
      %dma_wait3A_125 = arith.constant 0 : i32
      %dma_wait3A_126 = arith.constant 0 : i32
      %dma_wait3A_127 = tpu.memref_slice %arg3[%arg1, %dma_wait3A_125, %dma_wait3A_126] : memref<16x80x128xi32, #tpu.memory_space<hbm>> -> memref<1x80x128xi32, #tpu.memory_space<hbm>>
      %dma_wait3A_128 = tpu.memref_squeeze %dma_wait3A_127 : memref<1x80x128xi32, #tpu.memory_space<hbm>> -> memref<80x128xi32, #tpu.memory_space<hbm>>
      %dma_wait3A_129 = arith.constant 0 : i32
      %dma_wait3A_130 = arith.constant 0 : i32
      %dma_wait3A_131 = tpu.memref_slice %dma_wait3A_128[%dma_wait3A_129, %dma_wait3A_130] : memref<80x128xi32, #tpu.memory_space<hbm>> -> memref<40x128xi32, #tpu.memory_space<hbm>>
      tpu.wait_dma2 semaphore(%run_scoped3A : memref<!tpu.dma_semaphore, #tpu.memory_space<semaphore_mem>>) src(%dma_wait3A_131 : memref<40x128xi32, #tpu.memory_space<hbm>>) dst(%arg6 : memref<40x128xi32, #tpu.memory_space<vmem>>)
      tpu.yield
    }) : () -> ()
    "tpu.region"() ({
      %run_scoped3A = tpu.sem_alloc : memref<!tpu.dma_semaphore, #tpu.memory_space<semaphore_mem>>
      %dma_start3A_105 = arith.constant 0 : i32
      %dma_start3A_106 = arith.constant 0 : i32
      %dma_start3A_107 = tpu.memref_slice %arg4[%arg1, %dma_start3A_105, %dma_start3A_106] : memref<16x80x128xi32, #tpu.memory_space<hbm>> -> memref<1x80x128xi32, #tpu.memory_space<hbm>>
      %dma_start3A_108 = tpu.memref_squeeze %dma_start3A_107 : memref<1x80x128xi32, #tpu.memory_space<hbm>> -> memref<80x128xi32, #tpu.memory_space<hbm>>
      %dma_start3A_109 = arith.constant 0 : i32
      %dma_start3A_110 = arith.constant 0 : i32
      %dma_start3A_111 = tpu.memref_slice %dma_start3A_108[%dma_start3A_109, %dma_start3A_110] : memref<80x128xi32, #tpu.memory_space<hbm>> -> memref<40x128xi32, #tpu.memory_space<hbm>>
      %dma_start3A_112 = arith.constant 0 : i32
      %dma_start3A_113 = arith.constant 0 : i32
      %dma_start3A_114 = tpu.memref_slice %arg4[%arg1, %dma_start3A_112, %dma_start3A_113] : memref<16x80x128xi32, #tpu.memory_space<hbm>> -> memref<1x80x128xi32, #tpu.memory_space<hbm>>
      %dma_start3A_115 = tpu.memref_squeeze %dma_start3A_114 : memref<1x80x128xi32, #tpu.memory_space<hbm>> -> memref<80x128xi32, #tpu.memory_space<hbm>>
      %dma_start3A_116 = arith.constant 0 : i32
      %dma_start3A_117 = arith.constant 0 : i32
      %dma_start3A_118 = tpu.memref_slice %dma_start3A_115[%dma_start3A_116, %dma_start3A_117] : memref<80x128xi32, #tpu.memory_space<hbm>> -> memref<40x128xi32, #tpu.memory_space<hbm>>
      tpu.enqueue_dma source(%dma_start3A_118 : memref<40x128xi32, #tpu.memory_space<hbm>>) target(%arg7 : memref<40x128xi32, #tpu.memory_space<vmem>>) target_semaphore(%run_scoped3A : memref<!tpu.dma_semaphore, #tpu.memory_space<semaphore_mem>>)
      %dma_wait3A = arith.constant 0 : i32
      %dma_wait3A_119 = arith.constant 0 : i32
      %dma_wait3A_120 = tpu.memref_slice %arg4[%arg1, %dma_wait3A, %dma_wait3A_119] : memref<16x80x128xi32, #tpu.memory_space<hbm>> -> memref<1x80x128xi32, #tpu.memory_space<hbm>>
      %dma_wait3A_121 = tpu.memref_squeeze %dma_wait3A_120 : memref<1x80x128xi32, #tpu.memory_space<hbm>> -> memref<80x128xi32, #tpu.memory_space<hbm>>
      %dma_wait3A_122 = arith.constant 0 : i32
      %dma_wait3A_123 = arith.constant 0 : i32
      %dma_wait3A_124 = tpu.memref_slice %dma_wait3A_121[%dma_wait3A_122, %dma_wait3A_123] : memref<80x128xi32, #tpu.memory_space<hbm>> -> memref<40x128xi32, #tpu.memory_space<hbm>>
      %dma_wait3A_125 = arith.constant 0 : i32
      %dma_wait3A_126 = arith.constant 0 : i32
      %dma_wait3A_127 = tpu.memref_slice %arg4[%arg1, %dma_wait3A_125, %dma_wait3A_126] : memref<16x80x128xi32, #tpu.memory_space<hbm>> -> memref<1x80x128xi32, #tpu.memory_space<hbm>>
      %dma_wait3A_128 = tpu.memref_squeeze %dma_wait3A_127 : memref<1x80x128xi32, #tpu.memory_space<hbm>> -> memref<80x128xi32, #tpu.memory_space<hbm>>
      %dma_wait3A_129 = arith.constant 0 : i32
      %dma_wait3A_130 = arith.constant 0 : i32
      %dma_wait3A_131 = tpu.memref_slice %dma_wait3A_128[%dma_wait3A_129, %dma_wait3A_130] : memref<80x128xi32, #tpu.memory_space<hbm>> -> memref<40x128xi32, #tpu.memory_space<hbm>>
      tpu.wait_dma2 semaphore(%run_scoped3A : memref<!tpu.dma_semaphore, #tpu.memory_space<semaphore_mem>>) src(%dma_wait3A_131 : memref<40x128xi32, #tpu.memory_space<hbm>>) dst(%arg7 : memref<40x128xi32, #tpu.memory_space<vmem>>)
      tpu.yield
    }) : () -> ()
    %dma_start3A = arith.constant 0 : i32
    %dma_start3A_15 = arith.constant 0 : i32
    %dma_start3A_16 = tpu.memref_slice %arg6[%dma_start3A, %dma_start3A_15] : memref<40x128xi32, #tpu.memory_space<vmem>> -> memref<1x128xi32, #tpu.memory_space<vmem>>
    %dma_start3A_17 = tpu.memref_squeeze %dma_start3A_16 : memref<1x128xi32, #tpu.memory_space<vmem>> -> memref<128xi32, #tpu.memory_space<vmem>>
    %dma_start3A_18 = arith.constant 0 : i32
    %dma_start3A_19 = arith.constant 0 : i32
    %dma_start3A_20 = tpu.memref_slice %arg2[%add3A_7, %dma_start3A_18, %dma_start3A_19] : memref<4x10240x128xf32, #tpu.memory_space<hbm>> -> memref<1x10240x128xf32, #tpu.memory_space<hbm>>
    %dma_start3A_21 = tpu.memref_squeeze %dma_start3A_20 : memref<1x10240x128xf32, #tpu.memory_space<hbm>> -> memref<10240x128xf32, #tpu.memory_space<hbm>>
    %dma_start3A_22 = arith.constant 0 : i32
    %dma_start3A_23 = arith.constant 0 : i32
    %dma_start3A_24 = tpu.memref_slice %dma_start3A_21[%dma_start3A_22, %dma_start3A_23] : memref<10240x128xf32, #tpu.memory_space<hbm>> -> memref<10240x128xf32, #tpu.memory_space<hbm>>
    tpu.enqueue_indirect_dma source(%dma_start3A_24 : memref<10240x128xf32, #tpu.memory_space<hbm>>) target(%arg8 : memref<128x128xf32, #tpu.memory_space<vmem>>) offsets(%dma_start3A_17 : memref<128xi32, #tpu.memory_space<vmem>>) semaphore(%arg12 : memref<!tpu.dma_semaphore, #tpu.memory_space<semaphore_mem>>)
    %scan3A_25 = arith.constant 0 : i32
    %scan3A_26 = arith.constant 0 : i32
    %scan3A_27 = arith.constant 20 : i32
    %scan3A_28 = arith.addi %scan3A_26, %scan3A_27 : i32
    %scan3A_29 = arith.constant 1 : i32
    %scan3A_30 = scf.for %scan3A_105 = %scan3A_26 to %scan3A_28 step %scan3A_29 iter_args(%scan3A_106 = %scan3A_25) -> (i32)  : i32 {
      %mul3A_107 = arith.constant 2 : i32
      %mul3A_108 = arith.muli %mul3A_107, %scan3A_105 : i32
      %add3A_109 = arith.constant 1 : i32
      %add3A_110 = arith.addi %mul3A_108, %add3A_109 : i32
      %dma_wait3A = arith.constant 0 : i32
      %dma_wait3A_111 = tpu.memref_slice %arg6[%mul3A_108, %dma_wait3A] : memref<40x128xi32, #tpu.memory_space<vmem>> -> memref<1x128xi32, #tpu.memory_space<vmem>>
      %dma_wait3A_112 = tpu.memref_squeeze %dma_wait3A_111 : memref<1x128xi32, #tpu.memory_space<vmem>> -> memref<128xi32, #tpu.memory_space<vmem>>
      %dma_wait3A_113 = arith.constant 0 : i32
      %dma_wait3A_114 = arith.constant 0 : i32
      %dma_wait3A_115 = tpu.memref_slice %arg2[%add3A_7, %dma_wait3A_113, %dma_wait3A_114] : memref<4x10240x128xf32, #tpu.memory_space<hbm>> -> memref<1x10240x128xf32, #tpu.memory_space<hbm>>
      %dma_wait3A_116 = tpu.memref_squeeze %dma_wait3A_115 : memref<1x10240x128xf32, #tpu.memory_space<hbm>> -> memref<10240x128xf32, #tpu.memory_space<hbm>>
      %dma_wait3A_117 = arith.constant 0 : i32
      %dma_wait3A_118 = arith.constant 0 : i32
      %dma_wait3A_119 = tpu.memref_slice %dma_wait3A_116[%dma_wait3A_117, %dma_wait3A_118] : memref<10240x128xf32, #tpu.memory_space<hbm>> -> memref<10240x128xf32, #tpu.memory_space<hbm>>
      tpu.wait_indirect_dma semaphore(%arg12 : memref<!tpu.dma_semaphore, #tpu.memory_space<semaphore_mem>>) src(%dma_wait3A_119 : memref<10240x128xf32, #tpu.memory_space<hbm>>) dst(%arg8 : memref<128x128xf32, #tpu.memory_space<vmem>>)
      %dma_start3A_120 = arith.constant 0 : i32
      %dma_start3A_121 = tpu.memref_slice %arg6[%add3A_110, %dma_start3A_120] : memref<40x128xi32, #tpu.memory_space<vmem>> -> memref<1x128xi32, #tpu.memory_space<vmem>>
      %dma_start3A_122 = tpu.memref_squeeze %dma_start3A_121 : memref<1x128xi32, #tpu.memory_space<vmem>> -> memref<128xi32, #tpu.memory_space<vmem>>
      %dma_start3A_123 = arith.constant 0 : i32
      %dma_start3A_124 = arith.constant 0 : i32
      %dma_start3A_125 = tpu.memref_slice %arg2[%add3A_7, %dma_start3A_123, %dma_start3A_124] : memref<4x10240x128xf32, #tpu.memory_space<hbm>> -> memref<1x10240x128xf32, #tpu.memory_space<hbm>>
      %dma_start3A_126 = tpu.memref_squeeze %dma_start3A_125 : memref<1x10240x128xf32, #tpu.memory_space<hbm>> -> memref<10240x128xf32, #tpu.memory_space<hbm>>
      %dma_start3A_127 = arith.constant 0 : i32
      %dma_start3A_128 = arith.constant 0 : i32
      %dma_start3A_129 = tpu.memref_slice %dma_start3A_126[%dma_start3A_127, %dma_start3A_128] : memref<10240x128xf32, #tpu.memory_space<hbm>> -> memref<10240x128xf32, #tpu.memory_space<hbm>>
      tpu.enqueue_indirect_dma source(%dma_start3A_129 : memref<10240x128xf32, #tpu.memory_space<hbm>>) target(%arg9 : memref<128x128xf32, #tpu.memory_space<vmem>>) offsets(%dma_start3A_122 : memref<128xi32, #tpu.memory_space<vmem>>) semaphore(%arg13 : memref<!tpu.dma_semaphore, #tpu.memory_space<semaphore_mem>>)
      "tpu.region"() ({
        %run_scoped3A = tpu.sem_alloc : memref<!tpu.dma_semaphore, #tpu.memory_space<semaphore_mem>>
        %dma_start3A_145 = arith.constant 0 : i32
        %dma_start3A_146 = tpu.memref_slice %arg7[%mul3A_108, %dma_start3A_145] : memref<40x128xi32, #tpu.memory_space<vmem>> -> memref<1x128xi32, #tpu.memory_space<vmem>>
        %dma_start3A_147 = tpu.memref_squeeze %dma_start3A_146 : memref<1x128xi32, #tpu.memory_space<vmem>> -> memref<128xi32, #tpu.memory_space<vmem>>
        %dma_start3A_148 = arith.constant 0 : i32
        %dma_start3A_149 = arith.constant 0 : i32
        %dma_start3A_150 = tpu.memref_slice %arg11[%dma_start3A_148, %dma_start3A_149] : memref<10240x128xf32, #tpu.memory_space<vmem_shared>> -> memref<10240x128xf32, #tpu.memory_space<vmem_shared>>
        tpu.enqueue_indirect_dma source(%arg8 : memref<128x128xf32, #tpu.memory_space<vmem>>) target(%dma_start3A_150 : memref<10240x128xf32, #tpu.memory_space<vmem_shared>>) offsets(%dma_start3A_147 : memref<128xi32, #tpu.memory_space<vmem>>) semaphore(%run_scoped3A : memref<!tpu.dma_semaphore, #tpu.memory_space<semaphore_mem>>) {add = true}
        %dma_wait3A_151 = arith.constant 0 : i32
        %dma_wait3A_152 = tpu.memref_slice %arg7[%mul3A_108, %dma_wait3A_151] : memref<40x128xi32, #tpu.memory_space<vmem>> -> memref<1x128xi32, #tpu.memory_space<vmem>>
        %dma_wait3A_153 = tpu.memref_squeeze %dma_wait3A_152 : memref<1x128xi32, #tpu.memory_space<vmem>> -> memref<128xi32, #tpu.memory_space<vmem>>
        %dma_wait3A_154 = arith.constant 0 : i32
        %dma_wait3A_155 = arith.constant 0 : i32
        %dma_wait3A_156 = tpu.memref_slice %arg11[%dma_wait3A_154, %dma_wait3A_155] : memref<10240x128xf32, #tpu.memory_space<vmem_shared>> -> memref<10240x128xf32, #tpu.memory_space<vmem_shared>>
        tpu.wait_indirect_dma semaphore(%run_scoped3A : memref<!tpu.dma_semaphore, #tpu.memory_space<semaphore_mem>>) src(%arg8 : memref<128x128xf32, #tpu.memory_space<vmem>>) dst(%dma_wait3A_156 : memref<10240x128xf32, #tpu.memory_space<vmem_shared>>)
        tpu.yield
      }) : () -> ()
      %dma_wait3A_130 = arith.constant 0 : i32
      %dma_wait3A_131 = tpu.memref_slice %arg6[%add3A_110, %dma_wait3A_130] : memref<40x128xi32, #tpu.memory_space<vmem>> -> memref<1x128xi32, #tpu.memory_space<vmem>>
      %dma_wait3A_132 = tpu.memref_squeeze %dma_wait3A_131 : memref<1x128xi32, #tpu.memory_space<vmem>> -> memref<128xi32, #tpu.memory_space<vmem>>
      %dma_wait3A_133 = arith.constant 0 : i32
      %dma_wait3A_134 = arith.constant 0 : i32
      %dma_wait3A_135 = tpu.memref_slice %arg2[%add3A_7, %dma_wait3A_133, %dma_wait3A_134] : memref<4x10240x128xf32, #tpu.memory_space<hbm>> -> memref<1x10240x128xf32, #tpu.memory_space<hbm>>
      %dma_wait3A_136 = tpu.memref_squeeze %dma_wait3A_135 : memref<1x10240x128xf32, #tpu.memory_space<hbm>> -> memref<10240x128xf32, #tpu.memory_space<hbm>>
      %dma_wait3A_137 = arith.constant 0 : i32
      %dma_wait3A_138 = arith.constant 0 : i32
      %dma_wait3A_139 = tpu.memref_slice %dma_wait3A_136[%dma_wait3A_137, %dma_wait3A_138] : memref<10240x128xf32, #tpu.memory_space<hbm>> -> memref<10240x128xf32, #tpu.memory_space<hbm>>
      tpu.wait_indirect_dma semaphore(%arg13 : memref<!tpu.dma_semaphore, #tpu.memory_space<semaphore_mem>>) src(%dma_wait3A_139 : memref<10240x128xf32, #tpu.memory_space<hbm>>) dst(%arg9 : memref<128x128xf32, #tpu.memory_space<vmem>>)
      %add3A_140 = arith.constant 1 : i32
      %add3A_141 = arith.addi %scan3A_105, %add3A_140 : i32
      %lt3A = arith.constant 20 : i32
      %lt3A_142 = arith.cmpi slt, %add3A_141, %lt3A : i32
      %convert_element_type3A = arith.extui %lt3A_142 : i1 to i32
      %cond3A = arith.constant 0 : i32
      %cond3A_143 = arith.cmpi ne, %convert_element_type3A, %cond3A : i32
      scf.if %cond3A_143 {
        %add3A_145 = arith.constant 1 : i32
        %add3A_146 = arith.addi %add3A_110, %add3A_145 : i32
        %dma_start3A_147 = arith.constant 0 : i32
        %dma_start3A_148 = tpu.memref_slice %arg6[%add3A_146, %dma_start3A_147] : memref<40x128xi32, #tpu.memory_space<vmem>> -> memref<1x128xi32, #tpu.memory_space<vmem>>
        %dma_start3A_149 = tpu.memref_squeeze %dma_start3A_148 : memref<1x128xi32, #tpu.memory_space<vmem>> -> memref<128xi32, #tpu.memory_space<vmem>>
        %dma_start3A_150 = arith.constant 0 : i32
        %dma_start3A_151 = arith.constant 0 : i32
        %dma_start3A_152 = tpu.memref_slice %arg2[%add3A_7, %dma_start3A_150, %dma_start3A_151] : memref<4x10240x128xf32, #tpu.memory_space<hbm>> -> memref<1x10240x128xf32, #tpu.memory_space<hbm>>
        %dma_start3A_153 = tpu.memref_squeeze %dma_start3A_152 : memref<1x10240x128xf32, #tpu.memory_space<hbm>> -> memref<10240x128xf32, #tpu.memory_space<hbm>>
        %dma_start3A_154 = arith.constant 0 : i32
        %dma_start3A_155 = arith.constant 0 : i32
        %dma_start3A_156 = tpu.memref_slice %dma_start3A_153[%dma_start3A_154, %dma_start3A_155] : memref<10240x128xf32, #tpu.memory_space<hbm>> -> memref<10240x128xf32, #tpu.memory_space<hbm>>
        tpu.enqueue_indirect_dma source(%dma_start3A_156 : memref<10240x128xf32, #tpu.memory_space<hbm>>) target(%arg8 : memref<128x128xf32, #tpu.memory_space<vmem>>) offsets(%dma_start3A_149 : memref<128xi32, #tpu.memory_space<vmem>>) semaphore(%arg12 : memref<!tpu.dma_semaphore, #tpu.memory_space<semaphore_mem>>)
      } else {
      }
      "tpu.region"() ({
        %run_scoped3A = tpu.sem_alloc : memref<!tpu.dma_semaphore, #tpu.memory_space<semaphore_mem>>
        %dma_start3A_145 = arith.constant 0 : i32
        %dma_start3A_146 = tpu.memref_slice %arg7[%add3A_110, %dma_start3A_145] : memref<40x128xi32, #tpu.memory_space<vmem>> -> memref<1x128xi32, #tpu.memory_space<vmem>>
        %dma_start3A_147 = tpu.memref_squeeze %dma_start3A_146 : memref<1x128xi32, #tpu.memory_space<vmem>> -> memref<128xi32, #tpu.memory_space<vmem>>
        %dma_start3A_148 = arith.constant 0 : i32
        %dma_start3A_149 = arith.constant 0 : i32
        %dma_start3A_150 = tpu.memref_slice %arg11[%dma_start3A_148, %dma_start3A_149] : memref<10240x128xf32, #tpu.memory_space<vmem_shared>> -> memref<10240x128xf32, #tpu.memory_space<vmem_shared>>
        tpu.enqueue_indirect_dma source(%arg9 : memref<128x128xf32, #tpu.memory_space<vmem>>) target(%dma_start3A_150 : memref<10240x128xf32, #tpu.memory_space<vmem_shared>>) offsets(%dma_start3A_147 : memref<128xi32, #tpu.memory_space<vmem>>) semaphore(%run_scoped3A : memref<!tpu.dma_semaphore, #tpu.memory_space<semaphore_mem>>) {add = true}
        %dma_wait3A_151 = arith.constant 0 : i32
        %dma_wait3A_152 = tpu.memref_slice %arg7[%add3A_110, %dma_wait3A_151] : memref<40x128xi32, #tpu.memory_space<vmem>> -> memref<1x128xi32, #tpu.memory_space<vmem>>
        %dma_wait3A_153 = tpu.memref_squeeze %dma_wait3A_152 : memref<1x128xi32, #tpu.memory_space<vmem>> -> memref<128xi32, #tpu.memory_space<vmem>>
        %dma_wait3A_154 = arith.constant 0 : i32
        %dma_wait3A_155 = arith.constant 0 : i32
        %dma_wait3A_156 = tpu.memref_slice %arg11[%dma_wait3A_154, %dma_wait3A_155] : memref<10240x128xf32, #tpu.memory_space<vmem_shared>> -> memref<10240x128xf32, #tpu.memory_space<vmem_shared>>
        tpu.wait_indirect_dma semaphore(%run_scoped3A : memref<!tpu.dma_semaphore, #tpu.memory_space<semaphore_mem>>) src(%arg9 : memref<128x128xf32, #tpu.memory_space<vmem>>) dst(%dma_wait3A_156 : memref<10240x128xf32, #tpu.memory_space<vmem_shared>>)
        tpu.yield
      }) : () -> ()
      %scan3A_144 = arith.constant 0 : i32
      scf.yield %scan3A_144 : i32
    }
    %scan3A_31 = arith.constant 20 : i32
    "tpu.region"() ({
      %run_scoped3A = tpu.sem_alloc : memref<!tpu.dma_semaphore, #tpu.memory_space<semaphore_mem>>
      %dma_start3A_105 = arith.constant 0 : i32
      %dma_start3A_106 = arith.constant 0 : i32
      %dma_start3A_107 = tpu.memref_slice %arg3[%arg1, %dma_start3A_105, %dma_start3A_106] : memref<16x80x128xi32, #tpu.memory_space<hbm>> -> memref<1x80x128xi32, #tpu.memory_space<hbm>>
      %dma_start3A_108 = tpu.memref_squeeze %dma_start3A_107 : memref<1x80x128xi32, #tpu.memory_space<hbm>> -> memref<80x128xi32, #tpu.memory_space<hbm>>
      %dma_start3A_109 = arith.constant 40 : i32
      %dma_start3A_110 = arith.constant 0 : i32
      %dma_start3A_111 = tpu.memref_slice %dma_start3A_108[%dma_start3A_109, %dma_start3A_110] : memref<80x128xi32, #tpu.memory_space<hbm>> -> memref<40x128xi32, #tpu.memory_space<hbm>>
      %dma_start3A_112 = arith.constant 0 : i32
      %dma_start3A_113 = arith.constant 0 : i32
      %dma_start3A_114 = tpu.memref_slice %arg3[%arg1, %dma_start3A_112, %dma_start3A_113] : memref<16x80x128xi32, #tpu.memory_space<hbm>> -> memref<1x80x128xi32, #tpu.memory_space<hbm>>
      %dma_start3A_115 = tpu.memref_squeeze %dma_start3A_114 : memref<1x80x128xi32, #tpu.memory_space<hbm>> -> memref<80x128xi32, #tpu.memory_space<hbm>>
      %dma_start3A_116 = arith.constant 40 : i32
      %dma_start3A_117 = arith.constant 0 : i32
      %dma_start3A_118 = tpu.memref_slice %dma_start3A_115[%dma_start3A_116, %dma_start3A_117] : memref<80x128xi32, #tpu.memory_space<hbm>> -> memref<40x128xi32, #tpu.memory_space<hbm>>
      tpu.enqueue_dma source(%dma_start3A_118 : memref<40x128xi32, #tpu.memory_space<hbm>>) target(%arg6 : memref<40x128xi32, #tpu.memory_space<vmem>>) target_semaphore(%run_scoped3A : memref<!tpu.dma_semaphore, #tpu.memory_space<semaphore_mem>>)
      %dma_wait3A = arith.constant 0 : i32
      %dma_wait3A_119 = arith.constant 0 : i32
      %dma_wait3A_120 = tpu.memref_slice %arg3[%arg1, %dma_wait3A, %dma_wait3A_119] : memref<16x80x128xi32, #tpu.memory_space<hbm>> -> memref<1x80x128xi32, #tpu.memory_space<hbm>>
      %dma_wait3A_121 = tpu.memref_squeeze %dma_wait3A_120 : memref<1x80x128xi32, #tpu.memory_space<hbm>> -> memref<80x128xi32, #tpu.memory_space<hbm>>
      %dma_wait3A_122 = arith.constant 40 : i32
      %dma_wait3A_123 = arith.constant 0 : i32
      %dma_wait3A_124 = tpu.memref_slice %dma_wait3A_121[%dma_wait3A_122, %dma_wait3A_123] : memref<80x128xi32, #tpu.memory_space<hbm>> -> memref<40x128xi32, #tpu.memory_space<hbm>>
      %dma_wait3A_125 = arith.constant 0 : i32
      %dma_wait3A_126 = arith.constant 0 : i32
      %dma_wait3A_127 = tpu.memref_slice %arg3[%arg1, %dma_wait3A_125, %dma_wait3A_126] : memref<16x80x128xi32, #tpu.memory_space<hbm>> -> memref<1x80x128xi32, #tpu.memory_space<hbm>>
      %dma_wait3A_128 = tpu.memref_squeeze %dma_wait3A_127 : memref<1x80x128xi32, #tpu.memory_space<hbm>> -> memref<80x128xi32, #tpu.memory_space<hbm>>
      %dma_wait3A_129 = arith.constant 40 : i32
      %dma_wait3A_130 = arith.constant 0 : i32
      %dma_wait3A_131 = tpu.memref_slice %dma_wait3A_128[%dma_wait3A_129, %dma_wait3A_130] : memref<80x128xi32, #tpu.memory_space<hbm>> -> memref<40x128xi32, #tpu.memory_space<hbm>>
      tpu.wait_dma2 semaphore(%run_scoped3A : memref<!tpu.dma_semaphore, #tpu.memory_space<semaphore_mem>>) src(%dma_wait3A_131 : memref<40x128xi32, #tpu.memory_space<hbm>>) dst(%arg6 : memref<40x128xi32, #tpu.memory_space<vmem>>)
      tpu.yield
    }) : () -> ()
    "tpu.region"() ({
      %run_scoped3A = tpu.sem_alloc : memref<!tpu.dma_semaphore, #tpu.memory_space<semaphore_mem>>
      %dma_start3A_105 = arith.constant 0 : i32
      %dma_start3A_106 = arith.constant 0 : i32
      %dma_start3A_107 = tpu.memref_slice %arg4[%arg1, %dma_start3A_105, %dma_start3A_106] : memref<16x80x128xi32, #tpu.memory_space<hbm>> -> memref<1x80x128xi32, #tpu.memory_space<hbm>>
      %dma_start3A_108 = tpu.memref_squeeze %dma_start3A_107 : memref<1x80x128xi32, #tpu.memory_space<hbm>> -> memref<80x128xi32, #tpu.memory_space<hbm>>
      %dma_start3A_109 = arith.constant 40 : i32
      %dma_start3A_110 = arith.constant 0 : i32
      %dma_start3A_111 = tpu.memref_slice %dma_start3A_108[%dma_start3A_109, %dma_start3A_110] : memref<80x128xi32, #tpu.memory_space<hbm>> -> memref<40x128xi32, #tpu.memory_space<hbm>>
      %dma_start3A_112 = arith.constant 0 : i32
      %dma_start3A_113 = arith.constant 0 : i32
      %dma_start3A_114 = tpu.memref_slice %arg4[%arg1, %dma_start3A_112, %dma_start3A_113] : memref<16x80x128xi32, #tpu.memory_space<hbm>> -> memref<1x80x128xi32, #tpu.memory_space<hbm>>
      %dma_start3A_115 = tpu.memref_squeeze %dma_start3A_114 : memref<1x80x128xi32, #tpu.memory_space<hbm>> -> memref<80x128xi32, #tpu.memory_space<hbm>>
      %dma_start3A_116 = arith.constant 40 : i32
      %dma_start3A_117 = arith.constant 0 : i32
      %dma_start3A_118 = tpu.memref_slice %dma_start3A_115[%dma_start3A_116, %dma_start3A_117] : memref<80x128xi32, #tpu.memory_space<hbm>> -> memref<40x128xi32, #tpu.memory_space<hbm>>
      tpu.enqueue_dma source(%dma_start3A_118 : memref<40x128xi32, #tpu.memory_space<hbm>>) target(%arg7 : memref<40x128xi32, #tpu.memory_space<vmem>>) target_semaphore(%run_scoped3A : memref<!tpu.dma_semaphore, #tpu.memory_space<semaphore_mem>>)
      %dma_wait3A = arith.constant 0 : i32
      %dma_wait3A_119 = arith.constant 0 : i32
      %dma_wait3A_120 = tpu.memref_slice %arg4[%arg1, %dma_wait3A, %dma_wait3A_119] : memref<16x80x128xi32, #tpu.memory_space<hbm>> -> memref<1x80x128xi32, #tpu.memory_space<hbm>>
      %dma_wait3A_121 = tpu.memref_squeeze %dma_wait3A_120 : memref<1x80x128xi32, #tpu.memory_space<hbm>> -> memref<80x128xi32, #tpu.memory_space<hbm>>
      %dma_wait3A_122 = arith.constant 40 : i32
      %dma_wait3A_123 = arith.constant 0 : i32
      %dma_wait3A_124 = tpu.memref_slice %dma_wait3A_121[%dma_wait3A_122, %dma_wait3A_123] : memref<80x128xi32, #tpu.memory_space<hbm>> -> memref<40x128xi32, #tpu.memory_space<hbm>>
      %dma_wait3A_125 = arith.constant 0 : i32
      %dma_wait3A_126 = arith.constant 0 : i32
      %dma_wait3A_127 = tpu.memref_slice %arg4[%arg1, %dma_wait3A_125, %dma_wait3A_126] : memref<16x80x128xi32, #tpu.memory_space<hbm>> -> memref<1x80x128xi32, #tpu.memory_space<hbm>>
      %dma_wait3A_128 = tpu.memref_squeeze %dma_wait3A_127 : memref<1x80x128xi32, #tpu.memory_space<hbm>> -> memref<80x128xi32, #tpu.memory_space<hbm>>
      %dma_wait3A_129 = arith.constant 40 : i32
      %dma_wait3A_130 = arith.constant 0 : i32
      %dma_wait3A_131 = tpu.memref_slice %dma_wait3A_128[%dma_wait3A_129, %dma_wait3A_130] : memref<80x128xi32, #tpu.memory_space<hbm>> -> memref<40x128xi32, #tpu.memory_space<hbm>>
      tpu.wait_dma2 semaphore(%run_scoped3A : memref<!tpu.dma_semaphore, #tpu.memory_space<semaphore_mem>>) src(%dma_wait3A_131 : memref<40x128xi32, #tpu.memory_space<hbm>>) dst(%arg7 : memref<40x128xi32, #tpu.memory_space<vmem>>)
      tpu.yield
    }) : () -> ()
    %dma_start3A_32 = arith.constant 0 : i32
    %dma_start3A_33 = arith.constant 0 : i32
    %dma_start3A_34 = tpu.memref_slice %arg6[%dma_start3A_32, %dma_start3A_33] : memref<40x128xi32, #tpu.memory_space<vmem>> -> memref<1x128xi32, #tpu.memory_space<vmem>>
    %dma_start3A_35 = tpu.memref_squeeze %dma_start3A_34 : memref<1x128xi32, #tpu.memory_space<vmem>> -> memref<128xi32, #tpu.memory_space<vmem>>
    %dma_start3A_36 = arith.constant 0 : i32
    %dma_start3A_37 = arith.constant 0 : i32
    %dma_start3A_38 = tpu.memref_slice %arg2[%add3A_7, %dma_start3A_36, %dma_start3A_37] : memref<4x10240x128xf32, #tpu.memory_space<hbm>> -> memref<1x10240x128xf32, #tpu.memory_space<hbm>>
    %dma_start3A_39 = tpu.memref_squeeze %dma_start3A_38 : memref<1x10240x128xf32, #tpu.memory_space<hbm>> -> memref<10240x128xf32, #tpu.memory_space<hbm>>
    %dma_start3A_40 = arith.constant 0 : i32
    %dma_start3A_41 = arith.constant 0 : i32
    %dma_start3A_42 = tpu.memref_slice %dma_start3A_39[%dma_start3A_40, %dma_start3A_41] : memref<10240x128xf32, #tpu.memory_space<hbm>> -> memref<10240x128xf32, #tpu.memory_space<hbm>>
    tpu.enqueue_indirect_dma source(%dma_start3A_42 : memref<10240x128xf32, #tpu.memory_space<hbm>>) target(%arg8 : memref<128x128xf32, #tpu.memory_space<vmem>>) offsets(%dma_start3A_35 : memref<128xi32, #tpu.memory_space<vmem>>) semaphore(%arg12 : memref<!tpu.dma_semaphore, #tpu.memory_space<semaphore_mem>>)
    %scan3A_43 = arith.constant 0 : i32
    %scan3A_44 = arith.constant 0 : i32
    %scan3A_45 = arith.constant 20 : i32
    %scan3A_46 = arith.addi %scan3A_44, %scan3A_45 : i32
    %scan3A_47 = arith.constant 1 : i32
    %scan3A_48 = scf.for %scan3A_105 = %scan3A_44 to %scan3A_46 step %scan3A_47 iter_args(%scan3A_106 = %scan3A_43) -> (i32)  : i32 {
      %mul3A_107 = arith.constant 2 : i32
      %mul3A_108 = arith.muli %mul3A_107, %scan3A_105 : i32
      %add3A_109 = arith.constant 1 : i32
      %add3A_110 = arith.addi %mul3A_108, %add3A_109 : i32
      %dma_wait3A = arith.constant 0 : i32
      %dma_wait3A_111 = tpu.memref_slice %arg6[%mul3A_108, %dma_wait3A] : memref<40x128xi32, #tpu.memory_space<vmem>> -> memref<1x128xi32, #tpu.memory_space<vmem>>
      %dma_wait3A_112 = tpu.memref_squeeze %dma_wait3A_111 : memref<1x128xi32, #tpu.memory_space<vmem>> -> memref<128xi32, #tpu.memory_space<vmem>>
      %dma_wait3A_113 = arith.constant 0 : i32
      %dma_wait3A_114 = arith.constant 0 : i32
      %dma_wait3A_115 = tpu.memref_slice %arg2[%add3A_7, %dma_wait3A_113, %dma_wait3A_114] : memref<4x10240x128xf32, #tpu.memory_space<hbm>> -> memref<1x10240x128xf32, #tpu.memory_space<hbm>>
      %dma_wait3A_116 = tpu.memref_squeeze %dma_wait3A_115 : memref<1x10240x128xf32, #tpu.memory_space<hbm>> -> memref<10240x128xf32, #tpu.memory_space<hbm>>
      %dma_wait3A_117 = arith.constant 0 : i32
      %dma_wait3A_118 = arith.constant 0 : i32
      %dma_wait3A_119 = tpu.memref_slice %dma_wait3A_116[%dma_wait3A_117, %dma_wait3A_118] : memref<10240x128xf32, #tpu.memory_space<hbm>> -> memref<10240x128xf32, #tpu.memory_space<hbm>>
      tpu.wait_indirect_dma semaphore(%arg12 : memref<!tpu.dma_semaphore, #tpu.memory_space<semaphore_mem>>) src(%dma_wait3A_119 : memref<10240x128xf32, #tpu.memory_space<hbm>>) dst(%arg8 : memref<128x128xf32, #tpu.memory_space<vmem>>)
      %dma_start3A_120 = arith.constant 0 : i32
      %dma_start3A_121 = tpu.memref_slice %arg6[%add3A_110, %dma_start3A_120] : memref<40x128xi32, #tpu.memory_space<vmem>> -> memref<1x128xi32, #tpu.memory_space<vmem>>
      %dma_start3A_122 = tpu.memref_squeeze %dma_start3A_121 : memref<1x128xi32, #tpu.memory_space<vmem>> -> memref<128xi32, #tpu.memory_space<vmem>>
      %dma_start3A_123 = arith.constant 0 : i32
      %dma_start3A_124 = arith.constant 0 : i32
      %dma_start3A_125 = tpu.memref_slice %arg2[%add3A_7, %dma_start3A_123, %dma_start3A_124] : memref<4x10240x128xf32, #tpu.memory_space<hbm>> -> memref<1x10240x128xf32, #tpu.memory_space<hbm>>
      %dma_start3A_126 = tpu.memref_squeeze %dma_start3A_125 : memref<1x10240x128xf32, #tpu.memory_space<hbm>> -> memref<10240x128xf32, #tpu.memory_space<hbm>>
      %dma_start3A_127 = arith.constant 0 : i32
      %dma_start3A_128 = arith.constant 0 : i32
      %dma_start3A_129 = tpu.memref_slice %dma_start3A_126[%dma_start3A_127, %dma_start3A_128] : memref<10240x128xf32, #tpu.memory_space<hbm>> -> memref<10240x128xf32, #tpu.memory_space<hbm>>
      tpu.enqueue_indirect_dma source(%dma_start3A_129 : memref<10240x128xf32, #tpu.memory_space<hbm>>) target(%arg9 : memref<128x128xf32, #tpu.memory_space<vmem>>) offsets(%dma_start3A_122 : memref<128xi32, #tpu.memory_space<vmem>>) semaphore(%arg13 : memref<!tpu.dma_semaphore, #tpu.memory_space<semaphore_mem>>)
      "tpu.region"() ({
        %run_scoped3A = tpu.sem_alloc : memref<!tpu.dma_semaphore, #tpu.memory_space<semaphore_mem>>
        %dma_start3A_145 = arith.constant 0 : i32
        %dma_start3A_146 = tpu.memref_slice %arg7[%mul3A_108, %dma_start3A_145] : memref<40x128xi32, #tpu.memory_space<vmem>> -> memref<1x128xi32, #tpu.memory_space<vmem>>
        %dma_start3A_147 = tpu.memref_squeeze %dma_start3A_146 : memref<1x128xi32, #tpu.memory_space<vmem>> -> memref<128xi32, #tpu.memory_space<vmem>>
        %dma_start3A_148 = arith.constant 0 : i32
        %dma_start3A_149 = arith.constant 0 : i32
        %dma_start3A_150 = tpu.memref_slice %arg11[%dma_start3A_148, %dma_start3A_149] : memref<10240x128xf32, #tpu.memory_space<vmem_shared>> -> memref<10240x128xf32, #tpu.memory_space<vmem_shared>>
        tpu.enqueue_indirect_dma source(%arg8 : memref<128x128xf32, #tpu.memory_space<vmem>>) target(%dma_start3A_150 : memref<10240x128xf32, #tpu.memory_space<vmem_shared>>) offsets(%dma_start3A_147 : memref<128xi32, #tpu.memory_space<vmem>>) semaphore(%run_scoped3A : memref<!tpu.dma_semaphore, #tpu.memory_space<semaphore_mem>>) {add = true}
        %dma_wait3A_151 = arith.constant 0 : i32
        %dma_wait3A_152 = tpu.memref_slice %arg7[%mul3A_108, %dma_wait3A_151] : memref<40x128xi32, #tpu.memory_space<vmem>> -> memref<1x128xi32, #tpu.memory_space<vmem>>
        %dma_wait3A_153 = tpu.memref_squeeze %dma_wait3A_152 : memref<1x128xi32, #tpu.memory_space<vmem>> -> memref<128xi32, #tpu.memory_space<vmem>>
        %dma_wait3A_154 = arith.constant 0 : i32
        %dma_wait3A_155 = arith.constant 0 : i32
        %dma_wait3A_156 = tpu.memref_slice %arg11[%dma_wait3A_154, %dma_wait3A_155] : memref<10240x128xf32, #tpu.memory_space<vmem_shared>> -> memref<10240x128xf32, #tpu.memory_space<vmem_shared>>
        tpu.wait_indirect_dma semaphore(%run_scoped3A : memref<!tpu.dma_semaphore, #tpu.memory_space<semaphore_mem>>) src(%arg8 : memref<128x128xf32, #tpu.memory_space<vmem>>) dst(%dma_wait3A_156 : memref<10240x128xf32, #tpu.memory_space<vmem_shared>>)
        tpu.yield
      }) : () -> ()
      %dma_wait3A_130 = arith.constant 0 : i32
      %dma_wait3A_131 = tpu.memref_slice %arg6[%add3A_110, %dma_wait3A_130] : memref<40x128xi32, #tpu.memory_space<vmem>> -> memref<1x128xi32, #tpu.memory_space<vmem>>
      %dma_wait3A_132 = tpu.memref_squeeze %dma_wait3A_131 : memref<1x128xi32, #tpu.memory_space<vmem>> -> memref<128xi32, #tpu.memory_space<vmem>>
      %dma_wait3A_133 = arith.constant 0 : i32
      %dma_wait3A_134 = arith.constant 0 : i32
      %dma_wait3A_135 = tpu.memref_slice %arg2[%add3A_7, %dma_wait3A_133, %dma_wait3A_134] : memref<4x10240x128xf32, #tpu.memory_space<hbm>> -> memref<1x10240x128xf32, #tpu.memory_space<hbm>>
      %dma_wait3A_136 = tpu.memref_squeeze %dma_wait3A_135 : memref<1x10240x128xf32, #tpu.memory_space<hbm>> -> memref<10240x128xf32, #tpu.memory_space<hbm>>
      %dma_wait3A_137 = arith.constant 0 : i32
      %dma_wait3A_138 = arith.constant 0 : i32
      %dma_wait3A_139 = tpu.memref_slice %dma_wait3A_136[%dma_wait3A_137, %dma_wait3A_138] : memref<10240x128xf32, #tpu.memory_space<hbm>> -> memref<10240x128xf32, #tpu.memory_space<hbm>>
      tpu.wait_indirect_dma semaphore(%arg13 : memref<!tpu.dma_semaphore, #tpu.memory_space<semaphore_mem>>) src(%dma_wait3A_139 : memref<10240x128xf32, #tpu.memory_space<hbm>>) dst(%arg9 : memref<128x128xf32, #tpu.memory_space<vmem>>)
      %add3A_140 = arith.constant 1 : i32
      %add3A_141 = arith.addi %scan3A_105, %add3A_140 : i32
      %lt3A = arith.constant 20 : i32
      %lt3A_142 = arith.cmpi slt, %add3A_141, %lt3A : i32
      %convert_element_type3A = arith.extui %lt3A_142 : i1 to i32
      %cond3A = arith.constant 0 : i32
      %cond3A_143 = arith.cmpi ne, %convert_element_type3A, %cond3A : i32
      scf.if %cond3A_143 {
        %add3A_145 = arith.constant 1 : i32
        %add3A_146 = arith.addi %add3A_110, %add3A_145 : i32
        %dma_start3A_147 = arith.constant 0 : i32
        %dma_start3A_148 = tpu.memref_slice %arg6[%add3A_146, %dma_start3A_147] : memref<40x128xi32, #tpu.memory_space<vmem>> -> memref<1x128xi32, #tpu.memory_space<vmem>>
        %dma_start3A_149 = tpu.memref_squeeze %dma_start3A_148 : memref<1x128xi32, #tpu.memory_space<vmem>> -> memref<128xi32, #tpu.memory_space<vmem>>
        %dma_start3A_150 = arith.constant 0 : i32
        %dma_start3A_151 = arith.constant 0 : i32
        %dma_start3A_152 = tpu.memref_slice %arg2[%add3A_7, %dma_start3A_150, %dma_start3A_151] : memref<4x10240x128xf32, #tpu.memory_space<hbm>> -> memref<1x10240x128xf32, #tpu.memory_space<hbm>>
        %dma_start3A_153 = tpu.memref_squeeze %dma_start3A_152 : memref<1x10240x128xf32, #tpu.memory_space<hbm>> -> memref<10240x128xf32, #tpu.memory_space<hbm>>
        %dma_start3A_154 = arith.constant 0 : i32
        %dma_start3A_155 = arith.constant 0 : i32
        %dma_start3A_156 = tpu.memref_slice %dma_start3A_153[%dma_start3A_154, %dma_start3A_155] : memref<10240x128xf32, #tpu.memory_space<hbm>> -> memref<10240x128xf32, #tpu.memory_space<hbm>>
        tpu.enqueue_indirect_dma source(%dma_start3A_156 : memref<10240x128xf32, #tpu.memory_space<hbm>>) target(%arg8 : memref<128x128xf32, #tpu.memory_space<vmem>>) offsets(%dma_start3A_149 : memref<128xi32, #tpu.memory_space<vmem>>) semaphore(%arg12 : memref<!tpu.dma_semaphore, #tpu.memory_space<semaphore_mem>>)
      } else {
      }
      "tpu.region"() ({
        %run_scoped3A = tpu.sem_alloc : memref<!tpu.dma_semaphore, #tpu.memory_space<semaphore_mem>>
        %dma_start3A_145 = arith.constant 0 : i32
        %dma_start3A_146 = tpu.memref_slice %arg7[%add3A_110, %dma_start3A_145] : memref<40x128xi32, #tpu.memory_space<vmem>> -> memref<1x128xi32, #tpu.memory_space<vmem>>
        %dma_start3A_147 = tpu.memref_squeeze %dma_start3A_146 : memref<1x128xi32, #tpu.memory_space<vmem>> -> memref<128xi32, #tpu.memory_space<vmem>>
        %dma_start3A_148 = arith.constant 0 : i32
        %dma_start3A_149 = arith.constant 0 : i32
        %dma_start3A_150 = tpu.memref_slice %arg11[%dma_start3A_148, %dma_start3A_149] : memref<10240x128xf32, #tpu.memory_space<vmem_shared>> -> memref<10240x128xf32, #tpu.memory_space<vmem_shared>>
        tpu.enqueue_indirect_dma source(%arg9 : memref<128x128xf32, #tpu.memory_space<vmem>>) target(%dma_start3A_150 : memref<10240x128xf32, #tpu.memory_space<vmem_shared>>) offsets(%dma_start3A_147 : memref<128xi32, #tpu.memory_space<vmem>>) semaphore(%run_scoped3A : memref<!tpu.dma_semaphore, #tpu.memory_space<semaphore_mem>>) {add = true}
        %dma_wait3A_151 = arith.constant 0 : i32
        %dma_wait3A_152 = tpu.memref_slice %arg7[%add3A_110, %dma_wait3A_151] : memref<40x128xi32, #tpu.memory_space<vmem>> -> memref<1x128xi32, #tpu.memory_space<vmem>>
        %dma_wait3A_153 = tpu.memref_squeeze %dma_wait3A_152 : memref<1x128xi32, #tpu.memory_space<vmem>> -> memref<128xi32, #tpu.memory_space<vmem>>
        %dma_wait3A_154 = arith.constant 0 : i32
        %dma_wait3A_155 = arith.constant 0 : i32
        %dma_wait3A_156 = tpu.memref_slice %arg11[%dma_wait3A_154, %dma_wait3A_155] : memref<10240x128xf32, #tpu.memory_space<vmem_shared>> -> memref<10240x128xf32, #tpu.memory_space<vmem_shared>>
        tpu.wait_indirect_dma semaphore(%run_scoped3A : memref<!tpu.dma_semaphore, #tpu.memory_space<semaphore_mem>>) src(%arg9 : memref<128x128xf32, #tpu.memory_space<vmem>>) dst(%dma_wait3A_156 : memref<10240x128xf32, #tpu.memory_space<vmem_shared>>)
        tpu.yield
      }) : () -> ()
      %scan3A_144 = arith.constant 0 : i32
      scf.yield %scan3A_144 : i32
    }
    %scan3A_49 = arith.constant 20 : i32
    %barrier3A_50 = arith.constant 0 : index
    tpu.barrier barrier_id(%barrier3A_50)
    %mul3A_51 = arith.constant 640 : i32
    %mul3A_52 = arith.muli %arg1, %mul3A_51 : i32
    "tpu.region"() ({
      %run_scoped3A = tpu.sem_alloc : memref<!tpu.dma_semaphore, #tpu.memory_space<semaphore_mem>>
      %dma_start3A_105 = arith.constant 0 : i32
      %dma_start3A_106 = arith.constant 0 : i32
      %dma_start3A_107 = tpu.memref_slice %arg5[%add3A_7, %dma_start3A_105, %dma_start3A_106] : memref<4x10240x128xf32, #tpu.memory_space<hbm>> -> memref<1x10240x128xf32, #tpu.memory_space<hbm>>
      %dma_start3A_108 = tpu.memref_squeeze %dma_start3A_107 : memref<1x10240x128xf32, #tpu.memory_space<hbm>> -> memref<10240x128xf32, #tpu.memory_space<hbm>>
      %dma_start3A_109 = arith.constant 0 : i32
      %dma_start3A_110 = tpu.memref_slice %dma_start3A_108[%mul3A_52, %dma_start3A_109] : memref<10240x128xf32, #tpu.memory_space<hbm>> -> memref<640x128xf32, #tpu.memory_space<hbm>>
      %dma_start3A_111 = arith.constant 0 : i32
      %dma_start3A_112 = tpu.memref_slice %arg11[%mul3A_52, %dma_start3A_111] : memref<10240x128xf32, #tpu.memory_space<vmem_shared>> -> memref<640x128xf32, #tpu.memory_space<vmem_shared>>
      tpu.enqueue_dma source(%dma_start3A_112 : memref<640x128xf32, #tpu.memory_space<vmem_shared>>) target(%dma_start3A_110 : memref<640x128xf32, #tpu.memory_space<hbm>>) target_semaphore(%run_scoped3A : memref<!tpu.dma_semaphore, #tpu.memory_space<semaphore_mem>>)
      %dma_wait3A = arith.constant 0 : i32
      %dma_wait3A_113 = arith.constant 0 : i32
      %dma_wait3A_114 = tpu.memref_slice %arg5[%add3A_7, %dma_wait3A, %dma_wait3A_113] : memref<4x10240x128xf32, #tpu.memory_space<hbm>> -> memref<1x10240x128xf32, #tpu.memory_space<hbm>>
      %dma_wait3A_115 = tpu.memref_squeeze %dma_wait3A_114 : memref<1x10240x128xf32, #tpu.memory_space<hbm>> -> memref<10240x128xf32, #tpu.memory_space<hbm>>
      %dma_wait3A_116 = arith.constant 0 : i32
      %dma_wait3A_117 = tpu.memref_slice %dma_wait3A_115[%mul3A_52, %dma_wait3A_116] : memref<10240x128xf32, #tpu.memory_space<hbm>> -> memref<640x128xf32, #tpu.memory_space<hbm>>
      %dma_wait3A_118 = arith.constant 0 : i32
      %dma_wait3A_119 = tpu.memref_slice %arg11[%mul3A_52, %dma_wait3A_118] : memref<10240x128xf32, #tpu.memory_space<vmem_shared>> -> memref<640x128xf32, #tpu.memory_space<vmem_shared>>
      tpu.wait_dma2 semaphore(%run_scoped3A : memref<!tpu.dma_semaphore, #tpu.memory_space<semaphore_mem>>) src(%dma_wait3A_119 : memref<640x128xf32, #tpu.memory_space<vmem_shared>>) dst(%dma_wait3A_117 : memref<640x128xf32, #tpu.memory_space<hbm>>)
      tpu.yield
    }) : () -> ()
    %barrier3A_53 = arith.constant 0 : index
    tpu.barrier barrier_id(%barrier3A_53)
    %mul3A_54 = arith.constant 2 : i32
    %mul3A_55 = arith.muli %arg0, %mul3A_54 : i32
    %add3A_56 = arith.constant 1 : i32
    %add3A_57 = arith.addi %mul3A_55, %add3A_56 : i32
    %scan3A_58 = arith.constant 0 : i32
    %scan3A_59 = arith.constant 0 : i32
    %scan3A_60 = arith.constant 40 : i32
    %scan3A_61 = arith.addi %scan3A_59, %scan3A_60 : i32
    %scan3A_62 = arith.constant 1 : i32
    %scan3A_63 = scf.for %scan3A_105 = %scan3A_59 to %scan3A_61 step %scan3A_62 iter_args(%scan3A_106 = %scan3A_58) -> (i32)  : i32 {
      %mul3A_107 = arith.constant 640 : i32
      %mul3A_108 = arith.muli %arg1, %mul3A_107 : i32
      %mul3A_109 = arith.constant 16 : i32
      %mul3A_110 = arith.muli %scan3A_105, %mul3A_109 : i32
      %add3A_111 = arith.addi %mul3A_108, %mul3A_110 : i32
      "tpu.region"() ({
        %run_scoped3A = tpu.sem_alloc : memref<!tpu.dma_semaphore, #tpu.memory_space<semaphore_mem>>
        %dma_start3A_113 = arith.constant 0 : i32
        %dma_start3A_114 = tpu.memref_slice %arg11[%add3A_111, %dma_start3A_113] : memref<10240x128xf32, #tpu.memory_space<vmem_shared>> -> memref<16x128xf32, #tpu.memory_space<vmem_shared>>
        %dma_start3A_115 = arith.constant 0 : i32
        %dma_start3A_116 = tpu.memref_slice %arg11[%add3A_111, %dma_start3A_115] : memref<10240x128xf32, #tpu.memory_space<vmem_shared>> -> memref<16x128xf32, #tpu.memory_space<vmem_shared>>
        tpu.enqueue_dma source(%arg10 : memref<16x128xf32, #tpu.memory_space<vmem>>) target(%dma_start3A_116 : memref<16x128xf32, #tpu.memory_space<vmem_shared>>) target_semaphore(%run_scoped3A : memref<!tpu.dma_semaphore, #tpu.memory_space<semaphore_mem>>)
        %dma_wait3A = arith.constant 0 : i32
        %dma_wait3A_117 = tpu.memref_slice %arg11[%add3A_111, %dma_wait3A] : memref<10240x128xf32, #tpu.memory_space<vmem_shared>> -> memref<16x128xf32, #tpu.memory_space<vmem_shared>>
        %dma_wait3A_118 = arith.constant 0 : i32
        %dma_wait3A_119 = tpu.memref_slice %arg11[%add3A_111, %dma_wait3A_118] : memref<10240x128xf32, #tpu.memory_space<vmem_shared>> -> memref<16x128xf32, #tpu.memory_space<vmem_shared>>
        tpu.wait_dma2 semaphore(%run_scoped3A : memref<!tpu.dma_semaphore, #tpu.memory_space<semaphore_mem>>) src(%arg10 : memref<16x128xf32, #tpu.memory_space<vmem>>) dst(%dma_wait3A_119 : memref<16x128xf32, #tpu.memory_space<vmem_shared>>)
        tpu.yield
      }) : () -> ()
      %scan3A_112 = arith.constant 0 : i32
      scf.yield %scan3A_112 : i32
    }
    %scan3A_64 = arith.constant 40 : i32
    %barrier3A_65 = arith.constant 0 : index
    tpu.barrier barrier_id(%barrier3A_65)
    "tpu.region"() ({
      %run_scoped3A = tpu.sem_alloc : memref<!tpu.dma_semaphore, #tpu.memory_space<semaphore_mem>>
      %dma_start3A_105 = arith.constant 0 : i32
      %dma_start3A_106 = arith.constant 0 : i32
      %dma_start3A_107 = tpu.memref_slice %arg3[%arg1, %dma_start3A_105, %dma_start3A_106] : memref<16x80x128xi32, #tpu.memory_space<hbm>> -> memref<1x80x128xi32, #tpu.memory_space<hbm>>
      %dma_start3A_108 = tpu.memref_squeeze %dma_start3A_107 : memref<1x80x128xi32, #tpu.memory_space<hbm>> -> memref<80x128xi32, #tpu.memory_space<hbm>>
      %dma_start3A_109 = arith.constant 0 : i32
      %dma_start3A_110 = arith.constant 0 : i32
      %dma_start3A_111 = tpu.memref_slice %dma_start3A_108[%dma_start3A_109, %dma_start3A_110] : memref<80x128xi32, #tpu.memory_space<hbm>> -> memref<40x128xi32, #tpu.memory_space<hbm>>
      %dma_start3A_112 = arith.constant 0 : i32
      %dma_start3A_113 = arith.constant 0 : i32
      %dma_start3A_114 = tpu.memref_slice %arg3[%arg1, %dma_start3A_112, %dma_start3A_113] : memref<16x80x128xi32, #tpu.memory_space<hbm>> -> memref<1x80x128xi32, #tpu.memory_space<hbm>>
      %dma_start3A_115 = tpu.memref_squeeze %dma_start3A_114 : memref<1x80x128xi32, #tpu.memory_space<hbm>> -> memref<80x128xi32, #tpu.memory_space<hbm>>
      %dma_start3A_116 = arith.constant 0 : i32
      %dma_start3A_117 = arith.constant 0 : i32
      %dma_start3A_118 = tpu.memref_slice %dma_start3A_115[%dma_start3A_116, %dma_start3A_117] : memref<80x128xi32, #tpu.memory_space<hbm>> -> memref<40x128xi32, #tpu.memory_space<hbm>>
      tpu.enqueue_dma source(%dma_start3A_118 : memref<40x128xi32, #tpu.memory_space<hbm>>) target(%arg6 : memref<40x128xi32, #tpu.memory_space<vmem>>) target_semaphore(%run_scoped3A : memref<!tpu.dma_semaphore, #tpu.memory_space<semaphore_mem>>)
      %dma_wait3A = arith.constant 0 : i32
      %dma_wait3A_119 = arith.constant 0 : i32
      %dma_wait3A_120 = tpu.memref_slice %arg3[%arg1, %dma_wait3A, %dma_wait3A_119] : memref<16x80x128xi32, #tpu.memory_space<hbm>> -> memref<1x80x128xi32, #tpu.memory_space<hbm>>
      %dma_wait3A_121 = tpu.memref_squeeze %dma_wait3A_120 : memref<1x80x128xi32, #tpu.memory_space<hbm>> -> memref<80x128xi32, #tpu.memory_space<hbm>>
      %dma_wait3A_122 = arith.constant 0 : i32
      %dma_wait3A_123 = arith.constant 0 : i32
      %dma_wait3A_124 = tpu.memref_slice %dma_wait3A_121[%dma_wait3A_122, %dma_wait3A_123] : memref<80x128xi32, #tpu.memory_space<hbm>> -> memref<40x128xi32, #tpu.memory_space<hbm>>
      %dma_wait3A_125 = arith.constant 0 : i32
      %dma_wait3A_126 = arith.constant 0 : i32
      %dma_wait3A_127 = tpu.memref_slice %arg3[%arg1, %dma_wait3A_125, %dma_wait3A_126] : memref<16x80x128xi32, #tpu.memory_space<hbm>> -> memref<1x80x128xi32, #tpu.memory_space<hbm>>
      %dma_wait3A_128 = tpu.memref_squeeze %dma_wait3A_127 : memref<1x80x128xi32, #tpu.memory_space<hbm>> -> memref<80x128xi32, #tpu.memory_space<hbm>>
      %dma_wait3A_129 = arith.constant 0 : i32
      %dma_wait3A_130 = arith.constant 0 : i32
      %dma_wait3A_131 = tpu.memref_slice %dma_wait3A_128[%dma_wait3A_129, %dma_wait3A_130] : memref<80x128xi32, #tpu.memory_space<hbm>> -> memref<40x128xi32, #tpu.memory_space<hbm>>
      tpu.wait_dma2 semaphore(%run_scoped3A : memref<!tpu.dma_semaphore, #tpu.memory_space<semaphore_mem>>) src(%dma_wait3A_131 : memref<40x128xi32, #tpu.memory_space<hbm>>) dst(%arg6 : memref<40x128xi32, #tpu.memory_space<vmem>>)
      tpu.yield
    }) : () -> ()
    "tpu.region"() ({
      %run_scoped3A = tpu.sem_alloc : memref<!tpu.dma_semaphore, #tpu.memory_space<semaphore_mem>>
      %dma_start3A_105 = arith.constant 0 : i32
      %dma_start3A_106 = arith.constant 0 : i32
      %dma_start3A_107 = tpu.memref_slice %arg4[%arg1, %dma_start3A_105, %dma_start3A_106] : memref<16x80x128xi32, #tpu.memory_space<hbm>> -> memref<1x80x128xi32, #tpu.memory_space<hbm>>
      %dma_start3A_108 = tpu.memref_squeeze %dma_start3A_107 : memref<1x80x128xi32, #tpu.memory_space<hbm>> -> memref<80x128xi32, #tpu.memory_space<hbm>>
      %dma_start3A_109 = arith.constant 0 : i32
      %dma_start3A_110 = arith.constant 0 : i32
      %dma_start3A_111 = tpu.memref_slice %dma_start3A_108[%dma_start3A_109, %dma_start3A_110] : memref<80x128xi32, #tpu.memory_space<hbm>> -> memref<40x128xi32, #tpu.memory_space<hbm>>
      %dma_start3A_112 = arith.constant 0 : i32
      %dma_start3A_113 = arith.constant 0 : i32
      %dma_start3A_114 = tpu.memref_slice %arg4[%arg1, %dma_start3A_112, %dma_start3A_113] : memref<16x80x128xi32, #tpu.memory_space<hbm>> -> memref<1x80x128xi32, #tpu.memory_space<hbm>>
      %dma_start3A_115 = tpu.memref_squeeze %dma_start3A_114 : memref<1x80x128xi32, #tpu.memory_space<hbm>> -> memref<80x128xi32, #tpu.memory_space<hbm>>
      %dma_start3A_116 = arith.constant 0 : i32
      %dma_start3A_117 = arith.constant 0 : i32
      %dma_start3A_118 = tpu.memref_slice %dma_start3A_115[%dma_start3A_116, %dma_start3A_117] : memref<80x128xi32, #tpu.memory_space<hbm>> -> memref<40x128xi32, #tpu.memory_space<hbm>>
      tpu.enqueue_dma source(%dma_start3A_118 : memref<40x128xi32, #tpu.memory_space<hbm>>) target(%arg7 : memref<40x128xi32, #tpu.memory_space<vmem>>) target_semaphore(%run_scoped3A : memref<!tpu.dma_semaphore, #tpu.memory_space<semaphore_mem>>)
      %dma_wait3A = arith.constant 0 : i32
      %dma_wait3A_119 = arith.constant 0 : i32
      %dma_wait3A_120 = tpu.memref_slice %arg4[%arg1, %dma_wait3A, %dma_wait3A_119] : memref<16x80x128xi32, #tpu.memory_space<hbm>> -> memref<1x80x128xi32, #tpu.memory_space<hbm>>
      %dma_wait3A_121 = tpu.memref_squeeze %dma_wait3A_120 : memref<1x80x128xi32, #tpu.memory_space<hbm>> -> memref<80x128xi32, #tpu.memory_space<hbm>>
      %dma_wait3A_122 = arith.constant 0 : i32
      %dma_wait3A_123 = arith.constant 0 : i32
      %dma_wait3A_124 = tpu.memref_slice %dma_wait3A_121[%dma_wait3A_122, %dma_wait3A_123] : memref<80x128xi32, #tpu.memory_space<hbm>> -> memref<40x128xi32, #tpu.memory_space<hbm>>
      %dma_wait3A_125 = arith.constant 0 : i32
      %dma_wait3A_126 = arith.constant 0 : i32
      %dma_wait3A_127 = tpu.memref_slice %arg4[%arg1, %dma_wait3A_125, %dma_wait3A_126] : memref<16x80x128xi32, #tpu.memory_space<hbm>> -> memref<1x80x128xi32, #tpu.memory_space<hbm>>
      %dma_wait3A_128 = tpu.memref_squeeze %dma_wait3A_127 : memref<1x80x128xi32, #tpu.memory_space<hbm>> -> memref<80x128xi32, #tpu.memory_space<hbm>>
      %dma_wait3A_129 = arith.constant 0 : i32
      %dma_wait3A_130 = arith.constant 0 : i32
      %dma_wait3A_131 = tpu.memref_slice %dma_wait3A_128[%dma_wait3A_129, %dma_wait3A_130] : memref<80x128xi32, #tpu.memory_space<hbm>> -> memref<40x128xi32, #tpu.memory_space<hbm>>
      tpu.wait_dma2 semaphore(%run_scoped3A : memref<!tpu.dma_semaphore, #tpu.memory_space<semaphore_mem>>) src(%dma_wait3A_131 : memref<40x128xi32, #tpu.memory_space<hbm>>) dst(%arg7 : memref<40x128xi32, #tpu.memory_space<vmem>>)
      tpu.yield
    }) : () -> ()
    %dma_start3A_66 = arith.constant 0 : i32
    %dma_start3A_67 = arith.constant 0 : i32
    %dma_start3A_68 = tpu.memref_slice %arg6[%dma_start3A_66, %dma_start3A_67] : memref<40x128xi32, #tpu.memory_space<vmem>> -> memref<1x128xi32, #tpu.memory_space<vmem>>
    %dma_start3A_69 = tpu.memref_squeeze %dma_start3A_68 : memref<1x128xi32, #tpu.memory_space<vmem>> -> memref<128xi32, #tpu.memory_space<vmem>>
    %dma_start3A_70 = arith.constant 0 : i32
    %dma_start3A_71 = arith.constant 0 : i32
    %dma_start3A_72 = tpu.memref_slice %arg2[%add3A_57, %dma_start3A_70, %dma_start3A_71] : memref<4x10240x128xf32, #tpu.memory_space<hbm>> -> memref<1x10240x128xf32, #tpu.memory_space<hbm>>
    %dma_start3A_73 = tpu.memref_squeeze %dma_start3A_72 : memref<1x10240x128xf32, #tpu.memory_space<hbm>> -> memref<10240x128xf32, #tpu.memory_space<hbm>>
    %dma_start3A_74 = arith.constant 0 : i32
    %dma_start3A_75 = arith.constant 0 : i32
    %dma_start3A_76 = tpu.memref_slice %dma_start3A_73[%dma_start3A_74, %dma_start3A_75] : memref<10240x128xf32, #tpu.memory_space<hbm>> -> memref<10240x128xf32, #tpu.memory_space<hbm>>
    tpu.enqueue_indirect_dma source(%dma_start3A_76 : memref<10240x128xf32, #tpu.memory_space<hbm>>) target(%arg8 : memref<128x128xf32, #tpu.memory_space<vmem>>) offsets(%dma_start3A_69 : memref<128xi32, #tpu.memory_space<vmem>>) semaphore(%arg12 : memref<!tpu.dma_semaphore, #tpu.memory_space<semaphore_mem>>)
    %scan3A_77 = arith.constant 0 : i32
    %scan3A_78 = arith.constant 0 : i32
    %scan3A_79 = arith.constant 20 : i32
    %scan3A_80 = arith.addi %scan3A_78, %scan3A_79 : i32
    %scan3A_81 = arith.constant 1 : i32
    %scan3A_82 = scf.for %scan3A_105 = %scan3A_78 to %scan3A_80 step %scan3A_81 iter_args(%scan3A_106 = %scan3A_77) -> (i32)  : i32 {
      %mul3A_107 = arith.constant 2 : i32
      %mul3A_108 = arith.muli %mul3A_107, %scan3A_105 : i32
      %add3A_109 = arith.constant 1 : i32
      %add3A_110 = arith.addi %mul3A_108, %add3A_109 : i32
      %dma_wait3A = arith.constant 0 : i32
      %dma_wait3A_111 = tpu.memref_slice %arg6[%mul3A_108, %dma_wait3A] : memref<40x128xi32, #tpu.memory_space<vmem>> -> memref<1x128xi32, #tpu.memory_space<vmem>>
      %dma_wait3A_112 = tpu.memref_squeeze %dma_wait3A_111 : memref<1x128xi32, #tpu.memory_space<vmem>> -> memref<128xi32, #tpu.memory_space<vmem>>
      %dma_wait3A_113 = arith.constant 0 : i32
      %dma_wait3A_114 = arith.constant 0 : i32
      %dma_wait3A_115 = tpu.memref_slice %arg2[%add3A_57, %dma_wait3A_113, %dma_wait3A_114] : memref<4x10240x128xf32, #tpu.memory_space<hbm>> -> memref<1x10240x128xf32, #tpu.memory_space<hbm>>
      %dma_wait3A_116 = tpu.memref_squeeze %dma_wait3A_115 : memref<1x10240x128xf32, #tpu.memory_space<hbm>> -> memref<10240x128xf32, #tpu.memory_space<hbm>>
      %dma_wait3A_117 = arith.constant 0 : i32
      %dma_wait3A_118 = arith.constant 0 : i32
      %dma_wait3A_119 = tpu.memref_slice %dma_wait3A_116[%dma_wait3A_117, %dma_wait3A_118] : memref<10240x128xf32, #tpu.memory_space<hbm>> -> memref<10240x128xf32, #tpu.memory_space<hbm>>
      tpu.wait_indirect_dma semaphore(%arg12 : memref<!tpu.dma_semaphore, #tpu.memory_space<semaphore_mem>>) src(%dma_wait3A_119 : memref<10240x128xf32, #tpu.memory_space<hbm>>) dst(%arg8 : memref<128x128xf32, #tpu.memory_space<vmem>>)
      %dma_start3A_120 = arith.constant 0 : i32
      %dma_start3A_121 = tpu.memref_slice %arg6[%add3A_110, %dma_start3A_120] : memref<40x128xi32, #tpu.memory_space<vmem>> -> memref<1x128xi32, #tpu.memory_space<vmem>>
      %dma_start3A_122 = tpu.memref_squeeze %dma_start3A_121 : memref<1x128xi32, #tpu.memory_space<vmem>> -> memref<128xi32, #tpu.memory_space<vmem>>
      %dma_start3A_123 = arith.constant 0 : i32
      %dma_start3A_124 = arith.constant 0 : i32
      %dma_start3A_125 = tpu.memref_slice %arg2[%add3A_57, %dma_start3A_123, %dma_start3A_124] : memref<4x10240x128xf32, #tpu.memory_space<hbm>> -> memref<1x10240x128xf32, #tpu.memory_space<hbm>>
      %dma_start3A_126 = tpu.memref_squeeze %dma_start3A_125 : memref<1x10240x128xf32, #tpu.memory_space<hbm>> -> memref<10240x128xf32, #tpu.memory_space<hbm>>
      %dma_start3A_127 = arith.constant 0 : i32
      %dma_start3A_128 = arith.constant 0 : i32
      %dma_start3A_129 = tpu.memref_slice %dma_start3A_126[%dma_start3A_127, %dma_start3A_128] : memref<10240x128xf32, #tpu.memory_space<hbm>> -> memref<10240x128xf32, #tpu.memory_space<hbm>>
      tpu.enqueue_indirect_dma source(%dma_start3A_129 : memref<10240x128xf32, #tpu.memory_space<hbm>>) target(%arg9 : memref<128x128xf32, #tpu.memory_space<vmem>>) offsets(%dma_start3A_122 : memref<128xi32, #tpu.memory_space<vmem>>) semaphore(%arg13 : memref<!tpu.dma_semaphore, #tpu.memory_space<semaphore_mem>>)
      "tpu.region"() ({
        %run_scoped3A = tpu.sem_alloc : memref<!tpu.dma_semaphore, #tpu.memory_space<semaphore_mem>>
        %dma_start3A_145 = arith.constant 0 : i32
        %dma_start3A_146 = tpu.memref_slice %arg7[%mul3A_108, %dma_start3A_145] : memref<40x128xi32, #tpu.memory_space<vmem>> -> memref<1x128xi32, #tpu.memory_space<vmem>>
        %dma_start3A_147 = tpu.memref_squeeze %dma_start3A_146 : memref<1x128xi32, #tpu.memory_space<vmem>> -> memref<128xi32, #tpu.memory_space<vmem>>
        %dma_start3A_148 = arith.constant 0 : i32
        %dma_start3A_149 = arith.constant 0 : i32
        %dma_start3A_150 = tpu.memref_slice %arg11[%dma_start3A_148, %dma_start3A_149] : memref<10240x128xf32, #tpu.memory_space<vmem_shared>> -> memref<10240x128xf32, #tpu.memory_space<vmem_shared>>
        tpu.enqueue_indirect_dma source(%arg8 : memref<128x128xf32, #tpu.memory_space<vmem>>) target(%dma_start3A_150 : memref<10240x128xf32, #tpu.memory_space<vmem_shared>>) offsets(%dma_start3A_147 : memref<128xi32, #tpu.memory_space<vmem>>) semaphore(%run_scoped3A : memref<!tpu.dma_semaphore, #tpu.memory_space<semaphore_mem>>) {add = true}
        %dma_wait3A_151 = arith.constant 0 : i32
        %dma_wait3A_152 = tpu.memref_slice %arg7[%mul3A_108, %dma_wait3A_151] : memref<40x128xi32, #tpu.memory_space<vmem>> -> memref<1x128xi32, #tpu.memory_space<vmem>>
        %dma_wait3A_153 = tpu.memref_squeeze %dma_wait3A_152 : memref<1x128xi32, #tpu.memory_space<vmem>> -> memref<128xi32, #tpu.memory_space<vmem>>
        %dma_wait3A_154 = arith.constant 0 : i32
        %dma_wait3A_155 = arith.constant 0 : i32
        %dma_wait3A_156 = tpu.memref_slice %arg11[%dma_wait3A_154, %dma_wait3A_155] : memref<10240x128xf32, #tpu.memory_space<vmem_shared>> -> memref<10240x128xf32, #tpu.memory_space<vmem_shared>>
        tpu.wait_indirect_dma semaphore(%run_scoped3A : memref<!tpu.dma_semaphore, #tpu.memory_space<semaphore_mem>>) src(%arg8 : memref<128x128xf32, #tpu.memory_space<vmem>>) dst(%dma_wait3A_156 : memref<10240x128xf32, #tpu.memory_space<vmem_shared>>)
        tpu.yield
      }) : () -> ()
      %dma_wait3A_130 = arith.constant 0 : i32
      %dma_wait3A_131 = tpu.memref_slice %arg6[%add3A_110, %dma_wait3A_130] : memref<40x128xi32, #tpu.memory_space<vmem>> -> memref<1x128xi32, #tpu.memory_space<vmem>>
      %dma_wait3A_132 = tpu.memref_squeeze %dma_wait3A_131 : memref<1x128xi32, #tpu.memory_space<vmem>> -> memref<128xi32, #tpu.memory_space<vmem>>
      %dma_wait3A_133 = arith.constant 0 : i32
      %dma_wait3A_134 = arith.constant 0 : i32
      %dma_wait3A_135 = tpu.memref_slice %arg2[%add3A_57, %dma_wait3A_133, %dma_wait3A_134] : memref<4x10240x128xf32, #tpu.memory_space<hbm>> -> memref<1x10240x128xf32, #tpu.memory_space<hbm>>
      %dma_wait3A_136 = tpu.memref_squeeze %dma_wait3A_135 : memref<1x10240x128xf32, #tpu.memory_space<hbm>> -> memref<10240x128xf32, #tpu.memory_space<hbm>>
      %dma_wait3A_137 = arith.constant 0 : i32
      %dma_wait3A_138 = arith.constant 0 : i32
      %dma_wait3A_139 = tpu.memref_slice %dma_wait3A_136[%dma_wait3A_137, %dma_wait3A_138] : memref<10240x128xf32, #tpu.memory_space<hbm>> -> memref<10240x128xf32, #tpu.memory_space<hbm>>
      tpu.wait_indirect_dma semaphore(%arg13 : memref<!tpu.dma_semaphore, #tpu.memory_space<semaphore_mem>>) src(%dma_wait3A_139 : memref<10240x128xf32, #tpu.memory_space<hbm>>) dst(%arg9 : memref<128x128xf32, #tpu.memory_space<vmem>>)
      %add3A_140 = arith.constant 1 : i32
      %add3A_141 = arith.addi %scan3A_105, %add3A_140 : i32
      %lt3A = arith.constant 20 : i32
      %lt3A_142 = arith.cmpi slt, %add3A_141, %lt3A : i32
      %convert_element_type3A = arith.extui %lt3A_142 : i1 to i32
      %cond3A = arith.constant 0 : i32
      %cond3A_143 = arith.cmpi ne, %convert_element_type3A, %cond3A : i32
      scf.if %cond3A_143 {
        %add3A_145 = arith.constant 1 : i32
        %add3A_146 = arith.addi %add3A_110, %add3A_145 : i32
        %dma_start3A_147 = arith.constant 0 : i32
        %dma_start3A_148 = tpu.memref_slice %arg6[%add3A_146, %dma_start3A_147] : memref<40x128xi32, #tpu.memory_space<vmem>> -> memref<1x128xi32, #tpu.memory_space<vmem>>
        %dma_start3A_149 = tpu.memref_squeeze %dma_start3A_148 : memref<1x128xi32, #tpu.memory_space<vmem>> -> memref<128xi32, #tpu.memory_space<vmem>>
        %dma_start3A_150 = arith.constant 0 : i32
        %dma_start3A_151 = arith.constant 0 : i32
        %dma_start3A_152 = tpu.memref_slice %arg2[%add3A_57, %dma_start3A_150, %dma_start3A_151] : memref<4x10240x128xf32, #tpu.memory_space<hbm>> -> memref<1x10240x128xf32, #tpu.memory_space<hbm>>
        %dma_start3A_153 = tpu.memref_squeeze %dma_start3A_152 : memref<1x10240x128xf32, #tpu.memory_space<hbm>> -> memref<10240x128xf32, #tpu.memory_space<hbm>>
        %dma_start3A_154 = arith.constant 0 : i32
        %dma_start3A_155 = arith.constant 0 : i32
        %dma_start3A_156 = tpu.memref_slice %dma_start3A_153[%dma_start3A_154, %dma_start3A_155] : memref<10240x128xf32, #tpu.memory_space<hbm>> -> memref<10240x128xf32, #tpu.memory_space<hbm>>
        tpu.enqueue_indirect_dma source(%dma_start3A_156 : memref<10240x128xf32, #tpu.memory_space<hbm>>) target(%arg8 : memref<128x128xf32, #tpu.memory_space<vmem>>) offsets(%dma_start3A_149 : memref<128xi32, #tpu.memory_space<vmem>>) semaphore(%arg12 : memref<!tpu.dma_semaphore, #tpu.memory_space<semaphore_mem>>)
      } else {
      }
      "tpu.region"() ({
        %run_scoped3A = tpu.sem_alloc : memref<!tpu.dma_semaphore, #tpu.memory_space<semaphore_mem>>
        %dma_start3A_145 = arith.constant 0 : i32
        %dma_start3A_146 = tpu.memref_slice %arg7[%add3A_110, %dma_start3A_145] : memref<40x128xi32, #tpu.memory_space<vmem>> -> memref<1x128xi32, #tpu.memory_space<vmem>>
        %dma_start3A_147 = tpu.memref_squeeze %dma_start3A_146 : memref<1x128xi32, #tpu.memory_space<vmem>> -> memref<128xi32, #tpu.memory_space<vmem>>
        %dma_start3A_148 = arith.constant 0 : i32
        %dma_start3A_149 = arith.constant 0 : i32
        %dma_start3A_150 = tpu.memref_slice %arg11[%dma_start3A_148, %dma_start3A_149] : memref<10240x128xf32, #tpu.memory_space<vmem_shared>> -> memref<10240x128xf32, #tpu.memory_space<vmem_shared>>
        tpu.enqueue_indirect_dma source(%arg9 : memref<128x128xf32, #tpu.memory_space<vmem>>) target(%dma_start3A_150 : memref<10240x128xf32, #tpu.memory_space<vmem_shared>>) offsets(%dma_start3A_147 : memref<128xi32, #tpu.memory_space<vmem>>) semaphore(%run_scoped3A : memref<!tpu.dma_semaphore, #tpu.memory_space<semaphore_mem>>) {add = true}
        %dma_wait3A_151 = arith.constant 0 : i32
        %dma_wait3A_152 = tpu.memref_slice %arg7[%add3A_110, %dma_wait3A_151] : memref<40x128xi32, #tpu.memory_space<vmem>> -> memref<1x128xi32, #tpu.memory_space<vmem>>
        %dma_wait3A_153 = tpu.memref_squeeze %dma_wait3A_152 : memref<1x128xi32, #tpu.memory_space<vmem>> -> memref<128xi32, #tpu.memory_space<vmem>>
        %dma_wait3A_154 = arith.constant 0 : i32
        %dma_wait3A_155 = arith.constant 0 : i32
        %dma_wait3A_156 = tpu.memref_slice %arg11[%dma_wait3A_154, %dma_wait3A_155] : memref<10240x128xf32, #tpu.memory_space<vmem_shared>> -> memref<10240x128xf32, #tpu.memory_space<vmem_shared>>
        tpu.wait_indirect_dma semaphore(%run_scoped3A : memref<!tpu.dma_semaphore, #tpu.memory_space<semaphore_mem>>) src(%arg9 : memref<128x128xf32, #tpu.memory_space<vmem>>) dst(%dma_wait3A_156 : memref<10240x128xf32, #tpu.memory_space<vmem_shared>>)
        tpu.yield
      }) : () -> ()
      %scan3A_144 = arith.constant 0 : i32
      scf.yield %scan3A_144 : i32
    }
    %scan3A_83 = arith.constant 20 : i32
    "tpu.region"() ({
      %run_scoped3A = tpu.sem_alloc : memref<!tpu.dma_semaphore, #tpu.memory_space<semaphore_mem>>
      %dma_start3A_105 = arith.constant 0 : i32
      %dma_start3A_106 = arith.constant 0 : i32
      %dma_start3A_107 = tpu.memref_slice %arg3[%arg1, %dma_start3A_105, %dma_start3A_106] : memref<16x80x128xi32, #tpu.memory_space<hbm>> -> memref<1x80x128xi32, #tpu.memory_space<hbm>>
      %dma_start3A_108 = tpu.memref_squeeze %dma_start3A_107 : memref<1x80x128xi32, #tpu.memory_space<hbm>> -> memref<80x128xi32, #tpu.memory_space<hbm>>
      %dma_start3A_109 = arith.constant 40 : i32
      %dma_start3A_110 = arith.constant 0 : i32
      %dma_start3A_111 = tpu.memref_slice %dma_start3A_108[%dma_start3A_109, %dma_start3A_110] : memref<80x128xi32, #tpu.memory_space<hbm>> -> memref<40x128xi32, #tpu.memory_space<hbm>>
      %dma_start3A_112 = arith.constant 0 : i32
      %dma_start3A_113 = arith.constant 0 : i32
      %dma_start3A_114 = tpu.memref_slice %arg3[%arg1, %dma_start3A_112, %dma_start3A_113] : memref<16x80x128xi32, #tpu.memory_space<hbm>> -> memref<1x80x128xi32, #tpu.memory_space<hbm>>
      %dma_start3A_115 = tpu.memref_squeeze %dma_start3A_114 : memref<1x80x128xi32, #tpu.memory_space<hbm>> -> memref<80x128xi32, #tpu.memory_space<hbm>>
      %dma_start3A_116 = arith.constant 40 : i32
      %dma_start3A_117 = arith.constant 0 : i32
      %dma_start3A_118 = tpu.memref_slice %dma_start3A_115[%dma_start3A_116, %dma_start3A_117] : memref<80x128xi32, #tpu.memory_space<hbm>> -> memref<40x128xi32, #tpu.memory_space<hbm>>
      tpu.enqueue_dma source(%dma_start3A_118 : memref<40x128xi32, #tpu.memory_space<hbm>>) target(%arg6 : memref<40x128xi32, #tpu.memory_space<vmem>>) target_semaphore(%run_scoped3A : memref<!tpu.dma_semaphore, #tpu.memory_space<semaphore_mem>>)
      %dma_wait3A = arith.constant 0 : i32
      %dma_wait3A_119 = arith.constant 0 : i32
      %dma_wait3A_120 = tpu.memref_slice %arg3[%arg1, %dma_wait3A, %dma_wait3A_119] : memref<16x80x128xi32, #tpu.memory_space<hbm>> -> memref<1x80x128xi32, #tpu.memory_space<hbm>>
      %dma_wait3A_121 = tpu.memref_squeeze %dma_wait3A_120 : memref<1x80x128xi32, #tpu.memory_space<hbm>> -> memref<80x128xi32, #tpu.memory_space<hbm>>
      %dma_wait3A_122 = arith.constant 40 : i32
      %dma_wait3A_123 = arith.constant 0 : i32
      %dma_wait3A_124 = tpu.memref_slice %dma_wait3A_121[%dma_wait3A_122, %dma_wait3A_123] : memref<80x128xi32, #tpu.memory_space<hbm>> -> memref<40x128xi32, #tpu.memory_space<hbm>>
      %dma_wait3A_125 = arith.constant 0 : i32
      %dma_wait3A_126 = arith.constant 0 : i32
      %dma_wait3A_127 = tpu.memref_slice %arg3[%arg1, %dma_wait3A_125, %dma_wait3A_126] : memref<16x80x128xi32, #tpu.memory_space<hbm>> -> memref<1x80x128xi32, #tpu.memory_space<hbm>>
      %dma_wait3A_128 = tpu.memref_squeeze %dma_wait3A_127 : memref<1x80x128xi32, #tpu.memory_space<hbm>> -> memref<80x128xi32, #tpu.memory_space<hbm>>
      %dma_wait3A_129 = arith.constant 40 : i32
      %dma_wait3A_130 = arith.constant 0 : i32
      %dma_wait3A_131 = tpu.memref_slice %dma_wait3A_128[%dma_wait3A_129, %dma_wait3A_130] : memref<80x128xi32, #tpu.memory_space<hbm>> -> memref<40x128xi32, #tpu.memory_space<hbm>>
      tpu.wait_dma2 semaphore(%run_scoped3A : memref<!tpu.dma_semaphore, #tpu.memory_space<semaphore_mem>>) src(%dma_wait3A_131 : memref<40x128xi32, #tpu.memory_space<hbm>>) dst(%arg6 : memref<40x128xi32, #tpu.memory_space<vmem>>)
      tpu.yield
    }) : () -> ()
    "tpu.region"() ({
      %run_scoped3A = tpu.sem_alloc : memref<!tpu.dma_semaphore, #tpu.memory_space<semaphore_mem>>
      %dma_start3A_105 = arith.constant 0 : i32
      %dma_start3A_106 = arith.constant 0 : i32
      %dma_start3A_107 = tpu.memref_slice %arg4[%arg1, %dma_start3A_105, %dma_start3A_106] : memref<16x80x128xi32, #tpu.memory_space<hbm>> -> memref<1x80x128xi32, #tpu.memory_space<hbm>>
      %dma_start3A_108 = tpu.memref_squeeze %dma_start3A_107 : memref<1x80x128xi32, #tpu.memory_space<hbm>> -> memref<80x128xi32, #tpu.memory_space<hbm>>
      %dma_start3A_109 = arith.constant 40 : i32
      %dma_start3A_110 = arith.constant 0 : i32
      %dma_start3A_111 = tpu.memref_slice %dma_start3A_108[%dma_start3A_109, %dma_start3A_110] : memref<80x128xi32, #tpu.memory_space<hbm>> -> memref<40x128xi32, #tpu.memory_space<hbm>>
      %dma_start3A_112 = arith.constant 0 : i32
      %dma_start3A_113 = arith.constant 0 : i32
      %dma_start3A_114 = tpu.memref_slice %arg4[%arg1, %dma_start3A_112, %dma_start3A_113] : memref<16x80x128xi32, #tpu.memory_space<hbm>> -> memref<1x80x128xi32, #tpu.memory_space<hbm>>
      %dma_start3A_115 = tpu.memref_squeeze %dma_start3A_114 : memref<1x80x128xi32, #tpu.memory_space<hbm>> -> memref<80x128xi32, #tpu.memory_space<hbm>>
      %dma_start3A_116 = arith.constant 40 : i32
      %dma_start3A_117 = arith.constant 0 : i32
      %dma_start3A_118 = tpu.memref_slice %dma_start3A_115[%dma_start3A_116, %dma_start3A_117] : memref<80x128xi32, #tpu.memory_space<hbm>> -> memref<40x128xi32, #tpu.memory_space<hbm>>
      tpu.enqueue_dma source(%dma_start3A_118 : memref<40x128xi32, #tpu.memory_space<hbm>>) target(%arg7 : memref<40x128xi32, #tpu.memory_space<vmem>>) target_semaphore(%run_scoped3A : memref<!tpu.dma_semaphore, #tpu.memory_space<semaphore_mem>>)
      %dma_wait3A = arith.constant 0 : i32
      %dma_wait3A_119 = arith.constant 0 : i32
      %dma_wait3A_120 = tpu.memref_slice %arg4[%arg1, %dma_wait3A, %dma_wait3A_119] : memref<16x80x128xi32, #tpu.memory_space<hbm>> -> memref<1x80x128xi32, #tpu.memory_space<hbm>>
      %dma_wait3A_121 = tpu.memref_squeeze %dma_wait3A_120 : memref<1x80x128xi32, #tpu.memory_space<hbm>> -> memref<80x128xi32, #tpu.memory_space<hbm>>
      %dma_wait3A_122 = arith.constant 40 : i32
      %dma_wait3A_123 = arith.constant 0 : i32
      %dma_wait3A_124 = tpu.memref_slice %dma_wait3A_121[%dma_wait3A_122, %dma_wait3A_123] : memref<80x128xi32, #tpu.memory_space<hbm>> -> memref<40x128xi32, #tpu.memory_space<hbm>>
      %dma_wait3A_125 = arith.constant 0 : i32
      %dma_wait3A_126 = arith.constant 0 : i32
      %dma_wait3A_127 = tpu.memref_slice %arg4[%arg1, %dma_wait3A_125, %dma_wait3A_126] : memref<16x80x128xi32, #tpu.memory_space<hbm>> -> memref<1x80x128xi32, #tpu.memory_space<hbm>>
      %dma_wait3A_128 = tpu.memref_squeeze %dma_wait3A_127 : memref<1x80x128xi32, #tpu.memory_space<hbm>> -> memref<80x128xi32, #tpu.memory_space<hbm>>
      %dma_wait3A_129 = arith.constant 40 : i32
      %dma_wait3A_130 = arith.constant 0 : i32
      %dma_wait3A_131 = tpu.memref_slice %dma_wait3A_128[%dma_wait3A_129, %dma_wait3A_130] : memref<80x128xi32, #tpu.memory_space<hbm>> -> memref<40x128xi32, #tpu.memory_space<hbm>>
      tpu.wait_dma2 semaphore(%run_scoped3A : memref<!tpu.dma_semaphore, #tpu.memory_space<semaphore_mem>>) src(%dma_wait3A_131 : memref<40x128xi32, #tpu.memory_space<hbm>>) dst(%arg7 : memref<40x128xi32, #tpu.memory_space<vmem>>)
      tpu.yield
    }) : () -> ()
    %dma_start3A_84 = arith.constant 0 : i32
    %dma_start3A_85 = arith.constant 0 : i32
    %dma_start3A_86 = tpu.memref_slice %arg6[%dma_start3A_84, %dma_start3A_85] : memref<40x128xi32, #tpu.memory_space<vmem>> -> memref<1x128xi32, #tpu.memory_space<vmem>>
    %dma_start3A_87 = tpu.memref_squeeze %dma_start3A_86 : memref<1x128xi32, #tpu.memory_space<vmem>> -> memref<128xi32, #tpu.memory_space<vmem>>
    %dma_start3A_88 = arith.constant 0 : i32
    %dma_start3A_89 = arith.constant 0 : i32
    %dma_start3A_90 = tpu.memref_slice %arg2[%add3A_57, %dma_start3A_88, %dma_start3A_89] : memref<4x10240x128xf32, #tpu.memory_space<hbm>> -> memref<1x10240x128xf32, #tpu.memory_space<hbm>>
    %dma_start3A_91 = tpu.memref_squeeze %dma_start3A_90 : memref<1x10240x128xf32, #tpu.memory_space<hbm>> -> memref<10240x128xf32, #tpu.memory_space<hbm>>
    %dma_start3A_92 = arith.constant 0 : i32
    %dma_start3A_93 = arith.constant 0 : i32
    %dma_start3A_94 = tpu.memref_slice %dma_start3A_91[%dma_start3A_92, %dma_start3A_93] : memref<10240x128xf32, #tpu.memory_space<hbm>> -> memref<10240x128xf32, #tpu.memory_space<hbm>>
    tpu.enqueue_indirect_dma source(%dma_start3A_94 : memref<10240x128xf32, #tpu.memory_space<hbm>>) target(%arg8 : memref<128x128xf32, #tpu.memory_space<vmem>>) offsets(%dma_start3A_87 : memref<128xi32, #tpu.memory_space<vmem>>) semaphore(%arg12 : memref<!tpu.dma_semaphore, #tpu.memory_space<semaphore_mem>>)
    %scan3A_95 = arith.constant 0 : i32
    %scan3A_96 = arith.constant 0 : i32
    %scan3A_97 = arith.constant 20 : i32
    %scan3A_98 = arith.addi %scan3A_96, %scan3A_97 : i32
    %scan3A_99 = arith.constant 1 : i32
    %scan3A_100 = scf.for %scan3A_105 = %scan3A_96 to %scan3A_98 step %scan3A_99 iter_args(%scan3A_106 = %scan3A_95) -> (i32)  : i32 {
      %mul3A_107 = arith.constant 2 : i32
      %mul3A_108 = arith.muli %mul3A_107, %scan3A_105 : i32
      %add3A_109 = arith.constant 1 : i32
      %add3A_110 = arith.addi %mul3A_108, %add3A_109 : i32
      %dma_wait3A = arith.constant 0 : i32
      %dma_wait3A_111 = tpu.memref_slice %arg6[%mul3A_108, %dma_wait3A] : memref<40x128xi32, #tpu.memory_space<vmem>> -> memref<1x128xi32, #tpu.memory_space<vmem>>
      %dma_wait3A_112 = tpu.memref_squeeze %dma_wait3A_111 : memref<1x128xi32, #tpu.memory_space<vmem>> -> memref<128xi32, #tpu.memory_space<vmem>>
      %dma_wait3A_113 = arith.constant 0 : i32
      %dma_wait3A_114 = arith.constant 0 : i32
      %dma_wait3A_115 = tpu.memref_slice %arg2[%add3A_57, %dma_wait3A_113, %dma_wait3A_114] : memref<4x10240x128xf32, #tpu.memory_space<hbm>> -> memref<1x10240x128xf32, #tpu.memory_space<hbm>>
      %dma_wait3A_116 = tpu.memref_squeeze %dma_wait3A_115 : memref<1x10240x128xf32, #tpu.memory_space<hbm>> -> memref<10240x128xf32, #tpu.memory_space<hbm>>
      %dma_wait3A_117 = arith.constant 0 : i32
      %dma_wait3A_118 = arith.constant 0 : i32
      %dma_wait3A_119 = tpu.memref_slice %dma_wait3A_116[%dma_wait3A_117, %dma_wait3A_118] : memref<10240x128xf32, #tpu.memory_space<hbm>> -> memref<10240x128xf32, #tpu.memory_space<hbm>>
      tpu.wait_indirect_dma semaphore(%arg12 : memref<!tpu.dma_semaphore, #tpu.memory_space<semaphore_mem>>) src(%dma_wait3A_119 : memref<10240x128xf32, #tpu.memory_space<hbm>>) dst(%arg8 : memref<128x128xf32, #tpu.memory_space<vmem>>)
      %dma_start3A_120 = arith.constant 0 : i32
      %dma_start3A_121 = tpu.memref_slice %arg6[%add3A_110, %dma_start3A_120] : memref<40x128xi32, #tpu.memory_space<vmem>> -> memref<1x128xi32, #tpu.memory_space<vmem>>
      %dma_start3A_122 = tpu.memref_squeeze %dma_start3A_121 : memref<1x128xi32, #tpu.memory_space<vmem>> -> memref<128xi32, #tpu.memory_space<vmem>>
      %dma_start3A_123 = arith.constant 0 : i32
      %dma_start3A_124 = arith.constant 0 : i32
      %dma_start3A_125 = tpu.memref_slice %arg2[%add3A_57, %dma_start3A_123, %dma_start3A_124] : memref<4x10240x128xf32, #tpu.memory_space<hbm>> -> memref<1x10240x128xf32, #tpu.memory_space<hbm>>
      %dma_start3A_126 = tpu.memref_squeeze %dma_start3A_125 : memref<1x10240x128xf32, #tpu.memory_space<hbm>> -> memref<10240x128xf32, #tpu.memory_space<hbm>>
      %dma_start3A_127 = arith.constant 0 : i32
      %dma_start3A_128 = arith.constant 0 : i32
      %dma_start3A_129 = tpu.memref_slice %dma_start3A_126[%dma_start3A_127, %dma_start3A_128] : memref<10240x128xf32, #tpu.memory_space<hbm>> -> memref<10240x128xf32, #tpu.memory_space<hbm>>
      tpu.enqueue_indirect_dma source(%dma_start3A_129 : memref<10240x128xf32, #tpu.memory_space<hbm>>) target(%arg9 : memref<128x128xf32, #tpu.memory_space<vmem>>) offsets(%dma_start3A_122 : memref<128xi32, #tpu.memory_space<vmem>>) semaphore(%arg13 : memref<!tpu.dma_semaphore, #tpu.memory_space<semaphore_mem>>)
      "tpu.region"() ({
        %run_scoped3A = tpu.sem_alloc : memref<!tpu.dma_semaphore, #tpu.memory_space<semaphore_mem>>
        %dma_start3A_145 = arith.constant 0 : i32
        %dma_start3A_146 = tpu.memref_slice %arg7[%mul3A_108, %dma_start3A_145] : memref<40x128xi32, #tpu.memory_space<vmem>> -> memref<1x128xi32, #tpu.memory_space<vmem>>
        %dma_start3A_147 = tpu.memref_squeeze %dma_start3A_146 : memref<1x128xi32, #tpu.memory_space<vmem>> -> memref<128xi32, #tpu.memory_space<vmem>>
        %dma_start3A_148 = arith.constant 0 : i32
        %dma_start3A_149 = arith.constant 0 : i32
        %dma_start3A_150 = tpu.memref_slice %arg11[%dma_start3A_148, %dma_start3A_149] : memref<10240x128xf32, #tpu.memory_space<vmem_shared>> -> memref<10240x128xf32, #tpu.memory_space<vmem_shared>>
        tpu.enqueue_indirect_dma source(%arg8 : memref<128x128xf32, #tpu.memory_space<vmem>>) target(%dma_start3A_150 : memref<10240x128xf32, #tpu.memory_space<vmem_shared>>) offsets(%dma_start3A_147 : memref<128xi32, #tpu.memory_space<vmem>>) semaphore(%run_scoped3A : memref<!tpu.dma_semaphore, #tpu.memory_space<semaphore_mem>>) {add = true}
        %dma_wait3A_151 = arith.constant 0 : i32
        %dma_wait3A_152 = tpu.memref_slice %arg7[%mul3A_108, %dma_wait3A_151] : memref<40x128xi32, #tpu.memory_space<vmem>> -> memref<1x128xi32, #tpu.memory_space<vmem>>
        %dma_wait3A_153 = tpu.memref_squeeze %dma_wait3A_152 : memref<1x128xi32, #tpu.memory_space<vmem>> -> memref<128xi32, #tpu.memory_space<vmem>>
        %dma_wait3A_154 = arith.constant 0 : i32
        %dma_wait3A_155 = arith.constant 0 : i32
        %dma_wait3A_156 = tpu.memref_slice %arg11[%dma_wait3A_154, %dma_wait3A_155] : memref<10240x128xf32, #tpu.memory_space<vmem_shared>> -> memref<10240x128xf32, #tpu.memory_space<vmem_shared>>
        tpu.wait_indirect_dma semaphore(%run_scoped3A : memref<!tpu.dma_semaphore, #tpu.memory_space<semaphore_mem>>) src(%arg8 : memref<128x128xf32, #tpu.memory_space<vmem>>) dst(%dma_wait3A_156 : memref<10240x128xf32, #tpu.memory_space<vmem_shared>>)
        tpu.yield
      }) : () -> ()
      %dma_wait3A_130 = arith.constant 0 : i32
      %dma_wait3A_131 = tpu.memref_slice %arg6[%add3A_110, %dma_wait3A_130] : memref<40x128xi32, #tpu.memory_space<vmem>> -> memref<1x128xi32, #tpu.memory_space<vmem>>
      %dma_wait3A_132 = tpu.memref_squeeze %dma_wait3A_131 : memref<1x128xi32, #tpu.memory_space<vmem>> -> memref<128xi32, #tpu.memory_space<vmem>>
      %dma_wait3A_133 = arith.constant 0 : i32
      %dma_wait3A_134 = arith.constant 0 : i32
      %dma_wait3A_135 = tpu.memref_slice %arg2[%add3A_57, %dma_wait3A_133, %dma_wait3A_134] : memref<4x10240x128xf32, #tpu.memory_space<hbm>> -> memref<1x10240x128xf32, #tpu.memory_space<hbm>>
      %dma_wait3A_136 = tpu.memref_squeeze %dma_wait3A_135 : memref<1x10240x128xf32, #tpu.memory_space<hbm>> -> memref<10240x128xf32, #tpu.memory_space<hbm>>
      %dma_wait3A_137 = arith.constant 0 : i32
      %dma_wait3A_138 = arith.constant 0 : i32
      %dma_wait3A_139 = tpu.memref_slice %dma_wait3A_136[%dma_wait3A_137, %dma_wait3A_138] : memref<10240x128xf32, #tpu.memory_space<hbm>> -> memref<10240x128xf32, #tpu.memory_space<hbm>>
      tpu.wait_indirect_dma semaphore(%arg13 : memref<!tpu.dma_semaphore, #tpu.memory_space<semaphore_mem>>) src(%dma_wait3A_139 : memref<10240x128xf32, #tpu.memory_space<hbm>>) dst(%arg9 : memref<128x128xf32, #tpu.memory_space<vmem>>)
      %add3A_140 = arith.constant 1 : i32
      %add3A_141 = arith.addi %scan3A_105, %add3A_140 : i32
      %lt3A = arith.constant 20 : i32
      %lt3A_142 = arith.cmpi slt, %add3A_141, %lt3A : i32
      %convert_element_type3A = arith.extui %lt3A_142 : i1 to i32
      %cond3A = arith.constant 0 : i32
      %cond3A_143 = arith.cmpi ne, %convert_element_type3A, %cond3A : i32
      scf.if %cond3A_143 {
        %add3A_145 = arith.constant 1 : i32
        %add3A_146 = arith.addi %add3A_110, %add3A_145 : i32
        %dma_start3A_147 = arith.constant 0 : i32
        %dma_start3A_148 = tpu.memref_slice %arg6[%add3A_146, %dma_start3A_147] : memref<40x128xi32, #tpu.memory_space<vmem>> -> memref<1x128xi32, #tpu.memory_space<vmem>>
        %dma_start3A_149 = tpu.memref_squeeze %dma_start3A_148 : memref<1x128xi32, #tpu.memory_space<vmem>> -> memref<128xi32, #tpu.memory_space<vmem>>
        %dma_start3A_150 = arith.constant 0 : i32
        %dma_start3A_151 = arith.constant 0 : i32
        %dma_start3A_152 = tpu.memref_slice %arg2[%add3A_57, %dma_start3A_150, %dma_start3A_151] : memref<4x10240x128xf32, #tpu.memory_space<hbm>> -> memref<1x10240x128xf32, #tpu.memory_space<hbm>>
        %dma_start3A_153 = tpu.memref_squeeze %dma_start3A_152 : memref<1x10240x128xf32, #tpu.memory_space<hbm>> -> memref<10240x128xf32, #tpu.memory_space<hbm>>
        %dma_start3A_154 = arith.constant 0 : i32
        %dma_start3A_155 = arith.constant 0 : i32
        %dma_start3A_156 = tpu.memref_slice %dma_start3A_153[%dma_start3A_154, %dma_start3A_155] : memref<10240x128xf32, #tpu.memory_space<hbm>> -> memref<10240x128xf32, #tpu.memory_space<hbm>>
        tpu.enqueue_indirect_dma source(%dma_start3A_156 : memref<10240x128xf32, #tpu.memory_space<hbm>>) target(%arg8 : memref<128x128xf32, #tpu.memory_space<vmem>>) offsets(%dma_start3A_149 : memref<128xi32, #tpu.memory_space<vmem>>) semaphore(%arg12 : memref<!tpu.dma_semaphore, #tpu.memory_space<semaphore_mem>>)
      } else {
      }
      "tpu.region"() ({
        %run_scoped3A = tpu.sem_alloc : memref<!tpu.dma_semaphore, #tpu.memory_space<semaphore_mem>>
        %dma_start3A_145 = arith.constant 0 : i32
        %dma_start3A_146 = tpu.memref_slice %arg7[%add3A_110, %dma_start3A_145] : memref<40x128xi32, #tpu.memory_space<vmem>> -> memref<1x128xi32, #tpu.memory_space<vmem>>
        %dma_start3A_147 = tpu.memref_squeeze %dma_start3A_146 : memref<1x128xi32, #tpu.memory_space<vmem>> -> memref<128xi32, #tpu.memory_space<vmem>>
        %dma_start3A_148 = arith.constant 0 : i32
        %dma_start3A_149 = arith.constant 0 : i32
        %dma_start3A_150 = tpu.memref_slice %arg11[%dma_start3A_148, %dma_start3A_149] : memref<10240x128xf32, #tpu.memory_space<vmem_shared>> -> memref<10240x128xf32, #tpu.memory_space<vmem_shared>>
        tpu.enqueue_indirect_dma source(%arg9 : memref<128x128xf32, #tpu.memory_space<vmem>>) target(%dma_start3A_150 : memref<10240x128xf32, #tpu.memory_space<vmem_shared>>) offsets(%dma_start3A_147 : memref<128xi32, #tpu.memory_space<vmem>>) semaphore(%run_scoped3A : memref<!tpu.dma_semaphore, #tpu.memory_space<semaphore_mem>>) {add = true}
        %dma_wait3A_151 = arith.constant 0 : i32
        %dma_wait3A_152 = tpu.memref_slice %arg7[%add3A_110, %dma_wait3A_151] : memref<40x128xi32, #tpu.memory_space<vmem>> -> memref<1x128xi32, #tpu.memory_space<vmem>>
        %dma_wait3A_153 = tpu.memref_squeeze %dma_wait3A_152 : memref<1x128xi32, #tpu.memory_space<vmem>> -> memref<128xi32, #tpu.memory_space<vmem>>
        %dma_wait3A_154 = arith.constant 0 : i32
        %dma_wait3A_155 = arith.constant 0 : i32
        %dma_wait3A_156 = tpu.memref_slice %arg11[%dma_wait3A_154, %dma_wait3A_155] : memref<10240x128xf32, #tpu.memory_space<vmem_shared>> -> memref<10240x128xf32, #tpu.memory_space<vmem_shared>>
        tpu.wait_indirect_dma semaphore(%run_scoped3A : memref<!tpu.dma_semaphore, #tpu.memory_space<semaphore_mem>>) src(%arg9 : memref<128x128xf32, #tpu.memory_space<vmem>>) dst(%dma_wait3A_156 : memref<10240x128xf32, #tpu.memory_space<vmem_shared>>)
        tpu.yield
      }) : () -> ()
      %scan3A_144 = arith.constant 0 : i32
      scf.yield %scan3A_144 : i32
    }
    %scan3A_101 = arith.constant 20 : i32
    %barrier3A_102 = arith.constant 0 : index
    tpu.barrier barrier_id(%barrier3A_102)
    %mul3A_103 = arith.constant 640 : i32
    %mul3A_104 = arith.muli %arg1, %mul3A_103 : i32
    "tpu.region"() ({
      %run_scoped3A = tpu.sem_alloc : memref<!tpu.dma_semaphore, #tpu.memory_space<semaphore_mem>>
      %dma_start3A_105 = arith.constant 0 : i32
      %dma_start3A_106 = arith.constant 0 : i32
      %dma_start3A_107 = tpu.memref_slice %arg5[%add3A_57, %dma_start3A_105, %dma_start3A_106] : memref<4x10240x128xf32, #tpu.memory_space<hbm>> -> memref<1x10240x128xf32, #tpu.memory_space<hbm>>
      %dma_start3A_108 = tpu.memref_squeeze %dma_start3A_107 : memref<1x10240x128xf32, #tpu.memory_space<hbm>> -> memref<10240x128xf32, #tpu.memory_space<hbm>>
      %dma_start3A_109 = arith.constant 0 : i32
      %dma_start3A_110 = tpu.memref_slice %dma_start3A_108[%mul3A_104, %dma_start3A_109] : memref<10240x128xf32, #tpu.memory_space<hbm>> -> memref<640x128xf32, #tpu.memory_space<hbm>>
      %dma_start3A_111 = arith.constant 0 : i32
      %dma_start3A_112 = tpu.memref_slice %arg11[%mul3A_104, %dma_start3A_111] : memref<10240x128xf32, #tpu.memory_space<vmem_shared>> -> memref<640x128xf32, #tpu.memory_space<vmem_shared>>
      tpu.enqueue_dma source(%dma_start3A_112 : memref<640x128xf32, #tpu.memory_space<vmem_shared>>) target(%dma_start3A_110 : memref<640x128xf32, #tpu.memory_space<hbm>>) target_semaphore(%run_scoped3A : memref<!tpu.dma_semaphore, #tpu.memory_space<semaphore_mem>>)
      %dma_wait3A = arith.constant 0 : i32
      %dma_wait3A_113 = arith.constant 0 : i32
      %dma_wait3A_114 = tpu.memref_slice %arg5[%add3A_57, %dma_wait3A, %dma_wait3A_113] : memref<4x10240x128xf32, #tpu.memory_space<hbm>> -> memref<1x10240x128xf32, #tpu.memory_space<hbm>>
      %dma_wait3A_115 = tpu.memref_squeeze %dma_wait3A_114 : memref<1x10240x128xf32, #tpu.memory_space<hbm>> -> memref<10240x128xf32, #tpu.memory_space<hbm>>
      %dma_wait3A_116 = arith.constant 0 : i32
      %dma_wait3A_117 = tpu.memref_slice %dma_wait3A_115[%mul3A_104, %dma_wait3A_116] : memref<10240x128xf32, #tpu.memory_space<hbm>> -> memref<640x128xf32, #tpu.memory_space<hbm>>
      %dma_wait3A_118 = arith.constant 0 : i32
      %dma_wait3A_119 = tpu.memref_slice %arg11[%mul3A_104, %dma_wait3A_118] : memref<10240x128xf32, #tpu.memory_space<vmem_shared>> -> memref<640x128xf32, #tpu.memory_space<vmem_shared>>
      tpu.wait_dma2 semaphore(%run_scoped3A : memref<!tpu.dma_semaphore, #tpu.memory_space<semaphore_mem>>) src(%dma_wait3A_119 : memref<640x128xf32, #tpu.memory_space<vmem_shared>>) dst(%dma_wait3A_117 : memref<640x128xf32, #tpu.memory_space<hbm>>)
      tpu.yield
    }) : () -> ()
    return
  }
}

#map = affine_map<(d0, d1) -> (0, 0, 0)>
module attributes {stable_mosaic.version = 14 : i64} {
  func.func @_sc_edge_agg_body(%arg0: i32, %arg1: i32, %arg2: memref<4x10240x128xf32, #tpu.memory_space<hbm>>, %arg3: memref<16x80x128xi32, #tpu.memory_space<hbm>>, %arg4: memref<16x80x128xi32, #tpu.memory_space<hbm>>, %arg5: memref<4x10240x128xf32, #tpu.memory_space<hbm>>, %arg6: memref<40x128xi32, #tpu.memory_space<vmem>>, %arg7: memref<40x128xi32, #tpu.memory_space<vmem>>, %arg8: memref<128x128xf32, #tpu.memory_space<vmem>>, %arg9: memref<128x128xf32, #tpu.memory_space<vmem>>, %arg10: memref<16x128xf32, #tpu.memory_space<vmem>>, %arg11: memref<10240x128xf32, #tpu.memory_space<vmem_shared>>, %arg12: memref<!tpu.dma_semaphore, #tpu.memory_space<semaphore_mem>>, %arg13: memref<!tpu.dma_semaphore, #tpu.memory_space<semaphore_mem>>) attributes {dimension_semantics = [#tpu.dimension_semantics<core_parallel>, #tpu.dimension_semantics<subcore_parallel>], iteration_bounds = array<i64: 2, 16>, scalar_prefetch = 0 : i64, scratch_operands = 8 : i64, tpu.core_type = #tpu.core_type<sc_vector_subcore>, window_params = [{transform_indices = #map}, {transform_indices = #map}, {transform_indices = #map}, {transform_indices = #map}]} {
    %scan3A = arith.constant 0 : i32
    %scan3A_0 = arith.constant 0 : i32
    %scan3A_1 = arith.constant 16 : i32
    %scan3A_2 = arith.addi %scan3A_0, %scan3A_1 : i32
    %scan3A_3 = arith.constant 1 : i32
    %scan3A_4 = scf.for %scan3A_105 = %scan3A_0 to %scan3A_2 step %scan3A_3 iter_args(%scan3A_106 = %scan3A) -> (i32)  : i32 {
      %scan3A_107 = arith.constant 0 : i32
      %scan3A_108 = arith.constant 0 : i32
      %scan3A_109 = arith.constant 8 : i32
      %scan3A_110 = arith.addi %scan3A_108, %scan3A_109 : i32
      %scan3A_111 = arith.constant 1 : i32
      %scan3A_112 = scf.for %scan3A_114 = %scan3A_108 to %scan3A_110 step %scan3A_111 iter_args(%scan3A_115 = %scan3A_107) -> (i32)  : i32 {
        %broadcast_in_dim3A = arith.constant 0.000000e+00 : f32
        %broadcast_in_dim3A_116 = vector.broadcast %broadcast_in_dim3A : f32 to vector<16xf32>
        %mul3A_117 = arith.constant 16 : i32
        %mul3A_118 = arith.muli %scan3A_114, %mul3A_117 : i32
        %swap3A = arith.index_cast %scan3A_105 : i32 to index
        %swap3A_119 = arith.index_cast %mul3A_118 : i32 to index
        %swap3A_120 = tpu.vector_load %arg10[%swap3A, %swap3A_119] {strides = array<i32>} : memref<16x128xf32, #tpu.memory_space<vmem>>, vector<1x16xf32>,
        %swap3A_121 = vector.shape_cast %swap3A_120 : vector<1x16xf32> to vector<16xf32>
        %swap3A_122 = vector.shape_cast %broadcast_in_dim3A_116 : vector<16xf32> to vector<1x16xf32>
        tpu.vector_store %arg10[%swap3A, %swap3A_119], %swap3A_122 {strides = array<i32>} : memref<16x128xf32, #tpu.memory_space<vmem>>, vector<1x16xf32>,
        %scan3A_123 = arith.constant 0 : i32
        scf.yield %scan3A_123 : i32
      }
      %scan3A_113 = arith.constant 8 : i32
      scf.yield %scan3A_112 : i32
    }
    %scan3A_5 = arith.constant 16 : i32
    %mul3A = arith.constant 2 : i32
    %mul3A_6 = arith.muli %arg0, %mul3A : i32
    %add3A = arith.constant 0 : i32
    %add3A_7 = arith.addi %mul3A_6, %add3A : i32
    %scan3A_8 = arith.constant 0 : i32
    %scan3A_9 = arith.constant 0 : i32
    %scan3A_10 = arith.constant 40 : i32
    %scan3A_11 = arith.addi %scan3A_9, %scan3A_10 : i32
    %scan3A_12 = arith.constant 1 : i32
    %scan3A_13 = scf.for %scan3A_105 = %scan3A_9 to %scan3A_11 step %scan3A_12 iter_args(%scan3A_106 = %scan3A_8) -> (i32)  : i32 {
      %mul3A_107 = arith.constant 640 : i32
      %mul3A_108 = arith.muli %arg1, %mul3A_107 : i32
      %mul3A_109 = arith.constant 16 : i32
      %mul3A_110 = arith.muli %scan3A_105, %mul3A_109 : i32
      %add3A_111 = arith.addi %mul3A_108, %mul3A_110 : i32
      "tpu.region"() ({
        %run_scoped3A = tpu.sem_alloc : memref<!tpu.dma_semaphore, #tpu.memory_space<semaphore_mem>>
        %dma_start3A_113 = arith.constant 0 : i32
        %dma_start3A_114 = tpu.memref_slice %arg11[%add3A_111, %dma_start3A_113] : memref<10240x128xf32, #tpu.memory_space<vmem_shared>> -> memref<16x128xf32, #tpu.memory_space<vmem_shared>>
        %dma_start3A_115 = arith.constant 0 : i32
        %dma_start3A_116 = tpu.memref_slice %arg11[%add3A_111, %dma_start3A_115] : memref<10240x128xf32, #tpu.memory_space<vmem_shared>> -> memref<16x128xf32, #tpu.memory_space<vmem_shared>>
        tpu.enqueue_dma source(%arg10 : memref<16x128xf32, #tpu.memory_space<vmem>>) target(%dma_start3A_116 : memref<16x128xf32, #tpu.memory_space<vmem_shared>>) target_semaphore(%run_scoped3A : memref<!tpu.dma_semaphore, #tpu.memory_space<semaphore_mem>>)
        %dma_wait3A = arith.constant 0 : i32
        %dma_wait3A_117 = tpu.memref_slice %arg11[%add3A_111, %dma_wait3A] : memref<10240x128xf32, #tpu.memory_space<vmem_shared>> -> memref<16x128xf32, #tpu.memory_space<vmem_shared>>
        %dma_wait3A_118 = arith.constant 0 : i32
        %dma_wait3A_119 = tpu.memref_slice %arg11[%add3A_111, %dma_wait3A_118] : memref<10240x128xf32, #tpu.memory_space<vmem_shared>> -> memref<16x128xf32, #tpu.memory_space<vmem_shared>>
        tpu.wait_dma2 semaphore(%run_scoped3A : memref<!tpu.dma_semaphore, #tpu.memory_space<semaphore_mem>>) src(%arg10 : memref<16x128xf32, #tpu.memory_space<vmem>>) dst(%dma_wait3A_119 : memref<16x128xf32, #tpu.memory_space<vmem_shared>>)
        tpu.yield
      }) : () -> ()
      %scan3A_112 = arith.constant 0 : i32
      scf.yield %scan3A_112 : i32
    }
    %scan3A_14 = arith.constant 40 : i32
    %barrier3A = arith.constant 0 : index
    tpu.barrier barrier_id(%barrier3A)
    "tpu.region"() ({
      %run_scoped3A = tpu.sem_alloc : memref<!tpu.dma_semaphore, #tpu.memory_space<semaphore_mem>>
      %dma_start3A_105 = arith.constant 0 : i32
      %dma_start3A_106 = arith.constant 0 : i32
      %dma_start3A_107 = tpu.memref_slice %arg3[%arg1, %dma_start3A_105, %dma_start3A_106] : memref<16x80x128xi32, #tpu.memory_space<hbm>> -> memref<1x80x128xi32, #tpu.memory_space<hbm>>
      %dma_start3A_108 = tpu.memref_squeeze %dma_start3A_107 : memref<1x80x128xi32, #tpu.memory_space<hbm>> -> memref<80x128xi32, #tpu.memory_space<hbm>>
      %dma_start3A_109 = arith.constant 0 : i32
      %dma_start3A_110 = arith.constant 0 : i32
      %dma_start3A_111 = tpu.memref_slice %dma_start3A_108[%dma_start3A_109, %dma_start3A_110] : memref<80x128xi32, #tpu.memory_space<hbm>> -> memref<40x128xi32, #tpu.memory_space<hbm>>
      %dma_start3A_112 = arith.constant 0 : i32
      %dma_start3A_113 = arith.constant 0 : i32
      %dma_start3A_114 = tpu.memref_slice %arg3[%arg1, %dma_start3A_112, %dma_start3A_113] : memref<16x80x128xi32, #tpu.memory_space<hbm>> -> memref<1x80x128xi32, #tpu.memory_space<hbm>>
      %dma_start3A_115 = tpu.memref_squeeze %dma_start3A_114 : memref<1x80x128xi32, #tpu.memory_space<hbm>> -> memref<80x128xi32, #tpu.memory_space<hbm>>
      %dma_start3A_116 = arith.constant 0 : i32
      %dma_start3A_117 = arith.constant 0 : i32
      %dma_start3A_118 = tpu.memref_slice %dma_start3A_115[%dma_start3A_116, %dma_start3A_117] : memref<80x128xi32, #tpu.memory_space<hbm>> -> memref<40x128xi32, #tpu.memory_space<hbm>>
      tpu.enqueue_dma source(%dma_start3A_118 : memref<40x128xi32, #tpu.memory_space<hbm>>) target(%arg6 : memref<40x128xi32, #tpu.memory_space<vmem>>) target_semaphore(%run_scoped3A : memref<!tpu.dma_semaphore, #tpu.memory_space<semaphore_mem>>)
      %dma_wait3A = arith.constant 0 : i32
      %dma_wait3A_119 = arith.constant 0 : i32
      %dma_wait3A_120 = tpu.memref_slice %arg3[%arg1, %dma_wait3A, %dma_wait3A_119] : memref<16x80x128xi32, #tpu.memory_space<hbm>> -> memref<1x80x128xi32, #tpu.memory_space<hbm>>
      %dma_wait3A_121 = tpu.memref_squeeze %dma_wait3A_120 : memref<1x80x128xi32, #tpu.memory_space<hbm>> -> memref<80x128xi32, #tpu.memory_space<hbm>>
      %dma_wait3A_122 = arith.constant 0 : i32
      %dma_wait3A_123 = arith.constant 0 : i32
      %dma_wait3A_124 = tpu.memref_slice %dma_wait3A_121[%dma_wait3A_122, %dma_wait3A_123] : memref<80x128xi32, #tpu.memory_space<hbm>> -> memref<40x128xi32, #tpu.memory_space<hbm>>
      %dma_wait3A_125 = arith.constant 0 : i32
      %dma_wait3A_126 = arith.constant 0 : i32
      %dma_wait3A_127 = tpu.memref_slice %arg3[%arg1, %dma_wait3A_125, %dma_wait3A_126] : memref<16x80x128xi32, #tpu.memory_space<hbm>> -> memref<1x80x128xi32, #tpu.memory_space<hbm>>
      %dma_wait3A_128 = tpu.memref_squeeze %dma_wait3A_127 : memref<1x80x128xi32, #tpu.memory_space<hbm>> -> memref<80x128xi32, #tpu.memory_space<hbm>>
      %dma_wait3A_129 = arith.constant 0 : i32
      %dma_wait3A_130 = arith.constant 0 : i32
      %dma_wait3A_131 = tpu.memref_slice %dma_wait3A_128[%dma_wait3A_129, %dma_wait3A_130] : memref<80x128xi32, #tpu.memory_space<hbm>> -> memref<40x128xi32, #tpu.memory_space<hbm>>
      tpu.wait_dma2 semaphore(%run_scoped3A : memref<!tpu.dma_semaphore, #tpu.memory_space<semaphore_mem>>) src(%dma_wait3A_131 : memref<40x128xi32, #tpu.memory_space<hbm>>) dst(%arg6 : memref<40x128xi32, #tpu.memory_space<vmem>>)
      tpu.yield
    }) : () -> ()
    "tpu.region"() ({
      %run_scoped3A = tpu.sem_alloc : memref<!tpu.dma_semaphore, #tpu.memory_space<semaphore_mem>>
      %dma_start3A_105 = arith.constant 0 : i32
      %dma_start3A_106 = arith.constant 0 : i32
      %dma_start3A_107 = tpu.memref_slice %arg4[%arg1, %dma_start3A_105, %dma_start3A_106] : memref<16x80x128xi32, #tpu.memory_space<hbm>> -> memref<1x80x128xi32, #tpu.memory_space<hbm>>
      %dma_start3A_108 = tpu.memref_squeeze %dma_start3A_107 : memref<1x80x128xi32, #tpu.memory_space<hbm>> -> memref<80x128xi32, #tpu.memory_space<hbm>>
      %dma_start3A_109 = arith.constant 0 : i32
      %dma_start3A_110 = arith.constant 0 : i32
      %dma_start3A_111 = tpu.memref_slice %dma_start3A_108[%dma_start3A_109, %dma_start3A_110] : memref<80x128xi32, #tpu.memory_space<hbm>> -> memref<40x128xi32, #tpu.memory_space<hbm>>
      %dma_start3A_112 = arith.constant 0 : i32
      %dma_start3A_113 = arith.constant 0 : i32
      %dma_start3A_114 = tpu.memref_slice %arg4[%arg1, %dma_start3A_112, %dma_start3A_113] : memref<16x80x128xi32, #tpu.memory_space<hbm>> -> memref<1x80x128xi32, #tpu.memory_space<hbm>>
      %dma_start3A_115 = tpu.memref_squeeze %dma_start3A_114 : memref<1x80x128xi32, #tpu.memory_space<hbm>> -> memref<80x128xi32, #tpu.memory_space<hbm>>
      %dma_start3A_116 = arith.constant 0 : i32
      %dma_start3A_117 = arith.constant 0 : i32
      %dma_start3A_118 = tpu.memref_slice %dma_start3A_115[%dma_start3A_116, %dma_start3A_117] : memref<80x128xi32, #tpu.memory_space<hbm>> -> memref<40x128xi32, #tpu.memory_space<hbm>>
      tpu.enqueue_dma source(%dma_start3A_118 : memref<40x128xi32, #tpu.memory_space<hbm>>) target(%arg7 : memref<40x128xi32, #tpu.memory_space<vmem>>) target_semaphore(%run_scoped3A : memref<!tpu.dma_semaphore, #tpu.memory_space<semaphore_mem>>)
      %dma_wait3A = arith.constant 0 : i32
      %dma_wait3A_119 = arith.constant 0 : i32
      %dma_wait3A_120 = tpu.memref_slice %arg4[%arg1, %dma_wait3A, %dma_wait3A_119] : memref<16x80x128xi32, #tpu.memory_space<hbm>> -> memref<1x80x128xi32, #tpu.memory_space<hbm>>
      %dma_wait3A_121 = tpu.memref_squeeze %dma_wait3A_120 : memref<1x80x128xi32, #tpu.memory_space<hbm>> -> memref<80x128xi32, #tpu.memory_space<hbm>>
      %dma_wait3A_122 = arith.constant 0 : i32
      %dma_wait3A_123 = arith.constant 0 : i32
      %dma_wait3A_124 = tpu.memref_slice %dma_wait3A_121[%dma_wait3A_122, %dma_wait3A_123] : memref<80x128xi32, #tpu.memory_space<hbm>> -> memref<40x128xi32, #tpu.memory_space<hbm>>
      %dma_wait3A_125 = arith.constant 0 : i32
      %dma_wait3A_126 = arith.constant 0 : i32
      %dma_wait3A_127 = tpu.memref_slice %arg4[%arg1, %dma_wait3A_125, %dma_wait3A_126] : memref<16x80x128xi32, #tpu.memory_space<hbm>> -> memref<1x80x128xi32, #tpu.memory_space<hbm>>
      %dma_wait3A_128 = tpu.memref_squeeze %dma_wait3A_127 : memref<1x80x128xi32, #tpu.memory_space<hbm>> -> memref<80x128xi32, #tpu.memory_space<hbm>>
      %dma_wait3A_129 = arith.constant 0 : i32
      %dma_wait3A_130 = arith.constant 0 : i32
      %dma_wait3A_131 = tpu.memref_slice %dma_wait3A_128[%dma_wait3A_129, %dma_wait3A_130] : memref<80x128xi32, #tpu.memory_space<hbm>> -> memref<40x128xi32, #tpu.memory_space<hbm>>
      tpu.wait_dma2 semaphore(%run_scoped3A : memref<!tpu.dma_semaphore, #tpu.memory_space<semaphore_mem>>) src(%dma_wait3A_131 : memref<40x128xi32, #tpu.memory_space<hbm>>) dst(%arg7 : memref<40x128xi32, #tpu.memory_space<vmem>>)
      tpu.yield
    }) : () -> ()
    %dma_start3A = arith.constant 0 : i32
    %dma_start3A_15 = arith.constant 0 : i32
    %dma_start3A_16 = tpu.memref_slice %arg6[%dma_start3A, %dma_start3A_15] : memref<40x128xi32, #tpu.memory_space<vmem>> -> memref<1x128xi32, #tpu.memory_space<vmem>>
    %dma_start3A_17 = tpu.memref_squeeze %dma_start3A_16 : memref<1x128xi32, #tpu.memory_space<vmem>> -> memref<128xi32, #tpu.memory_space<vmem>>
    %dma_start3A_18 = arith.constant 0 : i32
    %dma_start3A_19 = arith.constant 0 : i32
    %dma_start3A_20 = tpu.memref_slice %arg2[%add3A_7, %dma_start3A_18, %dma_start3A_19] : memref<4x10240x128xf32, #tpu.memory_space<hbm>> -> memref<1x10240x128xf32, #tpu.memory_space<hbm>>
    %dma_start3A_21 = tpu.memref_squeeze %dma_start3A_20 : memref<1x10240x128xf32, #tpu.memory_space<hbm>> -> memref<10240x128xf32, #tpu.memory_space<hbm>>
    %dma_start3A_22 = arith.constant 0 : i32
    %dma_start3A_23 = arith.constant 0 : i32
    %dma_start3A_24 = tpu.memref_slice %dma_start3A_21[%dma_start3A_22, %dma_start3A_23] : memref<10240x128xf32, #tpu.memory_space<hbm>> -> memref<10240x128xf32, #tpu.memory_space<hbm>>
    tpu.enqueue_indirect_dma source(%dma_start3A_24 : memref<10240x128xf32, #tpu.memory_space<hbm>>) target(%arg8 : memref<128x128xf32, #tpu.memory_space<vmem>>) offsets(%dma_start3A_17 : memref<128xi32, #tpu.memory_space<vmem>>) semaphore(%arg12 : memref<!tpu.dma_semaphore, #tpu.memory_space<semaphore_mem>>)
    %scan3A_25 = arith.constant 0 : i32
    %scan3A_26 = arith.constant 0 : i32
    %scan3A_27 = arith.constant 20 : i32
    %scan3A_28 = arith.addi %scan3A_26, %scan3A_27 : i32
    %scan3A_29 = arith.constant 1 : i32
    %scan3A_30 = scf.for %scan3A_105 = %scan3A_26 to %scan3A_28 step %scan3A_29 iter_args(%scan3A_106 = %scan3A_25) -> (i32)  : i32 {
      %mul3A_107 = arith.constant 2 : i32
      %mul3A_108 = arith.muli %mul3A_107, %scan3A_105 : i32
      %add3A_109 = arith.constant 1 : i32
      %add3A_110 = arith.addi %mul3A_108, %add3A_109 : i32
      %dma_wait3A = arith.constant 0 : i32
      %dma_wait3A_111 = tpu.memref_slice %arg6[%mul3A_108, %dma_wait3A] : memref<40x128xi32, #tpu.memory_space<vmem>> -> memref<1x128xi32, #tpu.memory_space<vmem>>
      %dma_wait3A_112 = tpu.memref_squeeze %dma_wait3A_111 : memref<1x128xi32, #tpu.memory_space<vmem>> -> memref<128xi32, #tpu.memory_space<vmem>>
      %dma_wait3A_113 = arith.constant 0 : i32
      %dma_wait3A_114 = arith.constant 0 : i32
      %dma_wait3A_115 = tpu.memref_slice %arg2[%add3A_7, %dma_wait3A_113, %dma_wait3A_114] : memref<4x10240x128xf32, #tpu.memory_space<hbm>> -> memref<1x10240x128xf32, #tpu.memory_space<hbm>>
      %dma_wait3A_116 = tpu.memref_squeeze %dma_wait3A_115 : memref<1x10240x128xf32, #tpu.memory_space<hbm>> -> memref<10240x128xf32, #tpu.memory_space<hbm>>
      %dma_wait3A_117 = arith.constant 0 : i32
      %dma_wait3A_118 = arith.constant 0 : i32
      %dma_wait3A_119 = tpu.memref_slice %dma_wait3A_116[%dma_wait3A_117, %dma_wait3A_118] : memref<10240x128xf32, #tpu.memory_space<hbm>> -> memref<10240x128xf32, #tpu.memory_space<hbm>>
      tpu.wait_indirect_dma semaphore(%arg12 : memref<!tpu.dma_semaphore, #tpu.memory_space<semaphore_mem>>) src(%dma_wait3A_119 : memref<10240x128xf32, #tpu.memory_space<hbm>>) dst(%arg8 : memref<128x128xf32, #tpu.memory_space<vmem>>)
      %dma_start3A_120 = arith.constant 0 : i32
      %dma_start3A_121 = tpu.memref_slice %arg6[%add3A_110, %dma_start3A_120] : memref<40x128xi32, #tpu.memory_space<vmem>> -> memref<1x128xi32, #tpu.memory_space<vmem>>
      %dma_start3A_122 = tpu.memref_squeeze %dma_start3A_121 : memref<1x128xi32, #tpu.memory_space<vmem>> -> memref<128xi32, #tpu.memory_space<vmem>>
      %dma_start3A_123 = arith.constant 0 : i32
      %dma_start3A_124 = arith.constant 0 : i32
      %dma_start3A_125 = tpu.memref_slice %arg2[%add3A_7, %dma_start3A_123, %dma_start3A_124] : memref<4x10240x128xf32, #tpu.memory_space<hbm>> -> memref<1x10240x128xf32, #tpu.memory_space<hbm>>
      %dma_start3A_126 = tpu.memref_squeeze %dma_start3A_125 : memref<1x10240x128xf32, #tpu.memory_space<hbm>> -> memref<10240x128xf32, #tpu.memory_space<hbm>>
      %dma_start3A_127 = arith.constant 0 : i32
      %dma_start3A_128 = arith.constant 0 : i32
      %dma_start3A_129 = tpu.memref_slice %dma_start3A_126[%dma_start3A_127, %dma_start3A_128] : memref<10240x128xf32, #tpu.memory_space<hbm>> -> memref<10240x128xf32, #tpu.memory_space<hbm>>
      tpu.enqueue_indirect_dma source(%dma_start3A_129 : memref<10240x128xf32, #tpu.memory_space<hbm>>) target(%arg9 : memref<128x128xf32, #tpu.memory_space<vmem>>) offsets(%dma_start3A_122 : memref<128xi32, #tpu.memory_space<vmem>>) semaphore(%arg13 : memref<!tpu.dma_semaphore, #tpu.memory_space<semaphore_mem>>)
      "tpu.region"() ({
        %run_scoped3A = tpu.sem_alloc : memref<!tpu.dma_semaphore, #tpu.memory_space<semaphore_mem>>
        %dma_start3A_145 = arith.constant 0 : i32
        %dma_start3A_146 = tpu.memref_slice %arg7[%mul3A_108, %dma_start3A_145] : memref<40x128xi32, #tpu.memory_space<vmem>> -> memref<1x128xi32, #tpu.memory_space<vmem>>
        %dma_start3A_147 = tpu.memref_squeeze %dma_start3A_146 : memref<1x128xi32, #tpu.memory_space<vmem>> -> memref<128xi32, #tpu.memory_space<vmem>>
        %dma_start3A_148 = arith.constant 0 : i32
        %dma_start3A_149 = arith.constant 0 : i32
        %dma_start3A_150 = tpu.memref_slice %arg11[%dma_start3A_148, %dma_start3A_149] : memref<10240x128xf32, #tpu.memory_space<vmem_shared>> -> memref<10240x128xf32, #tpu.memory_space<vmem_shared>>
        tpu.enqueue_indirect_dma source(%arg8 : memref<128x128xf32, #tpu.memory_space<vmem>>) target(%dma_start3A_150 : memref<10240x128xf32, #tpu.memory_space<vmem_shared>>) offsets(%dma_start3A_147 : memref<128xi32, #tpu.memory_space<vmem>>) semaphore(%run_scoped3A : memref<!tpu.dma_semaphore, #tpu.memory_space<semaphore_mem>>) {add = true}
        %dma_wait3A_151 = arith.constant 0 : i32
        %dma_wait3A_152 = tpu.memref_slice %arg7[%mul3A_108, %dma_wait3A_151] : memref<40x128xi32, #tpu.memory_space<vmem>> -> memref<1x128xi32, #tpu.memory_space<vmem>>
        %dma_wait3A_153 = tpu.memref_squeeze %dma_wait3A_152 : memref<1x128xi32, #tpu.memory_space<vmem>> -> memref<128xi32, #tpu.memory_space<vmem>>
        %dma_wait3A_154 = arith.constant 0 : i32
        %dma_wait3A_155 = arith.constant 0 : i32
        %dma_wait3A_156 = tpu.memref_slice %arg11[%dma_wait3A_154, %dma_wait3A_155] : memref<10240x128xf32, #tpu.memory_space<vmem_shared>> -> memref<10240x128xf32, #tpu.memory_space<vmem_shared>>
        tpu.wait_indirect_dma semaphore(%run_scoped3A : memref<!tpu.dma_semaphore, #tpu.memory_space<semaphore_mem>>) src(%arg8 : memref<128x128xf32, #tpu.memory_space<vmem>>) dst(%dma_wait3A_156 : memref<10240x128xf32, #tpu.memory_space<vmem_shared>>)
        tpu.yield
      }) : () -> ()
      %dma_wait3A_130 = arith.constant 0 : i32
      %dma_wait3A_131 = tpu.memref_slice %arg6[%add3A_110, %dma_wait3A_130] : memref<40x128xi32, #tpu.memory_space<vmem>> -> memref<1x128xi32, #tpu.memory_space<vmem>>
      %dma_wait3A_132 = tpu.memref_squeeze %dma_wait3A_131 : memref<1x128xi32, #tpu.memory_space<vmem>> -> memref<128xi32, #tpu.memory_space<vmem>>
      %dma_wait3A_133 = arith.constant 0 : i32
      %dma_wait3A_134 = arith.constant 0 : i32
      %dma_wait3A_135 = tpu.memref_slice %arg2[%add3A_7, %dma_wait3A_133, %dma_wait3A_134] : memref<4x10240x128xf32, #tpu.memory_space<hbm>> -> memref<1x10240x128xf32, #tpu.memory_space<hbm>>
      %dma_wait3A_136 = tpu.memref_squeeze %dma_wait3A_135 : memref<1x10240x128xf32, #tpu.memory_space<hbm>> -> memref<10240x128xf32, #tpu.memory_space<hbm>>
      %dma_wait3A_137 = arith.constant 0 : i32
      %dma_wait3A_138 = arith.constant 0 : i32
      %dma_wait3A_139 = tpu.memref_slice %dma_wait3A_136[%dma_wait3A_137, %dma_wait3A_138] : memref<10240x128xf32, #tpu.memory_space<hbm>> -> memref<10240x128xf32, #tpu.memory_space<hbm>>
      tpu.wait_indirect_dma semaphore(%arg13 : memref<!tpu.dma_semaphore, #tpu.memory_space<semaphore_mem>>) src(%dma_wait3A_139 : memref<10240x128xf32, #tpu.memory_space<hbm>>) dst(%arg9 : memref<128x128xf32, #tpu.memory_space<vmem>>)
      %add3A_140 = arith.constant 1 : i32
      %add3A_141 = arith.addi %scan3A_105, %add3A_140 : i32
      %lt3A = arith.constant 20 : i32
      %lt3A_142 = arith.cmpi slt, %add3A_141, %lt3A : i32
      %convert_element_type3A = arith.extui %lt3A_142 : i1 to i32
      %cond3A = arith.constant 0 : i32
      %cond3A_143 = arith.cmpi ne, %convert_element_type3A, %cond3A : i32
      scf.if %cond3A_143 {
        %add3A_145 = arith.constant 1 : i32
        %add3A_146 = arith.addi %add3A_110, %add3A_145 : i32
        %dma_start3A_147 = arith.constant 0 : i32
        %dma_start3A_148 = tpu.memref_slice %arg6[%add3A_146, %dma_start3A_147] : memref<40x128xi32, #tpu.memory_space<vmem>> -> memref<1x128xi32, #tpu.memory_space<vmem>>
        %dma_start3A_149 = tpu.memref_squeeze %dma_start3A_148 : memref<1x128xi32, #tpu.memory_space<vmem>> -> memref<128xi32, #tpu.memory_space<vmem>>
        %dma_start3A_150 = arith.constant 0 : i32
        %dma_start3A_151 = arith.constant 0 : i32
        %dma_start3A_152 = tpu.memref_slice %arg2[%add3A_7, %dma_start3A_150, %dma_start3A_151] : memref<4x10240x128xf32, #tpu.memory_space<hbm>> -> memref<1x10240x128xf32, #tpu.memory_space<hbm>>
        %dma_start3A_153 = tpu.memref_squeeze %dma_start3A_152 : memref<1x10240x128xf32, #tpu.memory_space<hbm>> -> memref<10240x128xf32, #tpu.memory_space<hbm>>
        %dma_start3A_154 = arith.constant 0 : i32
        %dma_start3A_155 = arith.constant 0 : i32
        %dma_start3A_156 = tpu.memref_slice %dma_start3A_153[%dma_start3A_154, %dma_start3A_155] : memref<10240x128xf32, #tpu.memory_space<hbm>> -> memref<10240x128xf32, #tpu.memory_space<hbm>>
        tpu.enqueue_indirect_dma source(%dma_start3A_156 : memref<10240x128xf32, #tpu.memory_space<hbm>>) target(%arg8 : memref<128x128xf32, #tpu.memory_space<vmem>>) offsets(%dma_start3A_149 : memref<128xi32, #tpu.memory_space<vmem>>) semaphore(%arg12 : memref<!tpu.dma_semaphore, #tpu.memory_space<semaphore_mem>>)
      } else {
      }
      "tpu.region"() ({
        %run_scoped3A = tpu.sem_alloc : memref<!tpu.dma_semaphore, #tpu.memory_space<semaphore_mem>>
        %dma_start3A_145 = arith.constant 0 : i32
        %dma_start3A_146 = tpu.memref_slice %arg7[%add3A_110, %dma_start3A_145] : memref<40x128xi32, #tpu.memory_space<vmem>> -> memref<1x128xi32, #tpu.memory_space<vmem>>
        %dma_start3A_147 = tpu.memref_squeeze %dma_start3A_146 : memref<1x128xi32, #tpu.memory_space<vmem>> -> memref<128xi32, #tpu.memory_space<vmem>>
        %dma_start3A_148 = arith.constant 0 : i32
        %dma_start3A_149 = arith.constant 0 : i32
        %dma_start3A_150 = tpu.memref_slice %arg11[%dma_start3A_148, %dma_start3A_149] : memref<10240x128xf32, #tpu.memory_space<vmem_shared>> -> memref<10240x128xf32, #tpu.memory_space<vmem_shared>>
        tpu.enqueue_indirect_dma source(%arg9 : memref<128x128xf32, #tpu.memory_space<vmem>>) target(%dma_start3A_150 : memref<10240x128xf32, #tpu.memory_space<vmem_shared>>) offsets(%dma_start3A_147 : memref<128xi32, #tpu.memory_space<vmem>>) semaphore(%run_scoped3A : memref<!tpu.dma_semaphore, #tpu.memory_space<semaphore_mem>>) {add = true}
        %dma_wait3A_151 = arith.constant 0 : i32
        %dma_wait3A_152 = tpu.memref_slice %arg7[%add3A_110, %dma_wait3A_151] : memref<40x128xi32, #tpu.memory_space<vmem>> -> memref<1x128xi32, #tpu.memory_space<vmem>>
        %dma_wait3A_153 = tpu.memref_squeeze %dma_wait3A_152 : memref<1x128xi32, #tpu.memory_space<vmem>> -> memref<128xi32, #tpu.memory_space<vmem>>
        %dma_wait3A_154 = arith.constant 0 : i32
        %dma_wait3A_155 = arith.constant 0 : i32
        %dma_wait3A_156 = tpu.memref_slice %arg11[%dma_wait3A_154, %dma_wait3A_155] : memref<10240x128xf32, #tpu.memory_space<vmem_shared>> -> memref<10240x128xf32, #tpu.memory_space<vmem_shared>>
        tpu.wait_indirect_dma semaphore(%run_scoped3A : memref<!tpu.dma_semaphore, #tpu.memory_space<semaphore_mem>>) src(%arg9 : memref<128x128xf32, #tpu.memory_space<vmem>>) dst(%dma_wait3A_156 : memref<10240x128xf32, #tpu.memory_space<vmem_shared>>)
        tpu.yield
      }) : () -> ()
      %scan3A_144 = arith.constant 0 : i32
      scf.yield %scan3A_144 : i32
    }
    %scan3A_31 = arith.constant 20 : i32
    "tpu.region"() ({
      %run_scoped3A = tpu.sem_alloc : memref<!tpu.dma_semaphore, #tpu.memory_space<semaphore_mem>>
      %dma_start3A_105 = arith.constant 0 : i32
      %dma_start3A_106 = arith.constant 0 : i32
      %dma_start3A_107 = tpu.memref_slice %arg3[%arg1, %dma_start3A_105, %dma_start3A_106] : memref<16x80x128xi32, #tpu.memory_space<hbm>> -> memref<1x80x128xi32, #tpu.memory_space<hbm>>
      %dma_start3A_108 = tpu.memref_squeeze %dma_start3A_107 : memref<1x80x128xi32, #tpu.memory_space<hbm>> -> memref<80x128xi32, #tpu.memory_space<hbm>>
      %dma_start3A_109 = arith.constant 40 : i32
      %dma_start3A_110 = arith.constant 0 : i32
      %dma_start3A_111 = tpu.memref_slice %dma_start3A_108[%dma_start3A_109, %dma_start3A_110] : memref<80x128xi32, #tpu.memory_space<hbm>> -> memref<40x128xi32, #tpu.memory_space<hbm>>
      %dma_start3A_112 = arith.constant 0 : i32
      %dma_start3A_113 = arith.constant 0 : i32
      %dma_start3A_114 = tpu.memref_slice %arg3[%arg1, %dma_start3A_112, %dma_start3A_113] : memref<16x80x128xi32, #tpu.memory_space<hbm>> -> memref<1x80x128xi32, #tpu.memory_space<hbm>>
      %dma_start3A_115 = tpu.memref_squeeze %dma_start3A_114 : memref<1x80x128xi32, #tpu.memory_space<hbm>> -> memref<80x128xi32, #tpu.memory_space<hbm>>
      %dma_start3A_116 = arith.constant 40 : i32
      %dma_start3A_117 = arith.constant 0 : i32
      %dma_start3A_118 = tpu.memref_slice %dma_start3A_115[%dma_start3A_116, %dma_start3A_117] : memref<80x128xi32, #tpu.memory_space<hbm>> -> memref<40x128xi32, #tpu.memory_space<hbm>>
      tpu.enqueue_dma source(%dma_start3A_118 : memref<40x128xi32, #tpu.memory_space<hbm>>) target(%arg6 : memref<40x128xi32, #tpu.memory_space<vmem>>) target_semaphore(%run_scoped3A : memref<!tpu.dma_semaphore, #tpu.memory_space<semaphore_mem>>)
      %dma_wait3A = arith.constant 0 : i32
      %dma_wait3A_119 = arith.constant 0 : i32
      %dma_wait3A_120 = tpu.memref_slice %arg3[%arg1, %dma_wait3A, %dma_wait3A_119] : memref<16x80x128xi32, #tpu.memory_space<hbm>> -> memref<1x80x128xi32, #tpu.memory_space<hbm>>
      %dma_wait3A_121 = tpu.memref_squeeze %dma_wait3A_120 : memref<1x80x128xi32, #tpu.memory_space<hbm>> -> memref<80x128xi32, #tpu.memory_space<hbm>>
      %dma_wait3A_122 = arith.constant 40 : i32
      %dma_wait3A_123 = arith.constant 0 : i32
      %dma_wait3A_124 = tpu.memref_slice %dma_wait3A_121[%dma_wait3A_122, %dma_wait3A_123] : memref<80x128xi32, #tpu.memory_space<hbm>> -> memref<40x128xi32, #tpu.memory_space<hbm>>
      %dma_wait3A_125 = arith.constant 0 : i32
      %dma_wait3A_126 = arith.constant 0 : i32
      %dma_wait3A_127 = tpu.memref_slice %arg3[%arg1, %dma_wait3A_125, %dma_wait3A_126] : memref<16x80x128xi32, #tpu.memory_space<hbm>> -> memref<1x80x128xi32, #tpu.memory_space<hbm>>
      %dma_wait3A_128 = tpu.memref_squeeze %dma_wait3A_127 : memref<1x80x128xi32, #tpu.memory_space<hbm>> -> memref<80x128xi32, #tpu.memory_space<hbm>>
      %dma_wait3A_129 = arith.constant 40 : i32
      %dma_wait3A_130 = arith.constant 0 : i32
      %dma_wait3A_131 = tpu.memref_slice %dma_wait3A_128[%dma_wait3A_129, %dma_wait3A_130] : memref<80x128xi32, #tpu.memory_space<hbm>> -> memref<40x128xi32, #tpu.memory_space<hbm>>
      tpu.wait_dma2 semaphore(%run_scoped3A : memref<!tpu.dma_semaphore, #tpu.memory_space<semaphore_mem>>) src(%dma_wait3A_131 : memref<40x128xi32, #tpu.memory_space<hbm>>) dst(%arg6 : memref<40x128xi32, #tpu.memory_space<vmem>>)
      tpu.yield
    }) : () -> ()
    "tpu.region"() ({
      %run_scoped3A = tpu.sem_alloc : memref<!tpu.dma_semaphore, #tpu.memory_space<semaphore_mem>>
      %dma_start3A_105 = arith.constant 0 : i32
      %dma_start3A_106 = arith.constant 0 : i32
      %dma_start3A_107 = tpu.memref_slice %arg4[%arg1, %dma_start3A_105, %dma_start3A_106] : memref<16x80x128xi32, #tpu.memory_space<hbm>> -> memref<1x80x128xi32, #tpu.memory_space<hbm>>
      %dma_start3A_108 = tpu.memref_squeeze %dma_start3A_107 : memref<1x80x128xi32, #tpu.memory_space<hbm>> -> memref<80x128xi32, #tpu.memory_space<hbm>>
      %dma_start3A_109 = arith.constant 40 : i32
      %dma_start3A_110 = arith.constant 0 : i32
      %dma_start3A_111 = tpu.memref_slice %dma_start3A_108[%dma_start3A_109, %dma_start3A_110] : memref<80x128xi32, #tpu.memory_space<hbm>> -> memref<40x128xi32, #tpu.memory_space<hbm>>
      %dma_start3A_112 = arith.constant 0 : i32
      %dma_start3A_113 = arith.constant 0 : i32
      %dma_start3A_114 = tpu.memref_slice %arg4[%arg1, %dma_start3A_112, %dma_start3A_113] : memref<16x80x128xi32, #tpu.memory_space<hbm>> -> memref<1x80x128xi32, #tpu.memory_space<hbm>>
      %dma_start3A_115 = tpu.memref_squeeze %dma_start3A_114 : memref<1x80x128xi32, #tpu.memory_space<hbm>> -> memref<80x128xi32, #tpu.memory_space<hbm>>
      %dma_start3A_116 = arith.constant 40 : i32
      %dma_start3A_117 = arith.constant 0 : i32
      %dma_start3A_118 = tpu.memref_slice %dma_start3A_115[%dma_start3A_116, %dma_start3A_117] : memref<80x128xi32, #tpu.memory_space<hbm>> -> memref<40x128xi32, #tpu.memory_space<hbm>>
      tpu.enqueue_dma source(%dma_start3A_118 : memref<40x128xi32, #tpu.memory_space<hbm>>) target(%arg7 : memref<40x128xi32, #tpu.memory_space<vmem>>) target_semaphore(%run_scoped3A : memref<!tpu.dma_semaphore, #tpu.memory_space<semaphore_mem>>)
      %dma_wait3A = arith.constant 0 : i32
      %dma_wait3A_119 = arith.constant 0 : i32
      %dma_wait3A_120 = tpu.memref_slice %arg4[%arg1, %dma_wait3A, %dma_wait3A_119] : memref<16x80x128xi32, #tpu.memory_space<hbm>> -> memref<1x80x128xi32, #tpu.memory_space<hbm>>
      %dma_wait3A_121 = tpu.memref_squeeze %dma_wait3A_120 : memref<1x80x128xi32, #tpu.memory_space<hbm>> -> memref<80x128xi32, #tpu.memory_space<hbm>>
      %dma_wait3A_122 = arith.constant 40 : i32
      %dma_wait3A_123 = arith.constant 0 : i32
      %dma_wait3A_124 = tpu.memref_slice %dma_wait3A_121[%dma_wait3A_122, %dma_wait3A_123] : memref<80x128xi32, #tpu.memory_space<hbm>> -> memref<40x128xi32, #tpu.memory_space<hbm>>
      %dma_wait3A_125 = arith.constant 0 : i32
      %dma_wait3A_126 = arith.constant 0 : i32
      %dma_wait3A_127 = tpu.memref_slice %arg4[%arg1, %dma_wait3A_125, %dma_wait3A_126] : memref<16x80x128xi32, #tpu.memory_space<hbm>> -> memref<1x80x128xi32, #tpu.memory_space<hbm>>
      %dma_wait3A_128 = tpu.memref_squeeze %dma_wait3A_127 : memref<1x80x128xi32, #tpu.memory_space<hbm>> -> memref<80x128xi32, #tpu.memory_space<hbm>>
      %dma_wait3A_129 = arith.constant 40 : i32
      %dma_wait3A_130 = arith.constant 0 : i32
      %dma_wait3A_131 = tpu.memref_slice %dma_wait3A_128[%dma_wait3A_129, %dma_wait3A_130] : memref<80x128xi32, #tpu.memory_space<hbm>> -> memref<40x128xi32, #tpu.memory_space<hbm>>
      tpu.wait_dma2 semaphore(%run_scoped3A : memref<!tpu.dma_semaphore, #tpu.memory_space<semaphore_mem>>) src(%dma_wait3A_131 : memref<40x128xi32, #tpu.memory_space<hbm>>) dst(%arg7 : memref<40x128xi32, #tpu.memory_space<vmem>>)
      tpu.yield
    }) : () -> ()
    %dma_start3A_32 = arith.constant 0 : i32
    %dma_start3A_33 = arith.constant 0 : i32
    %dma_start3A_34 = tpu.memref_slice %arg6[%dma_start3A_32, %dma_start3A_33] : memref<40x128xi32, #tpu.memory_space<vmem>> -> memref<1x128xi32, #tpu.memory_space<vmem>>
    %dma_start3A_35 = tpu.memref_squeeze %dma_start3A_34 : memref<1x128xi32, #tpu.memory_space<vmem>> -> memref<128xi32, #tpu.memory_space<vmem>>
    %dma_start3A_36 = arith.constant 0 : i32
    %dma_start3A_37 = arith.constant 0 : i32
    %dma_start3A_38 = tpu.memref_slice %arg2[%add3A_7, %dma_start3A_36, %dma_start3A_37] : memref<4x10240x128xf32, #tpu.memory_space<hbm>> -> memref<1x10240x128xf32, #tpu.memory_space<hbm>>
    %dma_start3A_39 = tpu.memref_squeeze %dma_start3A_38 : memref<1x10240x128xf32, #tpu.memory_space<hbm>> -> memref<10240x128xf32, #tpu.memory_space<hbm>>
    %dma_start3A_40 = arith.constant 0 : i32
    %dma_start3A_41 = arith.constant 0 : i32
    %dma_start3A_42 = tpu.memref_slice %dma_start3A_39[%dma_start3A_40, %dma_start3A_41] : memref<10240x128xf32, #tpu.memory_space<hbm>> -> memref<10240x128xf32, #tpu.memory_space<hbm>>
    tpu.enqueue_indirect_dma source(%dma_start3A_42 : memref<10240x128xf32, #tpu.memory_space<hbm>>) target(%arg8 : memref<128x128xf32, #tpu.memory_space<vmem>>) offsets(%dma_start3A_35 : memref<128xi32, #tpu.memory_space<vmem>>) semaphore(%arg12 : memref<!tpu.dma_semaphore, #tpu.memory_space<semaphore_mem>>)
    %scan3A_43 = arith.constant 0 : i32
    %scan3A_44 = arith.constant 0 : i32
    %scan3A_45 = arith.constant 20 : i32
    %scan3A_46 = arith.addi %scan3A_44, %scan3A_45 : i32
    %scan3A_47 = arith.constant 1 : i32
    %scan3A_48 = scf.for %scan3A_105 = %scan3A_44 to %scan3A_46 step %scan3A_47 iter_args(%scan3A_106 = %scan3A_43) -> (i32)  : i32 {
      %mul3A_107 = arith.constant 2 : i32
      %mul3A_108 = arith.muli %mul3A_107, %scan3A_105 : i32
      %add3A_109 = arith.constant 1 : i32
      %add3A_110 = arith.addi %mul3A_108, %add3A_109 : i32
      %dma_wait3A = arith.constant 0 : i32
      %dma_wait3A_111 = tpu.memref_slice %arg6[%mul3A_108, %dma_wait3A] : memref<40x128xi32, #tpu.memory_space<vmem>> -> memref<1x128xi32, #tpu.memory_space<vmem>>
      %dma_wait3A_112 = tpu.memref_squeeze %dma_wait3A_111 : memref<1x128xi32, #tpu.memory_space<vmem>> -> memref<128xi32, #tpu.memory_space<vmem>>
      %dma_wait3A_113 = arith.constant 0 : i32
      %dma_wait3A_114 = arith.constant 0 : i32
      %dma_wait3A_115 = tpu.memref_slice %arg2[%add3A_7, %dma_wait3A_113, %dma_wait3A_114] : memref<4x10240x128xf32, #tpu.memory_space<hbm>> -> memref<1x10240x128xf32, #tpu.memory_space<hbm>>
      %dma_wait3A_116 = tpu.memref_squeeze %dma_wait3A_115 : memref<1x10240x128xf32, #tpu.memory_space<hbm>> -> memref<10240x128xf32, #tpu.memory_space<hbm>>
      %dma_wait3A_117 = arith.constant 0 : i32
      %dma_wait3A_118 = arith.constant 0 : i32
      %dma_wait3A_119 = tpu.memref_slice %dma_wait3A_116[%dma_wait3A_117, %dma_wait3A_118] : memref<10240x128xf32, #tpu.memory_space<hbm>> -> memref<10240x128xf32, #tpu.memory_space<hbm>>
      tpu.wait_indirect_dma semaphore(%arg12 : memref<!tpu.dma_semaphore, #tpu.memory_space<semaphore_mem>>) src(%dma_wait3A_119 : memref<10240x128xf32, #tpu.memory_space<hbm>>) dst(%arg8 : memref<128x128xf32, #tpu.memory_space<vmem>>)
      %dma_start3A_120 = arith.constant 0 : i32
      %dma_start3A_121 = tpu.memref_slice %arg6[%add3A_110, %dma_start3A_120] : memref<40x128xi32, #tpu.memory_space<vmem>> -> memref<1x128xi32, #tpu.memory_space<vmem>>
      %dma_start3A_122 = tpu.memref_squeeze %dma_start3A_121 : memref<1x128xi32, #tpu.memory_space<vmem>> -> memref<128xi32, #tpu.memory_space<vmem>>
      %dma_start3A_123 = arith.constant 0 : i32
      %dma_start3A_124 = arith.constant 0 : i32
      %dma_start3A_125 = tpu.memref_slice %arg2[%add3A_7, %dma_start3A_123, %dma_start3A_124] : memref<4x10240x128xf32, #tpu.memory_space<hbm>> -> memref<1x10240x128xf32, #tpu.memory_space<hbm>>
      %dma_start3A_126 = tpu.memref_squeeze %dma_start3A_125 : memref<1x10240x128xf32, #tpu.memory_space<hbm>> -> memref<10240x128xf32, #tpu.memory_space<hbm>>
      %dma_start3A_127 = arith.constant 0 : i32
      %dma_start3A_128 = arith.constant 0 : i32
      %dma_start3A_129 = tpu.memref_slice %dma_start3A_126[%dma_start3A_127, %dma_start3A_128] : memref<10240x128xf32, #tpu.memory_space<hbm>> -> memref<10240x128xf32, #tpu.memory_space<hbm>>
      tpu.enqueue_indirect_dma source(%dma_start3A_129 : memref<10240x128xf32, #tpu.memory_space<hbm>>) target(%arg9 : memref<128x128xf32, #tpu.memory_space<vmem>>) offsets(%dma_start3A_122 : memref<128xi32, #tpu.memory_space<vmem>>) semaphore(%arg13 : memref<!tpu.dma_semaphore, #tpu.memory_space<semaphore_mem>>)
      "tpu.region"() ({
        %run_scoped3A = tpu.sem_alloc : memref<!tpu.dma_semaphore, #tpu.memory_space<semaphore_mem>>
        %dma_start3A_145 = arith.constant 0 : i32
        %dma_start3A_146 = tpu.memref_slice %arg7[%mul3A_108, %dma_start3A_145] : memref<40x128xi32, #tpu.memory_space<vmem>> -> memref<1x128xi32, #tpu.memory_space<vmem>>
        %dma_start3A_147 = tpu.memref_squeeze %dma_start3A_146 : memref<1x128xi32, #tpu.memory_space<vmem>> -> memref<128xi32, #tpu.memory_space<vmem>>
        %dma_start3A_148 = arith.constant 0 : i32
        %dma_start3A_149 = arith.constant 0 : i32
        %dma_start3A_150 = tpu.memref_slice %arg11[%dma_start3A_148, %dma_start3A_149] : memref<10240x128xf32, #tpu.memory_space<vmem_shared>> -> memref<10240x128xf32, #tpu.memory_space<vmem_shared>>
        tpu.enqueue_indirect_dma source(%arg8 : memref<128x128xf32, #tpu.memory_space<vmem>>) target(%dma_start3A_150 : memref<10240x128xf32, #tpu.memory_space<vmem_shared>>) offsets(%dma_start3A_147 : memref<128xi32, #tpu.memory_space<vmem>>) semaphore(%run_scoped3A : memref<!tpu.dma_semaphore, #tpu.memory_space<semaphore_mem>>) {add = true}
        %dma_wait3A_151 = arith.constant 0 : i32
        %dma_wait3A_152 = tpu.memref_slice %arg7[%mul3A_108, %dma_wait3A_151] : memref<40x128xi32, #tpu.memory_space<vmem>> -> memref<1x128xi32, #tpu.memory_space<vmem>>
        %dma_wait3A_153 = tpu.memref_squeeze %dma_wait3A_152 : memref<1x128xi32, #tpu.memory_space<vmem>> -> memref<128xi32, #tpu.memory_space<vmem>>
        %dma_wait3A_154 = arith.constant 0 : i32
        %dma_wait3A_155 = arith.constant 0 : i32
        %dma_wait3A_156 = tpu.memref_slice %arg11[%dma_wait3A_154, %dma_wait3A_155] : memref<10240x128xf32, #tpu.memory_space<vmem_shared>> -> memref<10240x128xf32, #tpu.memory_space<vmem_shared>>
        tpu.wait_indirect_dma semaphore(%run_scoped3A : memref<!tpu.dma_semaphore, #tpu.memory_space<semaphore_mem>>) src(%arg8 : memref<128x128xf32, #tpu.memory_space<vmem>>) dst(%dma_wait3A_156 : memref<10240x128xf32, #tpu.memory_space<vmem_shared>>)
        tpu.yield
      }) : () -> ()
      %dma_wait3A_130 = arith.constant 0 : i32
      %dma_wait3A_131 = tpu.memref_slice %arg6[%add3A_110, %dma_wait3A_130] : memref<40x128xi32, #tpu.memory_space<vmem>> -> memref<1x128xi32, #tpu.memory_space<vmem>>
      %dma_wait3A_132 = tpu.memref_squeeze %dma_wait3A_131 : memref<1x128xi32, #tpu.memory_space<vmem>> -> memref<128xi32, #tpu.memory_space<vmem>>
      %dma_wait3A_133 = arith.constant 0 : i32
      %dma_wait3A_134 = arith.constant 0 : i32
      %dma_wait3A_135 = tpu.memref_slice %arg2[%add3A_7, %dma_wait3A_133, %dma_wait3A_134] : memref<4x10240x128xf32, #tpu.memory_space<hbm>> -> memref<1x10240x128xf32, #tpu.memory_space<hbm>>
      %dma_wait3A_136 = tpu.memref_squeeze %dma_wait3A_135 : memref<1x10240x128xf32, #tpu.memory_space<hbm>> -> memref<10240x128xf32, #tpu.memory_space<hbm>>
      %dma_wait3A_137 = arith.constant 0 : i32
      %dma_wait3A_138 = arith.constant 0 : i32
      %dma_wait3A_139 = tpu.memref_slice %dma_wait3A_136[%dma_wait3A_137, %dma_wait3A_138] : memref<10240x128xf32, #tpu.memory_space<hbm>> -> memref<10240x128xf32, #tpu.memory_space<hbm>>
      tpu.wait_indirect_dma semaphore(%arg13 : memref<!tpu.dma_semaphore, #tpu.memory_space<semaphore_mem>>) src(%dma_wait3A_139 : memref<10240x128xf32, #tpu.memory_space<hbm>>) dst(%arg9 : memref<128x128xf32, #tpu.memory_space<vmem>>)
      %add3A_140 = arith.constant 1 : i32
      %add3A_141 = arith.addi %scan3A_105, %add3A_140 : i32
      %lt3A = arith.constant 20 : i32
      %lt3A_142 = arith.cmpi slt, %add3A_141, %lt3A : i32
      %convert_element_type3A = arith.extui %lt3A_142 : i1 to i32
      %cond3A = arith.constant 0 : i32
      %cond3A_143 = arith.cmpi ne, %convert_element_type3A, %cond3A : i32
      scf.if %cond3A_143 {
        %add3A_145 = arith.constant 1 : i32
        %add3A_146 = arith.addi %add3A_110, %add3A_145 : i32
        %dma_start3A_147 = arith.constant 0 : i32
        %dma_start3A_148 = tpu.memref_slice %arg6[%add3A_146, %dma_start3A_147] : memref<40x128xi32, #tpu.memory_space<vmem>> -> memref<1x128xi32, #tpu.memory_space<vmem>>
        %dma_start3A_149 = tpu.memref_squeeze %dma_start3A_148 : memref<1x128xi32, #tpu.memory_space<vmem>> -> memref<128xi32, #tpu.memory_space<vmem>>
        %dma_start3A_150 = arith.constant 0 : i32
        %dma_start3A_151 = arith.constant 0 : i32
        %dma_start3A_152 = tpu.memref_slice %arg2[%add3A_7, %dma_start3A_150, %dma_start3A_151] : memref<4x10240x128xf32, #tpu.memory_space<hbm>> -> memref<1x10240x128xf32, #tpu.memory_space<hbm>>
        %dma_start3A_153 = tpu.memref_squeeze %dma_start3A_152 : memref<1x10240x128xf32, #tpu.memory_space<hbm>> -> memref<10240x128xf32, #tpu.memory_space<hbm>>
        %dma_start3A_154 = arith.constant 0 : i32
        %dma_start3A_155 = arith.constant 0 : i32
        %dma_start3A_156 = tpu.memref_slice %dma_start3A_153[%dma_start3A_154, %dma_start3A_155] : memref<10240x128xf32, #tpu.memory_space<hbm>> -> memref<10240x128xf32, #tpu.memory_space<hbm>>
        tpu.enqueue_indirect_dma source(%dma_start3A_156 : memref<10240x128xf32, #tpu.memory_space<hbm>>) target(%arg8 : memref<128x128xf32, #tpu.memory_space<vmem>>) offsets(%dma_start3A_149 : memref<128xi32, #tpu.memory_space<vmem>>) semaphore(%arg12 : memref<!tpu.dma_semaphore, #tpu.memory_space<semaphore_mem>>)
      } else {
      }
      "tpu.region"() ({
        %run_scoped3A = tpu.sem_alloc : memref<!tpu.dma_semaphore, #tpu.memory_space<semaphore_mem>>
        %dma_start3A_145 = arith.constant 0 : i32
        %dma_start3A_146 = tpu.memref_slice %arg7[%add3A_110, %dma_start3A_145] : memref<40x128xi32, #tpu.memory_space<vmem>> -> memref<1x128xi32, #tpu.memory_space<vmem>>
        %dma_start3A_147 = tpu.memref_squeeze %dma_start3A_146 : memref<1x128xi32, #tpu.memory_space<vmem>> -> memref<128xi32, #tpu.memory_space<vmem>>
        %dma_start3A_148 = arith.constant 0 : i32
        %dma_start3A_149 = arith.constant 0 : i32
        %dma_start3A_150 = tpu.memref_slice %arg11[%dma_start3A_148, %dma_start3A_149] : memref<10240x128xf32, #tpu.memory_space<vmem_shared>> -> memref<10240x128xf32, #tpu.memory_space<vmem_shared>>
        tpu.enqueue_indirect_dma source(%arg9 : memref<128x128xf32, #tpu.memory_space<vmem>>) target(%dma_start3A_150 : memref<10240x128xf32, #tpu.memory_space<vmem_shared>>) offsets(%dma_start3A_147 : memref<128xi32, #tpu.memory_space<vmem>>) semaphore(%run_scoped3A : memref<!tpu.dma_semaphore, #tpu.memory_space<semaphore_mem>>) {add = true}
        %dma_wait3A_151 = arith.constant 0 : i32
        %dma_wait3A_152 = tpu.memref_slice %arg7[%add3A_110, %dma_wait3A_151] : memref<40x128xi32, #tpu.memory_space<vmem>> -> memref<1x128xi32, #tpu.memory_space<vmem>>
        %dma_wait3A_153 = tpu.memref_squeeze %dma_wait3A_152 : memref<1x128xi32, #tpu.memory_space<vmem>> -> memref<128xi32, #tpu.memory_space<vmem>>
        %dma_wait3A_154 = arith.constant 0 : i32
        %dma_wait3A_155 = arith.constant 0 : i32
        %dma_wait3A_156 = tpu.memref_slice %arg11[%dma_wait3A_154, %dma_wait3A_155] : memref<10240x128xf32, #tpu.memory_space<vmem_shared>> -> memref<10240x128xf32, #tpu.memory_space<vmem_shared>>
        tpu.wait_indirect_dma semaphore(%run_scoped3A : memref<!tpu.dma_semaphore, #tpu.memory_space<semaphore_mem>>) src(%arg9 : memref<128x128xf32, #tpu.memory_space<vmem>>) dst(%dma_wait3A_156 : memref<10240x128xf32, #tpu.memory_space<vmem_shared>>)
        tpu.yield
      }) : () -> ()
      %scan3A_144 = arith.constant 0 : i32
      scf.yield %scan3A_144 : i32
    }
    %scan3A_49 = arith.constant 20 : i32
    %barrier3A_50 = arith.constant 0 : index
    tpu.barrier barrier_id(%barrier3A_50)
    %mul3A_51 = arith.constant 640 : i32
    %mul3A_52 = arith.muli %arg1, %mul3A_51 : i32
    "tpu.region"() ({
      %run_scoped3A = tpu.sem_alloc : memref<!tpu.dma_semaphore, #tpu.memory_space<semaphore_mem>>
      %dma_start3A_105 = arith.constant 0 : i32
      %dma_start3A_106 = arith.constant 0 : i32
      %dma_start3A_107 = tpu.memref_slice %arg5[%add3A_7, %dma_start3A_105, %dma_start3A_106] : memref<4x10240x128xf32, #tpu.memory_space<hbm>> -> memref<1x10240x128xf32, #tpu.memory_space<hbm>>
      %dma_start3A_108 = tpu.memref_squeeze %dma_start3A_107 : memref<1x10240x128xf32, #tpu.memory_space<hbm>> -> memref<10240x128xf32, #tpu.memory_space<hbm>>
      %dma_start3A_109 = arith.constant 0 : i32
      %dma_start3A_110 = tpu.memref_slice %dma_start3A_108[%mul3A_52, %dma_start3A_109] : memref<10240x128xf32, #tpu.memory_space<hbm>> -> memref<640x128xf32, #tpu.memory_space<hbm>>
      %dma_start3A_111 = arith.constant 0 : i32
      %dma_start3A_112 = tpu.memref_slice %arg11[%mul3A_52, %dma_start3A_111] : memref<10240x128xf32, #tpu.memory_space<vmem_shared>> -> memref<640x128xf32, #tpu.memory_space<vmem_shared>>
      tpu.enqueue_dma source(%dma_start3A_112 : memref<640x128xf32, #tpu.memory_space<vmem_shared>>) target(%dma_start3A_110 : memref<640x128xf32, #tpu.memory_space<hbm>>) target_semaphore(%run_scoped3A : memref<!tpu.dma_semaphore, #tpu.memory_space<semaphore_mem>>)
      %dma_wait3A = arith.constant 0 : i32
      %dma_wait3A_113 = arith.constant 0 : i32
      %dma_wait3A_114 = tpu.memref_slice %arg5[%add3A_7, %dma_wait3A, %dma_wait3A_113] : memref<4x10240x128xf32, #tpu.memory_space<hbm>> -> memref<1x10240x128xf32, #tpu.memory_space<hbm>>
      %dma_wait3A_115 = tpu.memref_squeeze %dma_wait3A_114 : memref<1x10240x128xf32, #tpu.memory_space<hbm>> -> memref<10240x128xf32, #tpu.memory_space<hbm>>
      %dma_wait3A_116 = arith.constant 0 : i32
      %dma_wait3A_117 = tpu.memref_slice %dma_wait3A_115[%mul3A_52, %dma_wait3A_116] : memref<10240x128xf32, #tpu.memory_space<hbm>> -> memref<640x128xf32, #tpu.memory_space<hbm>>
      %dma_wait3A_118 = arith.constant 0 : i32
      %dma_wait3A_119 = tpu.memref_slice %arg11[%mul3A_52, %dma_wait3A_118] : memref<10240x128xf32, #tpu.memory_space<vmem_shared>> -> memref<640x128xf32, #tpu.memory_space<vmem_shared>>
      tpu.wait_dma2 semaphore(%run_scoped3A : memref<!tpu.dma_semaphore, #tpu.memory_space<semaphore_mem>>) src(%dma_wait3A_119 : memref<640x128xf32, #tpu.memory_space<vmem_shared>>) dst(%dma_wait3A_117 : memref<640x128xf32, #tpu.memory_space<hbm>>)
      tpu.yield
    }) : () -> ()
    %barrier3A_53 = arith.constant 0 : index
    tpu.barrier barrier_id(%barrier3A_53)
    %mul3A_54 = arith.constant 2 : i32
    %mul3A_55 = arith.muli %arg0, %mul3A_54 : i32
    %add3A_56 = arith.constant 1 : i32
    %add3A_57 = arith.addi %mul3A_55, %add3A_56 : i32
    %scan3A_58 = arith.constant 0 : i32
    %scan3A_59 = arith.constant 0 : i32
    %scan3A_60 = arith.constant 40 : i32
    %scan3A_61 = arith.addi %scan3A_59, %scan3A_60 : i32
    %scan3A_62 = arith.constant 1 : i32
    %scan3A_63 = scf.for %scan3A_105 = %scan3A_59 to %scan3A_61 step %scan3A_62 iter_args(%scan3A_106 = %scan3A_58) -> (i32)  : i32 {
      %mul3A_107 = arith.constant 640 : i32
      %mul3A_108 = arith.muli %arg1, %mul3A_107 : i32
      %mul3A_109 = arith.constant 16 : i32
      %mul3A_110 = arith.muli %scan3A_105, %mul3A_109 : i32
      %add3A_111 = arith.addi %mul3A_108, %mul3A_110 : i32
      "tpu.region"() ({
        %run_scoped3A = tpu.sem_alloc : memref<!tpu.dma_semaphore, #tpu.memory_space<semaphore_mem>>
        %dma_start3A_113 = arith.constant 0 : i32
        %dma_start3A_114 = tpu.memref_slice %arg11[%add3A_111, %dma_start3A_113] : memref<10240x128xf32, #tpu.memory_space<vmem_shared>> -> memref<16x128xf32, #tpu.memory_space<vmem_shared>>
        %dma_start3A_115 = arith.constant 0 : i32
        %dma_start3A_116 = tpu.memref_slice %arg11[%add3A_111, %dma_start3A_115] : memref<10240x128xf32, #tpu.memory_space<vmem_shared>> -> memref<16x128xf32, #tpu.memory_space<vmem_shared>>
        tpu.enqueue_dma source(%arg10 : memref<16x128xf32, #tpu.memory_space<vmem>>) target(%dma_start3A_116 : memref<16x128xf32, #tpu.memory_space<vmem_shared>>) target_semaphore(%run_scoped3A : memref<!tpu.dma_semaphore, #tpu.memory_space<semaphore_mem>>)
        %dma_wait3A = arith.constant 0 : i32
        %dma_wait3A_117 = tpu.memref_slice %arg11[%add3A_111, %dma_wait3A] : memref<10240x128xf32, #tpu.memory_space<vmem_shared>> -> memref<16x128xf32, #tpu.memory_space<vmem_shared>>
        %dma_wait3A_118 = arith.constant 0 : i32
        %dma_wait3A_119 = tpu.memref_slice %arg11[%add3A_111, %dma_wait3A_118] : memref<10240x128xf32, #tpu.memory_space<vmem_shared>> -> memref<16x128xf32, #tpu.memory_space<vmem_shared>>
        tpu.wait_dma2 semaphore(%run_scoped3A : memref<!tpu.dma_semaphore, #tpu.memory_space<semaphore_mem>>) src(%arg10 : memref<16x128xf32, #tpu.memory_space<vmem>>) dst(%dma_wait3A_119 : memref<16x128xf32, #tpu.memory_space<vmem_shared>>)
        tpu.yield
      }) : () -> ()
      %scan3A_112 = arith.constant 0 : i32
      scf.yield %scan3A_112 : i32
    }
    %scan3A_64 = arith.constant 40 : i32
    %barrier3A_65 = arith.constant 0 : index
    tpu.barrier barrier_id(%barrier3A_65)
    "tpu.region"() ({
      %run_scoped3A = tpu.sem_alloc : memref<!tpu.dma_semaphore, #tpu.memory_space<semaphore_mem>>
      %dma_start3A_105 = arith.constant 0 : i32
      %dma_start3A_106 = arith.constant 0 : i32
      %dma_start3A_107 = tpu.memref_slice %arg3[%arg1, %dma_start3A_105, %dma_start3A_106] : memref<16x80x128xi32, #tpu.memory_space<hbm>> -> memref<1x80x128xi32, #tpu.memory_space<hbm>>
      %dma_start3A_108 = tpu.memref_squeeze %dma_start3A_107 : memref<1x80x128xi32, #tpu.memory_space<hbm>> -> memref<80x128xi32, #tpu.memory_space<hbm>>
      %dma_start3A_109 = arith.constant 0 : i32
      %dma_start3A_110 = arith.constant 0 : i32
      %dma_start3A_111 = tpu.memref_slice %dma_start3A_108[%dma_start3A_109, %dma_start3A_110] : memref<80x128xi32, #tpu.memory_space<hbm>> -> memref<40x128xi32, #tpu.memory_space<hbm>>
      %dma_start3A_112 = arith.constant 0 : i32
      %dma_start3A_113 = arith.constant 0 : i32
      %dma_start3A_114 = tpu.memref_slice %arg3[%arg1, %dma_start3A_112, %dma_start3A_113] : memref<16x80x128xi32, #tpu.memory_space<hbm>> -> memref<1x80x128xi32, #tpu.memory_space<hbm>>
      %dma_start3A_115 = tpu.memref_squeeze %dma_start3A_114 : memref<1x80x128xi32, #tpu.memory_space<hbm>> -> memref<80x128xi32, #tpu.memory_space<hbm>>
      %dma_start3A_116 = arith.constant 0 : i32
      %dma_start3A_117 = arith.constant 0 : i32
      %dma_start3A_118 = tpu.memref_slice %dma_start3A_115[%dma_start3A_116, %dma_start3A_117] : memref<80x128xi32, #tpu.memory_space<hbm>> -> memref<40x128xi32, #tpu.memory_space<hbm>>
      tpu.enqueue_dma source(%dma_start3A_118 : memref<40x128xi32, #tpu.memory_space<hbm>>) target(%arg6 : memref<40x128xi32, #tpu.memory_space<vmem>>) target_semaphore(%run_scoped3A : memref<!tpu.dma_semaphore, #tpu.memory_space<semaphore_mem>>)
      %dma_wait3A = arith.constant 0 : i32
      %dma_wait3A_119 = arith.constant 0 : i32
      %dma_wait3A_120 = tpu.memref_slice %arg3[%arg1, %dma_wait3A, %dma_wait3A_119] : memref<16x80x128xi32, #tpu.memory_space<hbm>> -> memref<1x80x128xi32, #tpu.memory_space<hbm>>
      %dma_wait3A_121 = tpu.memref_squeeze %dma_wait3A_120 : memref<1x80x128xi32, #tpu.memory_space<hbm>> -> memref<80x128xi32, #tpu.memory_space<hbm>>
      %dma_wait3A_122 = arith.constant 0 : i32
      %dma_wait3A_123 = arith.constant 0 : i32
      %dma_wait3A_124 = tpu.memref_slice %dma_wait3A_121[%dma_wait3A_122, %dma_wait3A_123] : memref<80x128xi32, #tpu.memory_space<hbm>> -> memref<40x128xi32, #tpu.memory_space<hbm>>
      %dma_wait3A_125 = arith.constant 0 : i32
      %dma_wait3A_126 = arith.constant 0 : i32
      %dma_wait3A_127 = tpu.memref_slice %arg3[%arg1, %dma_wait3A_125, %dma_wait3A_126] : memref<16x80x128xi32, #tpu.memory_space<hbm>> -> memref<1x80x128xi32, #tpu.memory_space<hbm>>
      %dma_wait3A_128 = tpu.memref_squeeze %dma_wait3A_127 : memref<1x80x128xi32, #tpu.memory_space<hbm>> -> memref<80x128xi32, #tpu.memory_space<hbm>>
      %dma_wait3A_129 = arith.constant 0 : i32
      %dma_wait3A_130 = arith.constant 0 : i32
      %dma_wait3A_131 = tpu.memref_slice %dma_wait3A_128[%dma_wait3A_129, %dma_wait3A_130] : memref<80x128xi32, #tpu.memory_space<hbm>> -> memref<40x128xi32, #tpu.memory_space<hbm>>
      tpu.wait_dma2 semaphore(%run_scoped3A : memref<!tpu.dma_semaphore, #tpu.memory_space<semaphore_mem>>) src(%dma_wait3A_131 : memref<40x128xi32, #tpu.memory_space<hbm>>) dst(%arg6 : memref<40x128xi32, #tpu.memory_space<vmem>>)
      tpu.yield
    }) : () -> ()
    "tpu.region"() ({
      %run_scoped3A = tpu.sem_alloc : memref<!tpu.dma_semaphore, #tpu.memory_space<semaphore_mem>>
      %dma_start3A_105 = arith.constant 0 : i32
      %dma_start3A_106 = arith.constant 0 : i32
      %dma_start3A_107 = tpu.memref_slice %arg4[%arg1, %dma_start3A_105, %dma_start3A_106] : memref<16x80x128xi32, #tpu.memory_space<hbm>> -> memref<1x80x128xi32, #tpu.memory_space<hbm>>
      %dma_start3A_108 = tpu.memref_squeeze %dma_start3A_107 : memref<1x80x128xi32, #tpu.memory_space<hbm>> -> memref<80x128xi32, #tpu.memory_space<hbm>>
      %dma_start3A_109 = arith.constant 0 : i32
      %dma_start3A_110 = arith.constant 0 : i32
      %dma_start3A_111 = tpu.memref_slice %dma_start3A_108[%dma_start3A_109, %dma_start3A_110] : memref<80x128xi32, #tpu.memory_space<hbm>> -> memref<40x128xi32, #tpu.memory_space<hbm>>
      %dma_start3A_112 = arith.constant 0 : i32
      %dma_start3A_113 = arith.constant 0 : i32
      %dma_start3A_114 = tpu.memref_slice %arg4[%arg1, %dma_start3A_112, %dma_start3A_113] : memref<16x80x128xi32, #tpu.memory_space<hbm>> -> memref<1x80x128xi32, #tpu.memory_space<hbm>>
      %dma_start3A_115 = tpu.memref_squeeze %dma_start3A_114 : memref<1x80x128xi32, #tpu.memory_space<hbm>> -> memref<80x128xi32, #tpu.memory_space<hbm>>
      %dma_start3A_116 = arith.constant 0 : i32
      %dma_start3A_117 = arith.constant 0 : i32
      %dma_start3A_118 = tpu.memref_slice %dma_start3A_115[%dma_start3A_116, %dma_start3A_117] : memref<80x128xi32, #tpu.memory_space<hbm>> -> memref<40x128xi32, #tpu.memory_space<hbm>>
      tpu.enqueue_dma source(%dma_start3A_118 : memref<40x128xi32, #tpu.memory_space<hbm>>) target(%arg7 : memref<40x128xi32, #tpu.memory_space<vmem>>) target_semaphore(%run_scoped3A : memref<!tpu.dma_semaphore, #tpu.memory_space<semaphore_mem>>)
      %dma_wait3A = arith.constant 0 : i32
      %dma_wait3A_119 = arith.constant 0 : i32
      %dma_wait3A_120 = tpu.memref_slice %arg4[%arg1, %dma_wait3A, %dma_wait3A_119] : memref<16x80x128xi32, #tpu.memory_space<hbm>> -> memref<1x80x128xi32, #tpu.memory_space<hbm>>
      %dma_wait3A_121 = tpu.memref_squeeze %dma_wait3A_120 : memref<1x80x128xi32, #tpu.memory_space<hbm>> -> memref<80x128xi32, #tpu.memory_space<hbm>>
      %dma_wait3A_122 = arith.constant 0 : i32
      %dma_wait3A_123 = arith.constant 0 : i32
      %dma_wait3A_124 = tpu.memref_slice %dma_wait3A_121[%dma_wait3A_122, %dma_wait3A_123] : memref<80x128xi32, #tpu.memory_space<hbm>> -> memref<40x128xi32, #tpu.memory_space<hbm>>
      %dma_wait3A_125 = arith.constant 0 : i32
      %dma_wait3A_126 = arith.constant 0 : i32
      %dma_wait3A_127 = tpu.memref_slice %arg4[%arg1, %dma_wait3A_125, %dma_wait3A_126] : memref<16x80x128xi32, #tpu.memory_space<hbm>> -> memref<1x80x128xi32, #tpu.memory_space<hbm>>
      %dma_wait3A_128 = tpu.memref_squeeze %dma_wait3A_127 : memref<1x80x128xi32, #tpu.memory_space<hbm>> -> memref<80x128xi32, #tpu.memory_space<hbm>>
      %dma_wait3A_129 = arith.constant 0 : i32
      %dma_wait3A_130 = arith.constant 0 : i32
      %dma_wait3A_131 = tpu.memref_slice %dma_wait3A_128[%dma_wait3A_129, %dma_wait3A_130] : memref<80x128xi32, #tpu.memory_space<hbm>> -> memref<40x128xi32, #tpu.memory_space<hbm>>
      tpu.wait_dma2 semaphore(%run_scoped3A : memref<!tpu.dma_semaphore, #tpu.memory_space<semaphore_mem>>) src(%dma_wait3A_131 : memref<40x128xi32, #tpu.memory_space<hbm>>) dst(%arg7 : memref<40x128xi32, #tpu.memory_space<vmem>>)
      tpu.yield
    }) : () -> ()
    %dma_start3A_66 = arith.constant 0 : i32
    %dma_start3A_67 = arith.constant 0 : i32
    %dma_start3A_68 = tpu.memref_slice %arg6[%dma_start3A_66, %dma_start3A_67] : memref<40x128xi32, #tpu.memory_space<vmem>> -> memref<1x128xi32, #tpu.memory_space<vmem>>
    %dma_start3A_69 = tpu.memref_squeeze %dma_start3A_68 : memref<1x128xi32, #tpu.memory_space<vmem>> -> memref<128xi32, #tpu.memory_space<vmem>>
    %dma_start3A_70 = arith.constant 0 : i32
    %dma_start3A_71 = arith.constant 0 : i32
    %dma_start3A_72 = tpu.memref_slice %arg2[%add3A_57, %dma_start3A_70, %dma_start3A_71] : memref<4x10240x128xf32, #tpu.memory_space<hbm>> -> memref<1x10240x128xf32, #tpu.memory_space<hbm>>
    %dma_start3A_73 = tpu.memref_squeeze %dma_start3A_72 : memref<1x10240x128xf32, #tpu.memory_space<hbm>> -> memref<10240x128xf32, #tpu.memory_space<hbm>>
    %dma_start3A_74 = arith.constant 0 : i32
    %dma_start3A_75 = arith.constant 0 : i32
    %dma_start3A_76 = tpu.memref_slice %dma_start3A_73[%dma_start3A_74, %dma_start3A_75] : memref<10240x128xf32, #tpu.memory_space<hbm>> -> memref<10240x128xf32, #tpu.memory_space<hbm>>
    tpu.enqueue_indirect_dma source(%dma_start3A_76 : memref<10240x128xf32, #tpu.memory_space<hbm>>) target(%arg8 : memref<128x128xf32, #tpu.memory_space<vmem>>) offsets(%dma_start3A_69 : memref<128xi32, #tpu.memory_space<vmem>>) semaphore(%arg12 : memref<!tpu.dma_semaphore, #tpu.memory_space<semaphore_mem>>)
    %scan3A_77 = arith.constant 0 : i32
    %scan3A_78 = arith.constant 0 : i32
    %scan3A_79 = arith.constant 20 : i32
    %scan3A_80 = arith.addi %scan3A_78, %scan3A_79 : i32
    %scan3A_81 = arith.constant 1 : i32
    %scan3A_82 = scf.for %scan3A_105 = %scan3A_78 to %scan3A_80 step %scan3A_81 iter_args(%scan3A_106 = %scan3A_77) -> (i32)  : i32 {
      %mul3A_107 = arith.constant 2 : i32
      %mul3A_108 = arith.muli %mul3A_107, %scan3A_105 : i32
      %add3A_109 = arith.constant 1 : i32
      %add3A_110 = arith.addi %mul3A_108, %add3A_109 : i32
      %dma_wait3A = arith.constant 0 : i32
      %dma_wait3A_111 = tpu.memref_slice %arg6[%mul3A_108, %dma_wait3A] : memref<40x128xi32, #tpu.memory_space<vmem>> -> memref<1x128xi32, #tpu.memory_space<vmem>>
      %dma_wait3A_112 = tpu.memref_squeeze %dma_wait3A_111 : memref<1x128xi32, #tpu.memory_space<vmem>> -> memref<128xi32, #tpu.memory_space<vmem>>
      %dma_wait3A_113 = arith.constant 0 : i32
      %dma_wait3A_114 = arith.constant 0 : i32
      %dma_wait3A_115 = tpu.memref_slice %arg2[%add3A_57, %dma_wait3A_113, %dma_wait3A_114] : memref<4x10240x128xf32, #tpu.memory_space<hbm>> -> memref<1x10240x128xf32, #tpu.memory_space<hbm>>
      %dma_wait3A_116 = tpu.memref_squeeze %dma_wait3A_115 : memref<1x10240x128xf32, #tpu.memory_space<hbm>> -> memref<10240x128xf32, #tpu.memory_space<hbm>>
      %dma_wait3A_117 = arith.constant 0 : i32
      %dma_wait3A_118 = arith.constant 0 : i32
      %dma_wait3A_119 = tpu.memref_slice %dma_wait3A_116[%dma_wait3A_117, %dma_wait3A_118] : memref<10240x128xf32, #tpu.memory_space<hbm>> -> memref<10240x128xf32, #tpu.memory_space<hbm>>
      tpu.wait_indirect_dma semaphore(%arg12 : memref<!tpu.dma_semaphore, #tpu.memory_space<semaphore_mem>>) src(%dma_wait3A_119 : memref<10240x128xf32, #tpu.memory_space<hbm>>) dst(%arg8 : memref<128x128xf32, #tpu.memory_space<vmem>>)
      %dma_start3A_120 = arith.constant 0 : i32
      %dma_start3A_121 = tpu.memref_slice %arg6[%add3A_110, %dma_start3A_120] : memref<40x128xi32, #tpu.memory_space<vmem>> -> memref<1x128xi32, #tpu.memory_space<vmem>>
      %dma_start3A_122 = tpu.memref_squeeze %dma_start3A_121 : memref<1x128xi32, #tpu.memory_space<vmem>> -> memref<128xi32, #tpu.memory_space<vmem>>
      %dma_start3A_123 = arith.constant 0 : i32
      %dma_start3A_124 = arith.constant 0 : i32
      %dma_start3A_125 = tpu.memref_slice %arg2[%add3A_57, %dma_start3A_123, %dma_start3A_124] : memref<4x10240x128xf32, #tpu.memory_space<hbm>> -> memref<1x10240x128xf32, #tpu.memory_space<hbm>>
      %dma_start3A_126 = tpu.memref_squeeze %dma_start3A_125 : memref<1x10240x128xf32, #tpu.memory_space<hbm>> -> memref<10240x128xf32, #tpu.memory_space<hbm>>
      %dma_start3A_127 = arith.constant 0 : i32
      %dma_start3A_128 = arith.constant 0 : i32
      %dma_start3A_129 = tpu.memref_slice %dma_start3A_126[%dma_start3A_127, %dma_start3A_128] : memref<10240x128xf32, #tpu.memory_space<hbm>> -> memref<10240x128xf32, #tpu.memory_space<hbm>>
      tpu.enqueue_indirect_dma source(%dma_start3A_129 : memref<10240x128xf32, #tpu.memory_space<hbm>>) target(%arg9 : memref<128x128xf32, #tpu.memory_space<vmem>>) offsets(%dma_start3A_122 : memref<128xi32, #tpu.memory_space<vmem>>) semaphore(%arg13 : memref<!tpu.dma_semaphore, #tpu.memory_space<semaphore_mem>>)
      "tpu.region"() ({
        %run_scoped3A = tpu.sem_alloc : memref<!tpu.dma_semaphore, #tpu.memory_space<semaphore_mem>>
        %dma_start3A_145 = arith.constant 0 : i32
        %dma_start3A_146 = tpu.memref_slice %arg7[%mul3A_108, %dma_start3A_145] : memref<40x128xi32, #tpu.memory_space<vmem>> -> memref<1x128xi32, #tpu.memory_space<vmem>>
        %dma_start3A_147 = tpu.memref_squeeze %dma_start3A_146 : memref<1x128xi32, #tpu.memory_space<vmem>> -> memref<128xi32, #tpu.memory_space<vmem>>
        %dma_start3A_148 = arith.constant 0 : i32
        %dma_start3A_149 = arith.constant 0 : i32
        %dma_start3A_150 = tpu.memref_slice %arg11[%dma_start3A_148, %dma_start3A_149] : memref<10240x128xf32, #tpu.memory_space<vmem_shared>> -> memref<10240x128xf32, #tpu.memory_space<vmem_shared>>
        tpu.enqueue_indirect_dma source(%arg8 : memref<128x128xf32, #tpu.memory_space<vmem>>) target(%dma_start3A_150 : memref<10240x128xf32, #tpu.memory_space<vmem_shared>>) offsets(%dma_start3A_147 : memref<128xi32, #tpu.memory_space<vmem>>) semaphore(%run_scoped3A : memref<!tpu.dma_semaphore, #tpu.memory_space<semaphore_mem>>) {add = true}
        %dma_wait3A_151 = arith.constant 0 : i32
        %dma_wait3A_152 = tpu.memref_slice %arg7[%mul3A_108, %dma_wait3A_151] : memref<40x128xi32, #tpu.memory_space<vmem>> -> memref<1x128xi32, #tpu.memory_space<vmem>>
        %dma_wait3A_153 = tpu.memref_squeeze %dma_wait3A_152 : memref<1x128xi32, #tpu.memory_space<vmem>> -> memref<128xi32, #tpu.memory_space<vmem>>
        %dma_wait3A_154 = arith.constant 0 : i32
        %dma_wait3A_155 = arith.constant 0 : i32
        %dma_wait3A_156 = tpu.memref_slice %arg11[%dma_wait3A_154, %dma_wait3A_155] : memref<10240x128xf32, #tpu.memory_space<vmem_shared>> -> memref<10240x128xf32, #tpu.memory_space<vmem_shared>>
        tpu.wait_indirect_dma semaphore(%run_scoped3A : memref<!tpu.dma_semaphore, #tpu.memory_space<semaphore_mem>>) src(%arg8 : memref<128x128xf32, #tpu.memory_space<vmem>>) dst(%dma_wait3A_156 : memref<10240x128xf32, #tpu.memory_space<vmem_shared>>)
        tpu.yield
      }) : () -> ()
      %dma_wait3A_130 = arith.constant 0 : i32
      %dma_wait3A_131 = tpu.memref_slice %arg6[%add3A_110, %dma_wait3A_130] : memref<40x128xi32, #tpu.memory_space<vmem>> -> memref<1x128xi32, #tpu.memory_space<vmem>>
      %dma_wait3A_132 = tpu.memref_squeeze %dma_wait3A_131 : memref<1x128xi32, #tpu.memory_space<vmem>> -> memref<128xi32, #tpu.memory_space<vmem>>
      %dma_wait3A_133 = arith.constant 0 : i32
      %dma_wait3A_134 = arith.constant 0 : i32
      %dma_wait3A_135 = tpu.memref_slice %arg2[%add3A_57, %dma_wait3A_133, %dma_wait3A_134] : memref<4x10240x128xf32, #tpu.memory_space<hbm>> -> memref<1x10240x128xf32, #tpu.memory_space<hbm>>
      %dma_wait3A_136 = tpu.memref_squeeze %dma_wait3A_135 : memref<1x10240x128xf32, #tpu.memory_space<hbm>> -> memref<10240x128xf32, #tpu.memory_space<hbm>>
      %dma_wait3A_137 = arith.constant 0 : i32
      %dma_wait3A_138 = arith.constant 0 : i32
      %dma_wait3A_139 = tpu.memref_slice %dma_wait3A_136[%dma_wait3A_137, %dma_wait3A_138] : memref<10240x128xf32, #tpu.memory_space<hbm>> -> memref<10240x128xf32, #tpu.memory_space<hbm>>
      tpu.wait_indirect_dma semaphore(%arg13 : memref<!tpu.dma_semaphore, #tpu.memory_space<semaphore_mem>>) src(%dma_wait3A_139 : memref<10240x128xf32, #tpu.memory_space<hbm>>) dst(%arg9 : memref<128x128xf32, #tpu.memory_space<vmem>>)
      %add3A_140 = arith.constant 1 : i32
      %add3A_141 = arith.addi %scan3A_105, %add3A_140 : i32
      %lt3A = arith.constant 20 : i32
      %lt3A_142 = arith.cmpi slt, %add3A_141, %lt3A : i32
      %convert_element_type3A = arith.extui %lt3A_142 : i1 to i32
      %cond3A = arith.constant 0 : i32
      %cond3A_143 = arith.cmpi ne, %convert_element_type3A, %cond3A : i32
      scf.if %cond3A_143 {
        %add3A_145 = arith.constant 1 : i32
        %add3A_146 = arith.addi %add3A_110, %add3A_145 : i32
        %dma_start3A_147 = arith.constant 0 : i32
        %dma_start3A_148 = tpu.memref_slice %arg6[%add3A_146, %dma_start3A_147] : memref<40x128xi32, #tpu.memory_space<vmem>> -> memref<1x128xi32, #tpu.memory_space<vmem>>
        %dma_start3A_149 = tpu.memref_squeeze %dma_start3A_148 : memref<1x128xi32, #tpu.memory_space<vmem>> -> memref<128xi32, #tpu.memory_space<vmem>>
        %dma_start3A_150 = arith.constant 0 : i32
        %dma_start3A_151 = arith.constant 0 : i32
        %dma_start3A_152 = tpu.memref_slice %arg2[%add3A_57, %dma_start3A_150, %dma_start3A_151] : memref<4x10240x128xf32, #tpu.memory_space<hbm>> -> memref<1x10240x128xf32, #tpu.memory_space<hbm>>
        %dma_start3A_153 = tpu.memref_squeeze %dma_start3A_152 : memref<1x10240x128xf32, #tpu.memory_space<hbm>> -> memref<10240x128xf32, #tpu.memory_space<hbm>>
        %dma_start3A_154 = arith.constant 0 : i32
        %dma_start3A_155 = arith.constant 0 : i32
        %dma_start3A_156 = tpu.memref_slice %dma_start3A_153[%dma_start3A_154, %dma_start3A_155] : memref<10240x128xf32, #tpu.memory_space<hbm>> -> memref<10240x128xf32, #tpu.memory_space<hbm>>
        tpu.enqueue_indirect_dma source(%dma_start3A_156 : memref<10240x128xf32, #tpu.memory_space<hbm>>) target(%arg8 : memref<128x128xf32, #tpu.memory_space<vmem>>) offsets(%dma_start3A_149 : memref<128xi32, #tpu.memory_space<vmem>>) semaphore(%arg12 : memref<!tpu.dma_semaphore, #tpu.memory_space<semaphore_mem>>)
      } else {
      }
      "tpu.region"() ({
        %run_scoped3A = tpu.sem_alloc : memref<!tpu.dma_semaphore, #tpu.memory_space<semaphore_mem>>
        %dma_start3A_145 = arith.constant 0 : i32
        %dma_start3A_146 = tpu.memref_slice %arg7[%add3A_110, %dma_start3A_145] : memref<40x128xi32, #tpu.memory_space<vmem>> -> memref<1x128xi32, #tpu.memory_space<vmem>>
        %dma_start3A_147 = tpu.memref_squeeze %dma_start3A_146 : memref<1x128xi32, #tpu.memory_space<vmem>> -> memref<128xi32, #tpu.memory_space<vmem>>
        %dma_start3A_148 = arith.constant 0 : i32
        %dma_start3A_149 = arith.constant 0 : i32
        %dma_start3A_150 = tpu.memref_slice %arg11[%dma_start3A_148, %dma_start3A_149] : memref<10240x128xf32, #tpu.memory_space<vmem_shared>> -> memref<10240x128xf32, #tpu.memory_space<vmem_shared>>
        tpu.enqueue_indirect_dma source(%arg9 : memref<128x128xf32, #tpu.memory_space<vmem>>) target(%dma_start3A_150 : memref<10240x128xf32, #tpu.memory_space<vmem_shared>>) offsets(%dma_start3A_147 : memref<128xi32, #tpu.memory_space<vmem>>) semaphore(%run_scoped3A : memref<!tpu.dma_semaphore, #tpu.memory_space<semaphore_mem>>) {add = true}
        %dma_wait3A_151 = arith.constant 0 : i32
        %dma_wait3A_152 = tpu.memref_slice %arg7[%add3A_110, %dma_wait3A_151] : memref<40x128xi32, #tpu.memory_space<vmem>> -> memref<1x128xi32, #tpu.memory_space<vmem>>
        %dma_wait3A_153 = tpu.memref_squeeze %dma_wait3A_152 : memref<1x128xi32, #tpu.memory_space<vmem>> -> memref<128xi32, #tpu.memory_space<vmem>>
        %dma_wait3A_154 = arith.constant 0 : i32
        %dma_wait3A_155 = arith.constant 0 : i32
        %dma_wait3A_156 = tpu.memref_slice %arg11[%dma_wait3A_154, %dma_wait3A_155] : memref<10240x128xf32, #tpu.memory_space<vmem_shared>> -> memref<10240x128xf32, #tpu.memory_space<vmem_shared>>
        tpu.wait_indirect_dma semaphore(%run_scoped3A : memref<!tpu.dma_semaphore, #tpu.memory_space<semaphore_mem>>) src(%arg9 : memref<128x128xf32, #tpu.memory_space<vmem>>) dst(%dma_wait3A_156 : memref<10240x128xf32, #tpu.memory_space<vmem_shared>>)
        tpu.yield
      }) : () -> ()
      %scan3A_144 = arith.constant 0 : i32
      scf.yield %scan3A_144 : i32
    }
    %scan3A_83 = arith.constant 20 : i32
    "tpu.region"() ({
      %run_scoped3A = tpu.sem_alloc : memref<!tpu.dma_semaphore, #tpu.memory_space<semaphore_mem>>
      %dma_start3A_105 = arith.constant 0 : i32
      %dma_start3A_106 = arith.constant 0 : i32
      %dma_start3A_107 = tpu.memref_slice %arg3[%arg1, %dma_start3A_105, %dma_start3A_106] : memref<16x80x128xi32, #tpu.memory_space<hbm>> -> memref<1x80x128xi32, #tpu.memory_space<hbm>>
      %dma_start3A_108 = tpu.memref_squeeze %dma_start3A_107 : memref<1x80x128xi32, #tpu.memory_space<hbm>> -> memref<80x128xi32, #tpu.memory_space<hbm>>
      %dma_start3A_109 = arith.constant 40 : i32
      %dma_start3A_110 = arith.constant 0 : i32
      %dma_start3A_111 = tpu.memref_slice %dma_start3A_108[%dma_start3A_109, %dma_start3A_110] : memref<80x128xi32, #tpu.memory_space<hbm>> -> memref<40x128xi32, #tpu.memory_space<hbm>>
      %dma_start3A_112 = arith.constant 0 : i32
      %dma_start3A_113 = arith.constant 0 : i32
      %dma_start3A_114 = tpu.memref_slice %arg3[%arg1, %dma_start3A_112, %dma_start3A_113] : memref<16x80x128xi32, #tpu.memory_space<hbm>> -> memref<1x80x128xi32, #tpu.memory_space<hbm>>
      %dma_start3A_115 = tpu.memref_squeeze %dma_start3A_114 : memref<1x80x128xi32, #tpu.memory_space<hbm>> -> memref<80x128xi32, #tpu.memory_space<hbm>>
      %dma_start3A_116 = arith.constant 40 : i32
      %dma_start3A_117 = arith.constant 0 : i32
      %dma_start3A_118 = tpu.memref_slice %dma_start3A_115[%dma_start3A_116, %dma_start3A_117] : memref<80x128xi32, #tpu.memory_space<hbm>> -> memref<40x128xi32, #tpu.memory_space<hbm>>
      tpu.enqueue_dma source(%dma_start3A_118 : memref<40x128xi32, #tpu.memory_space<hbm>>) target(%arg6 : memref<40x128xi32, #tpu.memory_space<vmem>>) target_semaphore(%run_scoped3A : memref<!tpu.dma_semaphore, #tpu.memory_space<semaphore_mem>>)
      %dma_wait3A = arith.constant 0 : i32
      %dma_wait3A_119 = arith.constant 0 : i32
      %dma_wait3A_120 = tpu.memref_slice %arg3[%arg1, %dma_wait3A, %dma_wait3A_119] : memref<16x80x128xi32, #tpu.memory_space<hbm>> -> memref<1x80x128xi32, #tpu.memory_space<hbm>>
      %dma_wait3A_121 = tpu.memref_squeeze %dma_wait3A_120 : memref<1x80x128xi32, #tpu.memory_space<hbm>> -> memref<80x128xi32, #tpu.memory_space<hbm>>
      %dma_wait3A_122 = arith.constant 40 : i32
      %dma_wait3A_123 = arith.constant 0 : i32
      %dma_wait3A_124 = tpu.memref_slice %dma_wait3A_121[%dma_wait3A_122, %dma_wait3A_123] : memref<80x128xi32, #tpu.memory_space<hbm>> -> memref<40x128xi32, #tpu.memory_space<hbm>>
      %dma_wait3A_125 = arith.constant 0 : i32
      %dma_wait3A_126 = arith.constant 0 : i32
      %dma_wait3A_127 = tpu.memref_slice %arg3[%arg1, %dma_wait3A_125, %dma_wait3A_126] : memref<16x80x128xi32, #tpu.memory_space<hbm>> -> memref<1x80x128xi32, #tpu.memory_space<hbm>>
      %dma_wait3A_128 = tpu.memref_squeeze %dma_wait3A_127 : memref<1x80x128xi32, #tpu.memory_space<hbm>> -> memref<80x128xi32, #tpu.memory_space<hbm>>
      %dma_wait3A_129 = arith.constant 40 : i32
      %dma_wait3A_130 = arith.constant 0 : i32
      %dma_wait3A_131 = tpu.memref_slice %dma_wait3A_128[%dma_wait3A_129, %dma_wait3A_130] : memref<80x128xi32, #tpu.memory_space<hbm>> -> memref<40x128xi32, #tpu.memory_space<hbm>>
      tpu.wait_dma2 semaphore(%run_scoped3A : memref<!tpu.dma_semaphore, #tpu.memory_space<semaphore_mem>>) src(%dma_wait3A_131 : memref<40x128xi32, #tpu.memory_space<hbm>>) dst(%arg6 : memref<40x128xi32, #tpu.memory_space<vmem>>)
      tpu.yield
    }) : () -> ()
    "tpu.region"() ({
      %run_scoped3A = tpu.sem_alloc : memref<!tpu.dma_semaphore, #tpu.memory_space<semaphore_mem>>
      %dma_start3A_105 = arith.constant 0 : i32
      %dma_start3A_106 = arith.constant 0 : i32
      %dma_start3A_107 = tpu.memref_slice %arg4[%arg1, %dma_start3A_105, %dma_start3A_106] : memref<16x80x128xi32, #tpu.memory_space<hbm>> -> memref<1x80x128xi32, #tpu.memory_space<hbm>>
      %dma_start3A_108 = tpu.memref_squeeze %dma_start3A_107 : memref<1x80x128xi32, #tpu.memory_space<hbm>> -> memref<80x128xi32, #tpu.memory_space<hbm>>
      %dma_start3A_109 = arith.constant 40 : i32
      %dma_start3A_110 = arith.constant 0 : i32
      %dma_start3A_111 = tpu.memref_slice %dma_start3A_108[%dma_start3A_109, %dma_start3A_110] : memref<80x128xi32, #tpu.memory_space<hbm>> -> memref<40x128xi32, #tpu.memory_space<hbm>>
      %dma_start3A_112 = arith.constant 0 : i32
      %dma_start3A_113 = arith.constant 0 : i32
      %dma_start3A_114 = tpu.memref_slice %arg4[%arg1, %dma_start3A_112, %dma_start3A_113] : memref<16x80x128xi32, #tpu.memory_space<hbm>> -> memref<1x80x128xi32, #tpu.memory_space<hbm>>
      %dma_start3A_115 = tpu.memref_squeeze %dma_start3A_114 : memref<1x80x128xi32, #tpu.memory_space<hbm>> -> memref<80x128xi32, #tpu.memory_space<hbm>>
      %dma_start3A_116 = arith.constant 40 : i32
      %dma_start3A_117 = arith.constant 0 : i32
      %dma_start3A_118 = tpu.memref_slice %dma_start3A_115[%dma_start3A_116, %dma_start3A_117] : memref<80x128xi32, #tpu.memory_space<hbm>> -> memref<40x128xi32, #tpu.memory_space<hbm>>
      tpu.enqueue_dma source(%dma_start3A_118 : memref<40x128xi32, #tpu.memory_space<hbm>>) target(%arg7 : memref<40x128xi32, #tpu.memory_space<vmem>>) target_semaphore(%run_scoped3A : memref<!tpu.dma_semaphore, #tpu.memory_space<semaphore_mem>>)
      %dma_wait3A = arith.constant 0 : i32
      %dma_wait3A_119 = arith.constant 0 : i32
      %dma_wait3A_120 = tpu.memref_slice %arg4[%arg1, %dma_wait3A, %dma_wait3A_119] : memref<16x80x128xi32, #tpu.memory_space<hbm>> -> memref<1x80x128xi32, #tpu.memory_space<hbm>>
      %dma_wait3A_121 = tpu.memref_squeeze %dma_wait3A_120 : memref<1x80x128xi32, #tpu.memory_space<hbm>> -> memref<80x128xi32, #tpu.memory_space<hbm>>
      %dma_wait3A_122 = arith.constant 40 : i32
      %dma_wait3A_123 = arith.constant 0 : i32
      %dma_wait3A_124 = tpu.memref_slice %dma_wait3A_121[%dma_wait3A_122, %dma_wait3A_123] : memref<80x128xi32, #tpu.memory_space<hbm>> -> memref<40x128xi32, #tpu.memory_space<hbm>>
      %dma_wait3A_125 = arith.constant 0 : i32
      %dma_wait3A_126 = arith.constant 0 : i32
      %dma_wait3A_127 = tpu.memref_slice %arg4[%arg1, %dma_wait3A_125, %dma_wait3A_126] : memref<16x80x128xi32, #tpu.memory_space<hbm>> -> memref<1x80x128xi32, #tpu.memory_space<hbm>>
      %dma_wait3A_128 = tpu.memref_squeeze %dma_wait3A_127 : memref<1x80x128xi32, #tpu.memory_space<hbm>> -> memref<80x128xi32, #tpu.memory_space<hbm>>
      %dma_wait3A_129 = arith.constant 40 : i32
      %dma_wait3A_130 = arith.constant 0 : i32
      %dma_wait3A_131 = tpu.memref_slice %dma_wait3A_128[%dma_wait3A_129, %dma_wait3A_130] : memref<80x128xi32, #tpu.memory_space<hbm>> -> memref<40x128xi32, #tpu.memory_space<hbm>>
      tpu.wait_dma2 semaphore(%run_scoped3A : memref<!tpu.dma_semaphore, #tpu.memory_space<semaphore_mem>>) src(%dma_wait3A_131 : memref<40x128xi32, #tpu.memory_space<hbm>>) dst(%arg7 : memref<40x128xi32, #tpu.memory_space<vmem>>)
      tpu.yield
    }) : () -> ()
    %dma_start3A_84 = arith.constant 0 : i32
    %dma_start3A_85 = arith.constant 0 : i32
    %dma_start3A_86 = tpu.memref_slice %arg6[%dma_start3A_84, %dma_start3A_85] : memref<40x128xi32, #tpu.memory_space<vmem>> -> memref<1x128xi32, #tpu.memory_space<vmem>>
    %dma_start3A_87 = tpu.memref_squeeze %dma_start3A_86 : memref<1x128xi32, #tpu.memory_space<vmem>> -> memref<128xi32, #tpu.memory_space<vmem>>
    %dma_start3A_88 = arith.constant 0 : i32
    %dma_start3A_89 = arith.constant 0 : i32
    %dma_start3A_90 = tpu.memref_slice %arg2[%add3A_57, %dma_start3A_88, %dma_start3A_89] : memref<4x10240x128xf32, #tpu.memory_space<hbm>> -> memref<1x10240x128xf32, #tpu.memory_space<hbm>>
    %dma_start3A_91 = tpu.memref_squeeze %dma_start3A_90 : memref<1x10240x128xf32, #tpu.memory_space<hbm>> -> memref<10240x128xf32, #tpu.memory_space<hbm>>
    %dma_start3A_92 = arith.constant 0 : i32
    %dma_start3A_93 = arith.constant 0 : i32
    %dma_start3A_94 = tpu.memref_slice %dma_start3A_91[%dma_start3A_92, %dma_start3A_93] : memref<10240x128xf32, #tpu.memory_space<hbm>> -> memref<10240x128xf32, #tpu.memory_space<hbm>>
    tpu.enqueue_indirect_dma source(%dma_start3A_94 : memref<10240x128xf32, #tpu.memory_space<hbm>>) target(%arg8 : memref<128x128xf32, #tpu.memory_space<vmem>>) offsets(%dma_start3A_87 : memref<128xi32, #tpu.memory_space<vmem>>) semaphore(%arg12 : memref<!tpu.dma_semaphore, #tpu.memory_space<semaphore_mem>>)
    %scan3A_95 = arith.constant 0 : i32
    %scan3A_96 = arith.constant 0 : i32
    %scan3A_97 = arith.constant 20 : i32
    %scan3A_98 = arith.addi %scan3A_96, %scan3A_97 : i32
    %scan3A_99 = arith.constant 1 : i32
    %scan3A_100 = scf.for %scan3A_105 = %scan3A_96 to %scan3A_98 step %scan3A_99 iter_args(%scan3A_106 = %scan3A_95) -> (i32)  : i32 {
      %mul3A_107 = arith.constant 2 : i32
      %mul3A_108 = arith.muli %mul3A_107, %scan3A_105 : i32
      %add3A_109 = arith.constant 1 : i32
      %add3A_110 = arith.addi %mul3A_108, %add3A_109 : i32
      %dma_wait3A = arith.constant 0 : i32
      %dma_wait3A_111 = tpu.memref_slice %arg6[%mul3A_108, %dma_wait3A] : memref<40x128xi32, #tpu.memory_space<vmem>> -> memref<1x128xi32, #tpu.memory_space<vmem>>
      %dma_wait3A_112 = tpu.memref_squeeze %dma_wait3A_111 : memref<1x128xi32, #tpu.memory_space<vmem>> -> memref<128xi32, #tpu.memory_space<vmem>>
      %dma_wait3A_113 = arith.constant 0 : i32
      %dma_wait3A_114 = arith.constant 0 : i32
      %dma_wait3A_115 = tpu.memref_slice %arg2[%add3A_57, %dma_wait3A_113, %dma_wait3A_114] : memref<4x10240x128xf32, #tpu.memory_space<hbm>> -> memref<1x10240x128xf32, #tpu.memory_space<hbm>>
      %dma_wait3A_116 = tpu.memref_squeeze %dma_wait3A_115 : memref<1x10240x128xf32, #tpu.memory_space<hbm>> -> memref<10240x128xf32, #tpu.memory_space<hbm>>
      %dma_wait3A_117 = arith.constant 0 : i32
      %dma_wait3A_118 = arith.constant 0 : i32
      %dma_wait3A_119 = tpu.memref_slice %dma_wait3A_116[%dma_wait3A_117, %dma_wait3A_118] : memref<10240x128xf32, #tpu.memory_space<hbm>> -> memref<10240x128xf32, #tpu.memory_space<hbm>>
      tpu.wait_indirect_dma semaphore(%arg12 : memref<!tpu.dma_semaphore, #tpu.memory_space<semaphore_mem>>) src(%dma_wait3A_119 : memref<10240x128xf32, #tpu.memory_space<hbm>>) dst(%arg8 : memref<128x128xf32, #tpu.memory_space<vmem>>)
      %dma_start3A_120 = arith.constant 0 : i32
      %dma_start3A_121 = tpu.memref_slice %arg6[%add3A_110, %dma_start3A_120] : memref<40x128xi32, #tpu.memory_space<vmem>> -> memref<1x128xi32, #tpu.memory_space<vmem>>
      %dma_start3A_122 = tpu.memref_squeeze %dma_start3A_121 : memref<1x128xi32, #tpu.memory_space<vmem>> -> memref<128xi32, #tpu.memory_space<vmem>>
      %dma_start3A_123 = arith.constant 0 : i32
      %dma_start3A_124 = arith.constant 0 : i32
      %dma_start3A_125 = tpu.memref_slice %arg2[%add3A_57, %dma_start3A_123, %dma_start3A_124] : memref<4x10240x128xf32, #tpu.memory_space<hbm>> -> memref<1x10240x128xf32, #tpu.memory_space<hbm>>
      %dma_start3A_126 = tpu.memref_squeeze %dma_start3A_125 : memref<1x10240x128xf32, #tpu.memory_space<hbm>> -> memref<10240x128xf32, #tpu.memory_space<hbm>>
      %dma_start3A_127 = arith.constant 0 : i32
      %dma_start3A_128 = arith.constant 0 : i32
      %dma_start3A_129 = tpu.memref_slice %dma_start3A_126[%dma_start3A_127, %dma_start3A_128] : memref<10240x128xf32, #tpu.memory_space<hbm>> -> memref<10240x128xf32, #tpu.memory_space<hbm>>
      tpu.enqueue_indirect_dma source(%dma_start3A_129 : memref<10240x128xf32, #tpu.memory_space<hbm>>) target(%arg9 : memref<128x128xf32, #tpu.memory_space<vmem>>) offsets(%dma_start3A_122 : memref<128xi32, #tpu.memory_space<vmem>>) semaphore(%arg13 : memref<!tpu.dma_semaphore, #tpu.memory_space<semaphore_mem>>)
      "tpu.region"() ({
        %run_scoped3A = tpu.sem_alloc : memref<!tpu.dma_semaphore, #tpu.memory_space<semaphore_mem>>
        %dma_start3A_145 = arith.constant 0 : i32
        %dma_start3A_146 = tpu.memref_slice %arg7[%mul3A_108, %dma_start3A_145] : memref<40x128xi32, #tpu.memory_space<vmem>> -> memref<1x128xi32, #tpu.memory_space<vmem>>
        %dma_start3A_147 = tpu.memref_squeeze %dma_start3A_146 : memref<1x128xi32, #tpu.memory_space<vmem>> -> memref<128xi32, #tpu.memory_space<vmem>>
        %dma_start3A_148 = arith.constant 0 : i32
        %dma_start3A_149 = arith.constant 0 : i32
        %dma_start3A_150 = tpu.memref_slice %arg11[%dma_start3A_148, %dma_start3A_149] : memref<10240x128xf32, #tpu.memory_space<vmem_shared>> -> memref<10240x128xf32, #tpu.memory_space<vmem_shared>>
        tpu.enqueue_indirect_dma source(%arg8 : memref<128x128xf32, #tpu.memory_space<vmem>>) target(%dma_start3A_150 : memref<10240x128xf32, #tpu.memory_space<vmem_shared>>) offsets(%dma_start3A_147 : memref<128xi32, #tpu.memory_space<vmem>>) semaphore(%run_scoped3A : memref<!tpu.dma_semaphore, #tpu.memory_space<semaphore_mem>>) {add = true}
        %dma_wait3A_151 = arith.constant 0 : i32
        %dma_wait3A_152 = tpu.memref_slice %arg7[%mul3A_108, %dma_wait3A_151] : memref<40x128xi32, #tpu.memory_space<vmem>> -> memref<1x128xi32, #tpu.memory_space<vmem>>
        %dma_wait3A_153 = tpu.memref_squeeze %dma_wait3A_152 : memref<1x128xi32, #tpu.memory_space<vmem>> -> memref<128xi32, #tpu.memory_space<vmem>>
        %dma_wait3A_154 = arith.constant 0 : i32
        %dma_wait3A_155 = arith.constant 0 : i32
        %dma_wait3A_156 = tpu.memref_slice %arg11[%dma_wait3A_154, %dma_wait3A_155] : memref<10240x128xf32, #tpu.memory_space<vmem_shared>> -> memref<10240x128xf32, #tpu.memory_space<vmem_shared>>
        tpu.wait_indirect_dma semaphore(%run_scoped3A : memref<!tpu.dma_semaphore, #tpu.memory_space<semaphore_mem>>) src(%arg8 : memref<128x128xf32, #tpu.memory_space<vmem>>) dst(%dma_wait3A_156 : memref<10240x128xf32, #tpu.memory_space<vmem_shared>>)
        tpu.yield
      }) : () -> ()
      %dma_wait3A_130 = arith.constant 0 : i32
      %dma_wait3A_131 = tpu.memref_slice %arg6[%add3A_110, %dma_wait3A_130] : memref<40x128xi32, #tpu.memory_space<vmem>> -> memref<1x128xi32, #tpu.memory_space<vmem>>
      %dma_wait3A_132 = tpu.memref_squeeze %dma_wait3A_131 : memref<1x128xi32, #tpu.memory_space<vmem>> -> memref<128xi32, #tpu.memory_space<vmem>>
      %dma_wait3A_133 = arith.constant 0 : i32
      %dma_wait3A_134 = arith.constant 0 : i32
      %dma_wait3A_135 = tpu.memref_slice %arg2[%add3A_57, %dma_wait3A_133, %dma_wait3A_134] : memref<4x10240x128xf32, #tpu.memory_space<hbm>> -> memref<1x10240x128xf32, #tpu.memory_space<hbm>>
      %dma_wait3A_136 = tpu.memref_squeeze %dma_wait3A_135 : memref<1x10240x128xf32, #tpu.memory_space<hbm>> -> memref<10240x128xf32, #tpu.memory_space<hbm>>
      %dma_wait3A_137 = arith.constant 0 : i32
      %dma_wait3A_138 = arith.constant 0 : i32
      %dma_wait3A_139 = tpu.memref_slice %dma_wait3A_136[%dma_wait3A_137, %dma_wait3A_138] : memref<10240x128xf32, #tpu.memory_space<hbm>> -> memref<10240x128xf32, #tpu.memory_space<hbm>>
      tpu.wait_indirect_dma semaphore(%arg13 : memref<!tpu.dma_semaphore, #tpu.memory_space<semaphore_mem>>) src(%dma_wait3A_139 : memref<10240x128xf32, #tpu.memory_space<hbm>>) dst(%arg9 : memref<128x128xf32, #tpu.memory_space<vmem>>)
      %add3A_140 = arith.constant 1 : i32
      %add3A_141 = arith.addi %scan3A_105, %add3A_140 : i32
      %lt3A = arith.constant 20 : i32
      %lt3A_142 = arith.cmpi slt, %add3A_141, %lt3A : i32
      %convert_element_type3A = arith.extui %lt3A_142 : i1 to i32
      %cond3A = arith.constant 0 : i32
      %cond3A_143 = arith.cmpi ne, %convert_element_type3A, %cond3A : i32
      scf.if %cond3A_143 {
        %add3A_145 = arith.constant 1 : i32
        %add3A_146 = arith.addi %add3A_110, %add3A_145 : i32
        %dma_start3A_147 = arith.constant 0 : i32
        %dma_start3A_148 = tpu.memref_slice %arg6[%add3A_146, %dma_start3A_147] : memref<40x128xi32, #tpu.memory_space<vmem>> -> memref<1x128xi32, #tpu.memory_space<vmem>>
        %dma_start3A_149 = tpu.memref_squeeze %dma_start3A_148 : memref<1x128xi32, #tpu.memory_space<vmem>> -> memref<128xi32, #tpu.memory_space<vmem>>
        %dma_start3A_150 = arith.constant 0 : i32
        %dma_start3A_151 = arith.constant 0 : i32
        %dma_start3A_152 = tpu.memref_slice %arg2[%add3A_57, %dma_start3A_150, %dma_start3A_151] : memref<4x10240x128xf32, #tpu.memory_space<hbm>> -> memref<1x10240x128xf32, #tpu.memory_space<hbm>>
        %dma_start3A_153 = tpu.memref_squeeze %dma_start3A_152 : memref<1x10240x128xf32, #tpu.memory_space<hbm>> -> memref<10240x128xf32, #tpu.memory_space<hbm>>
        %dma_start3A_154 = arith.constant 0 : i32
        %dma_start3A_155 = arith.constant 0 : i32
        %dma_start3A_156 = tpu.memref_slice %dma_start3A_153[%dma_start3A_154, %dma_start3A_155] : memref<10240x128xf32, #tpu.memory_space<hbm>> -> memref<10240x128xf32, #tpu.memory_space<hbm>>
        tpu.enqueue_indirect_dma source(%dma_start3A_156 : memref<10240x128xf32, #tpu.memory_space<hbm>>) target(%arg8 : memref<128x128xf32, #tpu.memory_space<vmem>>) offsets(%dma_start3A_149 : memref<128xi32, #tpu.memory_space<vmem>>) semaphore(%arg12 : memref<!tpu.dma_semaphore, #tpu.memory_space<semaphore_mem>>)
      } else {
      }
      "tpu.region"() ({
        %run_scoped3A = tpu.sem_alloc : memref<!tpu.dma_semaphore, #tpu.memory_space<semaphore_mem>>
        %dma_start3A_145 = arith.constant 0 : i32
        %dma_start3A_146 = tpu.memref_slice %arg7[%add3A_110, %dma_start3A_145] : memref<40x128xi32, #tpu.memory_space<vmem>> -> memref<1x128xi32, #tpu.memory_space<vmem>>
        %dma_start3A_147 = tpu.memref_squeeze %dma_start3A_146 : memref<1x128xi32, #tpu.memory_space<vmem>> -> memref<128xi32, #tpu.memory_space<vmem>>
        %dma_start3A_148 = arith.constant 0 : i32
        %dma_start3A_149 = arith.constant 0 : i32
        %dma_start3A_150 = tpu.memref_slice %arg11[%dma_start3A_148, %dma_start3A_149] : memref<10240x128xf32, #tpu.memory_space<vmem_shared>> -> memref<10240x128xf32, #tpu.memory_space<vmem_shared>>
        tpu.enqueue_indirect_dma source(%arg9 : memref<128x128xf32, #tpu.memory_space<vmem>>) target(%dma_start3A_150 : memref<10240x128xf32, #tpu.memory_space<vmem_shared>>) offsets(%dma_start3A_147 : memref<128xi32, #tpu.memory_space<vmem>>) semaphore(%run_scoped3A : memref<!tpu.dma_semaphore, #tpu.memory_space<semaphore_mem>>) {add = true}
        %dma_wait3A_151 = arith.constant 0 : i32
        %dma_wait3A_152 = tpu.memref_slice %arg7[%add3A_110, %dma_wait3A_151] : memref<40x128xi32, #tpu.memory_space<vmem>> -> memref<1x128xi32, #tpu.memory_space<vmem>>
        %dma_wait3A_153 = tpu.memref_squeeze %dma_wait3A_152 : memref<1x128xi32, #tpu.memory_space<vmem>> -> memref<128xi32, #tpu.memory_space<vmem>>
        %dma_wait3A_154 = arith.constant 0 : i32
        %dma_wait3A_155 = arith.constant 0 : i32
        %dma_wait3A_156 = tpu.memref_slice %arg11[%dma_wait3A_154, %dma_wait3A_155] : memref<10240x128xf32, #tpu.memory_space<vmem_shared>> -> memref<10240x128xf32, #tpu.memory_space<vmem_shared>>
        tpu.wait_indirect_dma semaphore(%run_scoped3A : memref<!tpu.dma_semaphore, #tpu.memory_space<semaphore_mem>>) src(%arg9 : memref<128x128xf32, #tpu.memory_space<vmem>>) dst(%dma_wait3A_156 : memref<10240x128xf32, #tpu.memory_space<vmem_shared>>)
        tpu.yield
      }) : () -> ()
      %scan3A_144 = arith.constant 0 : i32
      scf.yield %scan3A_144 : i32
    }
    %scan3A_101 = arith.constant 20 : i32
    %barrier3A_102 = arith.constant 0 : index
    tpu.barrier barrier_id(%barrier3A_102)
    %mul3A_103 = arith.constant 640 : i32
    %mul3A_104 = arith.muli %arg1, %mul3A_103 : i32
    "tpu.region"() ({
      %run_scoped3A = tpu.sem_alloc : memref<!tpu.dma_semaphore, #tpu.memory_space<semaphore_mem>>
      %dma_start3A_105 = arith.constant 0 : i32
      %dma_start3A_106 = arith.constant 0 : i32
      %dma_start3A_107 = tpu.memref_slice %arg5[%add3A_57, %dma_start3A_105, %dma_start3A_106] : memref<4x10240x128xf32, #tpu.memory_space<hbm>> -> memref<1x10240x128xf32, #tpu.memory_space<hbm>>
      %dma_start3A_108 = tpu.memref_squeeze %dma_start3A_107 : memref<1x10240x128xf32, #tpu.memory_space<hbm>> -> memref<10240x128xf32, #tpu.memory_space<hbm>>
      %dma_start3A_109 = arith.constant 0 : i32
      %dma_start3A_110 = tpu.memref_slice %dma_start3A_108[%mul3A_104, %dma_start3A_109] : memref<10240x128xf32, #tpu.memory_space<hbm>> -> memref<640x128xf32, #tpu.memory_space<hbm>>
      %dma_start3A_111 = arith.constant 0 : i32
      %dma_start3A_112 = tpu.memref_slice %arg11[%mul3A_104, %dma_start3A_111] : memref<10240x128xf32, #tpu.memory_space<vmem_shared>> -> memref<640x128xf32, #tpu.memory_space<vmem_shared>>
      tpu.enqueue_dma source(%dma_start3A_112 : memref<640x128xf32, #tpu.memory_space<vmem_shared>>) target(%dma_start3A_110 : memref<640x128xf32, #tpu.memory_space<hbm>>) target_semaphore(%run_scoped3A : memref<!tpu.dma_semaphore, #tpu.memory_space<semaphore_mem>>)
      %dma_wait3A = arith.constant 0 : i32
      %dma_wait3A_113 = arith.constant 0 : i32
      %dma_wait3A_114 = tpu.memref_slice %arg5[%add3A_57, %dma_wait3A, %dma_wait3A_113] : memref<4x10240x128xf32, #tpu.memory_space<hbm>> -> memref<1x10240x128xf32, #tpu.memory_space<hbm>>
      %dma_wait3A_115 = tpu.memref_squeeze %dma_wait3A_114 : memref<1x10240x128xf32, #tpu.memory_space<hbm>> -> memref<10240x128xf32, #tpu.memory_space<hbm>>
      %dma_wait3A_116 = arith.constant 0 : i32
      %dma_wait3A_117 = tpu.memref_slice %dma_wait3A_115[%mul3A_104, %dma_wait3A_116] : memref<10240x128xf32, #tpu.memory_space<hbm>> -> memref<640x128xf32, #tpu.memory_space<hbm>>
      %dma_wait3A_118 = arith.constant 0 : i32
      %dma_wait3A_119 = tpu.memref_slice %arg11[%mul3A_104, %dma_wait3A_118] : memref<10240x128xf32, #tpu.memory_space<vmem_shared>> -> memref<640x128xf32, #tpu.memory_space<vmem_shared>>
      tpu.wait_dma2 semaphore(%run_scoped3A : memref<!tpu.dma_semaphore, #tpu.memory_space<semaphore_mem>>) src(%dma_wait3A_119 : memref<640x128xf32, #tpu.memory_space<vmem_shared>>) dst(%dma_wait3A_117 : memref<640x128xf32, #tpu.memory_space<hbm>>)
      tpu.yield
    }) : () -> ()
    return
  }
}

module attributes {stable_mosaic.version = 14 : i64} {
  func.func @_in_proj_body(%arg0: i32, %arg1: memref<512x256xf32, #tpu.memory_space<vmem>>, %arg2: memref<256x512xf32, #tpu.memory_space<vmem>>, %arg3: memref<1x512xf32, #tpu.memory_space<vmem>>, %arg4: memref<2x512x128xf32, #tpu.memory_space<vmem>>, %arg5: memref<512x512xf32, #tpu.memory_space<vmem>>, %arg6: memref<512x1xf32, #tpu.memory_space<vmem>>) attributes {dimension_semantics = [#tpu.dimension_semantics<arbitrary>], iteration_bounds = array<i64: 20>, scalar_prefetch = 0 : i64, scratch_operands = 0 : i64, tpu.core_type = #tpu.core_type<tc>, window_params = [{transform_indices = @transform_0, window_bounds = array<i64: 512, 256>}, {pipeline_mode = #tpu.pipeline_mode<synchronous>, transform_indices = @transform_1, window_bounds = array<i64: 256, 512>}, {pipeline_mode = #tpu.pipeline_mode<synchronous>, transform_indices = @transform_2, window_bounds = array<i64: 1, 512>}, {transform_indices = @transform_3, window_bounds = array<i64: 2, 512, 128>}, {transform_indices = @transform_4, window_bounds = array<i64: 512, 512>}, {transform_indices = @transform_5, window_bounds = array<i64: 512, 1>}]} {
    %get3A = arith.constant 0 : index
    %get3A_0 = arith.constant 0 : index
    %get3A_1 = vector.load %arg1[%get3A, %get3A_0] : memref<512x256xf32, #tpu.memory_space<vmem>>, vector<512x256xf32>
    %get3A_2 = arith.constant 0 : index
    %get3A_3 = arith.constant 0 : index
    %get3A_4 = vector.load %arg2[%get3A_2, %get3A_3] : memref<256x512xf32, #tpu.memory_space<vmem>>, vector<256x512xf32>
    %dot_general3A = arith.constant dense<0.000000e+00> : vector<512x512xf32>
    %dot_general3A_5 = tpu.matmul %get3A_1, %get3A_4, %dot_general3A {dimension_numbers = #tpu.dot_dimension_numbers<[1], [0], [0], [1], [0, 0, 1, 1], [], []>, transpose_lhs_hint = false} : vector<512x256xf32>, vector<256x512xf32>, vector<512x512xf32> -> vector<512x512xf32>
    %get3A_6 = arith.constant 0 : index
    %get3A_7 = arith.constant 0 : index
    %get3A_8 = vector.load %arg3[%get3A_6, %get3A_7] : memref<1x512xf32, #tpu.memory_space<vmem>>, vector<1x512xf32>
    %add3A = vector.broadcast %get3A_8 : vector<1x512xf32> to vector<512x512xf32>
    %add3A_9 = arith.addf %dot_general3A_5, %add3A : vector<512x512xf32>
    %max3A = arith.constant 0.000000e+00 : f32
    %max3A_10 = vector.broadcast %max3A : f32 to vector<512x512xf32>
    %max3A_11 = arith.maximumf %add3A_9, %max3A_10 : vector<512x512xf32>
    %swap3A = arith.constant 0 : index
    %swap3A_12 = arith.constant 0 : index
    %swap3A_13 = vector.load %arg5[%swap3A, %swap3A_12] : memref<512x512xf32, #tpu.memory_space<vmem>>, vector<512x512xf32>
    tpu.vector_store %arg5[%swap3A, %swap3A_12], %max3A_11 {strides = array<i32>} : memref<512x512xf32, #tpu.memory_space<vmem>>, vector<512x512xf32>,
    %get3A_14 = arith.constant 0 : index
    %get3A_15 = arith.constant 0 : index
    %get3A_16 = arith.constant 0 : index
    %get3A_17 = vector.load %arg4[%get3A_14, %get3A_15, %get3A_16] : memref<2x512x128xf32, #tpu.memory_space<vmem>>, vector<1x512x128xf32>
    %get3A_18 = vector.shape_cast %get3A_17 : vector<1x512x128xf32> to vector<512x128xf32>
    %slice3A = vector.extract_strided_slice %get3A_18 {offsets = [0, 0], sizes = [512, 1], strides = [1, 1]} : vector<512x128xf32> to vector<512x1xf32>
    %add3A_19 = arith.constant 1.000000e+00 : f32
    %add3A_20 = vector.broadcast %add3A_19 : f32 to vector<512x1xf32>
    %add3A_21 = arith.addf %add3A_20, %slice3A : vector<512x1xf32>
    %get3A_22 = arith.constant 1 : index
    %get3A_23 = arith.constant 0 : index
    %get3A_24 = arith.constant 0 : index
    %get3A_25 = vector.load %arg4[%get3A_22, %get3A_23, %get3A_24] : memref<2x512x128xf32, #tpu.memory_space<vmem>>, vector<1x512x128xf32>
    %get3A_26 = vector.shape_cast %get3A_25 : vector<1x512x128xf32> to vector<512x128xf32>
    %slice3A_27 = vector.extract_strided_slice %get3A_26 {offsets = [0, 0], sizes = [512, 1], strides = [1, 1]} : vector<512x128xf32> to vector<512x1xf32>
    %add3A_28 = arith.addf %add3A_21, %slice3A_27 : vector<512x1xf32>
    %rsqrt3A = math.rsqrt %add3A_28 : vector<512x1xf32>
    %swap3A_29 = arith.constant 0 : index
    %swap3A_30 = arith.constant 0 : index
    %swap3A_31 = vector.load %arg6[%swap3A_29, %swap3A_30] : memref<512x1xf32, #tpu.memory_space<vmem>>, vector<512x1xf32>
    tpu.vector_store %arg6[%swap3A_29, %swap3A_30], %rsqrt3A {strides = array<i32>} : memref<512x1xf32, #tpu.memory_space<vmem>>, vector<512x1xf32>,
    return
  }
  func.func @transform_0(%arg0: i32) -> (i32, i32) {
    %c0_i32 = arith.constant 0 : i32
    %c0_i32_0 = arith.constant 0 : i32
    return %arg0, %c0_i32 : i32, i32
  }
  func.func @transform_1(%arg0: i32) -> (i32, i32) {
    %c0_i32 = arith.constant 0 : i32
    %c0_i32_0 = arith.constant 0 : i32
    %c0_i32_1 = arith.constant 0 : i32
    return %c0_i32, %c0_i32_0 : i32, i32
  }
  func.func @transform_2(%arg0: i32) -> (i32, i32) {
    %c0_i32 = arith.constant 0 : i32
    %c0_i32_0 = arith.constant 0 : i32
    %c0_i32_1 = arith.constant 0 : i32
    return %c0_i32, %c0_i32_0 : i32, i32
  }
  func.func @transform_3(%arg0: i32) -> (i32, i32, i32) {
    %c0_i32 = arith.constant 0 : i32
    %c0_i32_0 = arith.constant 0 : i32
    %c0_i32_1 = arith.constant 0 : i32
    return %c0_i32, %arg0, %c0_i32_0 : i32, i32, i32
  }
  func.func @transform_4(%arg0: i32) -> (i32, i32) {
    %c0_i32 = arith.constant 0 : i32
    %c0_i32_0 = arith.constant 0 : i32
    return %arg0, %c0_i32 : i32, i32
  }
  func.func @transform_5(%arg0: i32) -> (i32, i32) {
    %c0_i32 = arith.constant 0 : i32
    %c0_i32_0 = arith.constant 0 : i32
    return %arg0, %c0_i32 : i32, i32
  }
}

module attributes {stable_mosaic.version = 14 : i64} {
  func.func @_mm_u_body(%arg0: i32, %arg1: memref<512x512xf32, #tpu.memory_space<vmem>>, %arg2: memref<512x512xf32, #tpu.memory_space<vmem>>, %arg3: memref<512x1xf32, #tpu.memory_space<vmem>>, %arg4: memref<4x512x128xf32, #tpu.memory_space<vmem>>) attributes {dimension_semantics = [#tpu.dimension_semantics<arbitrary>], iteration_bounds = array<i64: 20>, scalar_prefetch = 0 : i64, scratch_operands = 0 : i64, tpu.core_type = #tpu.core_type<tc>, window_params = [{transform_indices = @transform_0, window_bounds = array<i64: 512, 512>}, {pipeline_mode = #tpu.pipeline_mode<synchronous>, transform_indices = @transform_1, window_bounds = array<i64: 512, 512>}, {transform_indices = @transform_2, window_bounds = array<i64: 512, 1>}, {transform_indices = @transform_3, window_bounds = array<i64: 4, 512, 128>}]} {
    %get3A = arith.constant 0 : index
    %get3A_0 = arith.constant 0 : index
    %get3A_1 = vector.load %arg1[%get3A, %get3A_0] : memref<512x512xf32, #tpu.memory_space<vmem>>, vector<512x512xf32>
    %get3A_2 = arith.constant 0 : index
    %get3A_3 = arith.constant 0 : index
    %get3A_4 = vector.load %arg2[%get3A_2, %get3A_3] : memref<512x512xf32, #tpu.memory_space<vmem>>, vector<512x512xf32>
    %dot_general3A = arith.constant dense<0.000000e+00> : vector<512x512xf32>
    %dot_general3A_5 = tpu.matmul %get3A_1, %get3A_4, %dot_general3A {dimension_numbers = #tpu.dot_dimension_numbers<[1], [0], [0], [1], [0, 0, 1, 1], [], []>, transpose_lhs_hint = false} : vector<512x512xf32>, vector<512x512xf32>, vector<512x512xf32> -> vector<512x512xf32>
    %get3A_6 = arith.constant 0 : index
    %get3A_7 = arith.constant 0 : index
    %get3A_8 = vector.load %arg3[%get3A_6, %get3A_7] : memref<512x1xf32, #tpu.memory_space<vmem>>, vector<512x1xf32>
    %mul3A = vector.broadcast %get3A_8 : vector<512x1xf32> to vector<512x512xf32>
    %mul3A_9 = arith.mulf %dot_general3A_5, %mul3A : vector<512x512xf32>
    %slice3A = vector.extract_strided_slice %mul3A_9 {offsets = [0, 0], sizes = [512, 128], strides = [1, 1]} : vector<512x512xf32> to vector<512x128xf32>
    %swap3A = arith.constant 0 : index
    %swap3A_10 = arith.constant 0 : index
    %swap3A_11 = arith.constant 0 : index
    %swap3A_12 = vector.load %arg4[%swap3A, %swap3A_10, %swap3A_11] : memref<4x512x128xf32, #tpu.memory_space<vmem>>, vector<1x512x128xf32>
    %swap3A_13 = vector.shape_cast %swap3A_12 : vector<1x512x128xf32> to vector<512x128xf32>
    %swap3A_14 = vector.shape_cast %slice3A : vector<512x128xf32> to vector<1x512x128xf32>
    tpu.vector_store %arg4[%swap3A, %swap3A_10, %swap3A_11], %swap3A_14 {strides = array<i32>} : memref<4x512x128xf32, #tpu.memory_space<vmem>>, vector<1x512x128xf32>,
    %slice3A_15 = vector.extract_strided_slice %mul3A_9 {offsets = [0, 128], sizes = [512, 128], strides = [1, 1]} : vector<512x512xf32> to vector<512x128xf32>
    %swap3A_16 = arith.constant 1 : index
    %swap3A_17 = arith.constant 0 : index
    %swap3A_18 = arith.constant 0 : index
    %swap3A_19 = vector.load %arg4[%swap3A_16, %swap3A_17, %swap3A_18] : memref<4x512x128xf32, #tpu.memory_space<vmem>>, vector<1x512x128xf32>
    %swap3A_20 = vector.shape_cast %swap3A_19 : vector<1x512x128xf32> to vector<512x128xf32>
    %swap3A_21 = vector.shape_cast %slice3A_15 : vector<512x128xf32> to vector<1x512x128xf32>
    tpu.vector_store %arg4[%swap3A_16, %swap3A_17, %swap3A_18], %swap3A_21 {strides = array<i32>} : memref<4x512x128xf32, #tpu.memory_space<vmem>>, vector<1x512x128xf32>,
    %slice3A_22 = vector.extract_strided_slice %mul3A_9 {offsets = [0, 256], sizes = [512, 128], strides = [1, 1]} : vector<512x512xf32> to vector<512x128xf32>
    %swap3A_23 = arith.constant 2 : index
    %swap3A_24 = arith.constant 0 : index
    %swap3A_25 = arith.constant 0 : index
    %swap3A_26 = vector.load %arg4[%swap3A_23, %swap3A_24, %swap3A_25] : memref<4x512x128xf32, #tpu.memory_space<vmem>>, vector<1x512x128xf32>
    %swap3A_27 = vector.shape_cast %swap3A_26 : vector<1x512x128xf32> to vector<512x128xf32>
    %swap3A_28 = vector.shape_cast %slice3A_22 : vector<512x128xf32> to vector<1x512x128xf32>
    tpu.vector_store %arg4[%swap3A_23, %swap3A_24, %swap3A_25], %swap3A_28 {strides = array<i32>} : memref<4x512x128xf32, #tpu.memory_space<vmem>>, vector<1x512x128xf32>,
    %slice3A_29 = vector.extract_strided_slice %mul3A_9 {offsets = [0, 384], sizes = [512, 128], strides = [1, 1]} : vector<512x512xf32> to vector<512x128xf32>
    %swap3A_30 = arith.constant 3 : index
    %swap3A_31 = arith.constant 0 : index
    %swap3A_32 = arith.constant 0 : index
    %swap3A_33 = vector.load %arg4[%swap3A_30, %swap3A_31, %swap3A_32] : memref<4x512x128xf32, #tpu.memory_space<vmem>>, vector<1x512x128xf32>
    %swap3A_34 = vector.shape_cast %swap3A_33 : vector<1x512x128xf32> to vector<512x128xf32>
    %swap3A_35 = vector.shape_cast %slice3A_29 : vector<512x128xf32> to vector<1x512x128xf32>
    tpu.vector_store %arg4[%swap3A_30, %swap3A_31, %swap3A_32], %swap3A_35 {strides = array<i32>} : memref<4x512x128xf32, #tpu.memory_space<vmem>>, vector<1x512x128xf32>,
    return
  }
  func.func @transform_0(%arg0: i32) -> (i32, i32) {
    %c0_i32 = arith.constant 0 : i32
    %c0_i32_0 = arith.constant 0 : i32
    return %arg0, %c0_i32 : i32, i32
  }
  func.func @transform_1(%arg0: i32) -> (i32, i32) {
    %c0_i32 = arith.constant 0 : i32
    %c0_i32_0 = arith.constant 0 : i32
    %c0_i32_1 = arith.constant 0 : i32
    return %c0_i32, %c0_i32_0 : i32, i32
  }
  func.func @transform_2(%arg0: i32) -> (i32, i32) {
    %c0_i32 = arith.constant 0 : i32
    %c0_i32_0 = arith.constant 0 : i32
    return %arg0, %c0_i32 : i32, i32
  }
  func.func @transform_3(%arg0: i32) -> (i32, i32, i32) {
    %c0_i32 = arith.constant 0 : i32
    %c0_i32_0 = arith.constant 0 : i32
    %c0_i32_1 = arith.constant 0 : i32
    return %c0_i32, %arg0, %c0_i32_0 : i32, i32, i32
  }
}

module attributes {stable_mosaic.version = 14 : i64} {
  func.func @_layer_post_body(%arg0: i32, %arg1: memref<4x512x128xf32, #tpu.memory_space<vmem>>, %arg2: memref<4x512x128xf32, #tpu.memory_space<vmem>>, %arg3: memref<512x512xf32, #tpu.memory_space<vmem>>, %arg4: memref<512x1xf32, #tpu.memory_space<vmem>>, %arg5: memref<1x512xf32, #tpu.memory_space<vmem>>, %arg6: memref<1x512xf32, #tpu.memory_space<vmem>>, %arg7: memref<512x512xf32, #tpu.memory_space<vmem>>) attributes {dimension_semantics = [#tpu.dimension_semantics<arbitrary>], iteration_bounds = array<i64: 20>, scalar_prefetch = 0 : i64, scratch_operands = 0 : i64, tpu.core_type = #tpu.core_type<tc>, window_params = [{transform_indices = @transform_0, window_bounds = array<i64: 4, 512, 128>}, {transform_indices = @transform_1, window_bounds = array<i64: 4, 512, 128>}, {transform_indices = @transform_2, window_bounds = array<i64: 512, 512>}, {transform_indices = @transform_3, window_bounds = array<i64: 512, 1>}, {pipeline_mode = #tpu.pipeline_mode<synchronous>, transform_indices = @transform_4, window_bounds = array<i64: 1, 512>}, {pipeline_mode = #tpu.pipeline_mode<synchronous>, transform_indices = @transform_5, window_bounds = array<i64: 1, 512>}, {transform_indices = @transform_6, window_bounds = array<i64: 512, 512>}]} {
    %get3A = arith.constant 0 : index
    %get3A_0 = arith.constant 0 : index
    %get3A_1 = vector.load %arg4[%get3A, %get3A_0] : memref<512x1xf32, #tpu.memory_space<vmem>>, vector<512x1xf32>
    %get3A_2 = arith.constant 0 : index
    %get3A_3 = arith.constant 0 : index
    %get3A_4 = arith.constant 0 : index
    %get3A_5 = vector.load %arg1[%get3A_2, %get3A_3, %get3A_4] : memref<4x512x128xf32, #tpu.memory_space<vmem>>, vector<1x512x128xf32>
    %get3A_6 = vector.shape_cast %get3A_5 : vector<1x512x128xf32> to vector<512x128xf32>
    %get3A_7 = arith.constant 0 : index
    %get3A_8 = arith.constant 0 : index
    %get3A_9 = arith.constant 0 : index
    %get3A_10 = vector.load %arg2[%get3A_7, %get3A_8, %get3A_9] : memref<4x512x128xf32, #tpu.memory_space<vmem>>, vector<1x512x128xf32>
    %get3A_11 = vector.shape_cast %get3A_10 : vector<1x512x128xf32> to vector<512x128xf32>
    %add3A = arith.addf %get3A_6, %get3A_11 : vector<512x128xf32>
    %mul3A = vector.broadcast %get3A_1 : vector<512x1xf32> to vector<512x128xf32>
    %mul3A_12 = arith.mulf %mul3A, %add3A : vector<512x128xf32>
    %get3A_13 = arith.constant 0 : index
    %get3A_14 = arith.constant 0 : index
    %get3A_15 = vector.load %arg5[%get3A_13, %get3A_14] : memref<1x512xf32, #tpu.memory_space<vmem>>, vector<1x128xf32>
    %mul3A_16 = vector.broadcast %get3A_15 : vector<1x128xf32> to vector<512x128xf32>
    %mul3A_17 = arith.mulf %mul3A_12, %mul3A_16 : vector<512x128xf32>
    %get3A_18 = arith.constant 0 : index
    %get3A_19 = arith.constant 0 : index
    %get3A_20 = vector.load %arg6[%get3A_18, %get3A_19] : memref<1x512xf32, #tpu.memory_space<vmem>>, vector<1x128xf32>
    %add3A_21 = vector.broadcast %get3A_20 : vector<1x128xf32> to vector<512x128xf32>
    %add3A_22 = arith.addf %mul3A_17, %add3A_21 : vector<512x128xf32>
    %max3A = arith.constant 0.000000e+00 : f32
    %max3A_23 = vector.broadcast %max3A : f32 to vector<512x128xf32>
    %max3A_24 = arith.maximumf %add3A_22, %max3A_23 : vector<512x128xf32>
    %get3A_25 = arith.constant 0 : index
    %get3A_26 = arith.constant 0 : index
    %get3A_27 = vector.load %arg3[%get3A_25, %get3A_26] : memref<512x512xf32, #tpu.memory_space<vmem>>, vector<512x128xf32>
    %add3A_28 = arith.addf %get3A_27, %max3A_24 : vector<512x128xf32>
    %swap3A = arith.constant 0 : index
    %swap3A_29 = arith.constant 0 : index
    %swap3A_30 = vector.load %arg7[%swap3A, %swap3A_29] : memref<512x512xf32, #tpu.memory_space<vmem>>, vector<512x128xf32>
    tpu.vector_store %arg7[%swap3A, %swap3A_29], %add3A_28 {strides = array<i32>} : memref<512x512xf32, #tpu.memory_space<vmem>>, vector<512x128xf32>,
    %get3A_31 = arith.constant 1 : index
    %get3A_32 = arith.constant 0 : index
    %get3A_33 = arith.constant 0 : index
    %get3A_34 = vector.load %arg1[%get3A_31, %get3A_32, %get3A_33] : memref<4x512x128xf32, #tpu.memory_space<vmem>>, vector<1x512x128xf32>
    %get3A_35 = vector.shape_cast %get3A_34 : vector<1x512x128xf32> to vector<512x128xf32>
    %get3A_36 = arith.constant 1 : index
    %get3A_37 = arith.constant 0 : index
    %get3A_38 = arith.constant 0 : index
    %get3A_39 = vector.load %arg2[%get3A_36, %get3A_37, %get3A_38] : memref<4x512x128xf32, #tpu.memory_space<vmem>>, vector<1x512x128xf32>
    %get3A_40 = vector.shape_cast %get3A_39 : vector<1x512x128xf32> to vector<512x128xf32>
    %add3A_41 = arith.addf %get3A_35, %get3A_40 : vector<512x128xf32>
    %mul3A_42 = vector.broadcast %get3A_1 : vector<512x1xf32> to vector<512x128xf32>
    %mul3A_43 = arith.mulf %mul3A_42, %add3A_41 : vector<512x128xf32>
    %get3A_44 = arith.constant 0 : index
    %get3A_45 = arith.constant 128 : index
    %get3A_46 = vector.load %arg5[%get3A_44, %get3A_45] : memref<1x512xf32, #tpu.memory_space<vmem>>, vector<1x128xf32>
    %mul3A_47 = vector.broadcast %get3A_46 : vector<1x128xf32> to vector<512x128xf32>
    %mul3A_48 = arith.mulf %mul3A_43, %mul3A_47 : vector<512x128xf32>
    %get3A_49 = arith.constant 0 : index
    %get3A_50 = arith.constant 128 : index
    %get3A_51 = vector.load %arg6[%get3A_49, %get3A_50] : memref<1x512xf32, #tpu.memory_space<vmem>>, vector<1x128xf32>
    %add3A_52 = vector.broadcast %get3A_51 : vector<1x128xf32> to vector<512x128xf32>
    %add3A_53 = arith.addf %mul3A_48, %add3A_52 : vector<512x128xf32>
    %max3A_54 = arith.constant 0.000000e+00 : f32
    %max3A_55 = vector.broadcast %max3A_54 : f32 to vector<512x128xf32>
    %max3A_56 = arith.maximumf %add3A_53, %max3A_55 : vector<512x128xf32>
    %get3A_57 = arith.constant 0 : index
    %get3A_58 = arith.constant 128 : index
    %get3A_59 = vector.load %arg3[%get3A_57, %get3A_58] : memref<512x512xf32, #tpu.memory_space<vmem>>, vector<512x128xf32>
    %add3A_60 = arith.addf %get3A_59, %max3A_56 : vector<512x128xf32>
    %swap3A_61 = arith.constant 0 : index
    %swap3A_62 = arith.constant 128 : index
    %swap3A_63 = vector.load %arg7[%swap3A_61, %swap3A_62] : memref<512x512xf32, #tpu.memory_space<vmem>>, vector<512x128xf32>
    tpu.vector_store %arg7[%swap3A_61, %swap3A_62], %add3A_60 {strides = array<i32>} : memref<512x512xf32, #tpu.memory_space<vmem>>, vector<512x128xf32>,
    %get3A_64 = arith.constant 2 : index
    %get3A_65 = arith.constant 0 : index
    %get3A_66 = arith.constant 0 : index
    %get3A_67 = vector.load %arg1[%get3A_64, %get3A_65, %get3A_66] : memref<4x512x128xf32, #tpu.memory_space<vmem>>, vector<1x512x128xf32>
    %get3A_68 = vector.shape_cast %get3A_67 : vector<1x512x128xf32> to vector<512x128xf32>
    %get3A_69 = arith.constant 2 : index
    %get3A_70 = arith.constant 0 : index
    %get3A_71 = arith.constant 0 : index
    %get3A_72 = vector.load %arg2[%get3A_69, %get3A_70, %get3A_71] : memref<4x512x128xf32, #tpu.memory_space<vmem>>, vector<1x512x128xf32>
    %get3A_73 = vector.shape_cast %get3A_72 : vector<1x512x128xf32> to vector<512x128xf32>
    %add3A_74 = arith.addf %get3A_68, %get3A_73 : vector<512x128xf32>
    %mul3A_75 = vector.broadcast %get3A_1 : vector<512x1xf32> to vector<512x128xf32>
    %mul3A_76 = arith.mulf %mul3A_75, %add3A_74 : vector<512x128xf32>
    %get3A_77 = arith.constant 0 : index
    %get3A_78 = arith.constant 256 : index
    %get3A_79 = vector.load %arg5[%get3A_77, %get3A_78] : memref<1x512xf32, #tpu.memory_space<vmem>>, vector<1x128xf32>
    %mul3A_80 = vector.broadcast %get3A_79 : vector<1x128xf32> to vector<512x128xf32>
    %mul3A_81 = arith.mulf %mul3A_76, %mul3A_80 : vector<512x128xf32>
    %get3A_82 = arith.constant 0 : index
    %get3A_83 = arith.constant 256 : index
    %get3A_84 = vector.load %arg6[%get3A_82, %get3A_83] : memref<1x512xf32, #tpu.memory_space<vmem>>, vector<1x128xf32>
    %add3A_85 = vector.broadcast %get3A_84 : vector<1x128xf32> to vector<512x128xf32>
    %add3A_86 = arith.addf %mul3A_81, %add3A_85 : vector<512x128xf32>
    %max3A_87 = arith.constant 0.000000e+00 : f32
    %max3A_88 = vector.broadcast %max3A_87 : f32 to vector<512x128xf32>
    %max3A_89 = arith.maximumf %add3A_86, %max3A_88 : vector<512x128xf32>
    %get3A_90 = arith.constant 0 : index
    %get3A_91 = arith.constant 256 : index
    %get3A_92 = vector.load %arg3[%get3A_90, %get3A_91] : memref<512x512xf32, #tpu.memory_space<vmem>>, vector<512x128xf32>
    %add3A_93 = arith.addf %get3A_92, %max3A_89 : vector<512x128xf32>
    %swap3A_94 = arith.constant 0 : index
    %swap3A_95 = arith.constant 256 : index
    %swap3A_96 = vector.load %arg7[%swap3A_94, %swap3A_95] : memref<512x512xf32, #tpu.memory_space<vmem>>, vector<512x128xf32>
    tpu.vector_store %arg7[%swap3A_94, %swap3A_95], %add3A_93 {strides = array<i32>} : memref<512x512xf32, #tpu.memory_space<vmem>>, vector<512x128xf32>,
    %get3A_97 = arith.constant 3 : index
    %get3A_98 = arith.constant 0 : index
    %get3A_99 = arith.constant 0 : index
    %get3A_100 = vector.load %arg1[%get3A_97, %get3A_98, %get3A_99] : memref<4x512x128xf32, #tpu.memory_space<vmem>>, vector<1x512x128xf32>
    %get3A_101 = vector.shape_cast %get3A_100 : vector<1x512x128xf32> to vector<512x128xf32>
    %get3A_102 = arith.constant 3 : index
    %get3A_103 = arith.constant 0 : index
    %get3A_104 = arith.constant 0 : index
    %get3A_105 = vector.load %arg2[%get3A_102, %get3A_103, %get3A_104] : memref<4x512x128xf32, #tpu.memory_space<vmem>>, vector<1x512x128xf32>
    %get3A_106 = vector.shape_cast %get3A_105 : vector<1x512x128xf32> to vector<512x128xf32>
    %add3A_107 = arith.addf %get3A_101, %get3A_106 : vector<512x128xf32>
    %mul3A_108 = vector.broadcast %get3A_1 : vector<512x1xf32> to vector<512x128xf32>
    %mul3A_109 = arith.mulf %mul3A_108, %add3A_107 : vector<512x128xf32>
    %get3A_110 = arith.constant 0 : index
    %get3A_111 = arith.constant 384 : index
    %get3A_112 = vector.load %arg5[%get3A_110, %get3A_111] : memref<1x512xf32, #tpu.memory_space<vmem>>, vector<1x128xf32>
    %mul3A_113 = vector.broadcast %get3A_112 : vector<1x128xf32> to vector<512x128xf32>
    %mul3A_114 = arith.mulf %mul3A_109, %mul3A_113 : vector<512x128xf32>
    %get3A_115 = arith.constant 0 : index
    %get3A_116 = arith.constant 384 : index
    %get3A_117 = vector.load %arg6[%get3A_115, %get3A_116] : memref<1x512xf32, #tpu.memory_space<vmem>>, vector<1x128xf32>
    %add3A_118 = vector.broadcast %get3A_117 : vector<1x128xf32> to vector<512x128xf32>
    %add3A_119 = arith.addf %mul3A_114, %add3A_118 : vector<512x128xf32>
    %max3A_120 = arith.constant 0.000000e+00 : f32
    %max3A_121 = vector.broadcast %max3A_120 : f32 to vector<512x128xf32>
    %max3A_122 = arith.maximumf %add3A_119, %max3A_121 : vector<512x128xf32>
    %get3A_123 = arith.constant 0 : index
    %get3A_124 = arith.constant 384 : index
    %get3A_125 = vector.load %arg3[%get3A_123, %get3A_124] : memref<512x512xf32, #tpu.memory_space<vmem>>, vector<512x128xf32>
    %add3A_126 = arith.addf %get3A_125, %max3A_122 : vector<512x128xf32>
    %swap3A_127 = arith.constant 0 : index
    %swap3A_128 = arith.constant 384 : index
    %swap3A_129 = vector.load %arg7[%swap3A_127, %swap3A_128] : memref<512x512xf32, #tpu.memory_space<vmem>>, vector<512x128xf32>
    tpu.vector_store %arg7[%swap3A_127, %swap3A_128], %add3A_126 {strides = array<i32>} : memref<512x512xf32, #tpu.memory_space<vmem>>, vector<512x128xf32>,
    return
  }
  func.func @transform_0(%arg0: i32) -> (i32, i32, i32) {
    %c0_i32 = arith.constant 0 : i32
    %c0_i32_0 = arith.constant 0 : i32
    %c0_i32_1 = arith.constant 0 : i32
    return %c0_i32, %arg0, %c0_i32_0 : i32, i32, i32
  }
  func.func @transform_1(%arg0: i32) -> (i32, i32, i32) {
    %c0_i32 = arith.constant 0 : i32
    %c0_i32_0 = arith.constant 0 : i32
    %c0_i32_1 = arith.constant 0 : i32
    return %c0_i32, %arg0, %c0_i32_0 : i32, i32, i32
  }
  func.func @transform_2(%arg0: i32) -> (i32, i32) {
    %c0_i32 = arith.constant 0 : i32
    %c0_i32_0 = arith.constant 0 : i32
    return %arg0, %c0_i32 : i32, i32
  }
  func.func @transform_3(%arg0: i32) -> (i32, i32) {
    %c0_i32 = arith.constant 0 : i32
    %c0_i32_0 = arith.constant 0 : i32
    return %arg0, %c0_i32 : i32, i32
  }
  func.func @transform_4(%arg0: i32) -> (i32, i32) {
    %c0_i32 = arith.constant 0 : i32
    %c0_i32_0 = arith.constant 0 : i32
    %c0_i32_1 = arith.constant 0 : i32
    return %c0_i32, %c0_i32_0 : i32, i32
  }
  func.func @transform_5(%arg0: i32) -> (i32, i32) {
    %c0_i32 = arith.constant 0 : i32
    %c0_i32_0 = arith.constant 0 : i32
    %c0_i32_1 = arith.constant 0 : i32
    return %c0_i32, %c0_i32_0 : i32, i32
  }
  func.func @transform_6(%arg0: i32) -> (i32, i32) {
    %c0_i32 = arith.constant 0 : i32
    %c0_i32_0 = arith.constant 0 : i32
    return %arg0, %c0_i32 : i32, i32
  }
}

module attributes {stable_mosaic.version = 14 : i64} {
  func.func @_pool_cls_body(%arg0: i32, %arg1: memref<512x512xf32, #tpu.memory_space<vmem>>, %arg2: memref<1x1x512xi32, #tpu.memory_space<vmem>>, %arg3: memref<1024x512xf32, #tpu.memory_space<vmem>>, %arg4: memref<1x512xf32, #tpu.memory_space<vmem>>, %arg5: memref<512x256xf32, #tpu.memory_space<vmem>>, %arg6: memref<1x256xf32, #tpu.memory_space<vmem>>, %arg7: memref<256x128xf32, #tpu.memory_space<vmem>>, %arg8: memref<1x128xf32, #tpu.memory_space<vmem>>, %arg9: memref<16x128xf32, #tpu.memory_space<vmem>>, %arg10: memref<16x512xf32, #tpu.memory_space<vmem>>, %arg11: memref<16x512xf32, #tpu.memory_space<vmem>>, %arg12: memref<16x1xf32, #tpu.memory_space<vmem>>) attributes {dimension_semantics = [#tpu.dimension_semantics<arbitrary>], iteration_bounds = array<i64: 20>, scalar_prefetch = 0 : i64, scratch_operands = 3 : i64, tpu.core_type = #tpu.core_type<tc>, window_params = [{transform_indices = @transform_0, window_bounds = array<i64: 512, 512>}, {transform_indices = @transform_1, window_bounds = array<i64: 1, 1, 512>}, {pipeline_mode = #tpu.pipeline_mode<synchronous>, transform_indices = @transform_2, window_bounds = array<i64: 1024, 512>}, {pipeline_mode = #tpu.pipeline_mode<synchronous>, transform_indices = @transform_3, window_bounds = array<i64: 1, 512>}, {pipeline_mode = #tpu.pipeline_mode<synchronous>, transform_indices = @transform_4, window_bounds = array<i64: 512, 256>}, {pipeline_mode = #tpu.pipeline_mode<synchronous>, transform_indices = @transform_5, window_bounds = array<i64: 1, 256>}, {pipeline_mode = #tpu.pipeline_mode<synchronous>, transform_indices = @transform_6, window_bounds = array<i64: 256, 128>}, {pipeline_mode = #tpu.pipeline_mode<synchronous>, transform_indices = @transform_7, window_bounds = array<i64: 1, 128>}, {pipeline_mode = #tpu.pipeline_mode<synchronous>, transform_indices = @transform_8, window_bounds = array<i64: 16, 128>}]} {
    %eq3A = arith.constant 0 : i32
    %eq3A_0 = arith.cmpi eq, %arg0, %eq3A : i32
    %convert_element_type3A = arith.extui %eq3A_0 : i1 to i32
    %cond3A = arith.constant 0 : i32
    %cond3A_1 = arith.cmpi ne, %convert_element_type3A, %cond3A : i32
    scf.if %cond3A_1 {
      %broadcast_in_dim3A_285 = arith.constant 0.000000e+00 : f32
      %broadcast_in_dim3A_286 = vector.broadcast %broadcast_in_dim3A_285 : f32 to vector<16x512xf32>
      %swap3A_287 = arith.constant 0 : index
      %swap3A_288 = arith.constant 0 : index
      %swap3A_289 = vector.load %arg10[%swap3A_287, %swap3A_288] : memref<16x512xf32, #tpu.memory_space<vmem>>, vector<16x512xf32>
      tpu.vector_store %arg10[%swap3A_287, %swap3A_288], %broadcast_in_dim3A_286 {strides = array<i32>} : memref<16x512xf32, #tpu.memory_space<vmem>>, vector<16x512xf32>,
      %broadcast_in_dim3A_290 = arith.constant 0xFF800000 : f32
      %broadcast_in_dim3A_291 = vector.broadcast %broadcast_in_dim3A_290 : f32 to vector<16x512xf32>
      %swap3A_292 = arith.constant 0 : index
      %swap3A_293 = arith.constant 0 : index
      %swap3A_294 = vector.load %arg11[%swap3A_292, %swap3A_293] : memref<16x512xf32, #tpu.memory_space<vmem>>, vector<16x512xf32>
      tpu.vector_store %arg11[%swap3A_292, %swap3A_293], %broadcast_in_dim3A_291 {strides = array<i32>} : memref<16x512xf32, #tpu.memory_space<vmem>>, vector<16x512xf32>,
      %broadcast_in_dim3A_295 = arith.constant 0.000000e+00 : f32
      %broadcast_in_dim3A_296 = vector.broadcast %broadcast_in_dim3A_295 : f32 to vector<16x1xf32>
      %swap3A_297 = arith.constant 0 : index
      %swap3A_298 = arith.constant 0 : index
      %swap3A_299 = vector.load %arg12[%swap3A_297, %swap3A_298] : memref<16x1xf32, #tpu.memory_space<vmem>>, vector<16x1xf32>
      tpu.vector_store %arg12[%swap3A_297, %swap3A_298], %broadcast_in_dim3A_296 {strides = array<i32>} : memref<16x1xf32, #tpu.memory_space<vmem>>, vector<16x1xf32>,
    } else {
    }
    %get3A = arith.constant 0 : index
    %get3A_2 = arith.constant 0 : index
    %get3A_3 = vector.load %arg1[%get3A, %get3A_2] : memref<512x512xf32, #tpu.memory_space<vmem>>, vector<512x512xf32>
    %get3A_4 = arith.constant 0 : index
    %get3A_5 = arith.constant 0 : index
    %get3A_6 = arith.constant 0 : index
    %get3A_7 = vector.load %arg2[%get3A_4, %get3A_5, %get3A_6] : memref<1x1x512xi32, #tpu.memory_space<vmem>>, vector<1x1x512xi32>
    %get3A_8 = vector.shape_cast %get3A_7 : vector<1x1x512xi32> to vector<1x512xi32>
    %reshape3A = vector.shape_cast %get3A_8 : vector<1x512xi32> to vector<512x1xi32>
    %iota3A = tpu.iota {dimensions = array<i32: 1>} : vector<512x16xi32>
    %eq3A_9 = vector.broadcast %reshape3A : vector<512x1xi32> to vector<512x16xi32>
    %eq3A_10 = arith.cmpi eq, %eq3A_9, %iota3A : vector<512x16xi32>
    %convert_element_type3A_11 = arith.extui %eq3A_10 : vector<512x16xi1> to vector<512x16xi32>
    %convert_element_type3A_12 = arith.sitofp %convert_element_type3A_11 : vector<512x16xi32> to vector<512x16xf32>
    %get3A_13 = arith.constant 0 : index
    %get3A_14 = arith.constant 0 : index
    %get3A_15 = vector.load %arg10[%get3A_13, %get3A_14] : memref<16x512xf32, #tpu.memory_space<vmem>>, vector<16x512xf32>
    %dot_general3A = arith.constant dense<0.000000e+00> : vector<16x512xf32>
    %dot_general3A_16 = tpu.matmul %convert_element_type3A_12, %get3A_3, %dot_general3A {dimension_numbers = #tpu.dot_dimension_numbers<[0], [0], [1], [1], [0, 1, 1, 1], [], []>, transpose_lhs_hint = false} : vector<512x16xf32>, vector<512x512xf32>, vector<16x512xf32> -> vector<16x512xf32>
    %add3A = arith.addf %get3A_15, %dot_general3A_16 : vector<16x512xf32>
    %swap3A = arith.constant 0 : index
    %swap3A_17 = arith.constant 0 : index
    %swap3A_18 = vector.load %arg10[%swap3A, %swap3A_17] : memref<16x512xf32, #tpu.memory_space<vmem>>, vector<16x512xf32>
    tpu.vector_store %arg10[%swap3A, %swap3A_17], %add3A {strides = array<i32>} : memref<16x512xf32, #tpu.memory_space<vmem>>, vector<16x512xf32>,
    %get3A_19 = arith.constant 0 : index
    %get3A_20 = arith.constant 0 : index
    %get3A_21 = vector.load %arg12[%get3A_19, %get3A_20] : memref<16x1xf32, #tpu.memory_space<vmem>>, vector<16x1xf32>
    %broadcast_in_dim3A = arith.constant 1.000000e+00 : f32
    %broadcast_in_dim3A_22 = vector.broadcast %broadcast_in_dim3A : f32 to vector<512x1xf32>
    %dot_general3A_23 = arith.constant dense<0.000000e+00> : vector<16x1xf32>
    %dot_general3A_24 = tpu.matmul %convert_element_type3A_12, %broadcast_in_dim3A_22, %dot_general3A_23 {dimension_numbers = #tpu.dot_dimension_numbers<[0], [0], [1], [1], [0, 1, 1, 1], [], []>, transpose_lhs_hint = false} : vector<512x16xf32>, vector<512x1xf32>, vector<16x1xf32> -> vector<16x1xf32>
    %add3A_25 = arith.addf %get3A_21, %dot_general3A_24 : vector<16x1xf32>
    %swap3A_26 = arith.constant 0 : index
    %swap3A_27 = arith.constant 0 : index
    %swap3A_28 = vector.load %arg12[%swap3A_26, %swap3A_27] : memref<16x1xf32, #tpu.memory_space<vmem>>, vector<16x1xf32>
    tpu.vector_store %arg12[%swap3A_26, %swap3A_27], %add3A_25 {strides = array<i32>} : memref<16x1xf32, #tpu.memory_space<vmem>>, vector<16x1xf32>,
    %slice3A = vector.extract_strided_slice %eq3A_10 {offsets = [0, 0], sizes = [512, 1], strides = [1, 1]} : vector<512x16xi1> to vector<512x1xi1>
    %jit3A = arith.constant 0xFF800000 : f32
    %broadcast_in_dim3A_29 = vector.shape_cast %slice3A : vector<512x1xi1> to vector<512x1xi1>
    %broadcast_in_dim3A_30 = vector.broadcast %broadcast_in_dim3A_29 : vector<512x1xi1> to vector<512x512xi1>
    %broadcast_in_dim3A_31 = vector.broadcast %jit3A : f32 to vector<512x512xf32>
    %select_n3A = arith.select %broadcast_in_dim3A_30, %get3A_3, %broadcast_in_dim3A_31 : vector<512x512xi1>, vector<512x512xf32>
    %reduce_max3A = arith.constant dense<0xFF800000> : vector<512xf32>
    %reduce_max3A_32 = vector.multi_reduction <maximumf>, %select_n3A, %reduce_max3A [0] : vector<512x512xf32> to vector<512xf32>
    %broadcast_in_dim3A_33 = vector.shape_cast %reduce_max3A_32 : vector<512xf32> to vector<1x512xf32>
    %get3A_34 = arith.constant 0 : index
    %get3A_35 = arith.constant 0 : index
    %get3A_36 = vector.load %arg11[%get3A_34, %get3A_35] : memref<16x512xf32, #tpu.memory_space<vmem>>, vector<1x512xf32>
    %max3A = arith.maximumf %get3A_36, %broadcast_in_dim3A_33 : vector<1x512xf32>
    %swap3A_37 = arith.constant 0 : index
    %swap3A_38 = arith.constant 0 : index
    %swap3A_39 = vector.load %arg11[%swap3A_37, %swap3A_38] : memref<16x512xf32, #tpu.memory_space<vmem>>, vector<1x512xf32>
    tpu.vector_store %arg11[%swap3A_37, %swap3A_38], %max3A {strides = array<i32>} : memref<16x512xf32, #tpu.memory_space<vmem>>, vector<1x512xf32>,
    %slice3A_40 = vector.extract_strided_slice %eq3A_10 {offsets = [0, 1], sizes = [512, 1], strides = [1, 1]} : vector<512x16xi1> to vector<512x1xi1>
    %jit3A_41 = arith.constant 0xFF800000 : f32
    %broadcast_in_dim3A_42 = vector.shape_cast %slice3A_40 : vector<512x1xi1> to vector<512x1xi1>
    %broadcast_in_dim3A_43 = vector.broadcast %broadcast_in_dim3A_42 : vector<512x1xi1> to vector<512x512xi1>
    %broadcast_in_dim3A_44 = vector.broadcast %jit3A_41 : f32 to vector<512x512xf32>
    %select_n3A_45 = arith.select %broadcast_in_dim3A_43, %get3A_3, %broadcast_in_dim3A_44 : vector<512x512xi1>, vector<512x512xf32>
    %reduce_max3A_46 = arith.constant dense<0xFF800000> : vector<512xf32>
    %reduce_max3A_47 = vector.multi_reduction <maximumf>, %select_n3A_45, %reduce_max3A_46 [0] : vector<512x512xf32> to vector<512xf32>
    %broadcast_in_dim3A_48 = vector.shape_cast %reduce_max3A_47 : vector<512xf32> to vector<1x512xf32>
    %get3A_49 = arith.constant 1 : index
    %get3A_50 = arith.constant 0 : index
    %get3A_51 = vector.load %arg11[%get3A_49, %get3A_50] : memref<16x512xf32, #tpu.memory_space<vmem>>, vector<1x512xf32>
    %max3A_52 = arith.maximumf %get3A_51, %broadcast_in_dim3A_48 : vector<1x512xf32>
    %swap3A_53 = arith.constant 1 : index
    %swap3A_54 = arith.constant 0 : index
    %swap3A_55 = vector.load %arg11[%swap3A_53, %swap3A_54] : memref<16x512xf32, #tpu.memory_space<vmem>>, vector<1x512xf32>
    tpu.vector_store %arg11[%swap3A_53, %swap3A_54], %max3A_52 {strides = array<i32>} : memref<16x512xf32, #tpu.memory_space<vmem>>, vector<1x512xf32>,
    %slice3A_56 = vector.extract_strided_slice %eq3A_10 {offsets = [0, 2], sizes = [512, 1], strides = [1, 1]} : vector<512x16xi1> to vector<512x1xi1>
    %jit3A_57 = arith.constant 0xFF800000 : f32
    %broadcast_in_dim3A_58 = vector.shape_cast %slice3A_56 : vector<512x1xi1> to vector<512x1xi1>
    %broadcast_in_dim3A_59 = vector.broadcast %broadcast_in_dim3A_58 : vector<512x1xi1> to vector<512x512xi1>
    %broadcast_in_dim3A_60 = vector.broadcast %jit3A_57 : f32 to vector<512x512xf32>
    %select_n3A_61 = arith.select %broadcast_in_dim3A_59, %get3A_3, %broadcast_in_dim3A_60 : vector<512x512xi1>, vector<512x512xf32>
    %reduce_max3A_62 = arith.constant dense<0xFF800000> : vector<512xf32>
    %reduce_max3A_63 = vector.multi_reduction <maximumf>, %select_n3A_61, %reduce_max3A_62 [0] : vector<512x512xf32> to vector<512xf32>
    %broadcast_in_dim3A_64 = vector.shape_cast %reduce_max3A_63 : vector<512xf32> to vector<1x512xf32>
    %get3A_65 = arith.constant 2 : index
    %get3A_66 = arith.constant 0 : index
    %get3A_67 = vector.load %arg11[%get3A_65, %get3A_66] : memref<16x512xf32, #tpu.memory_space<vmem>>, vector<1x512xf32>
    %max3A_68 = arith.maximumf %get3A_67, %broadcast_in_dim3A_64 : vector<1x512xf32>
    %swap3A_69 = arith.constant 2 : index
    %swap3A_70 = arith.constant 0 : index
    %swap3A_71 = vector.load %arg11[%swap3A_69, %swap3A_70] : memref<16x512xf32, #tpu.memory_space<vmem>>, vector<1x512xf32>
    tpu.vector_store %arg11[%swap3A_69, %swap3A_70], %max3A_68 {strides = array<i32>} : memref<16x512xf32, #tpu.memory_space<vmem>>, vector<1x512xf32>,
    %slice3A_72 = vector.extract_strided_slice %eq3A_10 {offsets = [0, 3], sizes = [512, 1], strides = [1, 1]} : vector<512x16xi1> to vector<512x1xi1>
    %jit3A_73 = arith.constant 0xFF800000 : f32
    %broadcast_in_dim3A_74 = vector.shape_cast %slice3A_72 : vector<512x1xi1> to vector<512x1xi1>
    %broadcast_in_dim3A_75 = vector.broadcast %broadcast_in_dim3A_74 : vector<512x1xi1> to vector<512x512xi1>
    %broadcast_in_dim3A_76 = vector.broadcast %jit3A_73 : f32 to vector<512x512xf32>
    %select_n3A_77 = arith.select %broadcast_in_dim3A_75, %get3A_3, %broadcast_in_dim3A_76 : vector<512x512xi1>, vector<512x512xf32>
    %reduce_max3A_78 = arith.constant dense<0xFF800000> : vector<512xf32>
    %reduce_max3A_79 = vector.multi_reduction <maximumf>, %select_n3A_77, %reduce_max3A_78 [0] : vector<512x512xf32> to vector<512xf32>
    %broadcast_in_dim3A_80 = vector.shape_cast %reduce_max3A_79 : vector<512xf32> to vector<1x512xf32>
    %get3A_81 = arith.constant 3 : index
    %get3A_82 = arith.constant 0 : index
    %get3A_83 = vector.load %arg11[%get3A_81, %get3A_82] : memref<16x512xf32, #tpu.memory_space<vmem>>, vector<1x512xf32>
    %max3A_84 = arith.maximumf %get3A_83, %broadcast_in_dim3A_80 : vector<1x512xf32>
    %swap3A_85 = arith.constant 3 : index
    %swap3A_86 = arith.constant 0 : index
    %swap3A_87 = vector.load %arg11[%swap3A_85, %swap3A_86] : memref<16x512xf32, #tpu.memory_space<vmem>>, vector<1x512xf32>
    tpu.vector_store %arg11[%swap3A_85, %swap3A_86], %max3A_84 {strides = array<i32>} : memref<16x512xf32, #tpu.memory_space<vmem>>, vector<1x512xf32>,
    %slice3A_88 = vector.extract_strided_slice %eq3A_10 {offsets = [0, 4], sizes = [512, 1], strides = [1, 1]} : vector<512x16xi1> to vector<512x1xi1>
    %jit3A_89 = arith.constant 0xFF800000 : f32
    %broadcast_in_dim3A_90 = vector.shape_cast %slice3A_88 : vector<512x1xi1> to vector<512x1xi1>
    %broadcast_in_dim3A_91 = vector.broadcast %broadcast_in_dim3A_90 : vector<512x1xi1> to vector<512x512xi1>
    %broadcast_in_dim3A_92 = vector.broadcast %jit3A_89 : f32 to vector<512x512xf32>
    %select_n3A_93 = arith.select %broadcast_in_dim3A_91, %get3A_3, %broadcast_in_dim3A_92 : vector<512x512xi1>, vector<512x512xf32>
    %reduce_max3A_94 = arith.constant dense<0xFF800000> : vector<512xf32>
    %reduce_max3A_95 = vector.multi_reduction <maximumf>, %select_n3A_93, %reduce_max3A_94 [0] : vector<512x512xf32> to vector<512xf32>
    %broadcast_in_dim3A_96 = vector.shape_cast %reduce_max3A_95 : vector<512xf32> to vector<1x512xf32>
    %get3A_97 = arith.constant 4 : index
    %get3A_98 = arith.constant 0 : index
    %get3A_99 = vector.load %arg11[%get3A_97, %get3A_98] : memref<16x512xf32, #tpu.memory_space<vmem>>, vector<1x512xf32>
    %max3A_100 = arith.maximumf %get3A_99, %broadcast_in_dim3A_96 : vector<1x512xf32>
    %swap3A_101 = arith.constant 4 : index
    %swap3A_102 = arith.constant 0 : index
    %swap3A_103 = vector.load %arg11[%swap3A_101, %swap3A_102] : memref<16x512xf32, #tpu.memory_space<vmem>>, vector<1x512xf32>
    tpu.vector_store %arg11[%swap3A_101, %swap3A_102], %max3A_100 {strides = array<i32>} : memref<16x512xf32, #tpu.memory_space<vmem>>, vector<1x512xf32>,
    %slice3A_104 = vector.extract_strided_slice %eq3A_10 {offsets = [0, 5], sizes = [512, 1], strides = [1, 1]} : vector<512x16xi1> to vector<512x1xi1>
    %jit3A_105 = arith.constant 0xFF800000 : f32
    %broadcast_in_dim3A_106 = vector.shape_cast %slice3A_104 : vector<512x1xi1> to vector<512x1xi1>
    %broadcast_in_dim3A_107 = vector.broadcast %broadcast_in_dim3A_106 : vector<512x1xi1> to vector<512x512xi1>
    %broadcast_in_dim3A_108 = vector.broadcast %jit3A_105 : f32 to vector<512x512xf32>
    %select_n3A_109 = arith.select %broadcast_in_dim3A_107, %get3A_3, %broadcast_in_dim3A_108 : vector<512x512xi1>, vector<512x512xf32>
    %reduce_max3A_110 = arith.constant dense<0xFF800000> : vector<512xf32>
    %reduce_max3A_111 = vector.multi_reduction <maximumf>, %select_n3A_109, %reduce_max3A_110 [0] : vector<512x512xf32> to vector<512xf32>
    %broadcast_in_dim3A_112 = vector.shape_cast %reduce_max3A_111 : vector<512xf32> to vector<1x512xf32>
    %get3A_113 = arith.constant 5 : index
    %get3A_114 = arith.constant 0 : index
    %get3A_115 = vector.load %arg11[%get3A_113, %get3A_114] : memref<16x512xf32, #tpu.memory_space<vmem>>, vector<1x512xf32>
    %max3A_116 = arith.maximumf %get3A_115, %broadcast_in_dim3A_112 : vector<1x512xf32>
    %swap3A_117 = arith.constant 5 : index
    %swap3A_118 = arith.constant 0 : index
    %swap3A_119 = vector.load %arg11[%swap3A_117, %swap3A_118] : memref<16x512xf32, #tpu.memory_space<vmem>>, vector<1x512xf32>
    tpu.vector_store %arg11[%swap3A_117, %swap3A_118], %max3A_116 {strides = array<i32>} : memref<16x512xf32, #tpu.memory_space<vmem>>, vector<1x512xf32>,
    %slice3A_120 = vector.extract_strided_slice %eq3A_10 {offsets = [0, 6], sizes = [512, 1], strides = [1, 1]} : vector<512x16xi1> to vector<512x1xi1>
    %jit3A_121 = arith.constant 0xFF800000 : f32
    %broadcast_in_dim3A_122 = vector.shape_cast %slice3A_120 : vector<512x1xi1> to vector<512x1xi1>
    %broadcast_in_dim3A_123 = vector.broadcast %broadcast_in_dim3A_122 : vector<512x1xi1> to vector<512x512xi1>
    %broadcast_in_dim3A_124 = vector.broadcast %jit3A_121 : f32 to vector<512x512xf32>
    %select_n3A_125 = arith.select %broadcast_in_dim3A_123, %get3A_3, %broadcast_in_dim3A_124 : vector<512x512xi1>, vector<512x512xf32>
    %reduce_max3A_126 = arith.constant dense<0xFF800000> : vector<512xf32>
    %reduce_max3A_127 = vector.multi_reduction <maximumf>, %select_n3A_125, %reduce_max3A_126 [0] : vector<512x512xf32> to vector<512xf32>
    %broadcast_in_dim3A_128 = vector.shape_cast %reduce_max3A_127 : vector<512xf32> to vector<1x512xf32>
    %get3A_129 = arith.constant 6 : index
    %get3A_130 = arith.constant 0 : index
    %get3A_131 = vector.load %arg11[%get3A_129, %get3A_130] : memref<16x512xf32, #tpu.memory_space<vmem>>, vector<1x512xf32>
    %max3A_132 = arith.maximumf %get3A_131, %broadcast_in_dim3A_128 : vector<1x512xf32>
    %swap3A_133 = arith.constant 6 : index
    %swap3A_134 = arith.constant 0 : index
    %swap3A_135 = vector.load %arg11[%swap3A_133, %swap3A_134] : memref<16x512xf32, #tpu.memory_space<vmem>>, vector<1x512xf32>
    tpu.vector_store %arg11[%swap3A_133, %swap3A_134], %max3A_132 {strides = array<i32>} : memref<16x512xf32, #tpu.memory_space<vmem>>, vector<1x512xf32>,
    %slice3A_136 = vector.extract_strided_slice %eq3A_10 {offsets = [0, 7], sizes = [512, 1], strides = [1, 1]} : vector<512x16xi1> to vector<512x1xi1>
    %jit3A_137 = arith.constant 0xFF800000 : f32
    %broadcast_in_dim3A_138 = vector.shape_cast %slice3A_136 : vector<512x1xi1> to vector<512x1xi1>
    %broadcast_in_dim3A_139 = vector.broadcast %broadcast_in_dim3A_138 : vector<512x1xi1> to vector<512x512xi1>
    %broadcast_in_dim3A_140 = vector.broadcast %jit3A_137 : f32 to vector<512x512xf32>
    %select_n3A_141 = arith.select %broadcast_in_dim3A_139, %get3A_3, %broadcast_in_dim3A_140 : vector<512x512xi1>, vector<512x512xf32>
    %reduce_max3A_142 = arith.constant dense<0xFF800000> : vector<512xf32>
    %reduce_max3A_143 = vector.multi_reduction <maximumf>, %select_n3A_141, %reduce_max3A_142 [0] : vector<512x512xf32> to vector<512xf32>
    %broadcast_in_dim3A_144 = vector.shape_cast %reduce_max3A_143 : vector<512xf32> to vector<1x512xf32>
    %get3A_145 = arith.constant 7 : index
    %get3A_146 = arith.constant 0 : index
    %get3A_147 = vector.load %arg11[%get3A_145, %get3A_146] : memref<16x512xf32, #tpu.memory_space<vmem>>, vector<1x512xf32>
    %max3A_148 = arith.maximumf %get3A_147, %broadcast_in_dim3A_144 : vector<1x512xf32>
    %swap3A_149 = arith.constant 7 : index
    %swap3A_150 = arith.constant 0 : index
    %swap3A_151 = vector.load %arg11[%swap3A_149, %swap3A_150] : memref<16x512xf32, #tpu.memory_space<vmem>>, vector<1x512xf32>
    tpu.vector_store %arg11[%swap3A_149, %swap3A_150], %max3A_148 {strides = array<i32>} : memref<16x512xf32, #tpu.memory_space<vmem>>, vector<1x512xf32>,
    %slice3A_152 = vector.extract_strided_slice %eq3A_10 {offsets = [0, 8], sizes = [512, 1], strides = [1, 1]} : vector<512x16xi1> to vector<512x1xi1>
    %jit3A_153 = arith.constant 0xFF800000 : f32
    %broadcast_in_dim3A_154 = vector.shape_cast %slice3A_152 : vector<512x1xi1> to vector<512x1xi1>
    %broadcast_in_dim3A_155 = vector.broadcast %broadcast_in_dim3A_154 : vector<512x1xi1> to vector<512x512xi1>
    %broadcast_in_dim3A_156 = vector.broadcast %jit3A_153 : f32 to vector<512x512xf32>
    %select_n3A_157 = arith.select %broadcast_in_dim3A_155, %get3A_3, %broadcast_in_dim3A_156 : vector<512x512xi1>, vector<512x512xf32>
    %reduce_max3A_158 = arith.constant dense<0xFF800000> : vector<512xf32>
    %reduce_max3A_159 = vector.multi_reduction <maximumf>, %select_n3A_157, %reduce_max3A_158 [0] : vector<512x512xf32> to vector<512xf32>
    %broadcast_in_dim3A_160 = vector.shape_cast %reduce_max3A_159 : vector<512xf32> to vector<1x512xf32>
    %get3A_161 = arith.constant 8 : index
    %get3A_162 = arith.constant 0 : index
    %get3A_163 = vector.load %arg11[%get3A_161, %get3A_162] : memref<16x512xf32, #tpu.memory_space<vmem>>, vector<1x512xf32>
    %max3A_164 = arith.maximumf %get3A_163, %broadcast_in_dim3A_160 : vector<1x512xf32>
    %swap3A_165 = arith.constant 8 : index
    %swap3A_166 = arith.constant 0 : index
    %swap3A_167 = vector.load %arg11[%swap3A_165, %swap3A_166] : memref<16x512xf32, #tpu.memory_space<vmem>>, vector<1x512xf32>
    tpu.vector_store %arg11[%swap3A_165, %swap3A_166], %max3A_164 {strides = array<i32>} : memref<16x512xf32, #tpu.memory_space<vmem>>, vector<1x512xf32>,
    %slice3A_168 = vector.extract_strided_slice %eq3A_10 {offsets = [0, 9], sizes = [512, 1], strides = [1, 1]} : vector<512x16xi1> to vector<512x1xi1>
    %jit3A_169 = arith.constant 0xFF800000 : f32
    %broadcast_in_dim3A_170 = vector.shape_cast %slice3A_168 : vector<512x1xi1> to vector<512x1xi1>
    %broadcast_in_dim3A_171 = vector.broadcast %broadcast_in_dim3A_170 : vector<512x1xi1> to vector<512x512xi1>
    %broadcast_in_dim3A_172 = vector.broadcast %jit3A_169 : f32 to vector<512x512xf32>
    %select_n3A_173 = arith.select %broadcast_in_dim3A_171, %get3A_3, %broadcast_in_dim3A_172 : vector<512x512xi1>, vector<512x512xf32>
    %reduce_max3A_174 = arith.constant dense<0xFF800000> : vector<512xf32>
    %reduce_max3A_175 = vector.multi_reduction <maximumf>, %select_n3A_173, %reduce_max3A_174 [0] : vector<512x512xf32> to vector<512xf32>
    %broadcast_in_dim3A_176 = vector.shape_cast %reduce_max3A_175 : vector<512xf32> to vector<1x512xf32>
    %get3A_177 = arith.constant 9 : index
    %get3A_178 = arith.constant 0 : index
    %get3A_179 = vector.load %arg11[%get3A_177, %get3A_178] : memref<16x512xf32, #tpu.memory_space<vmem>>, vector<1x512xf32>
    %max3A_180 = arith.maximumf %get3A_179, %broadcast_in_dim3A_176 : vector<1x512xf32>
    %swap3A_181 = arith.constant 9 : index
    %swap3A_182 = arith.constant 0 : index
    %swap3A_183 = vector.load %arg11[%swap3A_181, %swap3A_182] : memref<16x512xf32, #tpu.memory_space<vmem>>, vector<1x512xf32>
    tpu.vector_store %arg11[%swap3A_181, %swap3A_182], %max3A_180 {strides = array<i32>} : memref<16x512xf32, #tpu.memory_space<vmem>>, vector<1x512xf32>,
    %slice3A_184 = vector.extract_strided_slice %eq3A_10 {offsets = [0, 10], sizes = [512, 1], strides = [1, 1]} : vector<512x16xi1> to vector<512x1xi1>
    %jit3A_185 = arith.constant 0xFF800000 : f32
    %broadcast_in_dim3A_186 = vector.shape_cast %slice3A_184 : vector<512x1xi1> to vector<512x1xi1>
    %broadcast_in_dim3A_187 = vector.broadcast %broadcast_in_dim3A_186 : vector<512x1xi1> to vector<512x512xi1>
    %broadcast_in_dim3A_188 = vector.broadcast %jit3A_185 : f32 to vector<512x512xf32>
    %select_n3A_189 = arith.select %broadcast_in_dim3A_187, %get3A_3, %broadcast_in_dim3A_188 : vector<512x512xi1>, vector<512x512xf32>
    %reduce_max3A_190 = arith.constant dense<0xFF800000> : vector<512xf32>
    %reduce_max3A_191 = vector.multi_reduction <maximumf>, %select_n3A_189, %reduce_max3A_190 [0] : vector<512x512xf32> to vector<512xf32>
    %broadcast_in_dim3A_192 = vector.shape_cast %reduce_max3A_191 : vector<512xf32> to vector<1x512xf32>
    %get3A_193 = arith.constant 10 : index
    %get3A_194 = arith.constant 0 : index
    %get3A_195 = vector.load %arg11[%get3A_193, %get3A_194] : memref<16x512xf32, #tpu.memory_space<vmem>>, vector<1x512xf32>
    %max3A_196 = arith.maximumf %get3A_195, %broadcast_in_dim3A_192 : vector<1x512xf32>
    %swap3A_197 = arith.constant 10 : index
    %swap3A_198 = arith.constant 0 : index
    %swap3A_199 = vector.load %arg11[%swap3A_197, %swap3A_198] : memref<16x512xf32, #tpu.memory_space<vmem>>, vector<1x512xf32>
    tpu.vector_store %arg11[%swap3A_197, %swap3A_198], %max3A_196 {strides = array<i32>} : memref<16x512xf32, #tpu.memory_space<vmem>>, vector<1x512xf32>,
    %slice3A_200 = vector.extract_strided_slice %eq3A_10 {offsets = [0, 11], sizes = [512, 1], strides = [1, 1]} : vector<512x16xi1> to vector<512x1xi1>
    %jit3A_201 = arith.constant 0xFF800000 : f32
    %broadcast_in_dim3A_202 = vector.shape_cast %slice3A_200 : vector<512x1xi1> to vector<512x1xi1>
    %broadcast_in_dim3A_203 = vector.broadcast %broadcast_in_dim3A_202 : vector<512x1xi1> to vector<512x512xi1>
    %broadcast_in_dim3A_204 = vector.broadcast %jit3A_201 : f32 to vector<512x512xf32>
    %select_n3A_205 = arith.select %broadcast_in_dim3A_203, %get3A_3, %broadcast_in_dim3A_204 : vector<512x512xi1>, vector<512x512xf32>
    %reduce_max3A_206 = arith.constant dense<0xFF800000> : vector<512xf32>
    %reduce_max3A_207 = vector.multi_reduction <maximumf>, %select_n3A_205, %reduce_max3A_206 [0] : vector<512x512xf32> to vector<512xf32>
    %broadcast_in_dim3A_208 = vector.shape_cast %reduce_max3A_207 : vector<512xf32> to vector<1x512xf32>
    %get3A_209 = arith.constant 11 : index
    %get3A_210 = arith.constant 0 : index
    %get3A_211 = vector.load %arg11[%get3A_209, %get3A_210] : memref<16x512xf32, #tpu.memory_space<vmem>>, vector<1x512xf32>
    %max3A_212 = arith.maximumf %get3A_211, %broadcast_in_dim3A_208 : vector<1x512xf32>
    %swap3A_213 = arith.constant 11 : index
    %swap3A_214 = arith.constant 0 : index
    %swap3A_215 = vector.load %arg11[%swap3A_213, %swap3A_214] : memref<16x512xf32, #tpu.memory_space<vmem>>, vector<1x512xf32>
    tpu.vector_store %arg11[%swap3A_213, %swap3A_214], %max3A_212 {strides = array<i32>} : memref<16x512xf32, #tpu.memory_space<vmem>>, vector<1x512xf32>,
    %slice3A_216 = vector.extract_strided_slice %eq3A_10 {offsets = [0, 12], sizes = [512, 1], strides = [1, 1]} : vector<512x16xi1> to vector<512x1xi1>
    %jit3A_217 = arith.constant 0xFF800000 : f32
    %broadcast_in_dim3A_218 = vector.shape_cast %slice3A_216 : vector<512x1xi1> to vector<512x1xi1>
    %broadcast_in_dim3A_219 = vector.broadcast %broadcast_in_dim3A_218 : vector<512x1xi1> to vector<512x512xi1>
    %broadcast_in_dim3A_220 = vector.broadcast %jit3A_217 : f32 to vector<512x512xf32>
    %select_n3A_221 = arith.select %broadcast_in_dim3A_219, %get3A_3, %broadcast_in_dim3A_220 : vector<512x512xi1>, vector<512x512xf32>
    %reduce_max3A_222 = arith.constant dense<0xFF800000> : vector<512xf32>
    %reduce_max3A_223 = vector.multi_reduction <maximumf>, %select_n3A_221, %reduce_max3A_222 [0] : vector<512x512xf32> to vector<512xf32>
    %broadcast_in_dim3A_224 = vector.shape_cast %reduce_max3A_223 : vector<512xf32> to vector<1x512xf32>
    %get3A_225 = arith.constant 12 : index
    %get3A_226 = arith.constant 0 : index
    %get3A_227 = vector.load %arg11[%get3A_225, %get3A_226] : memref<16x512xf32, #tpu.memory_space<vmem>>, vector<1x512xf32>
    %max3A_228 = arith.maximumf %get3A_227, %broadcast_in_dim3A_224 : vector<1x512xf32>
    %swap3A_229 = arith.constant 12 : index
    %swap3A_230 = arith.constant 0 : index
    %swap3A_231 = vector.load %arg11[%swap3A_229, %swap3A_230] : memref<16x512xf32, #tpu.memory_space<vmem>>, vector<1x512xf32>
    tpu.vector_store %arg11[%swap3A_229, %swap3A_230], %max3A_228 {strides = array<i32>} : memref<16x512xf32, #tpu.memory_space<vmem>>, vector<1x512xf32>,
    %slice3A_232 = vector.extract_strided_slice %eq3A_10 {offsets = [0, 13], sizes = [512, 1], strides = [1, 1]} : vector<512x16xi1> to vector<512x1xi1>
    %jit3A_233 = arith.constant 0xFF800000 : f32
    %broadcast_in_dim3A_234 = vector.shape_cast %slice3A_232 : vector<512x1xi1> to vector<512x1xi1>
    %broadcast_in_dim3A_235 = vector.broadcast %broadcast_in_dim3A_234 : vector<512x1xi1> to vector<512x512xi1>
    %broadcast_in_dim3A_236 = vector.broadcast %jit3A_233 : f32 to vector<512x512xf32>
    %select_n3A_237 = arith.select %broadcast_in_dim3A_235, %get3A_3, %broadcast_in_dim3A_236 : vector<512x512xi1>, vector<512x512xf32>
    %reduce_max3A_238 = arith.constant dense<0xFF800000> : vector<512xf32>
    %reduce_max3A_239 = vector.multi_reduction <maximumf>, %select_n3A_237, %reduce_max3A_238 [0] : vector<512x512xf32> to vector<512xf32>
    %broadcast_in_dim3A_240 = vector.shape_cast %reduce_max3A_239 : vector<512xf32> to vector<1x512xf32>
    %get3A_241 = arith.constant 13 : index
    %get3A_242 = arith.constant 0 : index
    %get3A_243 = vector.load %arg11[%get3A_241, %get3A_242] : memref<16x512xf32, #tpu.memory_space<vmem>>, vector<1x512xf32>
    %max3A_244 = arith.maximumf %get3A_243, %broadcast_in_dim3A_240 : vector<1x512xf32>
    %swap3A_245 = arith.constant 13 : index
    %swap3A_246 = arith.constant 0 : index
    %swap3A_247 = vector.load %arg11[%swap3A_245, %swap3A_246] : memref<16x512xf32, #tpu.memory_space<vmem>>, vector<1x512xf32>
    tpu.vector_store %arg11[%swap3A_245, %swap3A_246], %max3A_244 {strides = array<i32>} : memref<16x512xf32, #tpu.memory_space<vmem>>, vector<1x512xf32>,
    %slice3A_248 = vector.extract_strided_slice %eq3A_10 {offsets = [0, 14], sizes = [512, 1], strides = [1, 1]} : vector<512x16xi1> to vector<512x1xi1>
    %jit3A_249 = arith.constant 0xFF800000 : f32
    %broadcast_in_dim3A_250 = vector.shape_cast %slice3A_248 : vector<512x1xi1> to vector<512x1xi1>
    %broadcast_in_dim3A_251 = vector.broadcast %broadcast_in_dim3A_250 : vector<512x1xi1> to vector<512x512xi1>
    %broadcast_in_dim3A_252 = vector.broadcast %jit3A_249 : f32 to vector<512x512xf32>
    %select_n3A_253 = arith.select %broadcast_in_dim3A_251, %get3A_3, %broadcast_in_dim3A_252 : vector<512x512xi1>, vector<512x512xf32>
    %reduce_max3A_254 = arith.constant dense<0xFF800000> : vector<512xf32>
    %reduce_max3A_255 = vector.multi_reduction <maximumf>, %select_n3A_253, %reduce_max3A_254 [0] : vector<512x512xf32> to vector<512xf32>
    %broadcast_in_dim3A_256 = vector.shape_cast %reduce_max3A_255 : vector<512xf32> to vector<1x512xf32>
    %get3A_257 = arith.constant 14 : index
    %get3A_258 = arith.constant 0 : index
    %get3A_259 = vector.load %arg11[%get3A_257, %get3A_258] : memref<16x512xf32, #tpu.memory_space<vmem>>, vector<1x512xf32>
    %max3A_260 = arith.maximumf %get3A_259, %broadcast_in_dim3A_256 : vector<1x512xf32>
    %swap3A_261 = arith.constant 14 : index
    %swap3A_262 = arith.constant 0 : index
    %swap3A_263 = vector.load %arg11[%swap3A_261, %swap3A_262] : memref<16x512xf32, #tpu.memory_space<vmem>>, vector<1x512xf32>
    tpu.vector_store %arg11[%swap3A_261, %swap3A_262], %max3A_260 {strides = array<i32>} : memref<16x512xf32, #tpu.memory_space<vmem>>, vector<1x512xf32>,
    %slice3A_264 = vector.extract_strided_slice %eq3A_10 {offsets = [0, 15], sizes = [512, 1], strides = [1, 1]} : vector<512x16xi1> to vector<512x1xi1>
    %jit3A_265 = arith.constant 0xFF800000 : f32
    %broadcast_in_dim3A_266 = vector.shape_cast %slice3A_264 : vector<512x1xi1> to vector<512x1xi1>
    %broadcast_in_dim3A_267 = vector.broadcast %broadcast_in_dim3A_266 : vector<512x1xi1> to vector<512x512xi1>
    %broadcast_in_dim3A_268 = vector.broadcast %jit3A_265 : f32 to vector<512x512xf32>
    %select_n3A_269 = arith.select %broadcast_in_dim3A_267, %get3A_3, %broadcast_in_dim3A_268 : vector<512x512xi1>, vector<512x512xf32>
    %reduce_max3A_270 = arith.constant dense<0xFF800000> : vector<512xf32>
    %reduce_max3A_271 = vector.multi_reduction <maximumf>, %select_n3A_269, %reduce_max3A_270 [0] : vector<512x512xf32> to vector<512xf32>
    %broadcast_in_dim3A_272 = vector.shape_cast %reduce_max3A_271 : vector<512xf32> to vector<1x512xf32>
    %get3A_273 = arith.constant 15 : index
    %get3A_274 = arith.constant 0 : index
    %get3A_275 = vector.load %arg11[%get3A_273, %get3A_274] : memref<16x512xf32, #tpu.memory_space<vmem>>, vector<1x512xf32>
    %max3A_276 = arith.maximumf %get3A_275, %broadcast_in_dim3A_272 : vector<1x512xf32>
    %swap3A_277 = arith.constant 15 : index
    %swap3A_278 = arith.constant 0 : index
    %swap3A_279 = vector.load %arg11[%swap3A_277, %swap3A_278] : memref<16x512xf32, #tpu.memory_space<vmem>>, vector<1x512xf32>
    tpu.vector_store %arg11[%swap3A_277, %swap3A_278], %max3A_276 {strides = array<i32>} : memref<16x512xf32, #tpu.memory_space<vmem>>, vector<1x512xf32>,
    %eq3A_280 = arith.constant 19 : i32
    %eq3A_281 = arith.cmpi eq, %arg0, %eq3A_280 : i32
    %convert_element_type3A_282 = arith.extui %eq3A_281 : i1 to i32
    %cond3A_283 = arith.constant 0 : i32
    %cond3A_284 = arith.cmpi ne, %convert_element_type3A_282, %cond3A_283 : i32
    scf.if %cond3A_284 {
      %get3A_285 = arith.constant 0 : index
      %get3A_286 = arith.constant 0 : index
      %get3A_287 = vector.load %arg12[%get3A_285, %get3A_286] : memref<16x1xf32, #tpu.memory_space<vmem>>, vector<16x1xf32>
      %max3A_288 = arith.constant 1.000000e+00 : f32
      %max3A_289 = vector.broadcast %max3A_288 : f32 to vector<16x1xf32>
      %max3A_290 = arith.maximumf %get3A_287, %max3A_289 : vector<16x1xf32>
      %get3A_291 = arith.constant 0 : index
      %get3A_292 = arith.constant 0 : index
      %get3A_293 = vector.load %arg10[%get3A_291, %get3A_292] : memref<16x512xf32, #tpu.memory_space<vmem>>, vector<16x512xf32>
      %div3A = vector.broadcast %max3A_290 : vector<16x1xf32> to vector<16x512xf32>
      %div3A_294 = arith.divf %get3A_293, %div3A : vector<16x512xf32>
      %get3A_295 = arith.constant 0 : index
      %get3A_296 = arith.constant 0 : index
      %get3A_297 = vector.load %arg11[%get3A_295, %get3A_296] : memref<16x512xf32, #tpu.memory_space<vmem>>, vector<16x512xf32>
      %is_finite3A = tpu.weird %get3A_297 : vector<16x512xf32> -> vector<16x512xi1>
      %is_finite3A_298 = arith.constant dense<true> : vector<16x512xi1>
      %is_finite3A_299 = arith.xori %is_finite3A, %is_finite3A_298 : vector<16x512xi1>
      %jit3A_300 = arith.constant 0.000000e+00 : f32
      %broadcast_in_dim3A_301 = vector.broadcast %jit3A_300 : f32 to vector<16x512xf32>
      %select_n3A_302 = arith.select %is_finite3A_299, %get3A_297, %broadcast_in_dim3A_301 : vector<16x512xi1>, vector<16x512xf32>
      %concatenate3A = tpu.concatenate %div3A_294, %select_n3A_302 in 1 : vector<16x512xf32>, vector<16x512xf32> -> vector<16x1024xf32>
      %get3A_303 = arith.constant 0 : index
      %get3A_304 = arith.constant 0 : index
      %get3A_305 = vector.load %arg3[%get3A_303, %get3A_304] : memref<1024x512xf32, #tpu.memory_space<vmem>>, vector<1024x512xf32>
      %dot_general3A_306 = arith.constant dense<0.000000e+00> : vector<16x512xf32>
      %dot_general3A_307 = tpu.matmul %concatenate3A, %get3A_305, %dot_general3A_306 {dimension_numbers = #tpu.dot_dimension_numbers<[1], [0], [0], [1], [0, 0, 1, 1], [], []>, transpose_lhs_hint = false} : vector<16x1024xf32>, vector<1024x512xf32>, vector<16x512xf32> -> vector<16x512xf32>
      %get3A_308 = arith.constant 0 : index
      %get3A_309 = arith.constant 0 : index
      %get3A_310 = vector.load %arg4[%get3A_308, %get3A_309] : memref<1x512xf32, #tpu.memory_space<vmem>>, vector<1x512xf32>
      %add3A_311 = vector.broadcast %get3A_310 : vector<1x512xf32> to vector<16x512xf32>
      %add3A_312 = arith.addf %dot_general3A_307, %add3A_311 : vector<16x512xf32>
      %max3A_313 = arith.constant 0.000000e+00 : f32
      %max3A_314 = vector.broadcast %max3A_313 : f32 to vector<16x512xf32>
      %max3A_315 = arith.maximumf %add3A_312, %max3A_314 : vector<16x512xf32>
      %get3A_316 = arith.constant 0 : index
      %get3A_317 = arith.constant 0 : index
      %get3A_318 = vector.load %arg5[%get3A_316, %get3A_317] : memref<512x256xf32, #tpu.memory_space<vmem>>, vector<512x256xf32>
      %dot_general3A_319 = arith.constant dense<0.000000e+00> : vector<16x256xf32>
      %dot_general3A_320 = tpu.matmul %max3A_315, %get3A_318, %dot_general3A_319 {dimension_numbers = #tpu.dot_dimension_numbers<[1], [0], [0], [1], [0, 0, 1, 1], [], []>, transpose_lhs_hint = false} : vector<16x512xf32>, vector<512x256xf32>, vector<16x256xf32> -> vector<16x256xf32>
      %get3A_321 = arith.constant 0 : index
      %get3A_322 = arith.constant 0 : index
      %get3A_323 = vector.load %arg6[%get3A_321, %get3A_322] : memref<1x256xf32, #tpu.memory_space<vmem>>, vector<1x256xf32>
      %add3A_324 = vector.broadcast %get3A_323 : vector<1x256xf32> to vector<16x256xf32>
      %add3A_325 = arith.addf %dot_general3A_320, %add3A_324 : vector<16x256xf32>
      %max3A_326 = arith.constant 0.000000e+00 : f32
      %max3A_327 = vector.broadcast %max3A_326 : f32 to vector<16x256xf32>
      %max3A_328 = arith.maximumf %add3A_325, %max3A_327 : vector<16x256xf32>
      %get3A_329 = arith.constant 0 : index
      %get3A_330 = arith.constant 0 : index
      %get3A_331 = vector.load %arg7[%get3A_329, %get3A_330] : memref<256x128xf32, #tpu.memory_space<vmem>>, vector<256x128xf32>
      %dot_general3A_332 = arith.constant dense<0.000000e+00> : vector<16x128xf32>
      %dot_general3A_333 = tpu.matmul %max3A_328, %get3A_331, %dot_general3A_332 {dimension_numbers = #tpu.dot_dimension_numbers<[1], [0], [0], [1], [0, 0, 1, 1], [], []>, transpose_lhs_hint = false} : vector<16x256xf32>, vector<256x128xf32>, vector<16x128xf32> -> vector<16x128xf32>
      %get3A_334 = arith.constant 0 : index
      %get3A_335 = arith.constant 0 : index
      %get3A_336 = vector.load %arg8[%get3A_334, %get3A_335] : memref<1x128xf32, #tpu.memory_space<vmem>>, vector<1x128xf32>
      %add3A_337 = vector.broadcast %get3A_336 : vector<1x128xf32> to vector<16x128xf32>
      %add3A_338 = arith.addf %dot_general3A_333, %add3A_337 : vector<16x128xf32>
      %swap3A_339 = arith.constant 0 : index
      %swap3A_340 = arith.constant 0 : index
      %swap3A_341 = vector.load %arg9[%swap3A_339, %swap3A_340] : memref<16x128xf32, #tpu.memory_space<vmem>>, vector<16x128xf32>
      tpu.vector_store %arg9[%swap3A_339, %swap3A_340], %add3A_338 {strides = array<i32>} : memref<16x128xf32, #tpu.memory_space<vmem>>, vector<16x128xf32>,
    } else {
    }
    return
  }
  func.func @transform_0(%arg0: i32) -> (i32, i32) {
    %c0_i32 = arith.constant 0 : i32
    %c0_i32_0 = arith.constant 0 : i32
    return %arg0, %c0_i32 : i32, i32
  }
  func.func @transform_1(%arg0: i32) -> (i32, i32, i32) {
    %c0_i32 = arith.constant 0 : i32
    %c0_i32_0 = arith.constant 0 : i32
    %c0_i32_1 = arith.constant 0 : i32
    return %arg0, %c0_i32, %c0_i32_0 : i32, i32, i32
  }
  func.func @transform_2(%arg0: i32) -> (i32, i32) {
    %c0_i32 = arith.constant 0 : i32
    %c0_i32_0 = arith.constant 0 : i32
    %c0_i32_1 = arith.constant 0 : i32
    return %c0_i32, %c0_i32_0 : i32, i32
  }
  func.func @transform_3(%arg0: i32) -> (i32, i32) {
    %c0_i32 = arith.constant 0 : i32
    %c0_i32_0 = arith.constant 0 : i32
    %c0_i32_1 = arith.constant 0 : i32
    return %c0_i32, %c0_i32_0 : i32, i32
  }
  func.func @transform_4(%arg0: i32) -> (i32, i32) {
    %c0_i32 = arith.constant 0 : i32
    %c0_i32_0 = arith.constant 0 : i32
    %c0_i32_1 = arith.constant 0 : i32
    return %c0_i32, %c0_i32_0 : i32, i32
  }
  func.func @transform_5(%arg0: i32) -> (i32, i32) {
    %c0_i32 = arith.constant 0 : i32
    %c0_i32_0 = arith.constant 0 : i32
    %c0_i32_1 = arith.constant 0 : i32
    return %c0_i32, %c0_i32_0 : i32, i32
  }
  func.func @transform_6(%arg0: i32) -> (i32, i32) {
    %c0_i32 = arith.constant 0 : i32
    %c0_i32_0 = arith.constant 0 : i32
    %c0_i32_1 = arith.constant 0 : i32
    return %c0_i32, %c0_i32_0 : i32, i32
  }
  func.func @transform_7(%arg0: i32) -> (i32, i32) {
    %c0_i32 = arith.constant 0 : i32
    %c0_i32_0 = arith.constant 0 : i32
    %c0_i32_1 = arith.constant 0 : i32
    return %c0_i32, %c0_i32_0 : i32, i32
  }
  func.func @transform_8(%arg0: i32) -> (i32, i32) {
    %c0_i32 = arith.constant 0 : i32
    %c0_i32_0 = arith.constant 0 : i32
    %c0_i32_1 = arith.constant 0 : i32
    return %c0_i32, %c0_i32_0 : i32, i32
  }
}

</mosaic_0001>

<sc_bundles>
// kernel: kernel.14.cloned.1.call-start
scs
__scs_entry_jumppad:
0x0: {  	(pc) =	sbr.rel $0x88, $3  }
0x1: {  	(tag) =	ssettag $0x0;
	lr =	simm.s32 $0x1  }
0x2: {  	[smem:$0x3F8A] =	sst lr;
	_ =	strace $0xD0000000  }
0x3: {  	_ = 	snop  }
0x4: {  	_ = 	snop  }
0x5: {  	_ = 	snop  }
0x6: {  	_ = 	snop  }
0x7: {  	_ = 	snop  }
__scs_overlays_trampoline_lowered:
0x8: {  	[smem:$0x3F99] =	sst s0  }
0x9: {  	[smem:$0x3F9A] =	sst s1  }
0xa: {  	[smem:$0x3F9B] =	sst s2  }
0xb: {  	[smem:$0x3F9C] =	sst s3  }
0xc: {  	[smem:$0x3F9D] =	sst s4  }
0xd: {  	[smem:$0x3F9E] =	sst s5  }
0xe: {  	[smem:$0x3F9F] =	sst s6  }
0xf: {  	[smem:$0x3FA0] =	sst s7  }
0x10: {  	[smem:$0x3FA1] =	sst s8  }
0x11: {  	[smem:$0x3FA2] =	sst s9;
	s0 =	simm.s32 @!p0 $0x0  }
0x12: {  	s1 =	sld [smem:$0x3F88];
	s0 =	simm.s32 @p0 $0x1  }
0x13: {  	[smem:$0x3FA3] =	sst s0;
	s0 =	simm.s32 @!p1 $0x0  }
0x14: {  	s2 =	sld [smem:$0x3F87];
	s0 =	simm.s32 @p1 $0x1  }
0x15: {  	[smem:$0x3FA4] =	sst s0;
	s0 =	simm.s32 @!p2 $0x0  }
0x16: {  	s3 =	sld [smem:$0x3FDB];
	s0 =	simm.s32 @p2 $0x1  }
0x17: {  	s4 =	simm.s32 $0x1BF5;
	[smem:$0x3FA6] =	sst s0  }
0x18: {  	s0 =	sld [smem:$0x3F89];
	_ =	swait.ge [sflag:s4], $0x0  }
0x19: {  	s7 =	sld [smem:$0x3F8A]  }
0x1a: {  	s8 =	sadd.s32 $0xFFFFE003, lr  }
0x1b: {  	s9 =	sadd.s32 $0xFFFFFEF7, lr;
	s5 =	simm.s32 $0xFFFFFFFF;
	p2 =	slt.u32 s8, $0xFFFFF086  }
0x1c: {  	p1 =	slt.u32 s9, $0xF7A;
	s5 =	simm.s32 @!p2 $0x0  }
0x1d: {  	s5 =	simm.s32 @p1 $0x1;
	p0 =	seq.s32 s7, s2  }
0x1e: {  	s7 =	smul.u32 @!p0 $0xF7A, s2;
	p2 =	seq.s32 @!p0 s5, $0x0  }
0x1f: {  	s9 =	smul.u32 $0xF7A, s1;
	s8 =	simm.s32 @!p0 $0x1BF5;
	p2 =	por !p2, p0  }
0x20: {  	[sflag:s8] =	ssyncset.s32 @!p0 $0xFFFFF086;
	s6 =	sadd.s32 @!p0 s3, s7;
	s7 =	simm.s32 @!p0 $0x108  }
0x21: {  	s3 =	sadd.s32 s3, s9;
	s6 =	sadd.s32 @!p0 $0x88, s6;
	s7 =	simm.s32 @p2 $0x1082  }
0x22: {  	[simem:s7], [sflag:s8] =	dma.local @!p0 [hbm:s6], $0xF7A  }
0x23: {  	s9 =	sor.u32 $0xD0000000, s2;
	s6 =	simm.s32 $0x108;
	_ =	swait.ge @!p0 [sflag:s8], $0x0  }
0x24: {  	s3 =	sadd.s32 $0x88, s3;
	s6 =	simm.s32 @!p1 $0x1082;
	[sflag:s4] =	ssyncset.s32 $0xFFFFF086  }
0x25: {  	[simem:s6], [sflag:s4] =	dma.local [hbm:s3], $0xF7A  }
0x26: {  	[smem:$0x3F8A] =	sst s1;
	(tag) =	ssettag s2;
	_ =	strace s9  }
0x27: {  	s1 =	sld [smem:$0x3F9A]  }
0x28: {  	s2 =	sld [smem:$0x3F9B]  }
0x29: {  	s4 =	sld [smem:$0x3F9D]  }
0x2a: {  	p0 =	seq.s32 s5, $0x0;
	s5 =	sld [smem:$0x3F9E]  }
0x2b: {  	s6 =	sld [smem:$0x3F9F]  }
0x2c: {  	s7 =	sld [smem:$0x3FA0]  }
0x2d: {  	s3 =	simm.s32 $0x108;
	s8 =	sld [smem:$0x3FA1]  }
0x2e: {  	s3 =	simm.s32 @!p0 $0x1082;
	s9 =	sld [smem:$0x3FA2]  }
0x2f: {  	lr =	sadd.s32 s0, s3;
	s0 =	sld [smem:$0x3F99]  }
0x30: {  	s3 =	sld [smem:$0x3F9C]  }
0x31: {  	[smem:$0x3FA5] =	sst s10  }
0x32: {  	s10 =	sld [smem:$0x3FA3];
	_ =	sdelay $0x3  }
0x33: {  	p0 =	seq.s32 s10, $0x1;
	s10 =	sld [smem:$0x3FA5];
	_ =	sdelay $0x3  }
0x34: {  	[smem:$0x3FA5] =	sst s10  }
0x35: {  	s10 =	sld [smem:$0x3FA4];
	_ =	sdelay $0x3  }
0x36: {  	p1 =	seq.s32 s10, $0x1;
	s10 =	sld [smem:$0x3FA5];
	_ =	sdelay $0x3  }
0x37: {  	[smem:$0x3FA5] =	sst s10  }
0x38: {  	s10 =	sld [smem:$0x3FA6]  }
0x39: {  	_ = 	snop;
	(pc) =	sbr.ind lr, $3  }
0x3a: {  	_ = 	snop  }
0x3b: {  	_ = 	snop  }
0x3c: {  	p2 =	seq.s32 s10, $0x1;
	s10 =	sld [smem:$0x3FA5]  }
0x3d: {  	_ =	shalt  }
0x3e: {  	_ =	shalt  }
0x3f: {  	_ =	shalt  }
0x40: {  	_ =	shalt  }
0x41: {  	_ =	shalt  }
0x42: {  	_ =	shalt  }
0x43: {  	_ =	shalt  }
0x44: {  	_ =	shalt  }
0x45: {  	_ =	shalt  }
0x46: {  	_ =	shalt  }
0x47: {  	_ =	shalt  }
0x48: {  	_ =	shalt  }
0x49: {  	_ =	shalt  }
0x4a: {  	_ =	shalt  }
0x4b: {  	_ =	shalt  }
0x4c: {  	_ =	shalt  }
0x4d: {  	_ =	shalt  }
0x4e: {  	_ =	shalt  }
0x4f: {  	_ =	shalt  }
0x50: {  	_ =	shalt  }
0x51: {  	_ =	shalt  }
0x52: {  	_ =	shalt  }
0x53: {  	_ =	shalt  }
0x54: {  	_ =	shalt  }
0x55: {  	_ =	shalt  }
0x56: {  	_ =	shalt  }
0x57: {  	_ =	shalt  }
0x58: {  	_ =	shalt  }
0x59: {  	_ =	shalt  }
0x5a: {  	_ =	shalt  }
0x5b: {  	_ =	shalt  }
0x5c: {  	_ =	shalt  }
0x5d: {  	_ =	shalt  }
0x5e: {  	_ =	shalt  }
0x5f: {  	_ =	shalt  }
0x60: {  	_ =	shalt  }
0x61: {  	_ =	shalt  }
0x62: {  	_ =	shalt  }
0x63: {  	_ =	shalt  }
0x64: {  	_ =	shalt  }
0x65: {  	_ =	shalt  }
0x66: {  	_ =	shalt  }
0x67: {  	_ =	shalt  }
0x68: {  	_ =	shalt  }
0x69: {  	_ =	shalt  }
0x6a: {  	_ =	shalt  }
0x6b: {  	_ =	shalt  }
0x6c: {  	_ =	shalt  }
0x6d: {  	_ =	shalt  }
0x6e: {  	_ =	shalt  }
0x6f: {  	_ =	shalt  }
0x70: {  	_ =	shalt  }
0x71: {  	_ =	shalt  }
0x72: {  	_ =	shalt  }
0x73: {  	_ =	shalt  }
0x74: {  	_ =	shalt  }
0x75: {  	_ =	shalt  }
0x76: {  	_ =	shalt  }
0x77: {  	_ =	shalt  }
0x78: {  	_ =	shalt  }
0x79: {  	_ =	shalt  }
0x7a: {  	_ =	shalt  }
0x7b: {  	_ =	shalt  }
0x7c: {  	_ =	shalt  }
0x7d: {  	_ =	shalt  }
0x7e: {  	_ =	shalt  }
0x7f: {  	_ =	shalt  }
0x80: {  	_ =	shalt  }
0x81: {  	_ =	shalt  }
0x82: {  	_ =	shalt  }
0x83: {  	_ =	shalt  }
0x84: {  	_ =	shalt  }
0x85: {  	_ =	shalt  }
0x86: {  	_ =	shalt  }
0x87: {  	_ =	shalt  }
.Lfunc_end0:
.L_simem_size_0:
called_computation_lowered:
.L_overlay_start_0:
0x88: {  	s2 =	sld [smem:$0x3FD9]  }
0x89: {  	s3 =	sld [smem:$0x3FFE];
	_ =	sdelay $0x1  }
0x8a: {  	s1 =	srdreg.scid  }
0x8b: {  	s0 =	sand.u32 $0x1, s1  }
0x8c: {  	s16 =	sshll.u32 s0, $0xA;
	s2 =	sadd.s32 s3, s2  }
0x8d: {  	s2 =	sadd.s32 s2, s16  }
0x8e: {  	[smem:$0x3FB1] =	sst s2  }
0x8f: {  	_ = 	snop  }
0x90: {  	(tm) =	ssettm $0x1  }
0x91: {  	s17 =	sld [smem:$0x3FFB];
	_ =	sdelay $0x3  }
0x92: {  	_ =	strace s17  }
0x93: {  	s2 =	sld [smem:$0x3FFC];
	_ =	sdelay $0x3  }
0x94: {  	_ =	strace s2  }
0x95: {  	s2 =	sld [smem:$0x3FFD];
	_ =	sdelay $0x3  }
0x96: {  	_ =	strace s2  }
0x97: {  	_ =	strace $0x8FFFFFFF  }
0x98: {  	s18 =	sld [smem:$0x3FDB];
	_ =	sdelay $0x1  }
0x99: {  	s19 =	simm.s32 $_scs_section_size  }
0x9a: {  	s4 =	simm.s32 $_size__tile_overlayer_lowered;
	s5 =	simm.s32 $_tile_overlayer_lowered  }
0x9b: {  	s22 =	simm.s32 $0x1BFF;
	s21 =	sshll.u32 s5, $0x1;
	s2 =	sadd.s32 s19, s18  }
0x9c: {  	s6 =	simm.s32 $0x0;
	s20 =	sshll.u32 s4, $0x1;
	s4 =	sadd.s32 s21, s2  }
0x9d: {  	[timem:s6], [sflag:s22] =	dma.local [hbm:s4], s20  }
0x9e: {  	_ =	swait.ge [sflag:s22], s20  }
0x9f: {  	s3 =	ssub.s32 $0x0, s20;
	[sflag:s22] =	ssyncset.done $0x0  }
0xa0: {  	[sflag:s22] =	ssyncadd.s32 s3;
	_ =	sdelay $0x1  }
0xa1: {  	s23 =	simm.s32 $0x1B8B  }
0xa2: {  	_ =	swait.ge [sflag:s23], $0x1  }
0xa3: {  	[sflag:s23] =	ssyncset.done $0x0  }
0xa4: {  	s25 =	simm.s32 $0x1B8E;
	s24 =	sld [smem:$0x3FFE];
	[sflag:s23] =	ssyncadd.s32 $0xFFFFFFFF  }
0xa5: {  	s26 =	simm.s32 $execute0_lowered;
	[smem:$0x3FD2] =	sst s25  }
0xa6: {  	s4 =	sshll.u32 s26, $0x1;
	_ =	strace $0x80000046;
	[dreg:$0x1] =	wrdreg $0xFFFFFFFF  }
0xa7: {  	s28 =	simm.s32 $_size_execute0_lowered;
	s2 =	sadd.s32 s2, s4;
	[dreg:$0x0] =	wrdreg $0x0  }
0xa8: {  	s4 =	sshll.u32 s28, $0x1;
	[dreg:$0x2] =	wrdreg s2  }
0xa9: {  	[dreg:$0x3] =	wrdreg s4  }
0xaa: {  	[dreg:$0x4] =	wrdreg $0xC0  }
0xab: {  	_ =	task [dreg:s6], $0x5FFFF  }
0xac: {  	[dreg:$0x1] =	wrdreg $0xFFFFFFFF  }
0xad: {  	[dreg:$0x0] =	wrdreg $0x60  }
0xae: {  	[dreg:$0x2] =	wrdreg s24  }
0xaf: {  	[dreg:$0x3] =	wrdreg $0x70000  }
0xb0: {  	[dreg:$0x4] =	wrdreg $0x9  }
0xb1: {  	_ =	task.clear_ibuf [dreg:s6], $0x5FFFF;
	_ =	strace $0x90000046  }
0xb2: {  	s29 =	simm.s32 $0x9;
	_ =	strace $0x80000048  }
0xb3: {  	_ =	swait.ge [sflag:s29], $0x1  }
0xb4: {  	[sflag:s29] =	ssyncadd.s32 $0xFFFFFFFF  }
0xb5: {  	_ =	strace $0x90000048  }
0xb6: {  	_ =	sfence  }
0xb7: {  	s30 =	sld [smem:$0x0];
	_ =	sdelay $0x2  }
0xb8: {  	s31 =	sshll.u32 s1, $0xD;
	s1 =	sshrl.u32 s1, $0x2  }
0xb9: {  	s3 =	sand.u32 $0x4000, s31;
	s1 =	sadd.s32 s1, s30  }
0xba: {  	s0 =	sor.u32 s3, s0;
	s1 =	sshll.u32 s1, $0x11  }
0xbb: {  	s0 =	sor.u32 s1, s0  }
0xbc: {  	s0 =	sadd.s32 $0x8F2B, s0  }
0xbd: {  	[sflag:s0] =	ssyncadd.remote.s32 $0x1  }
0xbe: {  	_ =	sfence.sel $0xFFFF  }
0xbf: {  	[dreg:$0x0] =	wrdreg $0xFFFFFFFF;
	(pc) =	sbr.abs _section_cstart, $3  }
0xc0: {  	[dreg:$0x1] =	wrdreg $0xFFFFFFFF  }
0xc1: {  	_ =	task.clear_ibuf [dreg:s6], $0x2FFFF;
	_ =	strace $0x9FFFFFFF  }
0xc2: {  	(tm) =	ssettm $0x7FFFFFFF  }
0xc3: {  	_ =	shalt  }
tec
execute0_lowered:
.L_overlay_start_1:
0x0: {  	(tag) =	ssettag $0x1  }
0x1: {  	s4 =	rddreg [dreg:$0x0]  }
0x2: {  	s2 =	rddreg [dreg:$0x1]  }
0x3: {  	s0 =	rddreg [dreg:$0x2];
	s1 =	stileid.u32  }
0x4: {  	s5 =	srdreg.scid;
	s3 =	simm.s32 $0x0;
	s6 =	smul.u32 $0x500, s1  }
0x5: {  	s11 =	simm.s32 $0x2800;
	s15 =	simm.s32 $0x0;
	s9 =	smul.u32 $0x50000, s1  }
0x6: {  	s5 =	sand.u32 $0x1, s5;
	[smem:$0x7FF] =	sst s3;
	s13 =	smul.u32 $0x2800, s1  }
0x7: {  	s31 =	sshll.u32 s1, $0x6;
	s7 =	smul.u32 $0x28000, s5;
	_ =	strace $0x80000047  }
0x8: {  	s8 =	ssub.s32 $0x2, s5;
	s10 =	smul.u32 $0x5000, s5;
	s6 =	sadd.s32 s6, s4  }
0x9: {  	s30 =	sshrl.u32 s8, $0x1;
	s9 =	sshrl.u32 s9, $0x2;
	s7 =	sadd.s32 s7, s4  }
0xa: {  	s8 =	ssub.s32 s8, s30;
	s4 =	sadd.s32 $0x4600, s6;
	s5 =	sadd.s32 s9, s2  }
0xb: {  	s9 =	simm.s32 $0x6800;
	s12 =	sadd.s32 $0x9600, s7;
	s6 =	smax.u32 s8, $0x1  }
0xc: {  	s7 =	sshrl.u32 s10, $0x2;
	s8 =	simm.s32 $0x1;
	s10 =	simm.s32 $0x80  }
0xd: {  	v0 =	vimm.f32 $1.000000000e+00;
	v1 =	vimm.f32 $0.0e+00;
	s14 =	sshrl.u32 s5, $0x3;
	s12 =	sadd.s32 s13, s12;
	s13 =	sor.u32 $0x1C01, s31  }
.LBB2_1:
0xe: {  	[tilespmem:s3], [sflag:$0x1] =	stream.linear.gather [hbm4b:s4+s3], $0x2800, $0x38;
	[tilespmem:$0x1B000] =	vst v63  }
0xf: {  	_ =	swait.ge [sflag:s8], $0x2800  }
0x10: {  	[sflag:s8] =	ssyncset.done $0x0  }
0x11: {  	s16 =	simm.s32 $0x0;
	s17 =	simm.s32 $0x200;
	[sflag:s8] =	ssyncadd.s32 $0xFFFFD800  }
.LBB2_2:
0x12: {  	p0 =	sne.s32 s17, $0xFE00;
	[tilespmem:s16+$0x2870] =	vst v0  }
0x13: {  	[tilespmem:s16+$0x2800] =	vst v0  }
0x14: {  	[tilespmem:s16+$0x2810] =	vst v0  }
.Ltmp0:
0x15: {  	[tilespmem:s16+$0x2820] =	vst v0;
	(pc) =	sbr.rel @p0 .LBB2_2-.Ltmp0, $4  }
0x16: {  	[tilespmem:s16+$0x2830] =	vst v0  }
0x17: {  	[tilespmem:s16+$0x2840] =	vst v0  }
0x18: {  	[tilespmem:s16+$0x2850] =	vst v0  }
0x19: {  	[tilespmem:s16+$0x2860] =	vst v0;
	s16 =	sshra.s32 s17, $0x2;
	s17 =	sadd.s32 $0x200, s17  }
0x1a: {  	[tilespmem:s16+$0x2870] =	vst v0  }
0x1b: {  	[tilespmem:s16+$0x2800] =	vst v0  }
0x1c: {  	[tilespmem:s16+$0x2810] =	vst v0  }
0x1d: {  	[tilespmem:s16+$0x2820] =	vst v0  }
0x1e: {  	[tilespmem:s16+$0x2830] =	vst v0  }
0x1f: {  	[tilespmem:s16+$0x2840] =	vst v0  }
0x20: {  	[tilespmem:s16+$0x2850] =	vst v0  }
0x21: {  	[tilespmem:s16+$0x2860] =	vst v0;
	s16 =	simm.s32 $0x0;
	s17 =	simm.s32 $0x200  }
.LBB2_4:
0x22: {  	p0 =	sne.s32 s17, $0x1E00;
	[tilespmem:s16+$0x6870] =	vst v1  }
0x23: {  	[tilespmem:s16+$0x6800] =	vst v1  }
0x24: {  	[tilespmem:s16+$0x6810] =	vst v1  }
.Ltmp1:
0x25: {  	[tilespmem:s16+$0x6820] =	vst v1;
	(pc) =	sbr.rel @p0 .LBB2_4-.Ltmp1, $4  }
0x26: {  	[tilespmem:s16+$0x6830] =	vst v1  }
0x27: {  	[tilespmem:s16+$0x6840] =	vst v1  }
0x28: {  	[tilespmem:s16+$0x6850] =	vst v1  }
0x29: {  	[tilespmem:s16+$0x6860] =	vst v1;
	s16 =	sshra.s32 s17, $0x2;
	s17 =	sadd.s32 $0x200, s17  }
0x2a: {  	[tilespmem:s16+$0x6870] =	vst v1  }
0x2b: {  	[tilespmem:s16+$0x6800] =	vst v1  }
0x2c: {  	[tilespmem:s16+$0x6810] =	vst v1  }
0x2d: {  	[tilespmem:s16+$0x6820] =	vst v1  }
0x2e: {  	[tilespmem:s16+$0x6830] =	vst v1  }
0x2f: {  	[tilespmem:s16+$0x6840] =	vst v1  }
0x30: {  	[tilespmem:s16+$0x6850] =	vst v1  }
0x31: {  	[tilespmem:s16+$0x6860] =	vst v1;
	s31 =	sadd.s32 $0x0, s5  }
0x32: {  	[spmem:s31] =	stream.linear.scatter [tilespmem:s9], [sflag:$0x1], $0x800, $0x38;
	[tilespmem:$0x1B000] =	vst v63  }
0x33: {  	s16 =	simm.s32 $0x2000;
	_ =	swait.ge [sflag:s8], $0x800  }
.LBB2_6:
0x34: {  	s17 =	sshra.s32 s16, $0x2;
	[sflag:s8] =	ssyncset.done $0x0;
	p0 =	sne.s32 s16, $0x4E000  }
.Ltmp2:
0x35: {  	s17 =	sadd.s32 s17, s5;
	[sflag:s8] =	ssyncadd.s32 $0xFFFFF800;
	(pc) =	sbr.rel @p0 .LBB2_6-.Ltmp2, $3  }
0x36: {  	[spmem:s17] =	stream.linear.scatter [tilespmem:s9], [sflag:$0x1], $0x800, $0x38;
	[tilespmem:$0x1B000] =	vst v63  }
0x37: {  	s16 =	sadd.s32 $0x2000, s16;
	_ =	sdelay $0x1  }
0x38: {  	_ =	swait.ge [sflag:s8], $0x800  }
0x39: {  	[sflag:s8] =	ssyncset.done $0x0  }
0x3a: {  	[sflag:s8] =	ssyncadd.s32 $0xFFFFF800  }
0x3b: {  	s16 =	sadd.s32 $0x0, s7;
	[bflag:$0x0] =	sbarrier.arrive $0xFFFF  }
0x3c: {  	[spmem:s2] =	stream.indirect.scatter.add.f32 [tilespmem:s11], [sflag:$0x1], $0x80, s16, s10, $0xb8;
	[tilespmem:$0x1B000] =	vst v63  }
0x3d: {  	s16 =	simm.s32 $0x200;
	_ =	swait.ge [sflag:s8], $0x4000  }
.LBB2_8:
0x3e: {  	s17 =	sshra.s32 s16, $0x2;
	[sflag:s8] =	ssyncset.done $0x0;
	p0 =	sne.s32 s16, $0x4E00  }
.Ltmp3:
0x3f: {  	s17 =	sadd.s32 s17, s7;
	[sflag:s8] =	ssyncadd.s32 $0xFFFFC000;
	(pc) =	sbr.rel @p0 .LBB2_8-.Ltmp3, $3  }
0x40: {  	[spmem:s2] =	stream.indirect.scatter.add.f32 [tilespmem:s11], [sflag:$0x1], $0x80, s17, s10, $0xb8;
	[tilespmem:$0x1B000] =	vst v63  }
0x41: {  	s16 =	sadd.s32 $0x200, s16;
	_ =	sdelay $0x1  }
0x42: {  	_ =	swait.ge [sflag:s8], $0x4000  }
0x43: {  	[sflag:s8] =	ssyncset.done $0x0;
	s15 =	sadd.s32 $0x1, s15  }
0x44: {  	[sflag:s8] =	ssyncadd.s32 $0xFFFFC000;
	p0 =	sne.s32 s15, s6  }
.Ltmp4:
0x45: {  	[bflag:$0x0] =	sbarrier.arrive $0xFFFF;
	(pc) =	sbr.rel @p0 .LBB2_1-.Ltmp4, $4  }
0x46: {  	[hbm:s12], [sflag:s13] =	dma.local [spmem:s14], $0x2800  }
0x47: {  	_ =	swait.ge [sflag:s8], $0x2800  }
0x48: {  	[sflag:s8] =	ssyncset.done $0x0  }
0x49: {  	[sflag:s8] =	ssyncadd.s32 $0xFFFFD800  }
0x4a: {  	_ =	sfence.sel $0x180000  }
0x4b: {  	[bflag:$0x0] =	sbarrier.arrive $0xFFFF  }
0x4c: {  	p0 =	sne.s32 s1, $0x0;
	_ =	strace $0x90000047  }
0x4d: {  	s0 =	sadd.s32 @!p0 $0x100000, s0;
	[bflag:$0x2] =	sbarrier.arrive $0xFFFF  }
0x4e: {  	[sflag:s0] =	ssyncadd.tile.s32 @!p0 $0x1;
	_ =	shalt  }
.Lfunc_end2:
_tile_overlayer_lowered:
.L_overlay_start_2:
0x4f: {  	(tag) =	ssettag $0x2  }
0x50: {  	s0 =	rddreg [dreg:$0x0];
	s2 =	stileid.u32  }
0x51: {  	s1 =	rddreg [dreg:$0x1];
	p0 =	sne.s32 s2, $0x0  }
0x52: {  	s3 =	rddreg [dreg:$0x2];
	[bflag:$0x3] =	sbarrier.arrive $0xFFFF;
	s2 =	simm.s32 @!p0 $0x1C01  }
0x53: {  	[timem:s3], [sflag:s2] =	dma.local @!p0 [hbm:s0], s1  }
0x54: {  	s0 =	simm.s32 @!p0 $0x1  }
0x55: {  	_ =	swait.ge @!p0 [sflag:s0], s1  }
0x56: {  	s1 =	ssub.s32 @!p0 $0x0, s1;
	[sflag:s0] =	ssyncset.done @!p0 $0x0  }
0x57: {  	[sflag:s0] =	ssyncadd.s32 @!p0 s1  }
0x58: {  	[bflag:$0x3] =	sbarrier.arrive $0xFFFF  }
0x59: {  	_ =	shalt  }

// kernel: kernel.17.cloned.1.call-start
scs
__scs_entry_jumppad:
0x0: {  	(pc) =	sbr.rel $0x88, $3  }
0x1: {  	(tag) =	ssettag $0x0;
	lr =	simm.s32 $0x1  }
0x2: {  	[smem:$0x3F8A] =	sst lr;
	_ =	strace $0xD0000000  }
0x3: {  	_ = 	snop  }
0x4: {  	_ = 	snop  }
0x5: {  	_ = 	snop  }
0x6: {  	_ = 	snop  }
0x7: {  	_ = 	snop  }
__scs_overlays_trampoline_lowered:
0x8: {  	[smem:$0x3F99] =	sst s0  }
0x9: {  	[smem:$0x3F9A] =	sst s1  }
0xa: {  	[smem:$0x3F9B] =	sst s2  }
0xb: {  	[smem:$0x3F9C] =	sst s3  }
0xc: {  	[smem:$0x3F9D] =	sst s4  }
0xd: {  	[smem:$0x3F9E] =	sst s5  }
0xe: {  	[smem:$0x3F9F] =	sst s6  }
0xf: {  	[smem:$0x3FA0] =	sst s7  }
0x10: {  	[smem:$0x3FA1] =	sst s8  }
0x11: {  	[smem:$0x3FA2] =	sst s9;
	s0 =	simm.s32 @!p0 $0x0  }
0x12: {  	s1 =	sld [smem:$0x3F88];
	s0 =	simm.s32 @p0 $0x1  }
0x13: {  	[smem:$0x3FA3] =	sst s0;
	s0 =	simm.s32 @!p1 $0x0  }
0x14: {  	s2 =	sld [smem:$0x3F87];
	s0 =	simm.s32 @p1 $0x1  }
0x15: {  	[smem:$0x3FA4] =	sst s0;
	s0 =	simm.s32 @!p2 $0x0  }
0x16: {  	s3 =	sld [smem:$0x3FDB];
	s0 =	simm.s32 @p2 $0x1  }
0x17: {  	s4 =	simm.s32 $0x1BF5;
	[smem:$0x3FA6] =	sst s0  }
0x18: {  	s0 =	sld [smem:$0x3F89];
	_ =	swait.ge [sflag:s4], $0x0  }
0x19: {  	s7 =	sld [smem:$0x3F8A]  }
0x1a: {  	s8 =	sadd.s32 $0xFFFFE003, lr  }
0x1b: {  	s9 =	sadd.s32 $0xFFFFFEF7, lr;
	s5 =	simm.s32 $0xFFFFFFFF;
	p2 =	slt.u32 s8, $0xFFFFF086  }
0x1c: {  	p1 =	slt.u32 s9, $0xF7A;
	s5 =	simm.s32 @!p2 $0x0  }
0x1d: {  	s5 =	simm.s32 @p1 $0x1;
	p0 =	seq.s32 s7, s2  }
0x1e: {  	s7 =	smul.u32 @!p0 $0xF7A, s2;
	p2 =	seq.s32 @!p0 s5, $0x0  }
0x1f: {  	s9 =	smul.u32 $0xF7A, s1;
	s8 =	simm.s32 @!p0 $0x1BF5;
	p2 =	por !p2, p0  }
0x20: {  	[sflag:s8] =	ssyncset.s32 @!p0 $0xFFFFF086;
	s6 =	sadd.s32 @!p0 s3, s7;
	s7 =	simm.s32 @!p0 $0x108  }
0x21: {  	s3 =	sadd.s32 s3, s9;
	s6 =	sadd.s32 @!p0 $0x88, s6;
	s7 =	simm.s32 @p2 $0x1082  }
0x22: {  	[simem:s7], [sflag:s8] =	dma.local @!p0 [hbm:s6], $0xF7A  }
0x23: {  	s9 =	sor.u32 $0xD0000000, s2;
	s6 =	simm.s32 $0x108;
	_ =	swait.ge @!p0 [sflag:s8], $0x0  }
0x24: {  	s3 =	sadd.s32 $0x88, s3;
	s6 =	simm.s32 @!p1 $0x1082;
	[sflag:s4] =	ssyncset.s32 $0xFFFFF086  }
0x25: {  	[simem:s6], [sflag:s4] =	dma.local [hbm:s3], $0xF7A  }
0x26: {  	[smem:$0x3F8A] =	sst s1;
	(tag) =	ssettag s2;
	_ =	strace s9  }
0x27: {  	s1 =	sld [smem:$0x3F9A]  }
0x28: {  	s2 =	sld [smem:$0x3F9B]  }
0x29: {  	s4 =	sld [smem:$0x3F9D]  }
0x2a: {  	p0 =	seq.s32 s5, $0x0;
	s5 =	sld [smem:$0x3F9E]  }
0x2b: {  	s6 =	sld [smem:$0x3F9F]  }
0x2c: {  	s7 =	sld [smem:$0x3FA0]  }
0x2d: {  	s3 =	simm.s32 $0x108;
	s8 =	sld [smem:$0x3FA1]  }
0x2e: {  	s3 =	simm.s32 @!p0 $0x1082;
	s9 =	sld [smem:$0x3FA2]  }
0x2f: {  	lr =	sadd.s32 s0, s3;
	s0 =	sld [smem:$0x3F99]  }
0x30: {  	s3 =	sld [smem:$0x3F9C]  }
0x31: {  	[smem:$0x3FA5] =	sst s10  }
0x32: {  	s10 =	sld [smem:$0x3FA3];
	_ =	sdelay $0x3  }
0x33: {  	p0 =	seq.s32 s10, $0x1;
	s10 =	sld [smem:$0x3FA5];
	_ =	sdelay $0x3  }
0x34: {  	[smem:$0x3FA5] =	sst s10  }
0x35: {  	s10 =	sld [smem:$0x3FA4];
	_ =	sdelay $0x3  }
0x36: {  	p1 =	seq.s32 s10, $0x1;
	s10 =	sld [smem:$0x3FA5];
	_ =	sdelay $0x3  }
0x37: {  	[smem:$0x3FA5] =	sst s10  }
0x38: {  	s10 =	sld [smem:$0x3FA6]  }
0x39: {  	_ = 	snop;
	(pc) =	sbr.ind lr, $3  }
0x3a: {  	_ = 	snop  }
0x3b: {  	_ = 	snop  }
0x3c: {  	p2 =	seq.s32 s10, $0x1;
	s10 =	sld [smem:$0x3FA5]  }
0x3d: {  	_ =	shalt  }
0x3e: {  	_ =	shalt  }
0x3f: {  	_ =	shalt  }
0x40: {  	_ =	shalt  }
0x41: {  	_ =	shalt  }
0x42: {  	_ =	shalt  }
0x43: {  	_ =	shalt  }
0x44: {  	_ =	shalt  }
0x45: {  	_ =	shalt  }
0x46: {  	_ =	shalt  }
0x47: {  	_ =	shalt  }
0x48: {  	_ =	shalt  }
0x49: {  	_ =	shalt  }
0x4a: {  	_ =	shalt  }
0x4b: {  	_ =	shalt  }
0x4c: {  	_ =	shalt  }
0x4d: {  	_ =	shalt  }
0x4e: {  	_ =	shalt  }
0x4f: {  	_ =	shalt  }
0x50: {  	_ =	shalt  }
0x51: {  	_ =	shalt  }
0x52: {  	_ =	shalt  }
0x53: {  	_ =	shalt  }
0x54: {  	_ =	shalt  }
0x55: {  	_ =	shalt  }
0x56: {  	_ =	shalt  }
0x57: {  	_ =	shalt  }
0x58: {  	_ =	shalt  }
0x59: {  	_ =	shalt  }
0x5a: {  	_ =	shalt  }
0x5b: {  	_ =	shalt  }
0x5c: {  	_ =	shalt  }
0x5d: {  	_ =	shalt  }
0x5e: {  	_ =	shalt  }
0x5f: {  	_ =	shalt  }
0x60: {  	_ =	shalt  }
0x61: {  	_ =	shalt  }
0x62: {  	_ =	shalt  }
0x63: {  	_ =	shalt  }
0x64: {  	_ =	shalt  }
0x65: {  	_ =	shalt  }
0x66: {  	_ =	shalt  }
0x67: {  	_ =	shalt  }
0x68: {  	_ =	shalt  }
0x69: {  	_ =	shalt  }
0x6a: {  	_ =	shalt  }
0x6b: {  	_ =	shalt  }
0x6c: {  	_ =	shalt  }
0x6d: {  	_ =	shalt  }
0x6e: {  	_ =	shalt  }
0x6f: {  	_ =	shalt  }
0x70: {  	_ =	shalt  }
0x71: {  	_ =	shalt  }
0x72: {  	_ =	shalt  }
0x73: {  	_ =	shalt  }
0x74: {  	_ =	shalt  }
0x75: {  	_ =	shalt  }
0x76: {  	_ =	shalt  }
0x77: {  	_ =	shalt  }
0x78: {  	_ =	shalt  }
0x79: {  	_ =	shalt  }
0x7a: {  	_ =	shalt  }
0x7b: {  	_ =	shalt  }
0x7c: {  	_ =	shalt  }
0x7d: {  	_ =	shalt  }
0x7e: {  	_ =	shalt  }
0x7f: {  	_ =	shalt  }
0x80: {  	_ =	shalt  }
0x81: {  	_ =	shalt  }
0x82: {  	_ =	shalt  }
0x83: {  	_ =	shalt  }
0x84: {  	_ =	shalt  }
0x85: {  	_ =	shalt  }
0x86: {  	_ =	shalt  }
0x87: {  	_ =	shalt  }
.Lfunc_end0:
.L_simem_size_0:
called_computation.1_lowered:
.L_overlay_start_0:
0x88: {  	s2 =	sld [smem:$0x3FD9]  }
0x89: {  	s3 =	sld [smem:$0x3FFE];
	_ =	sdelay $0x1  }
0x8a: {  	s1 =	srdreg.scid  }
0x8b: {  	s0 =	sand.u32 $0x1, s1  }
0x8c: {  	s16 =	sshll.u32 s0, $0xA;
	s2 =	sadd.s32 s3, s2  }
0x8d: {  	s2 =	sadd.s32 s2, s16  }
0x8e: {  	[smem:$0x3FB1] =	sst s2  }
0x8f: {  	_ = 	snop  }
0x90: {  	(tm) =	ssettm $0x1  }
0x91: {  	s17 =	sld [smem:$0x3FFB];
	_ =	sdelay $0x3  }
0x92: {  	_ =	strace s17  }
0x93: {  	s2 =	sld [smem:$0x3FFC];
	_ =	sdelay $0x3  }
0x94: {  	_ =	strace s2  }
0x95: {  	s2 =	sld [smem:$0x3FFD];
	_ =	sdelay $0x3  }
0x96: {  	_ =	strace s2  }
0x97: {  	_ =	strace $0x8FFFFFFF  }
0x98: {  	s18 =	sld [smem:$0x3FDB];
	_ =	sdelay $0x1  }
0x99: {  	s19 =	simm.s32 $_scs_section_size  }
0x9a: {  	s4 =	simm.s32 $_size__tile_overlayer_lowered;
	s5 =	simm.s32 $_tile_overlayer_lowered  }
0x9b: {  	s22 =	simm.s32 $0x1BFF;
	s21 =	sshll.u32 s5, $0x1;
	s2 =	sadd.s32 s19, s18  }
0x9c: {  	s6 =	simm.s32 $0x0;
	s20 =	sshll.u32 s4, $0x1;
	s4 =	sadd.s32 s21, s2  }
0x9d: {  	[timem:s6], [sflag:s22] =	dma.local [hbm:s4], s20  }
0x9e: {  	_ =	swait.ge [sflag:s22], s20  }
0x9f: {  	s3 =	ssub.s32 $0x0, s20;
	[sflag:s22] =	ssyncset.done $0x0  }
0xa0: {  	[sflag:s22] =	ssyncadd.s32 s3;
	_ =	sdelay $0x1  }
0xa1: {  	s23 =	simm.s32 $0x1B8B  }
0xa2: {  	_ =	swait.ge [sflag:s23], $0x1  }
0xa3: {  	[sflag:s23] =	ssyncset.done $0x0  }
0xa4: {  	s25 =	simm.s32 $0x1B8E;
	s24 =	sld [smem:$0x3FFE];
	[sflag:s23] =	ssyncadd.s32 $0xFFFFFFFF  }
0xa5: {  	s26 =	simm.s32 $execute0_lowered;
	[smem:$0x3FD2] =	sst s25  }
0xa6: {  	s4 =	sshll.u32 s26, $0x1;
	_ =	strace $0x80000049;
	[dreg:$0x1] =	wrdreg $0xFFFFFFFF  }
0xa7: {  	s28 =	simm.s32 $_size_execute0_lowered;
	s2 =	sadd.s32 s2, s4;
	[dreg:$0x0] =	wrdreg $0x0  }
0xa8: {  	s4 =	sshll.u32 s28, $0x1;
	[dreg:$0x2] =	wrdreg s2  }
0xa9: {  	[dreg:$0x3] =	wrdreg s4  }
0xaa: {  	[dreg:$0x4] =	wrdreg $0xC0  }
0xab: {  	_ =	task [dreg:s6], $0x5FFFF  }
0xac: {  	[dreg:$0x1] =	wrdreg $0xFFFFFFFF  }
0xad: {  	[dreg:$0x0] =	wrdreg $0x60  }
0xae: {  	[dreg:$0x2] =	wrdreg s24  }
0xaf: {  	[dreg:$0x3] =	wrdreg $0xB0000  }
0xb0: {  	[dreg:$0x4] =	wrdreg $0x9  }
0xb1: {  	_ =	task.clear_ibuf [dreg:s6], $0x5FFFF;
	_ =	strace $0x90000049  }
0xb2: {  	s29 =	simm.s32 $0x9;
	_ =	strace $0x8000004B  }
0xb3: {  	_ =	swait.ge [sflag:s29], $0x1  }
0xb4: {  	[sflag:s29] =	ssyncadd.s32 $0xFFFFFFFF  }
0xb5: {  	_ =	strace $0x9000004B  }
0xb6: {  	_ =	sfence  }
0xb7: {  	s30 =	sld [smem:$0x0];
	_ =	sdelay $0x2  }
0xb8: {  	s31 =	sshll.u32 s1, $0xD;
	s1 =	sshrl.u32 s1, $0x2  }
0xb9: {  	s3 =	sand.u32 $0x4000, s31;
	s1 =	sadd.s32 s1, s30  }
0xba: {  	s0 =	sor.u32 s3, s0;
	s1 =	sshll.u32 s1, $0x11  }
0xbb: {  	s0 =	sor.u32 s1, s0  }
0xbc: {  	s0 =	sadd.s32 $0x8F2B, s0  }
0xbd: {  	[sflag:s0] =	ssyncadd.remote.s32 $0x1  }
0xbe: {  	_ =	sfence.sel $0xFFFF  }
0xbf: {  	[dreg:$0x0] =	wrdreg $0xFFFFFFFF;
	(pc) =	sbr.abs _section_cstart, $3  }
0xc0: {  	[dreg:$0x1] =	wrdreg $0xFFFFFFFF  }
0xc1: {  	_ =	task.clear_ibuf [dreg:s6], $0x2FFFF;
	_ =	strace $0x9FFFFFFF  }
0xc2: {  	(tm) =	ssettm $0x7FFFFFFF  }
0xc3: {  	_ =	shalt  }
tec
execute0_lowered:
.L_overlay_start_1:
0x0: {  	(tag) =	ssettag $0x1  }
0x1: {  	s4 =	rddreg [dreg:$0x0]  }
0x2: {  	s2 =	rddreg [dreg:$0x1]  }
0x3: {  	s0 =	rddreg [dreg:$0x2];
	s3 =	simm.s32 $0x0;
	s1 =	stileid.u32  }
0x4: {  	s6 =	srdreg.scid;
	s13 =	simm.s32 $0x80;
	s14 =	simm.s32 $0x2800  }
0x5: {  	s15 =	simm.s32 $0x1;
	s16 =	simm.s32 $0x6800;
	s17 =	simm.s32 $0x2  }
0x6: {  	s18 =	simm.s32 $0x1380;
	s19 =	simm.s32 $0x2700;
	s5 =	smul.u32 $0x500, s1  }
0x7: {  	s20 =	simm.s32 $0x2780;
	[smem:$0x7FF] =	sst s3;
	s9 =	smul.u32 $0x50000, s1  }
0x8: {  	s8 =	sadd.s32 $0xFE600, s4;
	s6 =	sand.u32 $0x1, s6;
	s22 =	smul.u32 $0x2800, s1  }
0x9: {  	s10 =	sadd.s32 $0x19E600, s4;
	s28 =	ssub.s32 $0x2, s6;
	s11 =	smul.u32 $0x280000, s6  }
0xa: {  	_ =	strace $0x8000004A;
	s31 =	smul.u32 $0x50000, s6;
	s29 =	sshrl.u32 s28, $0x1  }
0xb: {  	s7 =	sadd.s32 s5, s4;
	s30 =	sshrl.u32 s9, $0x2;
	s12 =	ssub.s32 s28, s29  }
0xc: {  	s4 =	sadd.s32 s30, s2;
	s5 =	sadd.s32 $0x59600, s7;
	s11 =	sshrl.u32 s11, $0x3  }
0xd: {  	s6 =	sadd.s32 $0x4600, s7;
	s7 =	sadd.s32 s8, s31;
	s21 =	sadd.s32 s10, s31  }
0xe: {  	s11 =	sadd.s32 $0x28000, s11;
	s9 =	smax.u32 s12, $0x1;
	s12 =	simm.s32 $0x1400  }
0xf: {  	s21 =	sadd.s32 s22, s21;
	s8 =	sadd.s32 s8, s11;
	s23 =	sadd.s32 s10, s11  }
0x10: {  	v0 =	vimm.f32 $0.0e+00;
	s10 =	simm.s32 $0xA800;
	s11 =	simm.s32 $0x3;
	s22 =	sadd.s32 s22, s23  }
.LBB2_1:
0x11: {  	s23 =	simm.s32 $0x0;
	s24 =	simm.s32 $0x200  }
.LBB2_2:
0x12: {  	p0 =	sne.s32 s24, $0x1E00;
	[tilespmem:s23+$0xA870] =	vst v0  }
0x13: {  	[tilespmem:s23+$0xA800] =	vst v0  }
0x14: {  	[tilespmem:s23+$0xA810] =	vst v0  }
.Ltmp0:
0x15: {  	[tilespmem:s23+$0xA820] =	vst v0;
	(pc) =	sbr.rel @p0 .LBB2_2-.Ltmp0, $4  }
0x16: {  	[tilespmem:s23+$0xA830] =	vst v0  }
0x17: {  	[tilespmem:s23+$0xA840] =	vst v0  }
0x18: {  	[tilespmem:s23+$0xA850] =	vst v0  }
0x19: {  	[tilespmem:s23+$0xA860] =	vst v0;
	s23 =	sshra.s32 s24, $0x2;
	s24 =	sadd.s32 $0x200, s24  }
0x1a: {  	[tilespmem:s23+$0xA870] =	vst v0  }
0x1b: {  	[tilespmem:s23+$0xA800] =	vst v0  }
0x1c: {  	[tilespmem:s23+$0xA810] =	vst v0  }
0x1d: {  	[tilespmem:s23+$0xA820] =	vst v0  }
0x1e: {  	[tilespmem:s23+$0xA830] =	vst v0  }
0x1f: {  	[tilespmem:s23+$0xA840] =	vst v0  }
0x20: {  	[tilespmem:s23+$0xA850] =	vst v0  }
0x21: {  	[tilespmem:s23+$0xA860] =	vst v0;
	s31 =	sadd.s32 $0x0, s4  }
0x22: {  	[spmem:s31] =	stream.linear.scatter [tilespmem:s10], [sflag:$0x3], $0x800, $0x38;
	[tilespmem:$0x1F000] =	vst v63  }
0x23: {  	s23 =	simm.s32 $0x2000;
	_ =	swait.ge [sflag:s11], $0x800  }
.LBB2_4:
0x24: {  	s24 =	sshra.s32 s23, $0x2;
	[sflag:s11] =	ssyncset.done $0x0;
	p0 =	sne.s32 s23, $0x4E000  }
.Ltmp1:
0x25: {  	s24 =	sadd.s32 s24, s4;
	[sflag:s11] =	ssyncadd.s32 $0xFFFFF800;
	(pc) =	sbr.rel @p0 .LBB2_4-.Ltmp1, $3  }
0x26: {  	[spmem:s24] =	stream.linear.scatter [tilespmem:s10], [sflag:$0x3], $0x800, $0x38;
	[tilespmem:$0x1F000] =	vst v63  }
0x27: {  	s23 =	sadd.s32 $0x2000, s23;
	_ =	sdelay $0x1  }
0x28: {  	_ =	swait.ge [sflag:s11], $0x800  }
0x29: {  	[sflag:s11] =	ssyncset.done $0x0  }
0x2a: {  	[sflag:s11] =	ssyncadd.s32 $0xFFFFF800  }
0x2b: {  	s23 =	simm.s32 $0x0;
	[bflag:$0x0] =	sbarrier.arrive $0xFFFF  }
0x2c: {  	[tilespmem:s23], [sflag:$0x3] =	stream.linear.gather [hbm4b:s5+s23], $0x1400, $0x38;
	[tilespmem:$0x1F000] =	vst v63  }
0x2d: {  	_ =	swait.ge [sflag:s11], $0x1400  }
0x2e: {  	[sflag:s11] =	ssyncset.done $0x0  }
0x2f: {  	[sflag:s11] =	ssyncadd.s32 $0xFFFFEC00  }
0x30: {  	[tilespmem:s12], [sflag:$0x3] =	stream.linear.gather [hbm4b:s6+s23], $0x1400, $0x38;
	[tilespmem:$0x1F000] =	vst v63  }
0x31: {  	_ =	swait.ge [sflag:s11], $0x1400  }
0x32: {  	[sflag:s11] =	ssyncset.done $0x0  }
0x33: {  	[sflag:s11] =	ssyncadd.s32 $0xFFFFEC00  }
0x34: {  	[tilespmem:s14], [sflag:$0x1] =	stream.indirect.gather [hbm4b:s7+s13], $0x80, s23, s13, $0xb8;
	[tilespmem:$0x1F000] =	vst v63  }
0x35: {  	_ =	swait.ge [sflag:s15], $0x4000  }
0x36: {  	[sflag:s15] =	ssyncset.done $0x0  }
0x37: {  	s28 =	simm.s32 $0x80;
	[sflag:s15] =	ssyncadd.s32 $0xFFFFC000  }
0x38: {  	[tilespmem:s16], [sflag:$0x2] =	stream.indirect.gather [hbm4b:s7+s13], $0x80, s28, s13, $0xb8;
	[tilespmem:$0x1F000] =	vst v63  }
0x39: {  	s29 =	simm.s32 $0x1400  }
0x3a: {  	[spmem:s2] =	stream.indirect.scatter.add.f32 [tilespmem:s14], [sflag:$0x3], $0x80, s29, s13, $0xb8;
	[tilespmem:$0x1F000] =	vst v63  }
0x3b: {  	_ =	swait.ge [sflag:s11], $0x4000  }
0x3c: {  	[sflag:s11] =	ssyncset.done $0x0  }
0x3d: {  	[sflag:s11] =	ssyncadd.s32 $0xFFFFC000  }
0x3e: {  	_ =	swait.ge [sflag:s17], $0x4000  }
0x3f: {  	[sflag:s17] =	ssyncset.done $0x0  }
0x40: {  	s30 =	simm.s32 $0x100;
	[sflag:s17] =	ssyncadd.s32 $0xFFFFC000  }
0x41: {  	[tilespmem:s14], [sflag:$0x1] =	stream.indirect.gather [hbm4b:s7+s13], $0x80, s30, s13, $0xb8;
	[tilespmem:$0x1F000] =	vst v63  }
0x42: {  	s31 =	simm.s32 $0x1480  }
0x43: {  	[spmem:s2] =	stream.indirect.scatter.add.f32 [tilespmem:s16], [sflag:$0x3], $0x80, s31, s13, $0xb8;
	[tilespmem:$0x1F000] =	vst v63  }
0x44: {  	_ =	swait.ge [sflag:s11], $0x4000  }
0x45: {  	s23 =	simm.s32 $0x400;
	[sflag:s11] =	ssyncset.done $0x0  }
.LBB2_6:
0x46: {  	p0 =	sne.s32 s23, $0x4800  }
0x47: {  	[sflag:s11] =	ssyncadd.s32 $0xFFFFC000;
	s24 =	smov.u32 s23;
	s23 =	sadd.s32 $0x400, s23  }
0x48: {  	_ = 	snop  }
0x49: {  	_ =	swait.ge [sflag:s15], $0x4000  }
0x4a: {  	s24 =	sshra.s32 s24, $0x2;
	[sflag:s15] =	ssyncset.done $0x0  }
0x4b: {  	s25 =	sadd.s32 $0x80, s24;
	[sflag:s15] =	ssyncadd.s32 $0xFFFFC000  }
0x4c: {  	[tilespmem:s16], [sflag:$0x2] =	stream.indirect.gather [hbm4b:s7+s13], $0x80, s25, s13, $0xb8;
	[tilespmem:$0x1F000] =	vst v63  }
0x4d: {  	s25 =	sadd.s32 $0x1400, s24  }
0x4e: {  	[spmem:s2] =	stream.indirect.scatter.add.f32 [tilespmem:s14], [sflag:$0x3], $0x80, s25, s13, $0xb8;
	[tilespmem:$0x1F000] =	vst v63  }
0x4f: {  	_ =	swait.ge [sflag:s11], $0x4000  }
0x50: {  	[sflag:s11] =	ssyncset.done $0x0  }
0x51: {  	[sflag:s11] =	ssyncadd.s32 $0xFFFFC000  }
0x52: {  	_ =	swait.ge [sflag:s17], $0x4000  }
0x53: {  	[sflag:s17] =	ssyncset.done $0x0  }
0x54: {  	s25 =	sadd.s32 $0x100, s24;
	[sflag:s17] =	ssyncadd.s32 $0xFFFFC000  }
0x55: {  	[tilespmem:s14], [sflag:$0x1] =	stream.indirect.gather [hbm4b:s7+s13], $0x80, s25, s13, $0xb8;
	[tilespmem:$0x1F000] =	vst v63  }
.Ltmp2:
0x56: {  	_ = 	snop;
	(pc) =	sbr.rel @p0 .LBB2_6-.Ltmp2, $4  }
0x57: {  	s24 =	sadd.s32 $0x1480, s24  }
0x58: {  	[spmem:s2] =	stream.indirect.scatter.add.f32 [tilespmem:s16], [sflag:$0x3], $0x80, s24, s13, $0xb8;
	[tilespmem:$0x1F000] =	vst v63  }
0x59: {  	_ =	swait.ge [sflag:s11], $0x4000  }
0x5a: {  	[sflag:s11] =	ssyncset.done $0x0  }
0x5b: {  	[sflag:s11] =	ssyncadd.s32 $0xFFFFC000  }
0x5c: {  	_ =	swait.ge [sflag:s15], $0x4000  }
0x5d: {  	[sflag:s15] =	ssyncset.done $0x0  }
0x5e: {  	[sflag:s15] =	ssyncadd.s32 $0xFFFFC000  }
0x5f: {  	[tilespmem:s16], [sflag:$0x2] =	stream.indirect.gather [hbm4b:s7+s13], $0x80, s18, s13, $0xb8;
	[tilespmem:$0x1F000] =	vst v63  }
0x60: {  	_ = 	snop  }
0x61: {  	[spmem:s2] =	stream.indirect.scatter.add.f32 [tilespmem:s14], [sflag:$0x3], $0x80, s19, s13, $0xb8;
	[tilespmem:$0x1F000] =	vst v63  }
0x62: {  	_ =	swait.ge [sflag:s11], $0x4000  }
0x63: {  	[sflag:s11] =	ssyncset.done $0x0  }
0x64: {  	[sflag:s11] =	ssyncadd.s32 $0xFFFFC000  }
0x65: {  	_ =	swait.ge [sflag:s17], $0x4000  }
0x66: {  	[sflag:s17] =	ssyncset.done $0x0  }
0x67: {  	[sflag:s17] =	ssyncadd.s32 $0xFFFFC000  }
0x68: {  	[spmem:s2] =	stream.indirect.scatter.add.f32 [tilespmem:s16], [sflag:$0x3], $0x80, s20, s13, $0xb8;
	[tilespmem:$0x1F000] =	vst v63  }
0x69: {  	_ =	swait.ge [sflag:s11], $0x4000  }
0x6a: {  	[sflag:s11] =	ssyncset.done $0x0  }
0x6b: {  	s23 =	sadd.s32 $0x280, s5;
	s25 =	simm.s32 $0x0;
	[sflag:s11] =	ssyncadd.s32 $0xFFFFC000  }
0x6c: {  	[tilespmem:s25], [sflag:$0x3] =	stream.linear.gather [hbm4b:s23+s25], $0x1400, $0x38;
	[tilespmem:$0x1F000] =	vst v63  }
0x6d: {  	_ =	swait.ge [sflag:s11], $0x1400  }
0x6e: {  	[sflag:s11] =	ssyncset.done $0x0  }
0x6f: {  	s24 =	sadd.s32 $0x280, s6;
	[sflag:s11] =	ssyncadd.s32 $0xFFFFEC00  }
0x70: {  	[tilespmem:s12], [sflag:$0x3] =	stream.linear.gather [hbm4b:s24+s25], $0x1400, $0x38;
	[tilespmem:$0x1F000] =	vst v63  }
0x71: {  	_ =	swait.ge [sflag:s11], $0x1400  }
0x72: {  	[sflag:s11] =	ssyncset.done $0x0  }
0x73: {  	[sflag:s11] =	ssyncadd.s32 $0xFFFFEC00  }
0x74: {  	[tilespmem:s14], [sflag:$0x1] =	stream.indirect.gather [hbm4b:s7+s13], $0x80, s25, s13, $0xb8;
	[tilespmem:$0x1F000] =	vst v63  }
0x75: {  	_ =	swait.ge [sflag:s15], $0x4000  }
0x76: {  	[sflag:s15] =	ssyncset.done $0x0  }
0x77: {  	s28 =	simm.s32 $0x80;
	[sflag:s15] =	ssyncadd.s32 $0xFFFFC000  }
0x78: {  	[tilespmem:s16], [sflag:$0x2] =	stream.indirect.gather [hbm4b:s7+s13], $0x80, s28, s13, $0xb8;
	[tilespmem:$0x1F000] =	vst v63  }
0x79: {  	s29 =	simm.s32 $0x1400  }
0x7a: {  	[spmem:s2] =	stream.indirect.scatter.add.f32 [tilespmem:s14], [sflag:$0x3], $0x80, s29, s13, $0xb8;
	[tilespmem:$0x1F000] =	vst v63  }
0x7b: {  	_ =	swait.ge [sflag:s11], $0x4000  }
0x7c: {  	[sflag:s11] =	ssyncset.done $0x0  }
0x7d: {  	[sflag:s11] =	ssyncadd.s32 $0xFFFFC000  }
0x7e: {  	_ =	swait.ge [sflag:s17], $0x4000  }
0x7f: {  	[sflag:s17] =	ssyncset.done $0x0  }
0x80: {  	s30 =	simm.s32 $0x100;
	[sflag:s17] =	ssyncadd.s32 $0xFFFFC000  }
0x81: {  	[tilespmem:s14], [sflag:$0x1] =	stream.indirect.gather [hbm4b:s7+s13], $0x80, s30, s13, $0xb8;
	[tilespmem:$0x1F000] =	vst v63  }
0x82: {  	s31 =	simm.s32 $0x1480  }
0x83: {  	[spmem:s2] =	stream.indirect.scatter.add.f32 [tilespmem:s16], [sflag:$0x3], $0x80, s31, s13, $0xb8;
	[tilespmem:$0x1F000] =	vst v63  }
0x84: {  	_ =	swait.ge [sflag:s11], $0x4000  }
0x85: {  	s25 =	simm.s32 $0x400;
	[sflag:s11] =	ssyncset.done $0x0  }
.LBB2_8:
0x86: {  	p0 =	sne.s32 s25, $0x4800  }
0x87: {  	[sflag:s11] =	ssyncadd.s32 $0xFFFFC000;
	s26 =	smov.u32 s25;
	s25 =	sadd.s32 $0x400, s25  }
0x88: {  	_ = 	snop  }
0x89: {  	_ =	swait.ge [sflag:s15], $0x4000  }
0x8a: {  	s26 =	sshra.s32 s26, $0x2;
	[sflag:s15] =	ssyncset.done $0x0  }
0x8b: {  	s28 =	sadd.s32 $0x80, s26;
	[sflag:s15] =	ssyncadd.s32 $0xFFFFC000  }
0x8c: {  	[tilespmem:s16], [sflag:$0x2] =	stream.indirect.gather [hbm4b:s7+s13], $0x80, s28, s13, $0xb8;
	[tilespmem:$0x1F000] =	vst v63  }
0x8d: {  	s28 =	sadd.s32 $0x1400, s26  }
0x8e: {  	[spmem:s2] =	stream.indirect.scatter.add.f32 [tilespmem:s14], [sflag:$0x3], $0x80, s28, s13, $0xb8;
	[tilespmem:$0x1F000] =	vst v63  }
0x8f: {  	_ =	swait.ge [sflag:s11], $0x4000  }
0x90: {  	[sflag:s11] =	ssyncset.done $0x0  }
0x91: {  	[sflag:s11] =	ssyncadd.s32 $0xFFFFC000  }
0x92: {  	_ =	swait.ge [sflag:s17], $0x4000  }
0x93: {  	[sflag:s17] =	ssyncset.done $0x0  }
0x94: {  	s28 =	sadd.s32 $0x100, s26;
	[sflag:s17] =	ssyncadd.s32 $0xFFFFC000  }
0x95: {  	[tilespmem:s14], [sflag:$0x1] =	stream.indirect.gather [hbm4b:s7+s13], $0x80, s28, s13, $0xb8;
	[tilespmem:$0x1F000] =	vst v63  }
.Ltmp3:
0x96: {  	_ = 	snop;
	(pc) =	sbr.rel @p0 .LBB2_8-.Ltmp3, $4  }
0x97: {  	s26 =	sadd.s32 $0x1480, s26  }
0x98: {  	[spmem:s2] =	stream.indirect.scatter.add.f32 [tilespmem:s16], [sflag:$0x3], $0x80, s26, s13, $0xb8;
	[tilespmem:$0x1F000] =	vst v63  }
0x99: {  	_ =	swait.ge [sflag:s11], $0x4000  }
0x9a: {  	[sflag:s11] =	ssyncset.done $0x0  }
0x9b: {  	[sflag:s11] =	ssyncadd.s32 $0xFFFFC000  }
0x9c: {  	_ =	swait.ge [sflag:s15], $0x4000  }
0x9d: {  	[sflag:s15] =	ssyncset.done $0x0  }
0x9e: {  	[sflag:s15] =	ssyncadd.s32 $0xFFFFC000  }
0x9f: {  	[tilespmem:s16], [sflag:$0x2] =	stream.indirect.gather [hbm4b:s7+s13], $0x80, s18, s13, $0xb8;
	[tilespmem:$0x1F000] =	vst v63  }
0xa0: {  	_ = 	snop  }
0xa1: {  	[spmem:s2] =	stream.indirect.scatter.add.f32 [tilespmem:s14], [sflag:$0x3], $0x80, s19, s13, $0xb8;
	[tilespmem:$0x1F000] =	vst v63  }
0xa2: {  	_ =	swait.ge [sflag:s11], $0x4000  }
0xa3: {  	[sflag:s11] =	ssyncset.done $0x0  }
0xa4: {  	[sflag:s11] =	ssyncadd.s32 $0xFFFFC000  }
0xa5: {  	_ =	swait.ge [sflag:s17], $0x4000  }
0xa6: {  	[sflag:s17] =	ssyncset.done $0x0  }
0xa7: {  	[sflag:s17] =	ssyncadd.s32 $0xFFFFC000  }
0xa8: {  	[spmem:s2] =	stream.indirect.scatter.add.f32 [tilespmem:s16], [sflag:$0x3], $0x80, s20, s13, $0xb8;
	[tilespmem:$0x1F000] =	vst v63  }
0xa9: {  	_ =	swait.ge [sflag:s11], $0x4000  }
0xaa: {  	[sflag:s11] =	ssyncset.done $0x0  }
0xab: {  	s25 =	sshll.u32 s1, $0x6;
	[sflag:s11] =	ssyncadd.s32 $0xFFFFC000  }
0xac: {  	s26 =	sshrl.u32 s4, $0x3;
	s25 =	sor.u32 $0x1C03, s25;
	[bflag:$0x0] =	sbarrier.arrive $0xFFFF  }
0xad: {  	[hbm:s21], [sflag:s25] =	dma.local [spmem:s26], $0x2800  }
0xae: {  	_ =	swait.ge [sflag:s11], $0x2800  }
0xaf: {  	[sflag:s11] =	ssyncset.done $0x0  }
0xb0: {  	[sflag:s11] =	ssyncadd.s32 $0xFFFFD800  }
0xb1: {  	s28 =	sadd.s32 $0x0, s4;
	[bflag:$0x0] =	sbarrier.arrive $0xFFFF  }
0xb2: {  	[spmem:s28] =	stream.linear.scatter [tilespmem:s10], [sflag:$0x3], $0x800, $0x38;
	[tilespmem:$0x1F000] =	vst v63  }
0xb3: {  	s28 =	simm.s32 $0x2000;
	_ =	swait.ge [sflag:s11], $0x800  }
.LBB2_10:
0xb4: {  	s29 =	sshra.s32 s28, $0x2;
	[sflag:s11] =	ssyncset.done $0x0;
	p0 =	sne.s32 s28, $0x4E000  }
.Ltmp4:
0xb5: {  	s29 =	sadd.s32 s29, s4;
	[sflag:s11] =	ssyncadd.s32 $0xFFFFF800;
	(pc) =	sbr.rel @p0 .LBB2_10-.Ltmp4, $3  }
0xb6: {  	[spmem:s29] =	stream.linear.scatter [tilespmem:s10], [sflag:$0x3], $0x800, $0x38;
	[tilespmem:$0x1F000] =	vst v63  }
0xb7: {  	s28 =	sadd.s32 $0x2000, s28;
	_ =	sdelay $0x1  }
0xb8: {  	_ =	swait.ge [sflag:s11], $0x800  }
0xb9: {  	[sflag:s11] =	ssyncset.done $0x0  }
0xba: {  	[sflag:s11] =	ssyncadd.s32 $0xFFFFF800  }
0xbb: {  	s28 =	simm.s32 $0x0;
	[bflag:$0x0] =	sbarrier.arrive $0xFFFF  }
0xbc: {  	[tilespmem:s28], [sflag:$0x3] =	stream.linear.gather [hbm4b:s5+s28], $0x1400, $0x38;
	[tilespmem:$0x1F000] =	vst v63  }
0xbd: {  	_ =	swait.ge [sflag:s11], $0x1400  }
0xbe: {  	[sflag:s11] =	ssyncset.done $0x0  }
0xbf: {  	[sflag:s11] =	ssyncadd.s32 $0xFFFFEC00  }
0xc0: {  	[tilespmem:s12], [sflag:$0x3] =	stream.linear.gather [hbm4b:s6+s28], $0x1400, $0x38;
	[tilespmem:$0x1F000] =	vst v63  }
0xc1: {  	_ =	swait.ge [sflag:s11], $0x1400  }
0xc2: {  	[sflag:s11] =	ssyncset.done $0x0  }
0xc3: {  	[sflag:s11] =	ssyncadd.s32 $0xFFFFEC00  }
0xc4: {  	[tilespmem:s14], [sflag:$0x1] =	stream.indirect.gather [hbm4b:s8+s13], $0x80, s28, s13, $0xb8;
	[tilespmem:$0x1F000] =	vst v63  }
0xc5: {  	_ =	swait.ge [sflag:s15], $0x4000  }
0xc6: {  	[sflag:s15] =	ssyncset.done $0x0  }
0xc7: {  	s28 =	simm.s32 $0x80;
	[sflag:s15] =	ssyncadd.s32 $0xFFFFC000  }
0xc8: {  	[tilespmem:s16], [sflag:$0x2] =	stream.indirect.gather [hbm4b:s8+s13], $0x80, s28, s13, $0xb8;
	[tilespmem:$0x1F000] =	vst v63  }
0xc9: {  	s28 =	simm.s32 $0x1400  }
0xca: {  	[spmem:s2] =	stream.indirect.scatter.add.f32 [tilespmem:s14], [sflag:$0x3], $0x80, s28, s13, $0xb8;
	[tilespmem:$0x1F000] =	vst v63  }
0xcb: {  	_ =	swait.ge [sflag:s11], $0x4000  }
0xcc: {  	[sflag:s11] =	ssyncset.done $0x0  }
0xcd: {  	[sflag:s11] =	ssyncadd.s32 $0xFFFFC000  }
0xce: {  	_ =	swait.ge [sflag:s17], $0x4000  }
0xcf: {  	[sflag:s17] =	ssyncset.done $0x0  }
0xd0: {  	s28 =	simm.s32 $0x100;
	[sflag:s17] =	ssyncadd.s32 $0xFFFFC000  }
0xd1: {  	[tilespmem:s14], [sflag:$0x1] =	stream.indirect.gather [hbm4b:s8+s13], $0x80, s28, s13, $0xb8;
	[tilespmem:$0x1F000] =	vst v63  }
0xd2: {  	s28 =	simm.s32 $0x1480  }
0xd3: {  	[spmem:s2] =	stream.indirect.scatter.add.f32 [tilespmem:s16], [sflag:$0x3], $0x80, s28, s13, $0xb8;
	[tilespmem:$0x1F000] =	vst v63  }
0xd4: {  	_ =	swait.ge [sflag:s11], $0x4000  }
0xd5: {  	s28 =	simm.s32 $0x400;
	[sflag:s11] =	ssyncset.done $0x0  }
.LBB2_12:
0xd6: {  	p0 =	sne.s32 s28, $0x4800  }
0xd7: {  	[sflag:s11] =	ssyncadd.s32 $0xFFFFC000;
	s29 =	smov.u32 s28;
	s28 =	sadd.s32 $0x400, s28  }
0xd8: {  	_ = 	snop  }
0xd9: {  	_ =	swait.ge [sflag:s15], $0x4000  }
0xda: {  	s29 =	sshra.s32 s29, $0x2;
	[sflag:s15] =	ssyncset.done $0x0  }
0xdb: {  	s30 =	sadd.s32 $0x80, s29;
	[sflag:s15] =	ssyncadd.s32 $0xFFFFC000  }
0xdc: {  	[tilespmem:s16], [sflag:$0x2] =	stream.indirect.gather [hbm4b:s8+s13], $0x80, s30, s13, $0xb8;
	[tilespmem:$0x1F000] =	vst v63  }
0xdd: {  	s30 =	sadd.s32 $0x1400, s29  }
0xde: {  	[spmem:s2] =	stream.indirect.scatter.add.f32 [tilespmem:s14], [sflag:$0x3], $0x80, s30, s13, $0xb8;
	[tilespmem:$0x1F000] =	vst v63  }
0xdf: {  	_ =	swait.ge [sflag:s11], $0x4000  }
0xe0: {  	[sflag:s11] =	ssyncset.done $0x0  }
0xe1: {  	[sflag:s11] =	ssyncadd.s32 $0xFFFFC000  }
0xe2: {  	_ =	swait.ge [sflag:s17], $0x4000  }
0xe3: {  	[sflag:s17] =	ssyncset.done $0x0  }
0xe4: {  	s30 =	sadd.s32 $0x100, s29;
	[sflag:s17] =	ssyncadd.s32 $0xFFFFC000  }
0xe5: {  	[tilespmem:s14], [sflag:$0x1] =	stream.indirect.gather [hbm4b:s8+s13], $0x80, s30, s13, $0xb8;
	[tilespmem:$0x1F000] =	vst v63  }
.Ltmp5:
0xe6: {  	_ = 	snop;
	(pc) =	sbr.rel @p0 .LBB2_12-.Ltmp5, $4  }
0xe7: {  	s29 =	sadd.s32 $0x1480, s29  }
0xe8: {  	[spmem:s2] =	stream.indirect.scatter.add.f32 [tilespmem:s16], [sflag:$0x3], $0x80, s29, s13, $0xb8;
	[tilespmem:$0x1F000] =	vst v63  }
0xe9: {  	_ =	swait.ge [sflag:s11], $0x4000  }
0xea: {  	[sflag:s11] =	ssyncset.done $0x0  }
0xeb: {  	[sflag:s11] =	ssyncadd.s32 $0xFFFFC000  }
0xec: {  	_ =	swait.ge [sflag:s15], $0x4000  }
0xed: {  	[sflag:s15] =	ssyncset.done $0x0  }
0xee: {  	[sflag:s15] =	ssyncadd.s32 $0xFFFFC000  }
0xef: {  	[tilespmem:s16], [sflag:$0x2] =	stream.indirect.gather [hbm4b:s8+s13], $0x80, s18, s13, $0xb8;
	[tilespmem:$0x1F000] =	vst v63  }
0xf0: {  	_ = 	snop  }
0xf1: {  	[spmem:s2] =	stream.indirect.scatter.add.f32 [tilespmem:s14], [sflag:$0x3], $0x80, s19, s13, $0xb8;
	[tilespmem:$0x1F000] =	vst v63  }
0xf2: {  	_ =	swait.ge [sflag:s11], $0x4000  }
0xf3: {  	[sflag:s11] =	ssyncset.done $0x0  }
0xf4: {  	[sflag:s11] =	ssyncadd.s32 $0xFFFFC000  }
0xf5: {  	_ =	swait.ge [sflag:s17], $0x4000  }
0xf6: {  	[sflag:s17] =	ssyncset.done $0x0  }
0xf7: {  	[sflag:s17] =	ssyncadd.s32 $0xFFFFC000  }
0xf8: {  	[spmem:s2] =	stream.indirect.scatter.add.f32 [tilespmem:s16], [sflag:$0x3], $0x80, s20, s13, $0xb8;
	[tilespmem:$0x1F000] =	vst v63  }
0xf9: {  	_ =	swait.ge [sflag:s11], $0x4000  }
0xfa: {  	[sflag:s11] =	ssyncset.done $0x0  }
0xfb: {  	s28 =	simm.s32 $0x0;
	[sflag:s11] =	ssyncadd.s32 $0xFFFFC000  }
0xfc: {  	[tilespmem:s28], [sflag:$0x3] =	stream.linear.gather [hbm4b:s23+s28], $0x1400, $0x38;
	[tilespmem:$0x1F000] =	vst v63  }
0xfd: {  	_ =	swait.ge [sflag:s11], $0x1400  }
0xfe: {  	[sflag:s11] =	ssyncset.done $0x0  }
0xff: {  	[sflag:s11] =	ssyncadd.s32 $0xFFFFEC00  }
0x100: {  	[tilespmem:s12], [sflag:$0x3] =	stream.linear.gather [hbm4b:s24+s28], $0x1400, $0x38;
	[tilespmem:$0x1F000] =	vst v63  }
0x101: {  	_ =	swait.ge [sflag:s11], $0x1400  }
0x102: {  	[sflag:s11] =	ssyncset.done $0x0  }
0x103: {  	[sflag:s11] =	ssyncadd.s32 $0xFFFFEC00  }
0x104: {  	[tilespmem:s14], [sflag:$0x1] =	stream.indirect.gather [hbm4b:s8+s13], $0x80, s28, s13, $0xb8;
	[tilespmem:$0x1F000] =	vst v63  }
0x105: {  	_ =	swait.ge [sflag:s15], $0x4000  }
0x106: {  	[sflag:s15] =	ssyncset.done $0x0  }
0x107: {  	s28 =	simm.s32 $0x80;
	[sflag:s15] =	ssyncadd.s32 $0xFFFFC000  }
0x108: {  	[tilespmem:s16], [sflag:$0x2] =	stream.indirect.gather [hbm4b:s8+s13], $0x80, s28, s13, $0xb8;
	[tilespmem:$0x1F000] =	vst v63  }
0x109: {  	s29 =	simm.s32 $0x1400  }
0x10a: {  	[spmem:s2] =	stream.indirect.scatter.add.f32 [tilespmem:s14], [sflag:$0x3], $0x80, s29, s13, $0xb8;
	[tilespmem:$0x1F000] =	vst v63  }
0x10b: {  	_ =	swait.ge [sflag:s11], $0x4000  }
0x10c: {  	[sflag:s11] =	ssyncset.done $0x0  }
0x10d: {  	[sflag:s11] =	ssyncadd.s32 $0xFFFFC000  }
0x10e: {  	_ =	swait.ge [sflag:s17], $0x4000  }
0x10f: {  	[sflag:s17] =	ssyncset.done $0x0  }
0x110: {  	s30 =	simm.s32 $0x100;
	[sflag:s17] =	ssyncadd.s32 $0xFFFFC000  }
0x111: {  	[tilespmem:s14], [sflag:$0x1] =	stream.indirect.gather [hbm4b:s8+s13], $0x80, s30, s13, $0xb8;
	[tilespmem:$0x1F000] =	vst v63  }
0x112: {  	s31 =	simm.s32 $0x1480  }
0x113: {  	[spmem:s2] =	stream.indirect.scatter.add.f32 [tilespmem:s16], [sflag:$0x3], $0x80, s31, s13, $0xb8;
	[tilespmem:$0x1F000] =	vst v63  }
0x114: {  	_ =	swait.ge [sflag:s11], $0x4000  }
0x115: {  	s23 =	simm.s32 $0x400;
	[sflag:s11] =	ssyncset.done $0x0  }
.LBB2_14:
0x116: {  	p0 =	sne.s32 s23, $0x4800  }
0x117: {  	[sflag:s11] =	ssyncadd.s32 $0xFFFFC000;
	s24 =	smov.u32 s23;
	s23 =	sadd.s32 $0x400, s23  }
0x118: {  	_ = 	snop  }
0x119: {  	_ =	swait.ge [sflag:s15], $0x4000  }
0x11a: {  	s24 =	sshra.s32 s24, $0x2;
	[sflag:s15] =	ssyncset.done $0x0  }
0x11b: {  	s28 =	sadd.s32 $0x80, s24;
	[sflag:s15] =	ssyncadd.s32 $0xFFFFC000  }
0x11c: {  	[tilespmem:s16], [sflag:$0x2] =	stream.indirect.gather [hbm4b:s8+s13], $0x80, s28, s13, $0xb8;
	[tilespmem:$0x1F000] =	vst v63  }
0x11d: {  	s28 =	sadd.s32 $0x1400, s24  }
0x11e: {  	[spmem:s2] =	stream.indirect.scatter.add.f32 [tilespmem:s14], [sflag:$0x3], $0x80, s28, s13, $0xb8;
	[tilespmem:$0x1F000] =	vst v63  }
0x11f: {  	_ =	swait.ge [sflag:s11], $0x4000  }
0x120: {  	[sflag:s11] =	ssyncset.done $0x0  }
0x121: {  	[sflag:s11] =	ssyncadd.s32 $0xFFFFC000  }
0x122: {  	_ =	swait.ge [sflag:s17], $0x4000  }
0x123: {  	[sflag:s17] =	ssyncset.done $0x0  }
0x124: {  	s28 =	sadd.s32 $0x100, s24;
	[sflag:s17] =	ssyncadd.s32 $0xFFFFC000  }
0x125: {  	[tilespmem:s14], [sflag:$0x1] =	stream.indirect.gather [hbm4b:s8+s13], $0x80, s28, s13, $0xb8;
	[tilespmem:$0x1F000] =	vst v63  }
.Ltmp6:
0x126: {  	_ = 	snop;
	(pc) =	sbr.rel @p0 .LBB2_14-.Ltmp6, $4  }
0x127: {  	s24 =	sadd.s32 $0x1480, s24  }
0x128: {  	[spmem:s2] =	stream.indirect.scatter.add.f32 [tilespmem:s16], [sflag:$0x3], $0x80, s24, s13, $0xb8;
	[tilespmem:$0x1F000] =	vst v63  }
0x129: {  	_ =	swait.ge [sflag:s11], $0x4000  }
0x12a: {  	[sflag:s11] =	ssyncset.done $0x0  }
0x12b: {  	[sflag:s11] =	ssyncadd.s32 $0xFFFFC000  }
0x12c: {  	_ =	swait.ge [sflag:s15], $0x4000  }
0x12d: {  	[sflag:s15] =	ssyncset.done $0x0  }
0x12e: {  	[sflag:s15] =	ssyncadd.s32 $0xFFFFC000  }
0x12f: {  	[tilespmem:s16], [sflag:$0x2] =	stream.indirect.gather [hbm4b:s8+s13], $0x80, s18, s13, $0xb8;
	[tilespmem:$0x1F000] =	vst v63  }
0x130: {  	_ = 	snop  }
0x131: {  	[spmem:s2] =	stream.indirect.scatter.add.f32 [tilespmem:s14], [sflag:$0x3], $0x80, s19, s13, $0xb8;
	[tilespmem:$0x1F000] =	vst v63  }
0x132: {  	_ =	swait.ge [sflag:s11], $0x4000  }
0x133: {  	[sflag:s11] =	ssyncset.done $0x0  }
0x134: {  	[sflag:s11] =	ssyncadd.s32 $0xFFFFC000  }
0x135: {  	_ =	swait.ge [sflag:s17], $0x4000  }
0x136: {  	[sflag:s17] =	ssyncset.done $0x0  }
0x137: {  	[sflag:s17] =	ssyncadd.s32 $0xFFFFC000  }
0x138: {  	[spmem:s2] =	stream.indirect.scatter.add.f32 [tilespmem:s16], [sflag:$0x3], $0x80, s20, s13, $0xb8;
	[tilespmem:$0x1F000] =	vst v63  }
0x139: {  	_ =	swait.ge [sflag:s11], $0x4000  }
0x13a: {  	s3 =	sadd.s32 $0x1, s3;
	[sflag:s11] =	ssyncset.done $0x0  }
0x13b: {  	p0 =	sne.s32 s3, s9;
	[sflag:s11] =	ssyncadd.s32 $0xFFFFC000  }
.Ltmp7:
0x13c: {  	[bflag:$0x0] =	sbarrier.arrive $0xFFFF;
	(pc) =	sbr.rel @p0 .LBB2_1-.Ltmp7, $4  }
0x13d: {  	[hbm:s22], [sflag:s25] =	dma.local [spmem:s26], $0x2800  }
0x13e: {  	_ =	swait.ge [sflag:s11], $0x2800  }
0x13f: {  	[sflag:s11] =	ssyncset.done $0x0  }
0x140: {  	[sflag:s11] =	ssyncadd.s32 $0xFFFFD800  }
0x141: {  	_ =	sfence.sel $0x180000  }
0x142: {  	[bflag:$0x0] =	sbarrier.arrive $0xFFFF  }
0x143: {  	p0 =	sne.s32 s1, $0x0;
	_ =	strace $0x9000004A  }
0x144: {  	s0 =	sadd.s32 @!p0 $0x100000, s0;
	[bflag:$0x2] =	sbarrier.arrive $0xFFFF  }
0x145: {  	[sflag:s0] =	ssyncadd.tile.s32 @!p0 $0x1;
	_ =	shalt  }
.Lfunc_end2:
_tile_overlayer_lowered:
.L_overlay_start_2:
0x146: {  	(tag) =	ssettag $0x2  }
0x147: {  	s0 =	rddreg [dreg:$0x0];
	s2 =	stileid.u32  }
0x148: {  	s1 =	rddreg [dreg:$0x1];
	p0 =	sne.s32 s2, $0x0  }
0x149: {  	s3 =	rddreg [dreg:$0x2];
	[bflag:$0x3] =	sbarrier.arrive $0xFFFF;
	s2 =	simm.s32 @!p0 $0x1C03  }
0x14a: {  	[timem:s3], [sflag:s2] =	dma.local @!p0 [hbm:s0], s1  }
0x14b: {  	s0 =	simm.s32 @!p0 $0x3  }
0x14c: {  	_ =	swait.ge @!p0 [sflag:s0], s1  }
0x14d: {  	s1 =	ssub.s32 @!p0 $0x0, s1;
	[sflag:s0] =	ssyncset.done @!p0 $0x0  }
0x14e: {  	[sflag:s0] =	ssyncadd.s32 @!p0 s1  }
0x14f: {  	[bflag:$0x3] =	sbarrier.arrive $0xFFFF  }
0x150: {  	_ =	shalt  }

// kernel: kernel.20.cloned.1.call-start
scs
__scs_entry_jumppad:
0x0: {  	(pc) =	sbr.rel $0x88, $3  }
0x1: {  	(tag) =	ssettag $0x0;
	lr =	simm.s32 $0x1  }
0x2: {  	[smem:$0x3F8A] =	sst lr;
	_ =	strace $0xD0000000  }
0x3: {  	_ = 	snop  }
0x4: {  	_ = 	snop  }
0x5: {  	_ = 	snop  }
0x6: {  	_ = 	snop  }
0x7: {  	_ = 	snop  }
__scs_overlays_trampoline_lowered:
0x8: {  	[smem:$0x3F99] =	sst s0  }
0x9: {  	[smem:$0x3F9A] =	sst s1  }
0xa: {  	[smem:$0x3F9B] =	sst s2  }
0xb: {  	[smem:$0x3F9C] =	sst s3  }
0xc: {  	[smem:$0x3F9D] =	sst s4  }
0xd: {  	[smem:$0x3F9E] =	sst s5  }
0xe: {  	[smem:$0x3F9F] =	sst s6  }
0xf: {  	[smem:$0x3FA0] =	sst s7  }
0x10: {  	[smem:$0x3FA1] =	sst s8  }
0x11: {  	[smem:$0x3FA2] =	sst s9;
	s0 =	simm.s32 @!p0 $0x0  }
0x12: {  	s1 =	sld [smem:$0x3F88];
	s0 =	simm.s32 @p0 $0x1  }
0x13: {  	[smem:$0x3FA3] =	sst s0;
	s0 =	simm.s32 @!p1 $0x0  }
0x14: {  	s2 =	sld [smem:$0x3F87];
	s0 =	simm.s32 @p1 $0x1  }
0x15: {  	[smem:$0x3FA4] =	sst s0;
	s0 =	simm.s32 @!p2 $0x0  }
0x16: {  	s3 =	sld [smem:$0x3FDB];
	s0 =	simm.s32 @p2 $0x1  }
0x17: {  	s4 =	simm.s32 $0x1BF5;
	[smem:$0x3FA6] =	sst s0  }
0x18: {  	s0 =	sld [smem:$0x3F89];
	_ =	swait.ge [sflag:s4], $0x0  }
0x19: {  	s7 =	sld [smem:$0x3F8A]  }
0x1a: {  	s8 =	sadd.s32 $0xFFFFE003, lr  }
0x1b: {  	s9 =	sadd.s32 $0xFFFFFEF7, lr;
	s5 =	simm.s32 $0xFFFFFFFF;
	p2 =	slt.u32 s8, $0xFFFFF086  }
0x1c: {  	p1 =	slt.u32 s9, $0xF7A;
	s5 =	simm.s32 @!p2 $0x0  }
0x1d: {  	s5 =	simm.s32 @p1 $0x1;
	p0 =	seq.s32 s7, s2  }
0x1e: {  	s7 =	smul.u32 @!p0 $0xF7A, s2;
	p2 =	seq.s32 @!p0 s5, $0x0  }
0x1f: {  	s9 =	smul.u32 $0xF7A, s1;
	s8 =	simm.s32 @!p0 $0x1BF5;
	p2 =	por !p2, p0  }
0x20: {  	[sflag:s8] =	ssyncset.s32 @!p0 $0xFFFFF086;
	s6 =	sadd.s32 @!p0 s3, s7;
	s7 =	simm.s32 @!p0 $0x108  }
0x21: {  	s3 =	sadd.s32 s3, s9;
	s6 =	sadd.s32 @!p0 $0x88, s6;
	s7 =	simm.s32 @p2 $0x1082  }
0x22: {  	[simem:s7], [sflag:s8] =	dma.local @!p0 [hbm:s6], $0xF7A  }
0x23: {  	s9 =	sor.u32 $0xD0000000, s2;
	s6 =	simm.s32 $0x108;
	_ =	swait.ge @!p0 [sflag:s8], $0x0  }
0x24: {  	s3 =	sadd.s32 $0x88, s3;
	s6 =	simm.s32 @!p1 $0x1082;
	[sflag:s4] =	ssyncset.s32 $0xFFFFF086  }
0x25: {  	[simem:s6], [sflag:s4] =	dma.local [hbm:s3], $0xF7A  }
0x26: {  	[smem:$0x3F8A] =	sst s1;
	(tag) =	ssettag s2;
	_ =	strace s9  }
0x27: {  	s1 =	sld [smem:$0x3F9A]  }
0x28: {  	s2 =	sld [smem:$0x3F9B]  }
0x29: {  	s4 =	sld [smem:$0x3F9D]  }
0x2a: {  	p0 =	seq.s32 s5, $0x0;
	s5 =	sld [smem:$0x3F9E]  }
0x2b: {  	s6 =	sld [smem:$0x3F9F]  }
0x2c: {  	s7 =	sld [smem:$0x3FA0]  }
0x2d: {  	s3 =	simm.s32 $0x108;
	s8 =	sld [smem:$0x3FA1]  }
0x2e: {  	s3 =	simm.s32 @!p0 $0x1082;
	s9 =	sld [smem:$0x3FA2]  }
0x2f: {  	lr =	sadd.s32 s0, s3;
	s0 =	sld [smem:$0x3F99]  }
0x30: {  	s3 =	sld [smem:$0x3F9C]  }
0x31: {  	[smem:$0x3FA5] =	sst s10  }
0x32: {  	s10 =	sld [smem:$0x3FA3];
	_ =	sdelay $0x3  }
0x33: {  	p0 =	seq.s32 s10, $0x1;
	s10 =	sld [smem:$0x3FA5];
	_ =	sdelay $0x3  }
0x34: {  	[smem:$0x3FA5] =	sst s10  }
0x35: {  	s10 =	sld [smem:$0x3FA4];
	_ =	sdelay $0x3  }
0x36: {  	p1 =	seq.s32 s10, $0x1;
	s10 =	sld [smem:$0x3FA5];
	_ =	sdelay $0x3  }
0x37: {  	[smem:$0x3FA5] =	sst s10  }
0x38: {  	s10 =	sld [smem:$0x3FA6]  }
0x39: {  	_ = 	snop;
	(pc) =	sbr.ind lr, $3  }
0x3a: {  	_ = 	snop  }
0x3b: {  	_ = 	snop  }
0x3c: {  	p2 =	seq.s32 s10, $0x1;
	s10 =	sld [smem:$0x3FA5]  }
0x3d: {  	_ =	shalt  }
0x3e: {  	_ =	shalt  }
0x3f: {  	_ =	shalt  }
0x40: {  	_ =	shalt  }
0x41: {  	_ =	shalt  }
0x42: {  	_ =	shalt  }
0x43: {  	_ =	shalt  }
0x44: {  	_ =	shalt  }
0x45: {  	_ =	shalt  }
0x46: {  	_ =	shalt  }
0x47: {  	_ =	shalt  }
0x48: {  	_ =	shalt  }
0x49: {  	_ =	shalt  }
0x4a: {  	_ =	shalt  }
0x4b: {  	_ =	shalt  }
0x4c: {  	_ =	shalt  }
0x4d: {  	_ =	shalt  }
0x4e: {  	_ =	shalt  }
0x4f: {  	_ =	shalt  }
0x50: {  	_ =	shalt  }
0x51: {  	_ =	shalt  }
0x52: {  	_ =	shalt  }
0x53: {  	_ =	shalt  }
0x54: {  	_ =	shalt  }
0x55: {  	_ =	shalt  }
0x56: {  	_ =	shalt  }
0x57: {  	_ =	shalt  }
0x58: {  	_ =	shalt  }
0x59: {  	_ =	shalt  }
0x5a: {  	_ =	shalt  }
0x5b: {  	_ =	shalt  }
0x5c: {  	_ =	shalt  }
0x5d: {  	_ =	shalt  }
0x5e: {  	_ =	shalt  }
0x5f: {  	_ =	shalt  }
0x60: {  	_ =	shalt  }
0x61: {  	_ =	shalt  }
0x62: {  	_ =	shalt  }
0x63: {  	_ =	shalt  }
0x64: {  	_ =	shalt  }
0x65: {  	_ =	shalt  }
0x66: {  	_ =	shalt  }
0x67: {  	_ =	shalt  }
0x68: {  	_ =	shalt  }
0x69: {  	_ =	shalt  }
0x6a: {  	_ =	shalt  }
0x6b: {  	_ =	shalt  }
0x6c: {  	_ =	shalt  }
0x6d: {  	_ =	shalt  }
0x6e: {  	_ =	shalt  }
0x6f: {  	_ =	shalt  }
0x70: {  	_ =	shalt  }
0x71: {  	_ =	shalt  }
0x72: {  	_ =	shalt  }
0x73: {  	_ =	shalt  }
0x74: {  	_ =	shalt  }
0x75: {  	_ =	shalt  }
0x76: {  	_ =	shalt  }
0x77: {  	_ =	shalt  }
0x78: {  	_ =	shalt  }
0x79: {  	_ =	shalt  }
0x7a: {  	_ =	shalt  }
0x7b: {  	_ =	shalt  }
0x7c: {  	_ =	shalt  }
0x7d: {  	_ =	shalt  }
0x7e: {  	_ =	shalt  }
0x7f: {  	_ =	shalt  }
0x80: {  	_ =	shalt  }
0x81: {  	_ =	shalt  }
0x82: {  	_ =	shalt  }
0x83: {  	_ =	shalt  }
0x84: {  	_ =	shalt  }
0x85: {  	_ =	shalt  }
0x86: {  	_ =	shalt  }
0x87: {  	_ =	shalt  }
.Lfunc_end0:
.L_simem_size_0:
called_computation.2_lowered:
.L_overlay_start_0:
0x88: {  	s2 =	sld [smem:$0x3FD9]  }
0x89: {  	s3 =	sld [smem:$0x3FFE];
	_ =	sdelay $0x1  }
0x8a: {  	s1 =	srdreg.scid  }
0x8b: {  	s0 =	sand.u32 $0x1, s1  }
0x8c: {  	s16 =	sshll.u32 s0, $0xA;
	s2 =	sadd.s32 s3, s2  }
0x8d: {  	s2 =	sadd.s32 s2, s16  }
0x8e: {  	[smem:$0x3FB1] =	sst s2  }
0x8f: {  	_ = 	snop  }
0x90: {  	(tm) =	ssettm $0x1  }
0x91: {  	s17 =	sld [smem:$0x3FFB];
	_ =	sdelay $0x3  }
0x92: {  	_ =	strace s17  }
0x93: {  	s2 =	sld [smem:$0x3FFC];
	_ =	sdelay $0x3  }
0x94: {  	_ =	strace s2  }
0x95: {  	s2 =	sld [smem:$0x3FFD];
	_ =	sdelay $0x3  }
0x96: {  	_ =	strace s2  }
0x97: {  	_ =	strace $0x8FFFFFFF  }
0x98: {  	s18 =	sld [smem:$0x3FDB];
	_ =	sdelay $0x1  }
0x99: {  	s19 =	simm.s32 $_scs_section_size  }
0x9a: {  	s4 =	simm.s32 $_size__tile_overlayer_lowered;
	s5 =	simm.s32 $_tile_overlayer_lowered  }
0x9b: {  	s22 =	simm.s32 $0x1BFF;
	s21 =	sshll.u32 s5, $0x1;
	s2 =	sadd.s32 s19, s18  }
0x9c: {  	s6 =	simm.s32 $0x0;
	s20 =	sshll.u32 s4, $0x1;
	s4 =	sadd.s32 s21, s2  }
0x9d: {  	[timem:s6], [sflag:s22] =	dma.local [hbm:s4], s20  }
0x9e: {  	_ =	swait.ge [sflag:s22], s20  }
0x9f: {  	s3 =	ssub.s32 $0x0, s20;
	[sflag:s22] =	ssyncset.done $0x0  }
0xa0: {  	[sflag:s22] =	ssyncadd.s32 s3;
	_ =	sdelay $0x1  }
0xa1: {  	s23 =	simm.s32 $0x1B8B  }
0xa2: {  	_ =	swait.ge [sflag:s23], $0x1  }
0xa3: {  	[sflag:s23] =	ssyncset.done $0x0  }
0xa4: {  	s25 =	simm.s32 $0x1B8E;
	s24 =	sld [smem:$0x3FFE];
	[sflag:s23] =	ssyncadd.s32 $0xFFFFFFFF  }
0xa5: {  	s26 =	simm.s32 $execute0_lowered;
	[smem:$0x3FD2] =	sst s25  }
0xa6: {  	s4 =	sshll.u32 s26, $0x1;
	_ =	strace $0x8000004C;
	[dreg:$0x1] =	wrdreg $0xFFFFFFFF  }
0xa7: {  	s28 =	simm.s32 $_size_execute0_lowered;
	s2 =	sadd.s32 s2, s4;
	[dreg:$0x0] =	wrdreg $0x0  }
0xa8: {  	s4 =	sshll.u32 s28, $0x1;
	[dreg:$0x2] =	wrdreg s2  }
0xa9: {  	[dreg:$0x3] =	wrdreg s4  }
0xaa: {  	[dreg:$0x4] =	wrdreg $0xC0  }
0xab: {  	_ =	task [dreg:s6], $0x5FFFF  }
0xac: {  	[dreg:$0x1] =	wrdreg $0xFFFFFFFF  }
0xad: {  	[dreg:$0x0] =	wrdreg $0x60  }
0xae: {  	[dreg:$0x2] =	wrdreg s24  }
0xaf: {  	[dreg:$0x3] =	wrdreg $0xB0000  }
0xb0: {  	[dreg:$0x4] =	wrdreg $0x9  }
0xb1: {  	_ =	task.clear_ibuf [dreg:s6], $0x5FFFF;
	_ =	strace $0x9000004C  }
0xb2: {  	s29 =	simm.s32 $0x9;
	_ =	strace $0x8000004E  }
0xb3: {  	_ =	swait.ge [sflag:s29], $0x1  }
0xb4: {  	[sflag:s29] =	ssyncadd.s32 $0xFFFFFFFF  }
0xb5: {  	_ =	strace $0x9000004E  }
0xb6: {  	_ =	sfence  }
0xb7: {  	s30 =	sld [smem:$0x0];
	_ =	sdelay $0x2  }
0xb8: {  	s31 =	sshll.u32 s1, $0xD;
	s1 =	sshrl.u32 s1, $0x2  }
0xb9: {  	s3 =	sand.u32 $0x4000, s31;
	s1 =	sadd.s32 s1, s30  }
0xba: {  	s0 =	sor.u32 s3, s0;
	s1 =	sshll.u32 s1, $0x11  }
0xbb: {  	s0 =	sor.u32 s1, s0  }
0xbc: {  	s0 =	sadd.s32 $0x8F2B, s0  }
0xbd: {  	[sflag:s0] =	ssyncadd.remote.s32 $0x1  }
0xbe: {  	_ =	sfence.sel $0xFFFF  }
0xbf: {  	[dreg:$0x0] =	wrdreg $0xFFFFFFFF;
	(pc) =	sbr.abs _section_cstart, $3  }
0xc0: {  	[dreg:$0x1] =	wrdreg $0xFFFFFFFF  }
0xc1: {  	_ =	task.clear_ibuf [dreg:s6], $0x2FFFF;
	_ =	strace $0x9FFFFFFF  }
0xc2: {  	(tm) =	ssettm $0x7FFFFFFF  }
0xc3: {  	_ =	shalt  }
tec
execute0_lowered:
.L_overlay_start_1:
0x0: {  	(tag) =	ssettag $0x1  }
0x1: {  	s4 =	rddreg [dreg:$0x0]  }
0x2: {  	s2 =	rddreg [dreg:$0x1]  }
0x3: {  	s0 =	rddreg [dreg:$0x2];
	s3 =	simm.s32 $0x0;
	s1 =	stileid.u32  }
0x4: {  	s6 =	srdreg.scid;
	s13 =	simm.s32 $0x80;
	s14 =	simm.s32 $0x2800  }
0x5: {  	s15 =	simm.s32 $0x1;
	s16 =	simm.s32 $0x6800;
	s17 =	simm.s32 $0x2  }
0x6: {  	s18 =	simm.s32 $0x1380;
	s19 =	simm.s32 $0x2700;
	s5 =	smul.u32 $0x500, s1  }
0x7: {  	s20 =	simm.s32 $0x2780;
	[smem:$0x7FF] =	sst s3;
	s9 =	smul.u32 $0x50000, s1  }
0x8: {  	s8 =	sadd.s32 $0x5E600, s4;
	s6 =	sand.u32 $0x1, s6;
	s22 =	smul.u32 $0x2800, s1  }
0x9: {  	s10 =	sadd.s32 $0xFE600, s4;
	s28 =	ssub.s32 $0x2, s6;
	s11 =	smul.u32 $0x280000, s6  }
0xa: {  	_ =	strace $0x8000004D;
	s31 =	smul.u32 $0x50000, s6;
	s29 =	sshrl.u32 s28, $0x1  }
0xb: {  	s7 =	sadd.s32 s5, s4;
	s30 =	sshrl.u32 s9, $0x2;
	s12 =	ssub.s32 s28, s29  }
0xc: {  	s4 =	sadd.s32 s30, s2;
	s5 =	sadd.s32 $0x59600, s7;
	s11 =	sshrl.u32 s11, $0x3  }
0xd: {  	s6 =	sadd.s32 $0x4600, s7;
	s7 =	sadd.s32 s8, s31;
	s21 =	sadd.s32 s10, s31  }
0xe: {  	s11 =	sadd.s32 $0x28000, s11;
	s9 =	smax.u32 s12, $0x1;
	s12 =	simm.s32 $0x1400  }
0xf: {  	s21 =	sadd.s32 s22, s21;
	s8 =	sadd.s32 s8, s11;
	s23 =	sadd.s32 s10, s11  }
0x10: {  	v0 =	vimm.f32 $0.0e+00;
	s10 =	simm.s32 $0xA800;
	s11 =	simm.s32 $0x3;
	s22 =	sadd.s32 s22, s23  }
.LBB2_1:
0x11: {  	s23 =	simm.s32 $0x0;
	s24 =	simm.s32 $0x200  }
.LBB2_2:
0x12: {  	p0 =	sne.s32 s24, $0x1E00;
	[tilespmem:s23+$0xA870] =	vst v0  }
0x13: {  	[tilespmem:s23+$0xA800] =	vst v0  }
0x14: {  	[tilespmem:s23+$0xA810] =	vst v0  }
.Ltmp0:
0x15: {  	[tilespmem:s23+$0xA820] =	vst v0;
	(pc) =	sbr.rel @p0 .LBB2_2-.Ltmp0, $4  }
0x16: {  	[tilespmem:s23+$0xA830] =	vst v0  }
0x17: {  	[tilespmem:s23+$0xA840] =	vst v0  }
0x18: {  	[tilespmem:s23+$0xA850] =	vst v0  }
0x19: {  	[tilespmem:s23+$0xA860] =	vst v0;
	s23 =	sshra.s32 s24, $0x2;
	s24 =	sadd.s32 $0x200, s24  }
0x1a: {  	[tilespmem:s23+$0xA870] =	vst v0  }
0x1b: {  	[tilespmem:s23+$0xA800] =	vst v0  }
0x1c: {  	[tilespmem:s23+$0xA810] =	vst v0  }
0x1d: {  	[tilespmem:s23+$0xA820] =	vst v0  }
0x1e: {  	[tilespmem:s23+$0xA830] =	vst v0  }
0x1f: {  	[tilespmem:s23+$0xA840] =	vst v0  }
0x20: {  	[tilespmem:s23+$0xA850] =	vst v0  }
0x21: {  	[tilespmem:s23+$0xA860] =	vst v0;
	s31 =	sadd.s32 $0x0, s4  }
0x22: {  	[spmem:s31] =	stream.linear.scatter [tilespmem:s10], [sflag:$0x3], $0x800, $0x38;
	[tilespmem:$0x1F000] =	vst v63  }
0x23: {  	s23 =	simm.s32 $0x2000;
	_ =	swait.ge [sflag:s11], $0x800  }
.LBB2_4:
0x24: {  	s24 =	sshra.s32 s23, $0x2;
	[sflag:s11] =	ssyncset.done $0x0;
	p0 =	sne.s32 s23, $0x4E000  }
.Ltmp1:
0x25: {  	s24 =	sadd.s32 s24, s4;
	[sflag:s11] =	ssyncadd.s32 $0xFFFFF800;
	(pc) =	sbr.rel @p0 .LBB2_4-.Ltmp1, $3  }
0x26: {  	[spmem:s24] =	stream.linear.scatter [tilespmem:s10], [sflag:$0x3], $0x800, $0x38;
	[tilespmem:$0x1F000] =	vst v63  }
0x27: {  	s23 =	sadd.s32 $0x2000, s23;
	_ =	sdelay $0x1  }
0x28: {  	_ =	swait.ge [sflag:s11], $0x800  }
0x29: {  	[sflag:s11] =	ssyncset.done $0x0  }
0x2a: {  	[sflag:s11] =	ssyncadd.s32 $0xFFFFF800  }
0x2b: {  	s23 =	simm.s32 $0x0;
	[bflag:$0x0] =	sbarrier.arrive $0xFFFF  }
0x2c: {  	[tilespmem:s23], [sflag:$0x3] =	stream.linear.gather [hbm4b:s5+s23], $0x1400, $0x38;
	[tilespmem:$0x1F000] =	vst v63  }
0x2d: {  	_ =	swait.ge [sflag:s11], $0x1400  }
0x2e: {  	[sflag:s11] =	ssyncset.done $0x0  }
0x2f: {  	[sflag:s11] =	ssyncadd.s32 $0xFFFFEC00  }
0x30: {  	[tilespmem:s12], [sflag:$0x3] =	stream.linear.gather [hbm4b:s6+s23], $0x1400, $0x38;
	[tilespmem:$0x1F000] =	vst v63  }
0x31: {  	_ =	swait.ge [sflag:s11], $0x1400  }
0x32: {  	[sflag:s11] =	ssyncset.done $0x0  }
0x33: {  	[sflag:s11] =	ssyncadd.s32 $0xFFFFEC00  }
0x34: {  	[tilespmem:s14], [sflag:$0x1] =	stream.indirect.gather [hbm4b:s7+s13], $0x80, s23, s13, $0xb8;
	[tilespmem:$0x1F000] =	vst v63  }
0x35: {  	_ =	swait.ge [sflag:s15], $0x4000  }
0x36: {  	[sflag:s15] =	ssyncset.done $0x0  }
0x37: {  	s28 =	simm.s32 $0x80;
	[sflag:s15] =	ssyncadd.s32 $0xFFFFC000  }
0x38: {  	[tilespmem:s16], [sflag:$0x2] =	stream.indirect.gather [hbm4b:s7+s13], $0x80, s28, s13, $0xb8;
	[tilespmem:$0x1F000] =	vst v63  }
0x39: {  	s29 =	simm.s32 $0x1400  }
0x3a: {  	[spmem:s2] =	stream.indirect.scatter.add.f32 [tilespmem:s14], [sflag:$0x3], $0x80, s29, s13, $0xb8;
	[tilespmem:$0x1F000] =	vst v63  }
0x3b: {  	_ =	swait.ge [sflag:s11], $0x4000  }
0x3c: {  	[sflag:s11] =	ssyncset.done $0x0  }
0x3d: {  	[sflag:s11] =	ssyncadd.s32 $0xFFFFC000  }
0x3e: {  	_ =	swait.ge [sflag:s17], $0x4000  }
0x3f: {  	[sflag:s17] =	ssyncset.done $0x0  }
0x40: {  	s30 =	simm.s32 $0x100;
	[sflag:s17] =	ssyncadd.s32 $0xFFFFC000  }
0x41: {  	[tilespmem:s14], [sflag:$0x1] =	stream.indirect.gather [hbm4b:s7+s13], $0x80, s30, s13, $0xb8;
	[tilespmem:$0x1F000] =	vst v63  }
0x42: {  	s31 =	simm.s32 $0x1480  }
0x43: {  	[spmem:s2] =	stream.indirect.scatter.add.f32 [tilespmem:s16], [sflag:$0x3], $0x80, s31, s13, $0xb8;
	[tilespmem:$0x1F000] =	vst v63  }
0x44: {  	_ =	swait.ge [sflag:s11], $0x4000  }
0x45: {  	s23 =	simm.s32 $0x400;
	[sflag:s11] =	ssyncset.done $0x0  }
.LBB2_6:
0x46: {  	p0 =	sne.s32 s23, $0x4800  }
0x47: {  	[sflag:s11] =	ssyncadd.s32 $0xFFFFC000;
	s24 =	smov.u32 s23;
	s23 =	sadd.s32 $0x400, s23  }
0x48: {  	_ = 	snop  }
0x49: {  	_ =	swait.ge [sflag:s15], $0x4000  }
0x4a: {  	s24 =	sshra.s32 s24, $0x2;
	[sflag:s15] =	ssyncset.done $0x0  }
0x4b: {  	s25 =	sadd.s32 $0x80, s24;
	[sflag:s15] =	ssyncadd.s32 $0xFFFFC000  }
0x4c: {  	[tilespmem:s16], [sflag:$0x2] =	stream.indirect.gather [hbm4b:s7+s13], $0x80, s25, s13, $0xb8;
	[tilespmem:$0x1F000] =	vst v63  }
0x4d: {  	s25 =	sadd.s32 $0x1400, s24  }
0x4e: {  	[spmem:s2] =	stream.indirect.scatter.add.f32 [tilespmem:s14], [sflag:$0x3], $0x80, s25, s13, $0xb8;
	[tilespmem:$0x1F000] =	vst v63  }
0x4f: {  	_ =	swait.ge [sflag:s11], $0x4000  }
0x50: {  	[sflag:s11] =	ssyncset.done $0x0  }
0x51: {  	[sflag:s11] =	ssyncadd.s32 $0xFFFFC000  }
0x52: {  	_ =	swait.ge [sflag:s17], $0x4000  }
0x53: {  	[sflag:s17] =	ssyncset.done $0x0  }
0x54: {  	s25 =	sadd.s32 $0x100, s24;
	[sflag:s17] =	ssyncadd.s32 $0xFFFFC000  }
0x55: {  	[tilespmem:s14], [sflag:$0x1] =	stream.indirect.gather [hbm4b:s7+s13], $0x80, s25, s13, $0xb8;
	[tilespmem:$0x1F000] =	vst v63  }
.Ltmp2:
0x56: {  	_ = 	snop;
	(pc) =	sbr.rel @p0 .LBB2_6-.Ltmp2, $4  }
0x57: {  	s24 =	sadd.s32 $0x1480, s24  }
0x58: {  	[spmem:s2] =	stream.indirect.scatter.add.f32 [tilespmem:s16], [sflag:$0x3], $0x80, s24, s13, $0xb8;
	[tilespmem:$0x1F000] =	vst v63  }
0x59: {  	_ =	swait.ge [sflag:s11], $0x4000  }
0x5a: {  	[sflag:s11] =	ssyncset.done $0x0  }
0x5b: {  	[sflag:s11] =	ssyncadd.s32 $0xFFFFC000  }
0x5c: {  	_ =	swait.ge [sflag:s15], $0x4000  }
0x5d: {  	[sflag:s15] =	ssyncset.done $0x0  }
0x5e: {  	[sflag:s15] =	ssyncadd.s32 $0xFFFFC000  }
0x5f: {  	[tilespmem:s16], [sflag:$0x2] =	stream.indirect.gather [hbm4b:s7+s13], $0x80, s18, s13, $0xb8;
	[tilespmem:$0x1F000] =	vst v63  }
0x60: {  	_ = 	snop  }
0x61: {  	[spmem:s2] =	stream.indirect.scatter.add.f32 [tilespmem:s14], [sflag:$0x3], $0x80, s19, s13, $0xb8;
	[tilespmem:$0x1F000] =	vst v63  }
0x62: {  	_ =	swait.ge [sflag:s11], $0x4000  }
0x63: {  	[sflag:s11] =	ssyncset.done $0x0  }
0x64: {  	[sflag:s11] =	ssyncadd.s32 $0xFFFFC000  }
0x65: {  	_ =	swait.ge [sflag:s17], $0x4000  }
0x66: {  	[sflag:s17] =	ssyncset.done $0x0  }
0x67: {  	[sflag:s17] =	ssyncadd.s32 $0xFFFFC000  }
0x68: {  	[spmem:s2] =	stream.indirect.scatter.add.f32 [tilespmem:s16], [sflag:$0x3], $0x80, s20, s13, $0xb8;
	[tilespmem:$0x1F000] =	vst v63  }
0x69: {  	_ =	swait.ge [sflag:s11], $0x4000  }
0x6a: {  	[sflag:s11] =	ssyncset.done $0x0  }
0x6b: {  	s23 =	sadd.s32 $0x280, s5;
	s25 =	simm.s32 $0x0;
	[sflag:s11] =	ssyncadd.s32 $0xFFFFC000  }
0x6c: {  	[tilespmem:s25], [sflag:$0x3] =	stream.linear.gather [hbm4b:s23+s25], $0x1400, $0x38;
	[tilespmem:$0x1F000] =	vst v63  }
0x6d: {  	_ =	swait.ge [sflag:s11], $0x1400  }
0x6e: {  	[sflag:s11] =	ssyncset.done $0x0  }
0x6f: {  	s24 =	sadd.s32 $0x280, s6;
	[sflag:s11] =	ssyncadd.s32 $0xFFFFEC00  }
0x70: {  	[tilespmem:s12], [sflag:$0x3] =	stream.linear.gather [hbm4b:s24+s25], $0x1400, $0x38;
	[tilespmem:$0x1F000] =	vst v63  }
0x71: {  	_ =	swait.ge [sflag:s11], $0x1400  }
0x72: {  	[sflag:s11] =	ssyncset.done $0x0  }
0x73: {  	[sflag:s11] =	ssyncadd.s32 $0xFFFFEC00  }
0x74: {  	[tilespmem:s14], [sflag:$0x1] =	stream.indirect.gather [hbm4b:s7+s13], $0x80, s25, s13, $0xb8;
	[tilespmem:$0x1F000] =	vst v63  }
0x75: {  	_ =	swait.ge [sflag:s15], $0x4000  }
0x76: {  	[sflag:s15] =	ssyncset.done $0x0  }
0x77: {  	s28 =	simm.s32 $0x80;
	[sflag:s15] =	ssyncadd.s32 $0xFFFFC000  }
0x78: {  	[tilespmem:s16], [sflag:$0x2] =	stream.indirect.gather [hbm4b:s7+s13], $0x80, s28, s13, $0xb8;
	[tilespmem:$0x1F000] =	vst v63  }
0x79: {  	s29 =	simm.s32 $0x1400  }
0x7a: {  	[spmem:s2] =	stream.indirect.scatter.add.f32 [tilespmem:s14], [sflag:$0x3], $0x80, s29, s13, $0xb8;
	[tilespmem:$0x1F000] =	vst v63  }
0x7b: {  	_ =	swait.ge [sflag:s11], $0x4000  }
0x7c: {  	[sflag:s11] =	ssyncset.done $0x0  }
0x7d: {  	[sflag:s11] =	ssyncadd.s32 $0xFFFFC000  }
0x7e: {  	_ =	swait.ge [sflag:s17], $0x4000  }
0x7f: {  	[sflag:s17] =	ssyncset.done $0x0  }
0x80: {  	s30 =	simm.s32 $0x100;
	[sflag:s17] =	ssyncadd.s32 $0xFFFFC000  }
0x81: {  	[tilespmem:s14], [sflag:$0x1] =	stream.indirect.gather [hbm4b:s7+s13], $0x80, s30, s13, $0xb8;
	[tilespmem:$0x1F000] =	vst v63  }
0x82: {  	s31 =	simm.s32 $0x1480  }
0x83: {  	[spmem:s2] =	stream.indirect.scatter.add.f32 [tilespmem:s16], [sflag:$0x3], $0x80, s31, s13, $0xb8;
	[tilespmem:$0x1F000] =	vst v63  }
0x84: {  	_ =	swait.ge [sflag:s11], $0x4000  }
0x85: {  	s25 =	simm.s32 $0x400;
	[sflag:s11] =	ssyncset.done $0x0  }
.LBB2_8:
0x86: {  	p0 =	sne.s32 s25, $0x4800  }
0x87: {  	[sflag:s11] =	ssyncadd.s32 $0xFFFFC000;
	s26 =	smov.u32 s25;
	s25 =	sadd.s32 $0x400, s25  }
0x88: {  	_ = 	snop  }
0x89: {  	_ =	swait.ge [sflag:s15], $0x4000  }
0x8a: {  	s26 =	sshra.s32 s26, $0x2;
	[sflag:s15] =	ssyncset.done $0x0  }
0x8b: {  	s28 =	sadd.s32 $0x80, s26;
	[sflag:s15] =	ssyncadd.s32 $0xFFFFC000  }
0x8c: {  	[tilespmem:s16], [sflag:$0x2] =	stream.indirect.gather [hbm4b:s7+s13], $0x80, s28, s13, $0xb8;
	[tilespmem:$0x1F000] =	vst v63  }
0x8d: {  	s28 =	sadd.s32 $0x1400, s26  }
0x8e: {  	[spmem:s2] =	stream.indirect.scatter.add.f32 [tilespmem:s14], [sflag:$0x3], $0x80, s28, s13, $0xb8;
	[tilespmem:$0x1F000] =	vst v63  }
0x8f: {  	_ =	swait.ge [sflag:s11], $0x4000  }
0x90: {  	[sflag:s11] =	ssyncset.done $0x0  }
0x91: {  	[sflag:s11] =	ssyncadd.s32 $0xFFFFC000  }
0x92: {  	_ =	swait.ge [sflag:s17], $0x4000  }
0x93: {  	[sflag:s17] =	ssyncset.done $0x0  }
0x94: {  	s28 =	sadd.s32 $0x100, s26;
	[sflag:s17] =	ssyncadd.s32 $0xFFFFC000  }
0x95: {  	[tilespmem:s14], [sflag:$0x1] =	stream.indirect.gather [hbm4b:s7+s13], $0x80, s28, s13, $0xb8;
	[tilespmem:$0x1F000] =	vst v63  }
.Ltmp3:
0x96: {  	_ = 	snop;
	(pc) =	sbr.rel @p0 .LBB2_8-.Ltmp3, $4  }
0x97: {  	s26 =	sadd.s32 $0x1480, s26  }
0x98: {  	[spmem:s2] =	stream.indirect.scatter.add.f32 [tilespmem:s16], [sflag:$0x3], $0x80, s26, s13, $0xb8;
	[tilespmem:$0x1F000] =	vst v63  }
0x99: {  	_ =	swait.ge [sflag:s11], $0x4000  }
0x9a: {  	[sflag:s11] =	ssyncset.done $0x0  }
0x9b: {  	[sflag:s11] =	ssyncadd.s32 $0xFFFFC000  }
0x9c: {  	_ =	swait.ge [sflag:s15], $0x4000  }
0x9d: {  	[sflag:s15] =	ssyncset.done $0x0  }
0x9e: {  	[sflag:s15] =	ssyncadd.s32 $0xFFFFC000  }
0x9f: {  	[tilespmem:s16], [sflag:$0x2] =	stream.indirect.gather [hbm4b:s7+s13], $0x80, s18, s13, $0xb8;
	[tilespmem:$0x1F000] =	vst v63  }
0xa0: {  	_ = 	snop  }
0xa1: {  	[spmem:s2] =	stream.indirect.scatter.add.f32 [tilespmem:s14], [sflag:$0x3], $0x80, s19, s13, $0xb8;
	[tilespmem:$0x1F000] =	vst v63  }
0xa2: {  	_ =	swait.ge [sflag:s11], $0x4000  }
0xa3: {  	[sflag:s11] =	ssyncset.done $0x0  }
0xa4: {  	[sflag:s11] =	ssyncadd.s32 $0xFFFFC000  }
0xa5: {  	_ =	swait.ge [sflag:s17], $0x4000  }
0xa6: {  	[sflag:s17] =	ssyncset.done $0x0  }
0xa7: {  	[sflag:s17] =	ssyncadd.s32 $0xFFFFC000  }
0xa8: {  	[spmem:s2] =	stream.indirect.scatter.add.f32 [tilespmem:s16], [sflag:$0x3], $0x80, s20, s13, $0xb8;
	[tilespmem:$0x1F000] =	vst v63  }
0xa9: {  	_ =	swait.ge [sflag:s11], $0x4000  }
0xaa: {  	[sflag:s11] =	ssyncset.done $0x0  }
0xab: {  	s25 =	sshll.u32 s1, $0x6;
	[sflag:s11] =	ssyncadd.s32 $0xFFFFC000  }
0xac: {  	s26 =	sshrl.u32 s4, $0x3;
	s25 =	sor.u32 $0x1C03, s25;
	[bflag:$0x0] =	sbarrier.arrive $0xFFFF  }
0xad: {  	[hbm:s21], [sflag:s25] =	dma.local [spmem:s26], $0x2800  }
0xae: {  	_ =	swait.ge [sflag:s11], $0x2800  }
0xaf: {  	[sflag:s11] =	ssyncset.done $0x0  }
0xb0: {  	[sflag:s11] =	ssyncadd.s32 $0xFFFFD800  }
0xb1: {  	s28 =	sadd.s32 $0x0, s4;
	[bflag:$0x0] =	sbarrier.arrive $0xFFFF  }
0xb2: {  	[spmem:s28] =	stream.linear.scatter [tilespmem:s10], [sflag:$0x3], $0x800, $0x38;
	[tilespmem:$0x1F000] =	vst v63  }
0xb3: {  	s28 =	simm.s32 $0x2000;
	_ =	swait.ge [sflag:s11], $0x800  }
.LBB2_10:
0xb4: {  	s29 =	sshra.s32 s28, $0x2;
	[sflag:s11] =	ssyncset.done $0x0;
	p0 =	sne.s32 s28, $0x4E000  }
.Ltmp4:
0xb5: {  	s29 =	sadd.s32 s29, s4;
	[sflag:s11] =	ssyncadd.s32 $0xFFFFF800;
	(pc) =	sbr.rel @p0 .LBB2_10-.Ltmp4, $3  }
0xb6: {  	[spmem:s29] =	stream.linear.scatter [tilespmem:s10], [sflag:$0x3], $0x800, $0x38;
	[tilespmem:$0x1F000] =	vst v63  }
0xb7: {  	s28 =	sadd.s32 $0x2000, s28;
	_ =	sdelay $0x1  }
0xb8: {  	_ =	swait.ge [sflag:s11], $0x800  }
0xb9: {  	[sflag:s11] =	ssyncset.done $0x0  }
0xba: {  	[sflag:s11] =	ssyncadd.s32 $0xFFFFF800  }
0xbb: {  	s28 =	simm.s32 $0x0;
	[bflag:$0x0] =	sbarrier.arrive $0xFFFF  }
0xbc: {  	[tilespmem:s28], [sflag:$0x3] =	stream.linear.gather [hbm4b:s5+s28], $0x1400, $0x38;
	[tilespmem:$0x1F000] =	vst v63  }
0xbd: {  	_ =	swait.ge [sflag:s11], $0x1400  }
0xbe: {  	[sflag:s11] =	ssyncset.done $0x0  }
0xbf: {  	[sflag:s11] =	ssyncadd.s32 $0xFFFFEC00  }
0xc0: {  	[tilespmem:s12], [sflag:$0x3] =	stream.linear.gather [hbm4b:s6+s28], $0x1400, $0x38;
	[tilespmem:$0x1F000] =	vst v63  }
0xc1: {  	_ =	swait.ge [sflag:s11], $0x1400  }
0xc2: {  	[sflag:s11] =	ssyncset.done $0x0  }
0xc3: {  	[sflag:s11] =	ssyncadd.s32 $0xFFFFEC00  }
0xc4: {  	[tilespmem:s14], [sflag:$0x1] =	stream.indirect.gather [hbm4b:s8+s13], $0x80, s28, s13, $0xb8;
	[tilespmem:$0x1F000] =	vst v63  }
0xc5: {  	_ =	swait.ge [sflag:s15], $0x4000  }
0xc6: {  	[sflag:s15] =	ssyncset.done $0x0  }
0xc7: {  	s28 =	simm.s32 $0x80;
	[sflag:s15] =	ssyncadd.s32 $0xFFFFC000  }
0xc8: {  	[tilespmem:s16], [sflag:$0x2] =	stream.indirect.gather [hbm4b:s8+s13], $0x80, s28, s13, $0xb8;
	[tilespmem:$0x1F000] =	vst v63  }
0xc9: {  	s28 =	simm.s32 $0x1400  }
0xca: {  	[spmem:s2] =	stream.indirect.scatter.add.f32 [tilespmem:s14], [sflag:$0x3], $0x80, s28, s13, $0xb8;
	[tilespmem:$0x1F000] =	vst v63  }
0xcb: {  	_ =	swait.ge [sflag:s11], $0x4000  }
0xcc: {  	[sflag:s11] =	ssyncset.done $0x0  }
0xcd: {  	[sflag:s11] =	ssyncadd.s32 $0xFFFFC000  }
0xce: {  	_ =	swait.ge [sflag:s17], $0x4000  }
0xcf: {  	[sflag:s17] =	ssyncset.done $0x0  }
0xd0: {  	s28 =	simm.s32 $0x100;
	[sflag:s17] =	ssyncadd.s32 $0xFFFFC000  }
0xd1: {  	[tilespmem:s14], [sflag:$0x1] =	stream.indirect.gather [hbm4b:s8+s13], $0x80, s28, s13, $0xb8;
	[tilespmem:$0x1F000] =	vst v63  }
0xd2: {  	s28 =	simm.s32 $0x1480  }
0xd3: {  	[spmem:s2] =	stream.indirect.scatter.add.f32 [tilespmem:s16], [sflag:$0x3], $0x80, s28, s13, $0xb8;
	[tilespmem:$0x1F000] =	vst v63  }
0xd4: {  	_ =	swait.ge [sflag:s11], $0x4000  }
0xd5: {  	s28 =	simm.s32 $0x400;
	[sflag:s11] =	ssyncset.done $0x0  }
.LBB2_12:
0xd6: {  	p0 =	sne.s32 s28, $0x4800  }
0xd7: {  	[sflag:s11] =	ssyncadd.s32 $0xFFFFC000;
	s29 =	smov.u32 s28;
	s28 =	sadd.s32 $0x400, s28  }
0xd8: {  	_ = 	snop  }
0xd9: {  	_ =	swait.ge [sflag:s15], $0x4000  }
0xda: {  	s29 =	sshra.s32 s29, $0x2;
	[sflag:s15] =	ssyncset.done $0x0  }
0xdb: {  	s30 =	sadd.s32 $0x80, s29;
	[sflag:s15] =	ssyncadd.s32 $0xFFFFC000  }
0xdc: {  	[tilespmem:s16], [sflag:$0x2] =	stream.indirect.gather [hbm4b:s8+s13], $0x80, s30, s13, $0xb8;
	[tilespmem:$0x1F000] =	vst v63  }
0xdd: {  	s30 =	sadd.s32 $0x1400, s29  }
0xde: {  	[spmem:s2] =	stream.indirect.scatter.add.f32 [tilespmem:s14], [sflag:$0x3], $0x80, s30, s13, $0xb8;
	[tilespmem:$0x1F000] =	vst v63  }
0xdf: {  	_ =	swait.ge [sflag:s11], $0x4000  }
0xe0: {  	[sflag:s11] =	ssyncset.done $0x0  }
0xe1: {  	[sflag:s11] =	ssyncadd.s32 $0xFFFFC000  }
0xe2: {  	_ =	swait.ge [sflag:s17], $0x4000  }
0xe3: {  	[sflag:s17] =	ssyncset.done $0x0  }
0xe4: {  	s30 =	sadd.s32 $0x100, s29;
	[sflag:s17] =	ssyncadd.s32 $0xFFFFC000  }
0xe5: {  	[tilespmem:s14], [sflag:$0x1] =	stream.indirect.gather [hbm4b:s8+s13], $0x80, s30, s13, $0xb8;
	[tilespmem:$0x1F000] =	vst v63  }
.Ltmp5:
0xe6: {  	_ = 	snop;
	(pc) =	sbr.rel @p0 .LBB2_12-.Ltmp5, $4  }
0xe7: {  	s29 =	sadd.s32 $0x1480, s29  }
0xe8: {  	[spmem:s2] =	stream.indirect.scatter.add.f32 [tilespmem:s16], [sflag:$0x3], $0x80, s29, s13, $0xb8;
	[tilespmem:$0x1F000] =	vst v63  }
0xe9: {  	_ =	swait.ge [sflag:s11], $0x4000  }
0xea: {  	[sflag:s11] =	ssyncset.done $0x0  }
0xeb: {  	[sflag:s11] =	ssyncadd.s32 $0xFFFFC000  }
0xec: {  	_ =	swait.ge [sflag:s15], $0x4000  }
0xed: {  	[sflag:s15] =	ssyncset.done $0x0  }
0xee: {  	[sflag:s15] =	ssyncadd.s32 $0xFFFFC000  }
0xef: {  	[tilespmem:s16], [sflag:$0x2] =	stream.indirect.gather [hbm4b:s8+s13], $0x80, s18, s13, $0xb8;
	[tilespmem:$0x1F000] =	vst v63  }
0xf0: {  	_ = 	snop  }
0xf1: {  	[spmem:s2] =	stream.indirect.scatter.add.f32 [tilespmem:s14], [sflag:$0x3], $0x80, s19, s13, $0xb8;
	[tilespmem:$0x1F000] =	vst v63  }
0xf2: {  	_ =	swait.ge [sflag:s11], $0x4000  }
0xf3: {  	[sflag:s11] =	ssyncset.done $0x0  }
0xf4: {  	[sflag:s11] =	ssyncadd.s32 $0xFFFFC000  }
0xf5: {  	_ =	swait.ge [sflag:s17], $0x4000  }
0xf6: {  	[sflag:s17] =	ssyncset.done $0x0  }
0xf7: {  	[sflag:s17] =	ssyncadd.s32 $0xFFFFC000  }
0xf8: {  	[spmem:s2] =	stream.indirect.scatter.add.f32 [tilespmem:s16], [sflag:$0x3], $0x80, s20, s13, $0xb8;
	[tilespmem:$0x1F000] =	vst v63  }
0xf9: {  	_ =	swait.ge [sflag:s11], $0x4000  }
0xfa: {  	[sflag:s11] =	ssyncset.done $0x0  }
0xfb: {  	s28 =	simm.s32 $0x0;
	[sflag:s11] =	ssyncadd.s32 $0xFFFFC000  }
0xfc: {  	[tilespmem:s28], [sflag:$0x3] =	stream.linear.gather [hbm4b:s23+s28], $0x1400, $0x38;
	[tilespmem:$0x1F000] =	vst v63  }
0xfd: {  	_ =	swait.ge [sflag:s11], $0x1400  }
0xfe: {  	[sflag:s11] =	ssyncset.done $0x0  }
0xff: {  	[sflag:s11] =	ssyncadd.s32 $0xFFFFEC00  }
0x100: {  	[tilespmem:s12], [sflag:$0x3] =	stream.linear.gather [hbm4b:s24+s28], $0x1400, $0x38;
	[tilespmem:$0x1F000] =	vst v63  }
0x101: {  	_ =	swait.ge [sflag:s11], $0x1400  }
0x102: {  	[sflag:s11] =	ssyncset.done $0x0  }
0x103: {  	[sflag:s11] =	ssyncadd.s32 $0xFFFFEC00  }
0x104: {  	[tilespmem:s14], [sflag:$0x1] =	stream.indirect.gather [hbm4b:s8+s13], $0x80, s28, s13, $0xb8;
	[tilespmem:$0x1F000] =	vst v63  }
0x105: {  	_ =	swait.ge [sflag:s15], $0x4000  }
0x106: {  	[sflag:s15] =	ssyncset.done $0x0  }
0x107: {  	s28 =	simm.s32 $0x80;
	[sflag:s15] =	ssyncadd.s32 $0xFFFFC000  }
0x108: {  	[tilespmem:s16], [sflag:$0x2] =	stream.indirect.gather [hbm4b:s8+s13], $0x80, s28, s13, $0xb8;
	[tilespmem:$0x1F000] =	vst v63  }
0x109: {  	s29 =	simm.s32 $0x1400  }
0x10a: {  	[spmem:s2] =	stream.indirect.scatter.add.f32 [tilespmem:s14], [sflag:$0x3], $0x80, s29, s13, $0xb8;
	[tilespmem:$0x1F000] =	vst v63  }
0x10b: {  	_ =	swait.ge [sflag:s11], $0x4000  }
0x10c: {  	[sflag:s11] =	ssyncset.done $0x0  }
0x10d: {  	[sflag:s11] =	ssyncadd.s32 $0xFFFFC000  }
0x10e: {  	_ =	swait.ge [sflag:s17], $0x4000  }
0x10f: {  	[sflag:s17] =	ssyncset.done $0x0  }
0x110: {  	s30 =	simm.s32 $0x100;
	[sflag:s17] =	ssyncadd.s32 $0xFFFFC000  }
0x111: {  	[tilespmem:s14], [sflag:$0x1] =	stream.indirect.gather [hbm4b:s8+s13], $0x80, s30, s13, $0xb8;
	[tilespmem:$0x1F000] =	vst v63  }
0x112: {  	s31 =	simm.s32 $0x1480  }
0x113: {  	[spmem:s2] =	stream.indirect.scatter.add.f32 [tilespmem:s16], [sflag:$0x3], $0x80, s31, s13, $0xb8;
	[tilespmem:$0x1F000] =	vst v63  }
0x114: {  	_ =	swait.ge [sflag:s11], $0x4000  }
0x115: {  	s23 =	simm.s32 $0x400;
	[sflag:s11] =	ssyncset.done $0x0  }
.LBB2_14:
0x116: {  	p0 =	sne.s32 s23, $0x4800  }
0x117: {  	[sflag:s11] =	ssyncadd.s32 $0xFFFFC000;
	s24 =	smov.u32 s23;
	s23 =	sadd.s32 $0x400, s23  }
0x118: {  	_ = 	snop  }
0x119: {  	_ =	swait.ge [sflag:s15], $0x4000  }
0x11a: {  	s24 =	sshra.s32 s24, $0x2;
	[sflag:s15] =	ssyncset.done $0x0  }
0x11b: {  	s28 =	sadd.s32 $0x80, s24;
	[sflag:s15] =	ssyncadd.s32 $0xFFFFC000  }
0x11c: {  	[tilespmem:s16], [sflag:$0x2] =	stream.indirect.gather [hbm4b:s8+s13], $0x80, s28, s13, $0xb8;
	[tilespmem:$0x1F000] =	vst v63  }
0x11d: {  	s28 =	sadd.s32 $0x1400, s24  }
0x11e: {  	[spmem:s2] =	stream.indirect.scatter.add.f32 [tilespmem:s14], [sflag:$0x3], $0x80, s28, s13, $0xb8;
	[tilespmem:$0x1F000] =	vst v63  }
0x11f: {  	_ =	swait.ge [sflag:s11], $0x4000  }
0x120: {  	[sflag:s11] =	ssyncset.done $0x0  }
0x121: {  	[sflag:s11] =	ssyncadd.s32 $0xFFFFC000  }
0x122: {  	_ =	swait.ge [sflag:s17], $0x4000  }
0x123: {  	[sflag:s17] =	ssyncset.done $0x0  }
0x124: {  	s28 =	sadd.s32 $0x100, s24;
	[sflag:s17] =	ssyncadd.s32 $0xFFFFC000  }
0x125: {  	[tilespmem:s14], [sflag:$0x1] =	stream.indirect.gather [hbm4b:s8+s13], $0x80, s28, s13, $0xb8;
	[tilespmem:$0x1F000] =	vst v63  }
.Ltmp6:
0x126: {  	_ = 	snop;
	(pc) =	sbr.rel @p0 .LBB2_14-.Ltmp6, $4  }
0x127: {  	s24 =	sadd.s32 $0x1480, s24  }
0x128: {  	[spmem:s2] =	stream.indirect.scatter.add.f32 [tilespmem:s16], [sflag:$0x3], $0x80, s24, s13, $0xb8;
	[tilespmem:$0x1F000] =	vst v63  }
0x129: {  	_ =	swait.ge [sflag:s11], $0x4000  }
0x12a: {  	[sflag:s11] =	ssyncset.done $0x0  }
0x12b: {  	[sflag:s11] =	ssyncadd.s32 $0xFFFFC000  }
0x12c: {  	_ =	swait.ge [sflag:s15], $0x4000  }
0x12d: {  	[sflag:s15] =	ssyncset.done $0x0  }
0x12e: {  	[sflag:s15] =	ssyncadd.s32 $0xFFFFC000  }
0x12f: {  	[tilespmem:s16], [sflag:$0x2] =	stream.indirect.gather [hbm4b:s8+s13], $0x80, s18, s13, $0xb8;
	[tilespmem:$0x1F000] =	vst v63  }
0x130: {  	_ = 	snop  }
0x131: {  	[spmem:s2] =	stream.indirect.scatter.add.f32 [tilespmem:s14], [sflag:$0x3], $0x80, s19, s13, $0xb8;
	[tilespmem:$0x1F000] =	vst v63  }
0x132: {  	_ =	swait.ge [sflag:s11], $0x4000  }
0x133: {  	[sflag:s11] =	ssyncset.done $0x0  }
0x134: {  	[sflag:s11] =	ssyncadd.s32 $0xFFFFC000  }
0x135: {  	_ =	swait.ge [sflag:s17], $0x4000  }
0x136: {  	[sflag:s17] =	ssyncset.done $0x0  }
0x137: {  	[sflag:s17] =	ssyncadd.s32 $0xFFFFC000  }
0x138: {  	[spmem:s2] =	stream.indirect.scatter.add.f32 [tilespmem:s16], [sflag:$0x3], $0x80, s20, s13, $0xb8;
	[tilespmem:$0x1F000] =	vst v63  }
0x139: {  	_ =	swait.ge [sflag:s11], $0x4000  }
0x13a: {  	s3 =	sadd.s32 $0x1, s3;
	[sflag:s11] =	ssyncset.done $0x0  }
0x13b: {  	p0 =	sne.s32 s3, s9;
	[sflag:s11] =	ssyncadd.s32 $0xFFFFC000  }
.Ltmp7:
0x13c: {  	[bflag:$0x0] =	sbarrier.arrive $0xFFFF;
	(pc) =	sbr.rel @p0 .LBB2_1-.Ltmp7, $4  }
0x13d: {  	[hbm:s22], [sflag:s25] =	dma.local [spmem:s26], $0x2800  }
0x13e: {  	_ =	swait.ge [sflag:s11], $0x2800  }
0x13f: {  	[sflag:s11] =	ssyncset.done $0x0  }
0x140: {  	[sflag:s11] =	ssyncadd.s32 $0xFFFFD800  }
0x141: {  	_ =	sfence.sel $0x180000  }
0x142: {  	[bflag:$0x0] =	sbarrier.arrive $0xFFFF  }
0x143: {  	p0 =	sne.s32 s1, $0x0;
	_ =	strace $0x9000004D  }
0x144: {  	s0 =	sadd.s32 @!p0 $0x100000, s0;
	[bflag:$0x2] =	sbarrier.arrive $0xFFFF  }
0x145: {  	[sflag:s0] =	ssyncadd.tile.s32 @!p0 $0x1;
	_ =	shalt  }
.Lfunc_end2:
_tile_overlayer_lowered:
.L_overlay_start_2:
0x146: {  	(tag) =	ssettag $0x2  }
0x147: {  	s0 =	rddreg [dreg:$0x0];
	s2 =	stileid.u32  }
0x148: {  	s1 =	rddreg [dreg:$0x1];
	p0 =	sne.s32 s2, $0x0  }
0x149: {  	s3 =	rddreg [dreg:$0x2];
	[bflag:$0x3] =	sbarrier.arrive $0xFFFF;
	s2 =	simm.s32 @!p0 $0x1C03  }
0x14a: {  	[timem:s3], [sflag:s2] =	dma.local @!p0 [hbm:s0], s1  }
0x14b: {  	s0 =	simm.s32 @!p0 $0x3  }
0x14c: {  	_ =	swait.ge @!p0 [sflag:s0], s1  }
0x14d: {  	s1 =	ssub.s32 @!p0 $0x0, s1;
	[sflag:s0] =	ssyncset.done @!p0 $0x0  }
0x14e: {  	[sflag:s0] =	ssyncadd.s32 @!p0 s1  }
0x14f: {  	[bflag:$0x3] =	sbarrier.arrive $0xFFFF  }
0x150: {  	_ =	shalt  }

// kernel: kernel.23.cloned.1.call-start
scs
__scs_entry_jumppad:
0x0: {  	(pc) =	sbr.rel $0x88, $3  }
0x1: {  	(tag) =	ssettag $0x0;
	lr =	simm.s32 $0x1  }
0x2: {  	[smem:$0x3F8A] =	sst lr;
	_ =	strace $0xD0000000  }
0x3: {  	_ = 	snop  }
0x4: {  	_ = 	snop  }
0x5: {  	_ = 	snop  }
0x6: {  	_ = 	snop  }
0x7: {  	_ = 	snop  }
__scs_overlays_trampoline_lowered:
0x8: {  	[smem:$0x3F99] =	sst s0  }
0x9: {  	[smem:$0x3F9A] =	sst s1  }
0xa: {  	[smem:$0x3F9B] =	sst s2  }
0xb: {  	[smem:$0x3F9C] =	sst s3  }
0xc: {  	[smem:$0x3F9D] =	sst s4  }
0xd: {  	[smem:$0x3F9E] =	sst s5  }
0xe: {  	[smem:$0x3F9F] =	sst s6  }
0xf: {  	[smem:$0x3FA0] =	sst s7  }
0x10: {  	[smem:$0x3FA1] =	sst s8  }
0x11: {  	[smem:$0x3FA2] =	sst s9;
	s0 =	simm.s32 @!p0 $0x0  }
0x12: {  	s1 =	sld [smem:$0x3F88];
	s0 =	simm.s32 @p0 $0x1  }
0x13: {  	[smem:$0x3FA3] =	sst s0;
	s0 =	simm.s32 @!p1 $0x0  }
0x14: {  	s2 =	sld [smem:$0x3F87];
	s0 =	simm.s32 @p1 $0x1  }
0x15: {  	[smem:$0x3FA4] =	sst s0;
	s0 =	simm.s32 @!p2 $0x0  }
0x16: {  	s3 =	sld [smem:$0x3FDB];
	s0 =	simm.s32 @p2 $0x1  }
0x17: {  	s4 =	simm.s32 $0x1BF5;
	[smem:$0x3FA6] =	sst s0  }
0x18: {  	s0 =	sld [smem:$0x3F89];
	_ =	swait.ge [sflag:s4], $0x0  }
0x19: {  	s7 =	sld [smem:$0x3F8A]  }
0x1a: {  	s8 =	sadd.s32 $0xFFFFE003, lr  }
0x1b: {  	s9 =	sadd.s32 $0xFFFFFEF7, lr;
	s5 =	simm.s32 $0xFFFFFFFF;
	p2 =	slt.u32 s8, $0xFFFFF086  }
0x1c: {  	p1 =	slt.u32 s9, $0xF7A;
	s5 =	simm.s32 @!p2 $0x0  }
0x1d: {  	s5 =	simm.s32 @p1 $0x1;
	p0 =	seq.s32 s7, s2  }
0x1e: {  	s7 =	smul.u32 @!p0 $0xF7A, s2;
	p2 =	seq.s32 @!p0 s5, $0x0  }
0x1f: {  	s9 =	smul.u32 $0xF7A, s1;
	s8 =	simm.s32 @!p0 $0x1BF5;
	p2 =	por !p2, p0  }
0x20: {  	[sflag:s8] =	ssyncset.s32 @!p0 $0xFFFFF086;
	s6 =	sadd.s32 @!p0 s3, s7;
	s7 =	simm.s32 @!p0 $0x108  }
0x21: {  	s3 =	sadd.s32 s3, s9;
	s6 =	sadd.s32 @!p0 $0x88, s6;
	s7 =	simm.s32 @p2 $0x1082  }
0x22: {  	[simem:s7], [sflag:s8] =	dma.local @!p0 [hbm:s6], $0xF7A  }
0x23: {  	s9 =	sor.u32 $0xD0000000, s2;
	s6 =	simm.s32 $0x108;
	_ =	swait.ge @!p0 [sflag:s8], $0x0  }
0x24: {  	s3 =	sadd.s32 $0x88, s3;
	s6 =	simm.s32 @!p1 $0x1082;
	[sflag:s4] =	ssyncset.s32 $0xFFFFF086  }
0x25: {  	[simem:s6], [sflag:s4] =	dma.local [hbm:s3], $0xF7A  }
0x26: {  	[smem:$0x3F8A] =	sst s1;
	(tag) =	ssettag s2;
	_ =	strace s9  }
0x27: {  	s1 =	sld [smem:$0x3F9A]  }
0x28: {  	s2 =	sld [smem:$0x3F9B]  }
0x29: {  	s4 =	sld [smem:$0x3F9D]  }
0x2a: {  	p0 =	seq.s32 s5, $0x0;
	s5 =	sld [smem:$0x3F9E]  }
0x2b: {  	s6 =	sld [smem:$0x3F9F]  }
0x2c: {  	s7 =	sld [smem:$0x3FA0]  }
0x2d: {  	s3 =	simm.s32 $0x108;
	s8 =	sld [smem:$0x3FA1]  }
0x2e: {  	s3 =	simm.s32 @!p0 $0x1082;
	s9 =	sld [smem:$0x3FA2]  }
0x2f: {  	lr =	sadd.s32 s0, s3;
	s0 =	sld [smem:$0x3F99]  }
0x30: {  	s3 =	sld [smem:$0x3F9C]  }
0x31: {  	[smem:$0x3FA5] =	sst s10  }
0x32: {  	s10 =	sld [smem:$0x3FA3];
	_ =	sdelay $0x3  }
0x33: {  	p0 =	seq.s32 s10, $0x1;
	s10 =	sld [smem:$0x3FA5];
	_ =	sdelay $0x3  }
0x34: {  	[smem:$0x3FA5] =	sst s10  }
0x35: {  	s10 =	sld [smem:$0x3FA4];
	_ =	sdelay $0x3  }
0x36: {  	p1 =	seq.s32 s10, $0x1;
	s10 =	sld [smem:$0x3FA5];
	_ =	sdelay $0x3  }
0x37: {  	[smem:$0x3FA5] =	sst s10  }
0x38: {  	s10 =	sld [smem:$0x3FA6]  }
0x39: {  	_ = 	snop;
	(pc) =	sbr.ind lr, $3  }
0x3a: {  	_ = 	snop  }
0x3b: {  	_ = 	snop  }
0x3c: {  	p2 =	seq.s32 s10, $0x1;
	s10 =	sld [smem:$0x3FA5]  }
0x3d: {  	_ =	shalt  }
0x3e: {  	_ =	shalt  }
0x3f: {  	_ =	shalt  }
0x40: {  	_ =	shalt  }
0x41: {  	_ =	shalt  }
0x42: {  	_ =	shalt  }
0x43: {  	_ =	shalt  }
0x44: {  	_ =	shalt  }
0x45: {  	_ =	shalt  }
0x46: {  	_ =	shalt  }
0x47: {  	_ =	shalt  }
0x48: {  	_ =	shalt  }
0x49: {  	_ =	shalt  }
0x4a: {  	_ =	shalt  }
0x4b: {  	_ =	shalt  }
0x4c: {  	_ =	shalt  }
0x4d: {  	_ =	shalt  }
0x4e: {  	_ =	shalt  }
0x4f: {  	_ =	shalt  }
0x50: {  	_ =	shalt  }
0x51: {  	_ =	shalt  }
0x52: {  	_ =	shalt  }
0x53: {  	_ =	shalt  }
0x54: {  	_ =	shalt  }
0x55: {  	_ =	shalt  }
0x56: {  	_ =	shalt  }
0x57: {  	_ =	shalt  }
0x58: {  	_ =	shalt  }
0x59: {  	_ =	shalt  }
0x5a: {  	_ =	shalt  }
0x5b: {  	_ =	shalt  }
0x5c: {  	_ =	shalt  }
0x5d: {  	_ =	shalt  }
0x5e: {  	_ =	shalt  }
0x5f: {  	_ =	shalt  }
0x60: {  	_ =	shalt  }
0x61: {  	_ =	shalt  }
0x62: {  	_ =	shalt  }
0x63: {  	_ =	shalt  }
0x64: {  	_ =	shalt  }
0x65: {  	_ =	shalt  }
0x66: {  	_ =	shalt  }
0x67: {  	_ =	shalt  }
0x68: {  	_ =	shalt  }
0x69: {  	_ =	shalt  }
0x6a: {  	_ =	shalt  }
0x6b: {  	_ =	shalt  }
0x6c: {  	_ =	shalt  }
0x6d: {  	_ =	shalt  }
0x6e: {  	_ =	shalt  }
0x6f: {  	_ =	shalt  }
0x70: {  	_ =	shalt  }
0x71: {  	_ =	shalt  }
0x72: {  	_ =	shalt  }
0x73: {  	_ =	shalt  }
0x74: {  	_ =	shalt  }
0x75: {  	_ =	shalt  }
0x76: {  	_ =	shalt  }
0x77: {  	_ =	shalt  }
0x78: {  	_ =	shalt  }
0x79: {  	_ =	shalt  }
0x7a: {  	_ =	shalt  }
0x7b: {  	_ =	shalt  }
0x7c: {  	_ =	shalt  }
0x7d: {  	_ =	shalt  }
0x7e: {  	_ =	shalt  }
0x7f: {  	_ =	shalt  }
0x80: {  	_ =	shalt  }
0x81: {  	_ =	shalt  }
0x82: {  	_ =	shalt  }
0x83: {  	_ =	shalt  }
0x84: {  	_ =	shalt  }
0x85: {  	_ =	shalt  }
0x86: {  	_ =	shalt  }
0x87: {  	_ =	shalt  }
.Lfunc_end0:
.L_simem_size_0:
called_computation.3_lowered:
.L_overlay_start_0:
0x88: {  	s2 =	sld [smem:$0x3FD9]  }
0x89: {  	s3 =	sld [smem:$0x3FFE];
	_ =	sdelay $0x1  }
0x8a: {  	s1 =	srdreg.scid  }
0x8b: {  	s0 =	sand.u32 $0x1, s1  }
0x8c: {  	s16 =	sshll.u32 s0, $0xA;
	s2 =	sadd.s32 s3, s2  }
0x8d: {  	s2 =	sadd.s32 s2, s16  }
0x8e: {  	[smem:$0x3FB1] =	sst s2  }
0x8f: {  	_ = 	snop  }
0x90: {  	(tm) =	ssettm $0x1  }
0x91: {  	s17 =	sld [smem:$0x3FFB];
	_ =	sdelay $0x3  }
0x92: {  	_ =	strace s17  }
0x93: {  	s2 =	sld [smem:$0x3FFC];
	_ =	sdelay $0x3  }
0x94: {  	_ =	strace s2  }
0x95: {  	s2 =	sld [smem:$0x3FFD];
	_ =	sdelay $0x3  }
0x96: {  	_ =	strace s2  }
0x97: {  	_ =	strace $0x8FFFFFFF  }
0x98: {  	s18 =	sld [smem:$0x3FDB];
	_ =	sdelay $0x1  }
0x99: {  	s19 =	simm.s32 $_scs_section_size  }
0x9a: {  	s4 =	simm.s32 $_size__tile_overlayer_lowered;
	s5 =	simm.s32 $_tile_overlayer_lowered  }
0x9b: {  	s22 =	simm.s32 $0x1BFF;
	s21 =	sshll.u32 s5, $0x1;
	s2 =	sadd.s32 s19, s18  }
0x9c: {  	s6 =	simm.s32 $0x0;
	s20 =	sshll.u32 s4, $0x1;
	s4 =	sadd.s32 s21, s2  }
0x9d: {  	[timem:s6], [sflag:s22] =	dma.local [hbm:s4], s20  }
0x9e: {  	_ =	swait.ge [sflag:s22], s20  }
0x9f: {  	s3 =	ssub.s32 $0x0, s20;
	[sflag:s22] =	ssyncset.done $0x0  }
0xa0: {  	[sflag:s22] =	ssyncadd.s32 s3;
	_ =	sdelay $0x1  }
0xa1: {  	s23 =	simm.s32 $0x1B8B  }
0xa2: {  	_ =	swait.ge [sflag:s23], $0x1  }
0xa3: {  	[sflag:s23] =	ssyncset.done $0x0  }
0xa4: {  	s25 =	simm.s32 $0x1B8E;
	s24 =	sld [smem:$0x3FFE];
	[sflag:s23] =	ssyncadd.s32 $0xFFFFFFFF  }
0xa5: {  	s26 =	simm.s32 $execute0_lowered;
	[smem:$0x3FD2] =	sst s25  }
0xa6: {  	s4 =	sshll.u32 s26, $0x1;
	_ =	strace $0x8000004F;
	[dreg:$0x1] =	wrdreg $0xFFFFFFFF  }
0xa7: {  	s28 =	simm.s32 $_size_execute0_lowered;
	s2 =	sadd.s32 s2, s4;
	[dreg:$0x0] =	wrdreg $0x0  }
0xa8: {  	s4 =	sshll.u32 s28, $0x1;
	[dreg:$0x2] =	wrdreg s2  }
0xa9: {  	[dreg:$0x3] =	wrdreg s4  }
0xaa: {  	[dreg:$0x4] =	wrdreg $0xC0  }
0xab: {  	_ =	task [dreg:s6], $0x5FFFF  }
0xac: {  	[dreg:$0x1] =	wrdreg $0xFFFFFFFF  }
0xad: {  	[dreg:$0x0] =	wrdreg $0x60  }
0xae: {  	[dreg:$0x2] =	wrdreg s24  }
0xaf: {  	[dreg:$0x3] =	wrdreg $0xB0000  }
0xb0: {  	[dreg:$0x4] =	wrdreg $0x9  }
0xb1: {  	_ =	task.clear_ibuf [dreg:s6], $0x5FFFF;
	_ =	strace $0x9000004F  }
0xb2: {  	s29 =	simm.s32 $0x9;
	_ =	strace $0x80000051  }
0xb3: {  	_ =	swait.ge [sflag:s29], $0x1  }
0xb4: {  	[sflag:s29] =	ssyncadd.s32 $0xFFFFFFFF  }
0xb5: {  	_ =	strace $0x90000051  }
0xb6: {  	_ =	sfence  }
0xb7: {  	s30 =	sld [smem:$0x0];
	_ =	sdelay $0x2  }
0xb8: {  	s31 =	sshll.u32 s1, $0xD;
	s1 =	sshrl.u32 s1, $0x2  }
0xb9: {  	s3 =	sand.u32 $0x4000, s31;
	s1 =	sadd.s32 s1, s30  }
0xba: {  	s0 =	sor.u32 s3, s0;
	s1 =	sshll.u32 s1, $0x11  }
0xbb: {  	s0 =	sor.u32 s1, s0  }
0xbc: {  	s0 =	sadd.s32 $0x8F2B, s0  }
0xbd: {  	[sflag:s0] =	ssyncadd.remote.s32 $0x1  }
0xbe: {  	_ =	sfence.sel $0xFFFF  }
0xbf: {  	[dreg:$0x0] =	wrdreg $0xFFFFFFFF;
	(pc) =	sbr.abs _section_cstart, $3  }
0xc0: {  	[dreg:$0x1] =	wrdreg $0xFFFFFFFF  }
0xc1: {  	_ =	task.clear_ibuf [dreg:s6], $0x2FFFF;
	_ =	strace $0x9FFFFFFF  }
0xc2: {  	(tm) =	ssettm $0x7FFFFFFF  }
0xc3: {  	_ =	shalt  }
tec
execute0_lowered:
.L_overlay_start_1:
0x0: {  	(tag) =	ssettag $0x1  }
0x1: {  	s4 =	rddreg [dreg:$0x0]  }
0x2: {  	s2 =	rddreg [dreg:$0x1]  }
0x3: {  	s0 =	rddreg [dreg:$0x2];
	s3 =	simm.s32 $0x0;
	s1 =	stileid.u32  }
0x4: {  	s6 =	srdreg.scid;
	s13 =	simm.s32 $0x80;
	s14 =	simm.s32 $0x2800  }
0x5: {  	s15 =	simm.s32 $0x1;
	s16 =	simm.s32 $0x6800;
	s17 =	simm.s32 $0x2  }
0x6: {  	s18 =	simm.s32 $0x1380;
	s19 =	simm.s32 $0x2700;
	s5 =	smul.u32 $0x500, s1  }
0x7: {  	s20 =	simm.s32 $0x2780;
	[smem:$0x7FF] =	sst s3;
	s9 =	smul.u32 $0x50000, s1  }
0x8: {  	s8 =	sadd.s32 $0x5E600, s4;
	s6 =	sand.u32 $0x1, s6;
	s22 =	smul.u32 $0x2800, s1  }
0x9: {  	s10 =	sadd.s32 $0xFE600, s4;
	s28 =	ssub.s32 $0x2, s6;
	s11 =	smul.u32 $0x280000, s6  }
0xa: {  	_ =	strace $0x80000050;
	s31 =	smul.u32 $0x50000, s6;
	s29 =	sshrl.u32 s28, $0x1  }
0xb: {  	s7 =	sadd.s32 s5, s4;
	s30 =	sshrl.u32 s9, $0x2;
	s12 =	ssub.s32 s28, s29  }
0xc: {  	s4 =	sadd.s32 s30, s2;
	s5 =	sadd.s32 $0x59600, s7;
	s11 =	sshrl.u32 s11, $0x3  }
0xd: {  	s6 =	sadd.s32 $0x4600, s7;
	s7 =	sadd.s32 s8, s31;
	s21 =	sadd.s32 s10, s31  }
0xe: {  	s11 =	sadd.s32 $0x28000, s11;
	s9 =	smax.u32 s12, $0x1;
	s12 =	simm.s32 $0x1400  }
0xf: {  	s21 =	sadd.s32 s22, s21;
	s8 =	sadd.s32 s8, s11;
	s23 =	sadd.s32 s10, s11  }
0x10: {  	v0 =	vimm.f32 $0.0e+00;
	s10 =	simm.s32 $0xA800;
	s11 =	simm.s32 $0x3;
	s22 =	sadd.s32 s22, s23  }
.LBB2_1:
0x11: {  	s23 =	simm.s32 $0x0;
	s24 =	simm.s32 $0x200  }
.LBB2_2:
0x12: {  	p0 =	sne.s32 s24, $0x1E00;
	[tilespmem:s23+$0xA870] =	vst v0  }
0x13: {  	[tilespmem:s23+$0xA800] =	vst v0  }
0x14: {  	[tilespmem:s23+$0xA810] =	vst v0  }
.Ltmp0:
0x15: {  	[tilespmem:s23+$0xA820] =	vst v0;
	(pc) =	sbr.rel @p0 .LBB2_2-.Ltmp0, $4  }
0x16: {  	[tilespmem:s23+$0xA830] =	vst v0  }
0x17: {  	[tilespmem:s23+$0xA840] =	vst v0  }
0x18: {  	[tilespmem:s23+$0xA850] =	vst v0  }
0x19: {  	[tilespmem:s23+$0xA860] =	vst v0;
	s23 =	sshra.s32 s24, $0x2;
	s24 =	sadd.s32 $0x200, s24  }
0x1a: {  	[tilespmem:s23+$0xA870] =	vst v0  }
0x1b: {  	[tilespmem:s23+$0xA800] =	vst v0  }
0x1c: {  	[tilespmem:s23+$0xA810] =	vst v0  }
0x1d: {  	[tilespmem:s23+$0xA820] =	vst v0  }
0x1e: {  	[tilespmem:s23+$0xA830] =	vst v0  }
0x1f: {  	[tilespmem:s23+$0xA840] =	vst v0  }
0x20: {  	[tilespmem:s23+$0xA850] =	vst v0  }
0x21: {  	[tilespmem:s23+$0xA860] =	vst v0;
	s31 =	sadd.s32 $0x0, s4  }
0x22: {  	[spmem:s31] =	stream.linear.scatter [tilespmem:s10], [sflag:$0x3], $0x800, $0x38;
	[tilespmem:$0x1F000] =	vst v63  }
0x23: {  	s23 =	simm.s32 $0x2000;
	_ =	swait.ge [sflag:s11], $0x800  }
.LBB2_4:
0x24: {  	s24 =	sshra.s32 s23, $0x2;
	[sflag:s11] =	ssyncset.done $0x0;
	p0 =	sne.s32 s23, $0x4E000  }
.Ltmp1:
0x25: {  	s24 =	sadd.s32 s24, s4;
	[sflag:s11] =	ssyncadd.s32 $0xFFFFF800;
	(pc) =	sbr.rel @p0 .LBB2_4-.Ltmp1, $3  }
0x26: {  	[spmem:s24] =	stream.linear.scatter [tilespmem:s10], [sflag:$0x3], $0x800, $0x38;
	[tilespmem:$0x1F000] =	vst v63  }
0x27: {  	s23 =	sadd.s32 $0x2000, s23;
	_ =	sdelay $0x1  }
0x28: {  	_ =	swait.ge [sflag:s11], $0x800  }
0x29: {  	[sflag:s11] =	ssyncset.done $0x0  }
0x2a: {  	[sflag:s11] =	ssyncadd.s32 $0xFFFFF800  }
0x2b: {  	s23 =	simm.s32 $0x0;
	[bflag:$0x0] =	sbarrier.arrive $0xFFFF  }
0x2c: {  	[tilespmem:s23], [sflag:$0x3] =	stream.linear.gather [hbm4b:s5+s23], $0x1400, $0x38;
	[tilespmem:$0x1F000] =	vst v63  }
0x2d: {  	_ =	swait.ge [sflag:s11], $0x1400  }
0x2e: {  	[sflag:s11] =	ssyncset.done $0x0  }
0x2f: {  	[sflag:s11] =	ssyncadd.s32 $0xFFFFEC00  }
0x30: {  	[tilespmem:s12], [sflag:$0x3] =	stream.linear.gather [hbm4b:s6+s23], $0x1400, $0x38;
	[tilespmem:$0x1F000] =	vst v63  }
0x31: {  	_ =	swait.ge [sflag:s11], $0x1400  }
0x32: {  	[sflag:s11] =	ssyncset.done $0x0  }
0x33: {  	[sflag:s11] =	ssyncadd.s32 $0xFFFFEC00  }
0x34: {  	[tilespmem:s14], [sflag:$0x1] =	stream.indirect.gather [hbm4b:s7+s13], $0x80, s23, s13, $0xb8;
	[tilespmem:$0x1F000] =	vst v63  }
0x35: {  	_ =	swait.ge [sflag:s15], $0x4000  }
0x36: {  	[sflag:s15] =	ssyncset.done $0x0  }
0x37: {  	s28 =	simm.s32 $0x80;
	[sflag:s15] =	ssyncadd.s32 $0xFFFFC000  }
0x38: {  	[tilespmem:s16], [sflag:$0x2] =	stream.indirect.gather [hbm4b:s7+s13], $0x80, s28, s13, $0xb8;
	[tilespmem:$0x1F000] =	vst v63  }
0x39: {  	s29 =	simm.s32 $0x1400  }
0x3a: {  	[spmem:s2] =	stream.indirect.scatter.add.f32 [tilespmem:s14], [sflag:$0x3], $0x80, s29, s13, $0xb8;
	[tilespmem:$0x1F000] =	vst v63  }
0x3b: {  	_ =	swait.ge [sflag:s11], $0x4000  }
0x3c: {  	[sflag:s11] =	ssyncset.done $0x0  }
0x3d: {  	[sflag:s11] =	ssyncadd.s32 $0xFFFFC000  }
0x3e: {  	_ =	swait.ge [sflag:s17], $0x4000  }
0x3f: {  	[sflag:s17] =	ssyncset.done $0x0  }
0x40: {  	s30 =	simm.s32 $0x100;
	[sflag:s17] =	ssyncadd.s32 $0xFFFFC000  }
0x41: {  	[tilespmem:s14], [sflag:$0x1] =	stream.indirect.gather [hbm4b:s7+s13], $0x80, s30, s13, $0xb8;
	[tilespmem:$0x1F000] =	vst v63  }
0x42: {  	s31 =	simm.s32 $0x1480  }
0x43: {  	[spmem:s2] =	stream.indirect.scatter.add.f32 [tilespmem:s16], [sflag:$0x3], $0x80, s31, s13, $0xb8;
	[tilespmem:$0x1F000] =	vst v63  }
0x44: {  	_ =	swait.ge [sflag:s11], $0x4000  }
0x45: {  	s23 =	simm.s32 $0x400;
	[sflag:s11] =	ssyncset.done $0x0  }
.LBB2_6:
0x46: {  	p0 =	sne.s32 s23, $0x4800  }
0x47: {  	[sflag:s11] =	ssyncadd.s32 $0xFFFFC000;
	s24 =	smov.u32 s23;
	s23 =	sadd.s32 $0x400, s23  }
0x48: {  	_ = 	snop  }
0x49: {  	_ =	swait.ge [sflag:s15], $0x4000  }
0x4a: {  	s24 =	sshra.s32 s24, $0x2;
	[sflag:s15] =	ssyncset.done $0x0  }
0x4b: {  	s25 =	sadd.s32 $0x80, s24;
	[sflag:s15] =	ssyncadd.s32 $0xFFFFC000  }
0x4c: {  	[tilespmem:s16], [sflag:$0x2] =	stream.indirect.gather [hbm4b:s7+s13], $0x80, s25, s13, $0xb8;
	[tilespmem:$0x1F000] =	vst v63  }
0x4d: {  	s25 =	sadd.s32 $0x1400, s24  }
0x4e: {  	[spmem:s2] =	stream.indirect.scatter.add.f32 [tilespmem:s14], [sflag:$0x3], $0x80, s25, s13, $0xb8;
	[tilespmem:$0x1F000] =	vst v63  }
0x4f: {  	_ =	swait.ge [sflag:s11], $0x4000  }
0x50: {  	[sflag:s11] =	ssyncset.done $0x0  }
0x51: {  	[sflag:s11] =	ssyncadd.s32 $0xFFFFC000  }
0x52: {  	_ =	swait.ge [sflag:s17], $0x4000  }
0x53: {  	[sflag:s17] =	ssyncset.done $0x0  }
0x54: {  	s25 =	sadd.s32 $0x100, s24;
	[sflag:s17] =	ssyncadd.s32 $0xFFFFC000  }
0x55: {  	[tilespmem:s14], [sflag:$0x1] =	stream.indirect.gather [hbm4b:s7+s13], $0x80, s25, s13, $0xb8;
	[tilespmem:$0x1F000] =	vst v63  }
.Ltmp2:
0x56: {  	_ = 	snop;
	(pc) =	sbr.rel @p0 .LBB2_6-.Ltmp2, $4  }
0x57: {  	s24 =	sadd.s32 $0x1480, s24  }
0x58: {  	[spmem:s2] =	stream.indirect.scatter.add.f32 [tilespmem:s16], [sflag:$0x3], $0x80, s24, s13, $0xb8;
	[tilespmem:$0x1F000] =	vst v63  }
0x59: {  	_ =	swait.ge [sflag:s11], $0x4000  }
0x5a: {  	[sflag:s11] =	ssyncset.done $0x0  }
0x5b: {  	[sflag:s11] =	ssyncadd.s32 $0xFFFFC000  }
0x5c: {  	_ =	swait.ge [sflag:s15], $0x4000  }
0x5d: {  	[sflag:s15] =	ssyncset.done $0x0  }
0x5e: {  	[sflag:s15] =	ssyncadd.s32 $0xFFFFC000  }
0x5f: {  	[tilespmem:s16], [sflag:$0x2] =	stream.indirect.gather [hbm4b:s7+s13], $0x80, s18, s13, $0xb8;
	[tilespmem:$0x1F000] =	vst v63  }
0x60: {  	_ = 	snop  }
0x61: {  	[spmem:s2] =	stream.indirect.scatter.add.f32 [tilespmem:s14], [sflag:$0x3], $0x80, s19, s13, $0xb8;
	[tilespmem:$0x1F000] =	vst v63  }
0x62: {  	_ =	swait.ge [sflag:s11], $0x4000  }
0x63: {  	[sflag:s11] =	ssyncset.done $0x0  }
0x64: {  	[sflag:s11] =	ssyncadd.s32 $0xFFFFC000  }
0x65: {  	_ =	swait.ge [sflag:s17], $0x4000  }
0x66: {  	[sflag:s17] =	ssyncset.done $0x0  }
0x67: {  	[sflag:s17] =	ssyncadd.s32 $0xFFFFC000  }
0x68: {  	[spmem:s2] =	stream.indirect.scatter.add.f32 [tilespmem:s16], [sflag:$0x3], $0x80, s20, s13, $0xb8;
	[tilespmem:$0x1F000] =	vst v63  }
0x69: {  	_ =	swait.ge [sflag:s11], $0x4000  }
0x6a: {  	[sflag:s11] =	ssyncset.done $0x0  }
0x6b: {  	s23 =	sadd.s32 $0x280, s5;
	s25 =	simm.s32 $0x0;
	[sflag:s11] =	ssyncadd.s32 $0xFFFFC000  }
0x6c: {  	[tilespmem:s25], [sflag:$0x3] =	stream.linear.gather [hbm4b:s23+s25], $0x1400, $0x38;
	[tilespmem:$0x1F000] =	vst v63  }
0x6d: {  	_ =	swait.ge [sflag:s11], $0x1400  }
0x6e: {  	[sflag:s11] =	ssyncset.done $0x0  }
0x6f: {  	s24 =	sadd.s32 $0x280, s6;
	[sflag:s11] =	ssyncadd.s32 $0xFFFFEC00  }
0x70: {  	[tilespmem:s12], [sflag:$0x3] =	stream.linear.gather [hbm4b:s24+s25], $0x1400, $0x38;
	[tilespmem:$0x1F000] =	vst v63  }
0x71: {  	_ =	swait.ge [sflag:s11], $0x1400  }
0x72: {  	[sflag:s11] =	ssyncset.done $0x0  }
0x73: {  	[sflag:s11] =	ssyncadd.s32 $0xFFFFEC00  }
0x74: {  	[tilespmem:s14], [sflag:$0x1] =	stream.indirect.gather [hbm4b:s7+s13], $0x80, s25, s13, $0xb8;
	[tilespmem:$0x1F000] =	vst v63  }
0x75: {  	_ =	swait.ge [sflag:s15], $0x4000  }
0x76: {  	[sflag:s15] =	ssyncset.done $0x0  }
0x77: {  	s28 =	simm.s32 $0x80;
	[sflag:s15] =	ssyncadd.s32 $0xFFFFC000  }
0x78: {  	[tilespmem:s16], [sflag:$0x2] =	stream.indirect.gather [hbm4b:s7+s13], $0x80, s28, s13, $0xb8;
	[tilespmem:$0x1F000] =	vst v63  }
0x79: {  	s29 =	simm.s32 $0x1400  }
0x7a: {  	[spmem:s2] =	stream.indirect.scatter.add.f32 [tilespmem:s14], [sflag:$0x3], $0x80, s29, s13, $0xb8;
	[tilespmem:$0x1F000] =	vst v63  }
0x7b: {  	_ =	swait.ge [sflag:s11], $0x4000  }
0x7c: {  	[sflag:s11] =	ssyncset.done $0x0  }
0x7d: {  	[sflag:s11] =	ssyncadd.s32 $0xFFFFC000  }
0x7e: {  	_ =	swait.ge [sflag:s17], $0x4000  }
0x7f: {  	[sflag:s17] =	ssyncset.done $0x0  }
0x80: {  	s30 =	simm.s32 $0x100;
	[sflag:s17] =	ssyncadd.s32 $0xFFFFC000  }
0x81: {  	[tilespmem:s14], [sflag:$0x1] =	stream.indirect.gather [hbm4b:s7+s13], $0x80, s30, s13, $0xb8;
	[tilespmem:$0x1F000] =	vst v63  }
0x82: {  	s31 =	simm.s32 $0x1480  }
0x83: {  	[spmem:s2] =	stream.indirect.scatter.add.f32 [tilespmem:s16], [sflag:$0x3], $0x80, s31, s13, $0xb8;
	[tilespmem:$0x1F000] =	vst v63  }
0x84: {  	_ =	swait.ge [sflag:s11], $0x4000  }
0x85: {  	s25 =	simm.s32 $0x400;
	[sflag:s11] =	ssyncset.done $0x0  }
.LBB2_8:
0x86: {  	p0 =	sne.s32 s25, $0x4800  }
0x87: {  	[sflag:s11] =	ssyncadd.s32 $0xFFFFC000;
	s26 =	smov.u32 s25;
	s25 =	sadd.s32 $0x400, s25  }
0x88: {  	_ = 	snop  }
0x89: {  	_ =	swait.ge [sflag:s15], $0x4000  }
0x8a: {  	s26 =	sshra.s32 s26, $0x2;
	[sflag:s15] =	ssyncset.done $0x0  }
0x8b: {  	s28 =	sadd.s32 $0x80, s26;
	[sflag:s15] =	ssyncadd.s32 $0xFFFFC000  }
0x8c: {  	[tilespmem:s16], [sflag:$0x2] =	stream.indirect.gather [hbm4b:s7+s13], $0x80, s28, s13, $0xb8;
	[tilespmem:$0x1F000] =	vst v63  }
0x8d: {  	s28 =	sadd.s32 $0x1400, s26  }
0x8e: {  	[spmem:s2] =	stream.indirect.scatter.add.f32 [tilespmem:s14], [sflag:$0x3], $0x80, s28, s13, $0xb8;
	[tilespmem:$0x1F000] =	vst v63  }
0x8f: {  	_ =	swait.ge [sflag:s11], $0x4000  }
0x90: {  	[sflag:s11] =	ssyncset.done $0x0  }
0x91: {  	[sflag:s11] =	ssyncadd.s32 $0xFFFFC000  }
0x92: {  	_ =	swait.ge [sflag:s17], $0x4000  }
0x93: {  	[sflag:s17] =	ssyncset.done $0x0  }
0x94: {  	s28 =	sadd.s32 $0x100, s26;
	[sflag:s17] =	ssyncadd.s32 $0xFFFFC000  }
0x95: {  	[tilespmem:s14], [sflag:$0x1] =	stream.indirect.gather [hbm4b:s7+s13], $0x80, s28, s13, $0xb8;
	[tilespmem:$0x1F000] =	vst v63  }
.Ltmp3:
0x96: {  	_ = 	snop;
	(pc) =	sbr.rel @p0 .LBB2_8-.Ltmp3, $4  }
0x97: {  	s26 =	sadd.s32 $0x1480, s26  }
0x98: {  	[spmem:s2] =	stream.indirect.scatter.add.f32 [tilespmem:s16], [sflag:$0x3], $0x80, s26, s13, $0xb8;
	[tilespmem:$0x1F000] =	vst v63  }
0x99: {  	_ =	swait.ge [sflag:s11], $0x4000  }
0x9a: {  	[sflag:s11] =	ssyncset.done $0x0  }
0x9b: {  	[sflag:s11] =	ssyncadd.s32 $0xFFFFC000  }
0x9c: {  	_ =	swait.ge [sflag:s15], $0x4000  }
0x9d: {  	[sflag:s15] =	ssyncset.done $0x0  }
0x9e: {  	[sflag:s15] =	ssyncadd.s32 $0xFFFFC000  }
0x9f: {  	[tilespmem:s16], [sflag:$0x2] =	stream.indirect.gather [hbm4b:s7+s13], $0x80, s18, s13, $0xb8;
	[tilespmem:$0x1F000] =	vst v63  }
0xa0: {  	_ = 	snop  }
0xa1: {  	[spmem:s2] =	stream.indirect.scatter.add.f32 [tilespmem:s14], [sflag:$0x3], $0x80, s19, s13, $0xb8;
	[tilespmem:$0x1F000] =	vst v63  }
0xa2: {  	_ =	swait.ge [sflag:s11], $0x4000  }
0xa3: {  	[sflag:s11] =	ssyncset.done $0x0  }
0xa4: {  	[sflag:s11] =	ssyncadd.s32 $0xFFFFC000  }
0xa5: {  	_ =	swait.ge [sflag:s17], $0x4000  }
0xa6: {  	[sflag:s17] =	ssyncset.done $0x0  }
0xa7: {  	[sflag:s17] =	ssyncadd.s32 $0xFFFFC000  }
0xa8: {  	[spmem:s2] =	stream.indirect.scatter.add.f32 [tilespmem:s16], [sflag:$0x3], $0x80, s20, s13, $0xb8;
	[tilespmem:$0x1F000] =	vst v63  }
0xa9: {  	_ =	swait.ge [sflag:s11], $0x4000  }
0xaa: {  	[sflag:s11] =	ssyncset.done $0x0  }
0xab: {  	s25 =	sshll.u32 s1, $0x6;
	[sflag:s11] =	ssyncadd.s32 $0xFFFFC000  }
0xac: {  	s26 =	sshrl.u32 s4, $0x3;
	s25 =	sor.u32 $0x1C03, s25;
	[bflag:$0x0] =	sbarrier.arrive $0xFFFF  }
0xad: {  	[hbm:s21], [sflag:s25] =	dma.local [spmem:s26], $0x2800  }
0xae: {  	_ =	swait.ge [sflag:s11], $0x2800  }
0xaf: {  	[sflag:s11] =	ssyncset.done $0x0  }
0xb0: {  	[sflag:s11] =	ssyncadd.s32 $0xFFFFD800  }
0xb1: {  	s28 =	sadd.s32 $0x0, s4;
	[bflag:$0x0] =	sbarrier.arrive $0xFFFF  }
0xb2: {  	[spmem:s28] =	stream.linear.scatter [tilespmem:s10], [sflag:$0x3], $0x800, $0x38;
	[tilespmem:$0x1F000] =	vst v63  }
0xb3: {  	s28 =	simm.s32 $0x2000;
	_ =	swait.ge [sflag:s11], $0x800  }
.LBB2_10:
0xb4: {  	s29 =	sshra.s32 s28, $0x2;
	[sflag:s11] =	ssyncset.done $0x0;
	p0 =	sne.s32 s28, $0x4E000  }
.Ltmp4:
0xb5: {  	s29 =	sadd.s32 s29, s4;
	[sflag:s11] =	ssyncadd.s32 $0xFFFFF800;
	(pc) =	sbr.rel @p0 .LBB2_10-.Ltmp4, $3  }
0xb6: {  	[spmem:s29] =	stream.linear.scatter [tilespmem:s10], [sflag:$0x3], $0x800, $0x38;
	[tilespmem:$0x1F000] =	vst v63  }
0xb7: {  	s28 =	sadd.s32 $0x2000, s28;
	_ =	sdelay $0x1  }
0xb8: {  	_ =	swait.ge [sflag:s11], $0x800  }
0xb9: {  	[sflag:s11] =	ssyncset.done $0x0  }
0xba: {  	[sflag:s11] =	ssyncadd.s32 $0xFFFFF800  }
0xbb: {  	s28 =	simm.s32 $0x0;
	[bflag:$0x0] =	sbarrier.arrive $0xFFFF  }
0xbc: {  	[tilespmem:s28], [sflag:$0x3] =	stream.linear.gather [hbm4b:s5+s28], $0x1400, $0x38;
	[tilespmem:$0x1F000] =	vst v63  }
0xbd: {  	_ =	swait.ge [sflag:s11], $0x1400  }
0xbe: {  	[sflag:s11] =	ssyncset.done $0x0  }
0xbf: {  	[sflag:s11] =	ssyncadd.s32 $0xFFFFEC00  }
0xc0: {  	[tilespmem:s12], [sflag:$0x3] =	stream.linear.gather [hbm4b:s6+s28], $0x1400, $0x38;
	[tilespmem:$0x1F000] =	vst v63  }
0xc1: {  	_ =	swait.ge [sflag:s11], $0x1400  }
0xc2: {  	[sflag:s11] =	ssyncset.done $0x0  }
0xc3: {  	[sflag:s11] =	ssyncadd.s32 $0xFFFFEC00  }
0xc4: {  	[tilespmem:s14], [sflag:$0x1] =	stream.indirect.gather [hbm4b:s8+s13], $0x80, s28, s13, $0xb8;
	[tilespmem:$0x1F000] =	vst v63  }
0xc5: {  	_ =	swait.ge [sflag:s15], $0x4000  }
0xc6: {  	[sflag:s15] =	ssyncset.done $0x0  }
0xc7: {  	s28 =	simm.s32 $0x80;
	[sflag:s15] =	ssyncadd.s32 $0xFFFFC000  }
0xc8: {  	[tilespmem:s16], [sflag:$0x2] =	stream.indirect.gather [hbm4b:s8+s13], $0x80, s28, s13, $0xb8;
	[tilespmem:$0x1F000] =	vst v63  }
0xc9: {  	s28 =	simm.s32 $0x1400  }
0xca: {  	[spmem:s2] =	stream.indirect.scatter.add.f32 [tilespmem:s14], [sflag:$0x3], $0x80, s28, s13, $0xb8;
	[tilespmem:$0x1F000] =	vst v63  }
0xcb: {  	_ =	swait.ge [sflag:s11], $0x4000  }
0xcc: {  	[sflag:s11] =	ssyncset.done $0x0  }
0xcd: {  	[sflag:s11] =	ssyncadd.s32 $0xFFFFC000  }
0xce: {  	_ =	swait.ge [sflag:s17], $0x4000  }
0xcf: {  	[sflag:s17] =	ssyncset.done $0x0  }
0xd0: {  	s28 =	simm.s32 $0x100;
	[sflag:s17] =	ssyncadd.s32 $0xFFFFC000  }
0xd1: {  	[tilespmem:s14], [sflag:$0x1] =	stream.indirect.gather [hbm4b:s8+s13], $0x80, s28, s13, $0xb8;
	[tilespmem:$0x1F000] =	vst v63  }
0xd2: {  	s28 =	simm.s32 $0x1480  }
0xd3: {  	[spmem:s2] =	stream.indirect.scatter.add.f32 [tilespmem:s16], [sflag:$0x3], $0x80, s28, s13, $0xb8;
	[tilespmem:$0x1F000] =	vst v63  }
0xd4: {  	_ =	swait.ge [sflag:s11], $0x4000  }
0xd5: {  	s28 =	simm.s32 $0x400;
	[sflag:s11] =	ssyncset.done $0x0  }
.LBB2_12:
0xd6: {  	p0 =	sne.s32 s28, $0x4800  }
0xd7: {  	[sflag:s11] =	ssyncadd.s32 $0xFFFFC000;
	s29 =	smov.u32 s28;
	s28 =	sadd.s32 $0x400, s28  }
0xd8: {  	_ = 	snop  }
0xd9: {  	_ =	swait.ge [sflag:s15], $0x4000  }
0xda: {  	s29 =	sshra.s32 s29, $0x2;
	[sflag:s15] =	ssyncset.done $0x0  }
0xdb: {  	s30 =	sadd.s32 $0x80, s29;
	[sflag:s15] =	ssyncadd.s32 $0xFFFFC000  }
0xdc: {  	[tilespmem:s16], [sflag:$0x2] =	stream.indirect.gather [hbm4b:s8+s13], $0x80, s30, s13, $0xb8;
	[tilespmem:$0x1F000] =	vst v63  }
0xdd: {  	s30 =	sadd.s32 $0x1400, s29  }
0xde: {  	[spmem:s2] =	stream.indirect.scatter.add.f32 [tilespmem:s14], [sflag:$0x3], $0x80, s30, s13, $0xb8;
	[tilespmem:$0x1F000] =	vst v63  }
0xdf: {  	_ =	swait.ge [sflag:s11], $0x4000  }
0xe0: {  	[sflag:s11] =	ssyncset.done $0x0  }
0xe1: {  	[sflag:s11] =	ssyncadd.s32 $0xFFFFC000  }
0xe2: {  	_ =	swait.ge [sflag:s17], $0x4000  }
0xe3: {  	[sflag:s17] =	ssyncset.done $0x0  }
0xe4: {  	s30 =	sadd.s32 $0x100, s29;
	[sflag:s17] =	ssyncadd.s32 $0xFFFFC000  }
0xe5: {  	[tilespmem:s14], [sflag:$0x1] =	stream.indirect.gather [hbm4b:s8+s13], $0x80, s30, s13, $0xb8;
	[tilespmem:$0x1F000] =	vst v63  }
.Ltmp5:
0xe6: {  	_ = 	snop;
	(pc) =	sbr.rel @p0 .LBB2_12-.Ltmp5, $4  }
0xe7: {  	s29 =	sadd.s32 $0x1480, s29  }
0xe8: {  	[spmem:s2] =	stream.indirect.scatter.add.f32 [tilespmem:s16], [sflag:$0x3], $0x80, s29, s13, $0xb8;
	[tilespmem:$0x1F000] =	vst v63  }
0xe9: {  	_ =	swait.ge [sflag:s11], $0x4000  }
0xea: {  	[sflag:s11] =	ssyncset.done $0x0  }
0xeb: {  	[sflag:s11] =	ssyncadd.s32 $0xFFFFC000  }
0xec: {  	_ =	swait.ge [sflag:s15], $0x4000  }
0xed: {  	[sflag:s15] =	ssyncset.done $0x0  }
0xee: {  	[sflag:s15] =	ssyncadd.s32 $0xFFFFC000  }
0xef: {  	[tilespmem:s16], [sflag:$0x2] =	stream.indirect.gather [hbm4b:s8+s13], $0x80, s18, s13, $0xb8;
	[tilespmem:$0x1F000] =	vst v63  }
0xf0: {  	_ = 	snop  }
0xf1: {  	[spmem:s2] =	stream.indirect.scatter.add.f32 [tilespmem:s14], [sflag:$0x3], $0x80, s19, s13, $0xb8;
	[tilespmem:$0x1F000] =	vst v63  }
0xf2: {  	_ =	swait.ge [sflag:s11], $0x4000  }
0xf3: {  	[sflag:s11] =	ssyncset.done $0x0  }
0xf4: {  	[sflag:s11] =	ssyncadd.s32 $0xFFFFC000  }
0xf5: {  	_ =	swait.ge [sflag:s17], $0x4000  }
0xf6: {  	[sflag:s17] =	ssyncset.done $0x0  }
0xf7: {  	[sflag:s17] =	ssyncadd.s32 $0xFFFFC000  }
0xf8: {  	[spmem:s2] =	stream.indirect.scatter.add.f32 [tilespmem:s16], [sflag:$0x3], $0x80, s20, s13, $0xb8;
	[tilespmem:$0x1F000] =	vst v63  }
0xf9: {  	_ =	swait.ge [sflag:s11], $0x4000  }
0xfa: {  	[sflag:s11] =	ssyncset.done $0x0  }
0xfb: {  	s28 =	simm.s32 $0x0;
	[sflag:s11] =	ssyncadd.s32 $0xFFFFC000  }
0xfc: {  	[tilespmem:s28], [sflag:$0x3] =	stream.linear.gather [hbm4b:s23+s28], $0x1400, $0x38;
	[tilespmem:$0x1F000] =	vst v63  }
0xfd: {  	_ =	swait.ge [sflag:s11], $0x1400  }
0xfe: {  	[sflag:s11] =	ssyncset.done $0x0  }
0xff: {  	[sflag:s11] =	ssyncadd.s32 $0xFFFFEC00  }
0x100: {  	[tilespmem:s12], [sflag:$0x3] =	stream.linear.gather [hbm4b:s24+s28], $0x1400, $0x38;
	[tilespmem:$0x1F000] =	vst v63  }
0x101: {  	_ =	swait.ge [sflag:s11], $0x1400  }
0x102: {  	[sflag:s11] =	ssyncset.done $0x0  }
0x103: {  	[sflag:s11] =	ssyncadd.s32 $0xFFFFEC00  }
0x104: {  	[tilespmem:s14], [sflag:$0x1] =	stream.indirect.gather [hbm4b:s8+s13], $0x80, s28, s13, $0xb8;
	[tilespmem:$0x1F000] =	vst v63  }
0x105: {  	_ =	swait.ge [sflag:s15], $0x4000  }
0x106: {  	[sflag:s15] =	ssyncset.done $0x0  }
0x107: {  	s28 =	simm.s32 $0x80;
	[sflag:s15] =	ssyncadd.s32 $0xFFFFC000  }
0x108: {  	[tilespmem:s16], [sflag:$0x2] =	stream.indirect.gather [hbm4b:s8+s13], $0x80, s28, s13, $0xb8;
	[tilespmem:$0x1F000] =	vst v63  }
0x109: {  	s29 =	simm.s32 $0x1400  }
0x10a: {  	[spmem:s2] =	stream.indirect.scatter.add.f32 [tilespmem:s14], [sflag:$0x3], $0x80, s29, s13, $0xb8;
	[tilespmem:$0x1F000] =	vst v63  }
0x10b: {  	_ =	swait.ge [sflag:s11], $0x4000  }
0x10c: {  	[sflag:s11] =	ssyncset.done $0x0  }
0x10d: {  	[sflag:s11] =	ssyncadd.s32 $0xFFFFC000  }
0x10e: {  	_ =	swait.ge [sflag:s17], $0x4000  }
0x10f: {  	[sflag:s17] =	ssyncset.done $0x0  }
0x110: {  	s30 =	simm.s32 $0x100;
	[sflag:s17] =	ssyncadd.s32 $0xFFFFC000  }
0x111: {  	[tilespmem:s14], [sflag:$0x1] =	stream.indirect.gather [hbm4b:s8+s13], $0x80, s30, s13, $0xb8;
	[tilespmem:$0x1F000] =	vst v63  }
0x112: {  	s31 =	simm.s32 $0x1480  }
0x113: {  	[spmem:s2] =	stream.indirect.scatter.add.f32 [tilespmem:s16], [sflag:$0x3], $0x80, s31, s13, $0xb8;
	[tilespmem:$0x1F000] =	vst v63  }
0x114: {  	_ =	swait.ge [sflag:s11], $0x4000  }
0x115: {  	s23 =	simm.s32 $0x400;
	[sflag:s11] =	ssyncset.done $0x0  }
.LBB2_14:
0x116: {  	p0 =	sne.s32 s23, $0x4800  }
0x117: {  	[sflag:s11] =	ssyncadd.s32 $0xFFFFC000;
	s24 =	smov.u32 s23;
	s23 =	sadd.s32 $0x400, s23  }
0x118: {  	_ = 	snop  }
0x119: {  	_ =	swait.ge [sflag:s15], $0x4000  }
0x11a: {  	s24 =	sshra.s32 s24, $0x2;
	[sflag:s15] =	ssyncset.done $0x0  }
0x11b: {  	s28 =	sadd.s32 $0x80, s24;
	[sflag:s15] =	ssyncadd.s32 $0xFFFFC000  }
0x11c: {  	[tilespmem:s16], [sflag:$0x2] =	stream.indirect.gather [hbm4b:s8+s13], $0x80, s28, s13, $0xb8;
	[tilespmem:$0x1F000] =	vst v63  }
0x11d: {  	s28 =	sadd.s32 $0x1400, s24  }
0x11e: {  	[spmem:s2] =	stream.indirect.scatter.add.f32 [tilespmem:s14], [sflag:$0x3], $0x80, s28, s13, $0xb8;
	[tilespmem:$0x1F000] =	vst v63  }
0x11f: {  	_ =	swait.ge [sflag:s11], $0x4000  }
0x120: {  	[sflag:s11] =	ssyncset.done $0x0  }
0x121: {  	[sflag:s11] =	ssyncadd.s32 $0xFFFFC000  }
0x122: {  	_ =	swait.ge [sflag:s17], $0x4000  }
0x123: {  	[sflag:s17] =	ssyncset.done $0x0  }
0x124: {  	s28 =	sadd.s32 $0x100, s24;
	[sflag:s17] =	ssyncadd.s32 $0xFFFFC000  }
0x125: {  	[tilespmem:s14], [sflag:$0x1] =	stream.indirect.gather [hbm4b:s8+s13], $0x80, s28, s13, $0xb8;
	[tilespmem:$0x1F000] =	vst v63  }
.Ltmp6:
0x126: {  	_ = 	snop;
	(pc) =	sbr.rel @p0 .LBB2_14-.Ltmp6, $4  }
0x127: {  	s24 =	sadd.s32 $0x1480, s24  }
0x128: {  	[spmem:s2] =	stream.indirect.scatter.add.f32 [tilespmem:s16], [sflag:$0x3], $0x80, s24, s13, $0xb8;
	[tilespmem:$0x1F000] =	vst v63  }
0x129: {  	_ =	swait.ge [sflag:s11], $0x4000  }
0x12a: {  	[sflag:s11] =	ssyncset.done $0x0  }
0x12b: {  	[sflag:s11] =	ssyncadd.s32 $0xFFFFC000  }
0x12c: {  	_ =	swait.ge [sflag:s15], $0x4000  }
0x12d: {  	[sflag:s15] =	ssyncset.done $0x0  }
0x12e: {  	[sflag:s15] =	ssyncadd.s32 $0xFFFFC000  }
0x12f: {  	[tilespmem:s16], [sflag:$0x2] =	stream.indirect.gather [hbm4b:s8+s13], $0x80, s18, s13, $0xb8;
	[tilespmem:$0x1F000] =	vst v63  }
0x130: {  	_ = 	snop  }
0x131: {  	[spmem:s2] =	stream.indirect.scatter.add.f32 [tilespmem:s14], [sflag:$0x3], $0x80, s19, s13, $0xb8;
	[tilespmem:$0x1F000] =	vst v63  }
0x132: {  	_ =	swait.ge [sflag:s11], $0x4000  }
0x133: {  	[sflag:s11] =	ssyncset.done $0x0  }
0x134: {  	[sflag:s11] =	ssyncadd.s32 $0xFFFFC000  }
0x135: {  	_ =	swait.ge [sflag:s17], $0x4000  }
0x136: {  	[sflag:s17] =	ssyncset.done $0x0  }
0x137: {  	[sflag:s17] =	ssyncadd.s32 $0xFFFFC000  }
0x138: {  	[spmem:s2] =	stream.indirect.scatter.add.f32 [tilespmem:s16], [sflag:$0x3], $0x80, s20, s13, $0xb8;
	[tilespmem:$0x1F000] =	vst v63  }
0x139: {  	_ =	swait.ge [sflag:s11], $0x4000  }
0x13a: {  	s3 =	sadd.s32 $0x1, s3;
	[sflag:s11] =	ssyncset.done $0x0  }
0x13b: {  	p0 =	sne.s32 s3, s9;
	[sflag:s11] =	ssyncadd.s32 $0xFFFFC000  }
.Ltmp7:
0x13c: {  	[bflag:$0x0] =	sbarrier.arrive $0xFFFF;
	(pc) =	sbr.rel @p0 .LBB2_1-.Ltmp7, $4  }
0x13d: {  	[hbm:s22], [sflag:s25] =	dma.local [spmem:s26], $0x2800  }
0x13e: {  	_ =	swait.ge [sflag:s11], $0x2800  }
0x13f: {  	[sflag:s11] =	ssyncset.done $0x0  }
0x140: {  	[sflag:s11] =	ssyncadd.s32 $0xFFFFD800  }
0x141: {  	_ =	sfence.sel $0x180000  }
0x142: {  	[bflag:$0x0] =	sbarrier.arrive $0xFFFF  }
0x143: {  	p0 =	sne.s32 s1, $0x0;
	_ =	strace $0x90000050  }
0x144: {  	s0 =	sadd.s32 @!p0 $0x100000, s0;
	[bflag:$0x2] =	sbarrier.arrive $0xFFFF  }
0x145: {  	[sflag:s0] =	ssyncadd.tile.s32 @!p0 $0x1;
	_ =	shalt  }
.Lfunc_end2:
_tile_overlayer_lowered:
.L_overlay_start_2:
0x146: {  	(tag) =	ssettag $0x2  }
0x147: {  	s0 =	rddreg [dreg:$0x0];
	s2 =	stileid.u32  }
0x148: {  	s1 =	rddreg [dreg:$0x1];
	p0 =	sne.s32 s2, $0x0  }
0x149: {  	s3 =	rddreg [dreg:$0x2];
	[bflag:$0x3] =	sbarrier.arrive $0xFFFF;
	s2 =	simm.s32 @!p0 $0x1C03  }
0x14a: {  	[timem:s3], [sflag:s2] =	dma.local @!p0 [hbm:s0], s1  }
0x14b: {  	s0 =	simm.s32 @!p0 $0x3  }
0x14c: {  	_ =	swait.ge @!p0 [sflag:s0], s1  }
0x14d: {  	s1 =	ssub.s32 @!p0 $0x0, s1;
	[sflag:s0] =	ssyncset.done @!p0 $0x0  }
0x14e: {  	[sflag:s0] =	ssyncadd.s32 @!p0 s1  }
0x14f: {  	[bflag:$0x3] =	sbarrier.arrive $0xFFFF  }
0x150: {  	_ =	shalt  }

</sc_bundles>
